<compile_context>
chip_gen: v7x
topology: tpu7x:2x2x1
jax: 0.10.2.dev20260603
libtpu: 0.0.44.dev20260713+nightly
codegen_flags: <defaults>
</compile_context>

<pallas_src>
import functools

import jax
import jax.numpy as jnp
from jax import lax
from jax.experimental import pallas as pl
from jax.experimental.pallas import tpu as pltpu
from jax.experimental.pallas import tpu_sc as plsc

N_USERS = 10000
N_ENTITIES = 40000
N = N_USERS + N_ENTITIES
E = 800000
EMBED = 64
CF_LAMBDA = 1e-05
B = 1024

R_BLK = 5000
N_BLKS = N // R_BLK


def _leaky(x):
    return jnp.where(x >= 0, x, 0.01 * x)


def _l2n(x):
    n = jnp.sqrt(jnp.sum(x * x, axis=1, keepdims=True))
    return x / jnp.maximum(n, 1e-12)


def _dense0_body(ego_ref, p0_ref, p1_ref, p2_ref, p3_ref,
                 w1_ref, b1_ref, w2_ref, b2_ref,
                 e1_ref, re1_ref, im1_ref):
    ego = ego_ref[...]
    side = jnp.concatenate([p0_ref[0], p1_ref[0], p2_ref[0], p3_ref[0]], axis=1)
    h1 = _leaky(jnp.dot(ego + side, w1_ref[...],
                        preferred_element_type=jnp.float32) + b1_ref[...])
    h2 = _leaky(jnp.dot(ego * side, w2_ref[...],
                        preferred_element_type=jnp.float32) + b2_ref[...])
    e1 = h1 + h2
    eL = e1[:, :16]
    eR = e1[:, 16:]
    e1_ref[...] = jnp.stack([eL, eR], axis=0)
    re1_ref[...] = _l2n(eL)
    im1_ref[...] = _l2n(eR)


def _dense0(ego, side0, w1t, b1, w2t, b2):
    row = lambda i: (i, 0)
    full = lambda i: (0, 0)
    return pl.pallas_call(
        _dense0_body,
        grid=(N_BLKS,),
        in_specs=[
            pl.BlockSpec((R_BLK, 64), row),
            pl.BlockSpec((1, R_BLK, 16), lambda i: (0, i, 0)),
            pl.BlockSpec((1, R_BLK, 16), lambda i: (1, i, 0)),
            pl.BlockSpec((1, R_BLK, 16), lambda i: (2, i, 0)),
            pl.BlockSpec((1, R_BLK, 16), lambda i: (3, i, 0)),
            pl.BlockSpec((64, 32), full),
            pl.BlockSpec((1, 32), full),
            pl.BlockSpec((64, 32), full),
            pl.BlockSpec((1, 32), full),
        ],
        out_specs=[
            pl.BlockSpec((2, R_BLK, 16), lambda i: (0, i, 0)),
            pl.BlockSpec((R_BLK, 16), row),
            pl.BlockSpec((R_BLK, 16), row),
        ],
        out_shape=[
            jax.ShapeDtypeStruct((2, N, 16), jnp.float32),
            jax.ShapeDtypeStruct((N, 16), jnp.float32),
            jax.ShapeDtypeStruct((N, 16), jnp.float32),
        ],
    )(ego, side0, side0, side0, side0, w1t, b1, w2t, b2)


def _dense1_body(ego0_ref, ea_ref, eb_ref, sa_ref, sb_ref,
                 w1_ref, b1_ref, w2_ref, b2_ref, re1_ref, im1_ref, feat_ref):
    e1 = jnp.concatenate([ea_ref[0], eb_ref[0]], axis=1)
    s1 = jnp.concatenate([sa_ref[0], sb_ref[0]], axis=1)
    h1 = _leaky(jnp.dot(e1 + s1, w1_ref[...],
                        preferred_element_type=jnp.float32) + b1_ref[...])
    h2 = _leaky(jnp.dot(e1 * s1, w2_ref[...],
                        preferred_element_type=jnp.float32) + b2_ref[...])
    e2 = h1 + h2
    re2 = _l2n(e2[:, :8])
    im2 = _l2n(e2[:, 8:])
    ego0 = ego0_ref[...]
    z = jnp.zeros((ego0.shape[0], 8), jnp.float32)
    feat_ref[...] = jnp.concatenate(
        [ego0[:, :32], re1_ref[...], re2, z,
         ego0[:, 32:], im1_ref[...], im2, z], axis=1)


def _dense1(ego0, e1, side1, w1t, b1, w2t, b2, re1, im1):
    row = lambda i: (i, 0)
    full = lambda i: (0, 0)
    return pl.pallas_call(
        _dense1_body,
        grid=(N_BLKS,),
        in_specs=[
            pl.BlockSpec((R_BLK, 64), row),
            pl.BlockSpec((1, R_BLK, 16), lambda i: (0, i, 0)),
            pl.BlockSpec((1, R_BLK, 16), lambda i: (1, i, 0)),
            pl.BlockSpec((1, R_BLK, 16), lambda i: (0, i, 0)),
            pl.BlockSpec((1, R_BLK, 16), lambda i: (1, i, 0)),
            pl.BlockSpec((32, 16), full),
            pl.BlockSpec((1, 16), full),
            pl.BlockSpec((32, 16), full),
            pl.BlockSpec((1, 16), full),
            pl.BlockSpec((R_BLK, 16), row),
            pl.BlockSpec((R_BLK, 16), row),
        ],
        out_specs=pl.BlockSpec((R_BLK, 128), row),
        out_shape=jax.ShapeDtypeStruct((N, 128), jnp.float32),
    )(ego0, e1, e1, side1, side1, w1t, b1, w2t, b2, re1, im1)


def _loss_body(pos_ref, neg_ref, l2u_ref, l2p_ref, l2n_ref, out_ref):
    pos = jnp.sum(pos_ref[...], axis=1)
    neg = jnp.sum(neg_ref[...], axis=1)
    x = pos - neg
    nls = jnp.where(x >= 0, jnp.log1p(jnp.exp(-x)), -x + jnp.log1p(jnp.exp(x)))
    l2 = (jnp.mean(jnp.sum(l2u_ref[...], axis=1))
          + jnp.mean(jnp.sum(l2p_ref[...], axis=1))
          + jnp.mean(jnp.sum(l2n_ref[...], axis=1))) * 0.5
    out_ref[...] = (jnp.mean(nls) + CF_LAMBDA * l2).reshape(1, 1)


def _loss(pos_p, neg_p, l2u, l2p, l2n):
    return pl.pallas_call(
        _loss_body,
        out_shape=jax.ShapeDtypeStruct((1, 1), jnp.float32),
    )(pos_p, neg_p, l2u, l2p, l2n)


_CHUNK = 128
_SUP = 1024
_N_TILES = 16
_E_PAD = 819200
_PER_TILE = _E_PAD // _N_TILES
_N_SUP = _PER_TILE // _SUP
_IDX_ROWS = _E_PAD // _CHUNK
_VAL_ROWS = _E_PAD // 16
_ROWS_PER_TILE = 3128


def _copy_rows(src_ref, dst_ref, s):
    @pl.when(s < _N_TILES - 1)
    def _():
        r0 = pl.multiple_of(s * _ROWS_PER_TILE, 8)
        pltpu.sync_copy(src_ref.at[pl.ds(r0, _ROWS_PER_TILE)],
                        dst_ref.at[pl.ds(r0, _ROWS_PER_TILE)])

    @pl.when(s == _N_TILES - 1)
    def _():
        r0 = (_N_TILES - 1) * _ROWS_PER_TILE
        pltpu.sync_copy(src_ref.at[pl.ds(r0, N - r0)],
                        dst_ref.at[pl.ds(r0, N - r0)])


def _make_spmm_body(w):
    n_pass = w // 32

    def body(tabP, src2d, dst2d, val16, zeros, outP,
             srcA, dstA, valA, srcB, dstB, valB, rowsA, rowsB, accum,
             gsem, ssem, isem):
        c = lax.axis_index("c")
        s = lax.axis_index("s")
        bufA = (srcA, dstA, valA, rowsA)
        bufB = (srcB, dstB, valB, rowsB)
        base_i = s * (_PER_TILE // _CHUNK)
        base_v = s * (_PER_TILE // 16)

        def rslice(rows, j):
            return rows.at[pl.ds(pl.multiple_of(j * _CHUNK, _CHUNK), _CHUNK)]

        def one_pass(tab_q, out_q):
            _copy_rows(zeros, accum, s)
            plsc.subcore_barrier()

            def superchunk(sc, X, Y, first=False, last=False):
                (srcX, dstX, valX, rowsX) = X
                (srcY, dstY, valY, rowsY) = Y
                if not first:

                    def sdrain0(j, carry):
                        pltpu.make_async_copy(
                            rslice(rowsY, j), accum.at[dstY.at[j]],
                            ssem.at[j]).wait()
                        return carry

                    lax.fori_loop(0, _SUP // _CHUNK, sdrain0, 0)
                if not last:
                    ri = pl.multiple_of(base_i + (sc + 1) * (_SUP // _CHUNK), 8)
                    rv = pl.multiple_of(base_v + (sc + 1) * (_SUP // 16), 8)
                    pltpu.async_copy(src2d.at[pl.ds(ri, _SUP // _CHUNK)], srcY, isem)
                    pltpu.async_copy(dst2d.at[pl.ds(ri, _SUP // _CHUNK)], dstY, isem)
                    pltpu.async_copy(val16.at[pl.ds(rv, _SUP // 16)], valY, isem)

                def jbody(j, carry):
                    pltpu.make_async_copy(
                        tab_q.at[srcX.at[j]], rslice(rowsX, j),
                        gsem.at[j]).wait()

                    def grp(g2, carry2):
                        g = j * 8 + g2
                        vv = valX[g]
                        for i in range(16):
                            k = g * 16 + i
                            v = vv[i]
                            rowsX[k, pl.ds(0, 16)] = rowsX[k, pl.ds(0, 16)] * v
                        return carry2

                    lax.fori_loop(0, 8, grp, 0)
                    pltpu.make_async_copy(
                        rslice(rowsX, j), accum.at[dstX.at[j]],
                        ssem.at[j]).start(add=True)
                    if not last:
                        @pl.when(j == 1)
                        def _():
                            pltpu.make_async_copy(
                                src2d.at[pl.ds(ri, _SUP // _CHUNK)], srcY, isem).wait()
                            pltpu.make_async_copy(
                                dst2d.at[pl.ds(ri, _SUP // _CHUNK)], dstY, isem).wait()
                            pltpu.make_async_copy(
                                val16.at[pl.ds(rv, _SUP // 16)], valY, isem).wait()

                        @pl.when(j >= 1)
                        def _():
                            jp = j - 1
                            pltpu.async_copy(
                                tab_q.at[srcY.at[jp]], rslice(rowsY, jp),
                                gsem.at[jp])
                    return carry

                lax.fori_loop(0, _SUP // _CHUNK, jbody, 0)
                if not last:
                    _last = _SUP // _CHUNK - 1
                    pltpu.async_copy(
                        tab_q.at[srcY.at[_last]], rslice(rowsY, _last),
                        gsem.at[_last])

            r0 = pl.multiple_of(base_i, 8)
            pltpu.sync_copy(src2d.at[pl.ds(r0, _SUP // _CHUNK)], srcA)
            pltpu.sync_copy(dst2d.at[pl.ds(r0, _SUP // _CHUNK)], dstA)
            pltpu.sync_copy(
                val16.at[pl.ds(pl.multiple_of(base_v, 8), _SUP // 16)], valA)

            def gfire0(j, carry):
                pltpu.async_copy(
                    tab_q.at[srcA.at[j]], rslice(rowsA, j), gsem.at[j])
                return carry

            lax.fori_loop(0, _SUP // _CHUNK, gfire0, 0)

            superchunk(0, bufA, bufB, first=True)

            def dbl(dsc, carry):
                superchunk(2 * dsc + 1, bufB, bufA)
                superchunk(2 * dsc + 2, bufA, bufB)
                return carry

            lax.fori_loop(0, (_N_SUP - 2) // 2, dbl, 0)
            superchunk(_N_SUP - 1, bufB, bufA, last=True)

            def sdrain(j, carry):
                pltpu.make_async_copy(
                    rslice(rowsB, j), accum.at[dstB.at[j]], ssem.at[j]).wait()
                return carry

            lax.fori_loop(0, _SUP // _CHUNK, sdrain, 0)

            plsc.subcore_barrier()
            _copy_rows(accum, out_q, s)

        for p in range(n_pass):
            q = c * n_pass + p
            one_pass(tabP.at[q], outP.at[q])
            if p + 1 < n_pass:
                plsc.subcore_barrier()

    return body


@functools.partial(jax.jit, static_argnames=("w",))
def _spmm_sc(tabP, src2d, dst2d, val16, w):
    mesh = plsc.VectorSubcoreMesh(core_axis_name="c", subcore_axis_name="s")
    zeros = jnp.zeros((N, 16), jnp.float32)
    f = pl.kernel(
        _make_spmm_body(w),
        out_type=jax.ShapeDtypeStruct((w // 16, N, 16), jnp.float32),
        mesh=mesh,
        scratch_types=[
            pltpu.VMEM((_SUP // _CHUNK, _CHUNK), jnp.int32),
            pltpu.VMEM((_SUP // _CHUNK, _CHUNK), jnp.int32),
            pltpu.VMEM((_SUP // 16, 16), jnp.float32),
            pltpu.VMEM((_SUP // _CHUNK, _CHUNK), jnp.int32),
            pltpu.VMEM((_SUP // _CHUNK, _CHUNK), jnp.int32),
            pltpu.VMEM((_SUP // 16, 16), jnp.float32),
            pltpu.VMEM((_SUP, 16), jnp.float32),
            pltpu.VMEM((_SUP, 16), jnp.float32),
            pltpu.VMEM_SHARED((N, 16), jnp.float32),
            pltpu.SemaphoreType.DMA((_SUP // _CHUNK,)),
            pltpu.SemaphoreType.DMA((_SUP // _CHUNK,)),
            pltpu.SemaphoreType.DMA,
        ],
        compiler_params=pltpu.CompilerParams(use_tc_tiling_on_sc=False),
    )
    return f(tabP, src2d, dst2d, val16, zeros)


def _pad_edges(src, dst, val):
    pad = _E_PAD - E
    z = jnp.zeros((pad,), jnp.int32)
    src2d = jnp.concatenate([src, z]).reshape(_IDX_ROWS, _CHUNK)
    dst2d = jnp.concatenate([dst, z]).reshape(_IDX_ROWS, _CHUNK)
    val16 = jnp.concatenate(
        [val, jnp.zeros((pad,), jnp.float32)]).reshape(_VAL_ROWS, 16)
    return src2d, dst2d, val16


def _gather_partials(feat, uid, pid, nid):
    u = feat[uid]
    p = feat[pid]
    n = feat[nid]
    pos_p = (u * p).reshape(B, 8, 16).sum(axis=1)
    neg_p = (u * n).reshape(B, 8, 16).sum(axis=1)
    l2u = (u[:, :64] ** 2).reshape(B, 4, 16).sum(axis=1)
    l2p = (p[:, :64] ** 2).reshape(B, 4, 16).sum(axis=1)
    l2n = (n[:, :64] ** 2).reshape(B, 4, 16).sum(axis=1)
    return pos_p, neg_p, l2u, l2p, l2n


def kernel(user_ids, item_pos_ids, item_neg_ids, entity_user_embed,
           edge_src, edge_dst, edge_val,
           W1_0, b1_0, W2_0, b2_0, W1_1, b1_1, W2_1, b2_1):
    ego0 = entity_user_embed
    src2d, dst2d, val16 = _pad_edges(edge_src, edge_dst, edge_val)
    tab0 = jnp.stack([ego0[:, 0:16], ego0[:, 16:32], ego0[:, 32:48], ego0[:, 48:64]])
    side0 = _spmm_sc(tab0, src2d, dst2d, val16, 64)
    e1, re1, im1 = _dense0(
        ego0, side0, W1_0.T, b1_0.reshape(1, 32), W2_0.T, b2_0.reshape(1, 32))
    side1 = _spmm_sc(e1, src2d, dst2d, val16, 32)
    feat = _dense1(ego0, e1, side1,
                   W1_1.T, b1_1.reshape(1, 16), W2_1.T, b2_1.reshape(1, 16),
                   re1, im1)
    pos_p, neg_p, l2u, l2p, l2n = _gather_partials(
        feat, user_ids, item_pos_ids, item_neg_ids)
    out = _loss(pos_p, neg_p, l2u, l2p, l2n)
    return out.reshape(())

# --- scband reference (transcript-rebuilt; emitter-appended) ---
"""Pipeline reference for scband-kgat-84293028151721 (READ-ONLY COPY).

The authoritative reference and input builder live on the scoring server;
editing this copy changes nothing except your own understanding.
"""

import jax, jax.numpy as jnp
import numpy as np

N_USERS = 10000
N_ENTITIES = 40000
N = N_USERS + N_ENTITIES
E = 800000
EMBED = 64
DIMS = [64, 32, 16]
CF_LAMBDA = 1e-05
B = 1024


def _leaky_relu(x):
    return jnp.where(x >= 0, x, 0.01 * x)


def _l2_normalize(x):
    norm = jnp.linalg.norm(x, axis=1, keepdims=True)
    return x / jnp.maximum(norm, 1e-12)


def _l2_loss_mean(x):
    return jnp.mean(jnp.sum(x * x, axis=1) / 2.0)


def _xavier(key, shape):
    fan_in, fan_out = shape[1], shape[0]
    limit = float(np.sqrt(6.0 / (fan_in + fan_out)))
    return jax.random.uniform(key, shape, minval=-limit, maxval=limit, dtype=jnp.float32)


def setup_inputs(seed: int = 0) -> dict:
    key = jax.random.key(seed)
    ks = jax.random.split(key, 16)
    inp = {}
    inp['user_ids'] = jax.random.randint(ks[0], (B,), 0, N, dtype=jnp.int32)
    inp['item_pos_ids'] = jax.random.randint(ks[1], (B,), 0, N_ENTITIES, dtype=jnp.int32)
    inp['item_neg_ids'] = jax.random.randint(ks[2], (B,), 0, N_ENTITIES, dtype=jnp.int32)
    # entity+user embedding table (learned parameter)
    inp['entity_user_embed'] = _xavier(ks[3], (N, EMBED))
    # sparse adjacency A_in in COO form (non-trainable buffer)
    inp['edge_src'] = jax.random.randint(ks[4], (E,), 0, N, dtype=jnp.int32)
    inp['edge_dst'] = jax.random.randint(ks[5], (E,), 0, N, dtype=jnp.int32)
    inp['edge_val'] = jax.random.uniform(ks[6], (E,), dtype=jnp.float32) / 16.0
    # bi-interaction aggregator layer params: Linear(in,out) weight [out,in], bias [out]
    inp['W1_0'] = _xavier(ks[7], (DIMS[1], DIMS[0]))
    inp['b1_0'] = jnp.zeros((DIMS[1],), jnp.float32)
    inp['W2_0'] = _xavier(ks[8], (DIMS[1], DIMS[0]))
    inp['b2_0'] = jnp.zeros((DIMS[1],), jnp.float32)
    inp['W1_1'] = _xavier(ks[9], (DIMS[2], DIMS[1]))
    inp['b1_1'] = jnp.zeros((DIMS[2],), jnp.float32)
    inp['W2_1'] = _xavier(ks[10], (DIMS[2], DIMS[1]))
    inp['b2_1'] = jnp.zeros((DIMS[2],), jnp.float32)
    return inp


def reference(user_ids, item_pos_ids, item_neg_ids, entity_user_embed,
              edge_src, edge_dst, edge_val,
              W1_0, b1_0, W2_0, b2_0, W1_1, b1_1, W2_1, b2_1):
    # calc_cf_embeddings
    ego = entity_user_embed
    re_ini, im_ini = jnp.split(ego, 2, axis=1)
    all_re = [re_ini]
    all_im = [im_ini]
    layer_params = [(W1_0, b1_0, W2_0, b2_0), (W1_1, b1_1, W2_1, b2_1)]
    for (W1, b1, W2, b2) in layer_params:
        # side = A_in @ ego  (sparse matmul via gather + scatter-add)
        gathered = ego[edge_src] * edge_val[:, None]
        side = jax.ops.segment_sum(gathered, edge_dst, num_segments=N)
        # bi-interaction aggregator (dropout is identity in eval mode)
        sum_emb = _leaky_relu((ego + side) @ W1.T + b1)
        bi_emb = _leaky_relu((ego * side) @ W2.T + b2)
        ego = bi_emb + sum_emb
        re_e, im_e = jnp.split(ego, 2, axis=1)
        all_re.append(_l2_normalize(re_e))
        all_im.append(_l2_normalize(im_e))
    re_all = jnp.concatenate(all_re, axis=1)
    im_all = jnp.concatenate(all_im, axis=1)
    # calc_cf_loss
    re_u = re_all[user_ids]
    re_p = re_all[item_pos_ids]
    re_n = re_all[item_neg_ids]
    im_u = im_all[user_ids]
    im_p = im_all[item_pos_ids]
    im_n = im_all[item_neg_ids]
    pos_score = jnp.sum(re_u * re_p, axis=1) + jnp.sum(im_u * im_p, axis=1)
    neg_score = jnp.sum(re_u * re_n, axis=1) + jnp.sum(im_u * im_n, axis=1)
    cf_loss = jnp.mean(-jax.nn.log_sigmoid(pos_score - neg_score))
    l2_loss = _l2_loss_mean(re_u) + _l2_loss_mean(re_p) + _l2_loss_mean(re_n)
    return cf_loss + CF_LAMBDA * l2_loss

if __name__ == "__main__":
    import jax
    _d = setup_inputs()
    print(jax.jit(kernel)(*tuple(_d.values())))

</pallas_src>

<mosaic_0001>
#map = affine_map<(d0, d1) -> (0, 0, 0)>
#map1 = affine_map<(d0, d1) -> (0, 0)>
module attributes {stable_mosaic.version = 14 : i64} {
  func.func @body(%arg0: i32, %arg1: i32, %arg2: memref<4x50000x16xf32, #tpu.memory_space<hbm>>, %arg3: memref<6400x128xi32, #tpu.memory_space<hbm>>, %arg4: memref<6400x128xi32, #tpu.memory_space<hbm>>, %arg5: memref<51200x16xf32, #tpu.memory_space<hbm>>, %arg6: memref<50000x16xf32, #tpu.memory_space<hbm>>, %arg7: memref<4x50000x16xf32, #tpu.memory_space<hbm>>, %arg8: memref<8x128xi32, #tpu.memory_space<vmem>>, %arg9: memref<8x128xi32, #tpu.memory_space<vmem>>, %arg10: memref<64x16xf32, #tpu.memory_space<vmem>>, %arg11: memref<8x128xi32, #tpu.memory_space<vmem>>, %arg12: memref<8x128xi32, #tpu.memory_space<vmem>>, %arg13: memref<64x16xf32, #tpu.memory_space<vmem>>, %arg14: memref<1024x16xf32, #tpu.memory_space<vmem>>, %arg15: memref<1024x16xf32, #tpu.memory_space<vmem>>, %arg16: memref<50000x16xf32, #tpu.memory_space<vmem_shared>>, %arg17: memref<8x!tpu.dma_semaphore, #tpu.memory_space<semaphore_mem>>, %arg18: memref<8x!tpu.dma_semaphore, #tpu.memory_space<semaphore_mem>>, %arg19: memref<!tpu.dma_semaphore, #tpu.memory_space<semaphore_mem>>) attributes {dimension_semantics = [#tpu.dimension_semantics<core_parallel>, #tpu.dimension_semantics<subcore_parallel>], iteration_bounds = array<i64: 2, 16>, scalar_prefetch = 0 : i64, scratch_operands = 12 : i64, tpu.core_type = #tpu.core_type<sc_vector_subcore>, window_params = [{transform_indices = #map}, {transform_indices = #map1}, {transform_indices = #map1}, {transform_indices = #map1}, {transform_indices = #map1}, {transform_indices = #map}]} {
    %mul3A = arith.constant 400 : i32
    %mul3A_0 = arith.muli %arg1, %mul3A : i32
    %mul3A_1 = arith.constant 3200 : i32
    %mul3A_2 = arith.muli %arg1, %mul3A_1 : i32
    %mul3A_3 = arith.constant 2 : i32
    %mul3A_4 = arith.muli %arg0, %mul3A_3 : i32
    %add3A = arith.constant 0 : i32
    %add3A_5 = arith.addi %mul3A_4, %add3A : i32
    %lt3A = arith.constant 15 : i32
    %lt3A_6 = arith.cmpi slt, %arg1, %lt3A : i32
    %convert_element_type3A = arith.extui %lt3A_6 : i1 to i32
    %cond3A = arith.constant 0 : i32
    %cond3A_7 = arith.cmpi ne, %convert_element_type3A, %cond3A : i32
    scf.if %cond3A_7 {
      %mul3A_195 = arith.constant 3128 : i32
      %mul3A_196 = arith.muli %arg1, %mul3A_195 : i32
      %multiple_of3A_197 = tpu.assume_multiple %mul3A_196, 8 : i32
      "tpu.region"() ({
        %run_scoped3A = tpu.sem_alloc : memref<!tpu.dma_semaphore, #tpu.memory_space<semaphore_mem>>
        %dma_start3A_198 = arith.constant 0 : i32
        %dma_start3A_199 = tpu.memref_slice %arg16[%multiple_of3A_197, %dma_start3A_198] : memref<50000x16xf32, #tpu.memory_space<vmem_shared>> -> memref<3128x16xf32, #tpu.memory_space<vmem_shared>>
        %dma_start3A_200 = arith.constant 0 : i32
        %dma_start3A_201 = tpu.memref_slice %arg6[%multiple_of3A_197, %dma_start3A_200] : memref<50000x16xf32, #tpu.memory_space<hbm>> -> memref<3128x16xf32, #tpu.memory_space<hbm>>
        tpu.enqueue_dma source(%dma_start3A_201 : memref<3128x16xf32, #tpu.memory_space<hbm>>) target(%dma_start3A_199 : memref<3128x16xf32, #tpu.memory_space<vmem_shared>>) target_semaphore(%run_scoped3A : memref<!tpu.dma_semaphore, #tpu.memory_space<semaphore_mem>>)
        %dma_wait3A = arith.constant 0 : i32
        %dma_wait3A_202 = tpu.memref_slice %arg16[%multiple_of3A_197, %dma_wait3A] : memref<50000x16xf32, #tpu.memory_space<vmem_shared>> -> memref<3128x16xf32, #tpu.memory_space<vmem_shared>>
        %dma_wait3A_203 = arith.constant 0 : i32
        %dma_wait3A_204 = tpu.memref_slice %arg6[%multiple_of3A_197, %dma_wait3A_203] : memref<50000x16xf32, #tpu.memory_space<hbm>> -> memref<3128x16xf32, #tpu.memory_space<hbm>>
        tpu.wait_dma2 semaphore(%run_scoped3A : memref<!tpu.dma_semaphore, #tpu.memory_space<semaphore_mem>>) src(%dma_wait3A_204 : memref<3128x16xf32, #tpu.memory_space<hbm>>) dst(%dma_wait3A_202 : memref<3128x16xf32, #tpu.memory_space<vmem_shared>>)
        tpu.yield
      }) : () -> ()
    } else {
    }
    %eq3A = arith.constant 15 : i32
    %eq3A_8 = arith.cmpi eq, %arg1, %eq3A : i32
    %convert_element_type3A_9 = arith.extui %eq3A_8 : i1 to i32
    %cond3A_10 = arith.constant 0 : i32
    %cond3A_11 = arith.cmpi ne, %convert_element_type3A_9, %cond3A_10 : i32
    scf.if %cond3A_11 {
      "tpu.region"() ({
        %run_scoped3A = tpu.sem_alloc : memref<!tpu.dma_semaphore, #tpu.memory_space<semaphore_mem>>
        %dma_start3A_195 = arith.constant 46920 : i32
        %dma_start3A_196 = arith.constant 0 : i32
        %dma_start3A_197 = tpu.memref_slice %arg16[%dma_start3A_195, %dma_start3A_196] : memref<50000x16xf32, #tpu.memory_space<vmem_shared>> -> memref<3080x16xf32, #tpu.memory_space<vmem_shared>>
        %dma_start3A_198 = arith.constant 46920 : i32
        %dma_start3A_199 = arith.constant 0 : i32
        %dma_start3A_200 = tpu.memref_slice %arg6[%dma_start3A_198, %dma_start3A_199] : memref<50000x16xf32, #tpu.memory_space<hbm>> -> memref<3080x16xf32, #tpu.memory_space<hbm>>
        tpu.enqueue_dma source(%dma_start3A_200 : memref<3080x16xf32, #tpu.memory_space<hbm>>) target(%dma_start3A_197 : memref<3080x16xf32, #tpu.memory_space<vmem_shared>>) target_semaphore(%run_scoped3A : memref<!tpu.dma_semaphore, #tpu.memory_space<semaphore_mem>>)
        %dma_wait3A = arith.constant 46920 : i32
        %dma_wait3A_201 = arith.constant 0 : i32
        %dma_wait3A_202 = tpu.memref_slice %arg16[%dma_wait3A, %dma_wait3A_201] : memref<50000x16xf32, #tpu.memory_space<vmem_shared>> -> memref<3080x16xf32, #tpu.memory_space<vmem_shared>>
        %dma_wait3A_203 = arith.constant 46920 : i32
        %dma_wait3A_204 = arith.constant 0 : i32
        %dma_wait3A_205 = tpu.memref_slice %arg6[%dma_wait3A_203, %dma_wait3A_204] : memref<50000x16xf32, #tpu.memory_space<hbm>> -> memref<3080x16xf32, #tpu.memory_space<hbm>>
        tpu.wait_dma2 semaphore(%run_scoped3A : memref<!tpu.dma_semaphore, #tpu.memory_space<semaphore_mem>>) src(%dma_wait3A_205 : memref<3080x16xf32, #tpu.memory_space<hbm>>) dst(%dma_wait3A_202 : memref<3080x16xf32, #tpu.memory_space<vmem_shared>>)
        tpu.yield
      }) : () -> ()
    } else {
    }
    %barrier3A = arith.constant 0 : index
    tpu.barrier barrier_id(%barrier3A)
    %multiple_of3A = tpu.assume_multiple %mul3A_0, 8 : i32
    "tpu.region"() ({
      %run_scoped3A = tpu.sem_alloc : memref<!tpu.dma_semaphore, #tpu.memory_space<semaphore_mem>>
      %dma_start3A_195 = arith.constant 0 : i32
      %dma_start3A_196 = tpu.memref_slice %arg3[%multiple_of3A, %dma_start3A_195] : memref<6400x128xi32, #tpu.memory_space<hbm>> -> memref<8x128xi32, #tpu.memory_space<hbm>>
      %dma_start3A_197 = arith.constant 0 : i32
      %dma_start3A_198 = tpu.memref_slice %arg3[%multiple_of3A, %dma_start3A_197] : memref<6400x128xi32, #tpu.memory_space<hbm>> -> memref<8x128xi32, #tpu.memory_space<hbm>>
      tpu.enqueue_dma source(%dma_start3A_198 : memref<8x128xi32, #tpu.memory_space<hbm>>) target(%arg8 : memref<8x128xi32, #tpu.memory_space<vmem>>) target_semaphore(%run_scoped3A : memref<!tpu.dma_semaphore, #tpu.memory_space<semaphore_mem>>)
      %dma_wait3A = arith.constant 0 : i32
      %dma_wait3A_199 = tpu.memref_slice %arg3[%multiple_of3A, %dma_wait3A] : memref<6400x128xi32, #tpu.memory_space<hbm>> -> memref<8x128xi32, #tpu.memory_space<hbm>>
      %dma_wait3A_200 = arith.constant 0 : i32
      %dma_wait3A_201 = tpu.memref_slice %arg3[%multiple_of3A, %dma_wait3A_200] : memref<6400x128xi32, #tpu.memory_space<hbm>> -> memref<8x128xi32, #tpu.memory_space<hbm>>
      tpu.wait_dma2 semaphore(%run_scoped3A : memref<!tpu.dma_semaphore, #tpu.memory_space<semaphore_mem>>) src(%dma_wait3A_201 : memref<8x128xi32, #tpu.memory_space<hbm>>) dst(%arg8 : memref<8x128xi32, #tpu.memory_space<vmem>>)
      tpu.yield
    }) : () -> ()
    "tpu.region"() ({
      %run_scoped3A = tpu.sem_alloc : memref<!tpu.dma_semaphore, #tpu.memory_space<semaphore_mem>>
      %dma_start3A_195 = arith.constant 0 : i32
      %dma_start3A_196 = tpu.memref_slice %arg4[%multiple_of3A, %dma_start3A_195] : memref<6400x128xi32, #tpu.memory_space<hbm>> -> memref<8x128xi32, #tpu.memory_space<hbm>>
      %dma_start3A_197 = arith.constant 0 : i32
      %dma_start3A_198 = tpu.memref_slice %arg4[%multiple_of3A, %dma_start3A_197] : memref<6400x128xi32, #tpu.memory_space<hbm>> -> memref<8x128xi32, #tpu.memory_space<hbm>>
      tpu.enqueue_dma source(%dma_start3A_198 : memref<8x128xi32, #tpu.memory_space<hbm>>) target(%arg9 : memref<8x128xi32, #tpu.memory_space<vmem>>) target_semaphore(%run_scoped3A : memref<!tpu.dma_semaphore, #tpu.memory_space<semaphore_mem>>)
      %dma_wait3A = arith.constant 0 : i32
      %dma_wait3A_199 = tpu.memref_slice %arg4[%multiple_of3A, %dma_wait3A] : memref<6400x128xi32, #tpu.memory_space<hbm>> -> memref<8x128xi32, #tpu.memory_space<hbm>>
      %dma_wait3A_200 = arith.constant 0 : i32
      %dma_wait3A_201 = tpu.memref_slice %arg4[%multiple_of3A, %dma_wait3A_200] : memref<6400x128xi32, #tpu.memory_space<hbm>> -> memref<8x128xi32, #tpu.memory_space<hbm>>
      tpu.wait_dma2 semaphore(%run_scoped3A : memref<!tpu.dma_semaphore, #tpu.memory_space<semaphore_mem>>) src(%dma_wait3A_201 : memref<8x128xi32, #tpu.memory_space<hbm>>) dst(%arg9 : memref<8x128xi32, #tpu.memory_space<vmem>>)
      tpu.yield
    }) : () -> ()
    %multiple_of3A_12 = tpu.assume_multiple %mul3A_2, 8 : i32
    "tpu.region"() ({
      %run_scoped3A = tpu.sem_alloc : memref<!tpu.dma_semaphore, #tpu.memory_space<semaphore_mem>>
      %dma_start3A_195 = arith.constant 0 : i32
      %dma_start3A_196 = tpu.memref_slice %arg5[%multiple_of3A_12, %dma_start3A_195] : memref<51200x16xf32, #tpu.memory_space<hbm>> -> memref<64x16xf32, #tpu.memory_space<hbm>>
      %dma_start3A_197 = arith.constant 0 : i32
      %dma_start3A_198 = tpu.memref_slice %arg5[%multiple_of3A_12, %dma_start3A_197] : memref<51200x16xf32, #tpu.memory_space<hbm>> -> memref<64x16xf32, #tpu.memory_space<hbm>>
      tpu.enqueue_dma source(%dma_start3A_198 : memref<64x16xf32, #tpu.memory_space<hbm>>) target(%arg10 : memref<64x16xf32, #tpu.memory_space<vmem>>) target_semaphore(%run_scoped3A : memref<!tpu.dma_semaphore, #tpu.memory_space<semaphore_mem>>)
      %dma_wait3A = arith.constant 0 : i32
      %dma_wait3A_199 = tpu.memref_slice %arg5[%multiple_of3A_12, %dma_wait3A] : memref<51200x16xf32, #tpu.memory_space<hbm>> -> memref<64x16xf32, #tpu.memory_space<hbm>>
      %dma_wait3A_200 = arith.constant 0 : i32
      %dma_wait3A_201 = tpu.memref_slice %arg5[%multiple_of3A_12, %dma_wait3A_200] : memref<51200x16xf32, #tpu.memory_space<hbm>> -> memref<64x16xf32, #tpu.memory_space<hbm>>
      tpu.wait_dma2 semaphore(%run_scoped3A : memref<!tpu.dma_semaphore, #tpu.memory_space<semaphore_mem>>) src(%dma_wait3A_201 : memref<64x16xf32, #tpu.memory_space<hbm>>) dst(%arg10 : memref<64x16xf32, #tpu.memory_space<vmem>>)
      tpu.yield
    }) : () -> ()
    %scan3A = arith.constant 0 : i32
    %scan3A_13 = arith.constant 0 : i32
    %scan3A_14 = arith.constant 8 : i32
    %scan3A_15 = arith.addi %scan3A_13, %scan3A_14 : i32
    %scan3A_16 = arith.constant 1 : i32
    scf.for %scan3A_195 = %scan3A_13 to %scan3A_15 step %scan3A_16  : i32 {
      %mul3A_196 = arith.constant 128 : i32
      %mul3A_197 = arith.muli %scan3A_195, %mul3A_196 : i32
      %multiple_of3A_198 = tpu.assume_multiple %mul3A_197, 128 : i32
      %dma_start3A_199 = arith.constant 0 : i32
      %dma_start3A_200 = tpu.memref_slice %arg14[%multiple_of3A_198, %dma_start3A_199] : memref<1024x16xf32, #tpu.memory_space<vmem>> -> memref<128x16xf32, #tpu.memory_space<vmem>>
      %dma_start3A_201 = arith.constant 0 : i32
      %dma_start3A_202 = tpu.memref_slice %arg8[%scan3A_195, %dma_start3A_201] : memref<8x128xi32, #tpu.memory_space<vmem>> -> memref<1x128xi32, #tpu.memory_space<vmem>>
      %dma_start3A_203 = tpu.memref_squeeze %dma_start3A_202 : memref<1x128xi32, #tpu.memory_space<vmem>> -> memref<128xi32, #tpu.memory_space<vmem>>
      %dma_start3A_204 = arith.constant 0 : i32
      %dma_start3A_205 = arith.constant 0 : i32
      %dma_start3A_206 = tpu.memref_slice %arg2[%add3A_5, %dma_start3A_204, %dma_start3A_205] : memref<4x50000x16xf32, #tpu.memory_space<hbm>> -> memref<1x50000x16xf32, #tpu.memory_space<hbm>>
      %dma_start3A_207 = tpu.memref_squeeze %dma_start3A_206 : memref<1x50000x16xf32, #tpu.memory_space<hbm>> -> memref<50000x16xf32, #tpu.memory_space<hbm>>
      %dma_start3A_208 = arith.constant 0 : i32
      %dma_start3A_209 = arith.constant 0 : i32
      %dma_start3A_210 = tpu.memref_slice %dma_start3A_207[%dma_start3A_208, %dma_start3A_209] : memref<50000x16xf32, #tpu.memory_space<hbm>> -> memref<50000x16xf32, #tpu.memory_space<hbm>>
      %dma_start3A_211 = tpu.memref_slice %arg17[%scan3A_195] : memref<8x!tpu.dma_semaphore, #tpu.memory_space<semaphore_mem>> -> memref<1x!tpu.dma_semaphore, #tpu.memory_space<semaphore_mem>>
      %dma_start3A_212 = tpu.memref_squeeze %dma_start3A_211 : memref<1x!tpu.dma_semaphore, #tpu.memory_space<semaphore_mem>> -> memref<!tpu.dma_semaphore, #tpu.memory_space<semaphore_mem>>
      tpu.enqueue_indirect_dma source(%dma_start3A_210 : memref<50000x16xf32, #tpu.memory_space<hbm>>) target(%dma_start3A_200 : memref<128x16xf32, #tpu.memory_space<vmem>>) offsets(%dma_start3A_203 : memref<128xi32, #tpu.memory_space<vmem>>) semaphore(%dma_start3A_212 : memref<!tpu.dma_semaphore, #tpu.memory_space<semaphore_mem>>)
    }
    %scan3A_17 = arith.constant 8 : i32
    %add3A_18 = arith.constant 8 : i32
    %add3A_19 = arith.addi %mul3A_0, %add3A_18 : i32
    %multiple_of3A_20 = tpu.assume_multiple %add3A_19, 8 : i32
    %add3A_21 = arith.constant 64 : i32
    %add3A_22 = arith.addi %mul3A_2, %add3A_21 : i32
    %multiple_of3A_23 = tpu.assume_multiple %add3A_22, 8 : i32
    %dma_start3A = arith.constant 0 : i32
    %dma_start3A_24 = tpu.memref_slice %arg3[%multiple_of3A_20, %dma_start3A] : memref<6400x128xi32, #tpu.memory_space<hbm>> -> memref<8x128xi32, #tpu.memory_space<hbm>>
    %dma_start3A_25 = arith.constant 0 : i32
    %dma_start3A_26 = tpu.memref_slice %arg3[%multiple_of3A_20, %dma_start3A_25] : memref<6400x128xi32, #tpu.memory_space<hbm>> -> memref<8x128xi32, #tpu.memory_space<hbm>>
    tpu.enqueue_dma source(%dma_start3A_26 : memref<8x128xi32, #tpu.memory_space<hbm>>) target(%arg11 : memref<8x128xi32, #tpu.memory_space<vmem>>) target_semaphore(%arg19 : memref<!tpu.dma_semaphore, #tpu.memory_space<semaphore_mem>>)
    %dma_start3A_27 = arith.constant 0 : i32
    %dma_start3A_28 = tpu.memref_slice %arg4[%multiple_of3A_20, %dma_start3A_27] : memref<6400x128xi32, #tpu.memory_space<hbm>> -> memref<8x128xi32, #tpu.memory_space<hbm>>
    %dma_start3A_29 = arith.constant 0 : i32
    %dma_start3A_30 = tpu.memref_slice %arg4[%multiple_of3A_20, %dma_start3A_29] : memref<6400x128xi32, #tpu.memory_space<hbm>> -> memref<8x128xi32, #tpu.memory_space<hbm>>
    tpu.enqueue_dma source(%dma_start3A_30 : memref<8x128xi32, #tpu.memory_space<hbm>>) target(%arg12 : memref<8x128xi32, #tpu.memory_space<vmem>>) target_semaphore(%arg19 : memref<!tpu.dma_semaphore, #tpu.memory_space<semaphore_mem>>)
    %dma_start3A_31 = arith.constant 0 : i32
    %dma_start3A_32 = tpu.memref_slice %arg5[%multiple_of3A_23, %dma_start3A_31] : memref<51200x16xf32, #tpu.memory_space<hbm>> -> memref<64x16xf32, #tpu.memory_space<hbm>>
    %dma_start3A_33 = arith.constant 0 : i32
    %dma_start3A_34 = tpu.memref_slice %arg5[%multiple_of3A_23, %dma_start3A_33] : memref<51200x16xf32, #tpu.memory_space<hbm>> -> memref<64x16xf32, #tpu.memory_space<hbm>>
    tpu.enqueue_dma source(%dma_start3A_34 : memref<64x16xf32, #tpu.memory_space<hbm>>) target(%arg13 : memref<64x16xf32, #tpu.memory_space<vmem>>) target_semaphore(%arg19 : memref<!tpu.dma_semaphore, #tpu.memory_space<semaphore_mem>>)
    %scan3A_35 = arith.constant 0 : i32
    %scan3A_36 = arith.constant 0 : i32
    %scan3A_37 = arith.constant 8 : i32
    %scan3A_38 = arith.addi %scan3A_36, %scan3A_37 : i32
    %scan3A_39 = arith.constant 1 : i32
    scf.for %scan3A_195 = %scan3A_36 to %scan3A_38 step %scan3A_39  : i32 {
      %mul3A_196 = arith.constant 128 : i32
      %mul3A_197 = arith.muli %scan3A_195, %mul3A_196 : i32
      %multiple_of3A_198 = tpu.assume_multiple %mul3A_197, 128 : i32
      %dma_wait3A = arith.constant 0 : i32
      %dma_wait3A_199 = tpu.memref_slice %arg14[%multiple_of3A_198, %dma_wait3A] : memref<1024x16xf32, #tpu.memory_space<vmem>> -> memref<128x16xf32, #tpu.memory_space<vmem>>
      %dma_wait3A_200 = arith.constant 0 : i32
      %dma_wait3A_201 = tpu.memref_slice %arg8[%scan3A_195, %dma_wait3A_200] : memref<8x128xi32, #tpu.memory_space<vmem>> -> memref<1x128xi32, #tpu.memory_space<vmem>>
      %dma_wait3A_202 = tpu.memref_squeeze %dma_wait3A_201 : memref<1x128xi32, #tpu.memory_space<vmem>> -> memref<128xi32, #tpu.memory_space<vmem>>
      %dma_wait3A_203 = arith.constant 0 : i32
      %dma_wait3A_204 = arith.constant 0 : i32
      %dma_wait3A_205 = tpu.memref_slice %arg2[%add3A_5, %dma_wait3A_203, %dma_wait3A_204] : memref<4x50000x16xf32, #tpu.memory_space<hbm>> -> memref<1x50000x16xf32, #tpu.memory_space<hbm>>
      %dma_wait3A_206 = tpu.memref_squeeze %dma_wait3A_205 : memref<1x50000x16xf32, #tpu.memory_space<hbm>> -> memref<50000x16xf32, #tpu.memory_space<hbm>>
      %dma_wait3A_207 = arith.constant 0 : i32
      %dma_wait3A_208 = arith.constant 0 : i32
      %dma_wait3A_209 = tpu.memref_slice %dma_wait3A_206[%dma_wait3A_207, %dma_wait3A_208] : memref<50000x16xf32, #tpu.memory_space<hbm>> -> memref<50000x16xf32, #tpu.memory_space<hbm>>
      %dma_wait3A_210 = tpu.memref_slice %arg17[%scan3A_195] : memref<8x!tpu.dma_semaphore, #tpu.memory_space<semaphore_mem>> -> memref<1x!tpu.dma_semaphore, #tpu.memory_space<semaphore_mem>>
      %dma_wait3A_211 = tpu.memref_squeeze %dma_wait3A_210 : memref<1x!tpu.dma_semaphore, #tpu.memory_space<semaphore_mem>> -> memref<!tpu.dma_semaphore, #tpu.memory_space<semaphore_mem>>
      tpu.wait_indirect_dma semaphore(%dma_wait3A_211 : memref<!tpu.dma_semaphore, #tpu.memory_space<semaphore_mem>>) src(%dma_wait3A_209 : memref<50000x16xf32, #tpu.memory_space<hbm>>) dst(%dma_wait3A_199 : memref<128x16xf32, #tpu.memory_space<vmem>>)
      %scan3A_212 = arith.constant 0 : i32
      %scan3A_213 = arith.constant 0 : i32
      %scan3A_214 = arith.constant 8 : i32
      %scan3A_215 = arith.addi %scan3A_213, %scan3A_214 : i32
      %scan3A_216 = arith.constant 1 : i32
      scf.for %scan3A_240 = %scan3A_213 to %scan3A_215 step %scan3A_216  : i32 {
        %mul3A_241 = arith.constant 8 : i32
        %mul3A_242 = arith.muli %scan3A_195, %mul3A_241 : i32
        %add3A_243 = arith.addi %mul3A_242, %scan3A_240 : i32
        %get3A = arith.index_cast %add3A_243 : i32 to index
        %get3A_244 = arith.constant 0 : index
        %get3A_245 = tpu.vector_load %arg10[%get3A, %get3A_244] {strides = array<i32>} : memref<64x16xf32, #tpu.memory_space<vmem>>, vector<1x16xf32>,
        %get3A_246 = vector.shape_cast %get3A_245 : vector<1x16xf32> to vector<16xf32>
        %mul3A_247 = arith.constant 16 : i32
        %mul3A_248 = arith.muli %add3A_243, %mul3A_247 : i32
        %add3A_249 = arith.constant 0 : i32
        %add3A_250 = arith.addi %mul3A_248, %add3A_249 : i32
        %slice3A = vector.extract_strided_slice %get3A_246 {offsets = [0], sizes = [1], strides = [1]} : vector<16xf32> to vector<1xf32>
        %squeeze3A = vector.extract %slice3A[0] : f32 from vector<1xf32>
        %get3A_251 = arith.index_cast %add3A_250 : i32 to index
        %get3A_252 = arith.constant 0 : index
        %get3A_253 = tpu.vector_load %arg14[%get3A_251, %get3A_252] {strides = array<i32>} : memref<1024x16xf32, #tpu.memory_space<vmem>>, vector<1x16xf32>,
        %get3A_254 = vector.shape_cast %get3A_253 : vector<1x16xf32> to vector<16xf32>
        %mul3A_255 = vector.broadcast %squeeze3A : f32 to vector<16xf32>
        %mul3A_256 = arith.mulf %get3A_254, %mul3A_255 : vector<16xf32>
        %swap3A = arith.index_cast %add3A_250 : i32 to index
        %swap3A_257 = arith.constant 0 : index
        %swap3A_258 = tpu.vector_load %arg14[%swap3A, %swap3A_257] {strides = array<i32>} : memref<1024x16xf32, #tpu.memory_space<vmem>>, vector<1x16xf32>,
        %swap3A_259 = vector.shape_cast %swap3A_258 : vector<1x16xf32> to vector<16xf32>
        %swap3A_260 = vector.shape_cast %mul3A_256 : vector<16xf32> to vector<1x16xf32>
        tpu.vector_store %arg14[%swap3A, %swap3A_257], %swap3A_260 {strides = array<i32>} : memref<1024x16xf32, #tpu.memory_space<vmem>>, vector<1x16xf32>,
        %mul3A_261 = arith.constant 16 : i32
        %mul3A_262 = arith.muli %add3A_243, %mul3A_261 : i32
        %add3A_263 = arith.constant 1 : i32
        %add3A_264 = arith.addi %mul3A_262, %add3A_263 : i32
        %slice3A_265 = vector.extract_strided_slice %get3A_246 {offsets = [1], sizes = [1], strides = [1]} : vector<16xf32> to vector<1xf32>
        %squeeze3A_266 = vector.extract %slice3A_265[0] : f32 from vector<1xf32>
        %get3A_267 = arith.index_cast %add3A_264 : i32 to index
        %get3A_268 = arith.constant 0 : index
        %get3A_269 = tpu.vector_load %arg14[%get3A_267, %get3A_268] {strides = array<i32>} : memref<1024x16xf32, #tpu.memory_space<vmem>>, vector<1x16xf32>,
        %get3A_270 = vector.shape_cast %get3A_269 : vector<1x16xf32> to vector<16xf32>
        %mul3A_271 = vector.broadcast %squeeze3A_266 : f32 to vector<16xf32>
        %mul3A_272 = arith.mulf %get3A_270, %mul3A_271 : vector<16xf32>
        %swap3A_273 = arith.index_cast %add3A_264 : i32 to index
        %swap3A_274 = arith.constant 0 : index
        %swap3A_275 = tpu.vector_load %arg14[%swap3A_273, %swap3A_274] {strides = array<i32>} : memref<1024x16xf32, #tpu.memory_space<vmem>>, vector<1x16xf32>,
        %swap3A_276 = vector.shape_cast %swap3A_275 : vector<1x16xf32> to vector<16xf32>
        %swap3A_277 = vector.shape_cast %mul3A_272 : vector<16xf32> to vector<1x16xf32>
        tpu.vector_store %arg14[%swap3A_273, %swap3A_274], %swap3A_277 {strides = array<i32>} : memref<1024x16xf32, #tpu.memory_space<vmem>>, vector<1x16xf32>,
        %mul3A_278 = arith.constant 16 : i32
        %mul3A_279 = arith.muli %add3A_243, %mul3A_278 : i32
        %add3A_280 = arith.constant 2 : i32
        %add3A_281 = arith.addi %mul3A_279, %add3A_280 : i32
        %slice3A_282 = vector.extract_strided_slice %get3A_246 {offsets = [2], sizes = [1], strides = [1]} : vector<16xf32> to vector<1xf32>
        %squeeze3A_283 = vector.extract %slice3A_282[0] : f32 from vector<1xf32>
        %get3A_284 = arith.index_cast %add3A_281 : i32 to index
        %get3A_285 = arith.constant 0 : index
        %get3A_286 = tpu.vector_load %arg14[%get3A_284, %get3A_285] {strides = array<i32>} : memref<1024x16xf32, #tpu.memory_space<vmem>>, vector<1x16xf32>,
        %get3A_287 = vector.shape_cast %get3A_286 : vector<1x16xf32> to vector<16xf32>
        %mul3A_288 = vector.broadcast %squeeze3A_283 : f32 to vector<16xf32>
        %mul3A_289 = arith.mulf %get3A_287, %mul3A_288 : vector<16xf32>
        %swap3A_290 = arith.index_cast %add3A_281 : i32 to index
        %swap3A_291 = arith.constant 0 : index
        %swap3A_292 = tpu.vector_load %arg14[%swap3A_290, %swap3A_291] {strides = array<i32>} : memref<1024x16xf32, #tpu.memory_space<vmem>>, vector<1x16xf32>,
        %swap3A_293 = vector.shape_cast %swap3A_292 : vector<1x16xf32> to vector<16xf32>
        %swap3A_294 = vector.shape_cast %mul3A_289 : vector<16xf32> to vector<1x16xf32>
        tpu.vector_store %arg14[%swap3A_290, %swap3A_291], %swap3A_294 {strides = array<i32>} : memref<1024x16xf32, #tpu.memory_space<vmem>>, vector<1x16xf32>,
        %mul3A_295 = arith.constant 16 : i32
        %mul3A_296 = arith.muli %add3A_243, %mul3A_295 : i32
        %add3A_297 = arith.constant 3 : i32
        %add3A_298 = arith.addi %mul3A_296, %add3A_297 : i32
        %slice3A_299 = vector.extract_strided_slice %get3A_246 {offsets = [3], sizes = [1], strides = [1]} : vector<16xf32> to vector<1xf32>
        %squeeze3A_300 = vector.extract %slice3A_299[0] : f32 from vector<1xf32>
        %get3A_301 = arith.index_cast %add3A_298 : i32 to index
        %get3A_302 = arith.constant 0 : index
        %get3A_303 = tpu.vector_load %arg14[%get3A_301, %get3A_302] {strides = array<i32>} : memref<1024x16xf32, #tpu.memory_space<vmem>>, vector<1x16xf32>,
        %get3A_304 = vector.shape_cast %get3A_303 : vector<1x16xf32> to vector<16xf32>
        %mul3A_305 = vector.broadcast %squeeze3A_300 : f32 to vector<16xf32>
        %mul3A_306 = arith.mulf %get3A_304, %mul3A_305 : vector<16xf32>
        %swap3A_307 = arith.index_cast %add3A_298 : i32 to index
        %swap3A_308 = arith.constant 0 : index
        %swap3A_309 = tpu.vector_load %arg14[%swap3A_307, %swap3A_308] {strides = array<i32>} : memref<1024x16xf32, #tpu.memory_space<vmem>>, vector<1x16xf32>,
        %swap3A_310 = vector.shape_cast %swap3A_309 : vector<1x16xf32> to vector<16xf32>
        %swap3A_311 = vector.shape_cast %mul3A_306 : vector<16xf32> to vector<1x16xf32>
        tpu.vector_store %arg14[%swap3A_307, %swap3A_308], %swap3A_311 {strides = array<i32>} : memref<1024x16xf32, #tpu.memory_space<vmem>>, vector<1x16xf32>,
        %mul3A_312 = arith.constant 16 : i32
        %mul3A_313 = arith.muli %add3A_243, %mul3A_312 : i32
        %add3A_314 = arith.constant 4 : i32
        %add3A_315 = arith.addi %mul3A_313, %add3A_314 : i32
        %slice3A_316 = vector.extract_strided_slice %get3A_246 {offsets = [4], sizes = [1], strides = [1]} : vector<16xf32> to vector<1xf32>
        %squeeze3A_317 = vector.extract %slice3A_316[0] : f32 from vector<1xf32>
        %get3A_318 = arith.index_cast %add3A_315 : i32 to index
        %get3A_319 = arith.constant 0 : index
        %get3A_320 = tpu.vector_load %arg14[%get3A_318, %get3A_319] {strides = array<i32>} : memref<1024x16xf32, #tpu.memory_space<vmem>>, vector<1x16xf32>,
        %get3A_321 = vector.shape_cast %get3A_320 : vector<1x16xf32> to vector<16xf32>
        %mul3A_322 = vector.broadcast %squeeze3A_317 : f32 to vector<16xf32>
        %mul3A_323 = arith.mulf %get3A_321, %mul3A_322 : vector<16xf32>
        %swap3A_324 = arith.index_cast %add3A_315 : i32 to index
        %swap3A_325 = arith.constant 0 : index
        %swap3A_326 = tpu.vector_load %arg14[%swap3A_324, %swap3A_325] {strides = array<i32>} : memref<1024x16xf32, #tpu.memory_space<vmem>>, vector<1x16xf32>,
        %swap3A_327 = vector.shape_cast %swap3A_326 : vector<1x16xf32> to vector<16xf32>
        %swap3A_328 = vector.shape_cast %mul3A_323 : vector<16xf32> to vector<1x16xf32>
        tpu.vector_store %arg14[%swap3A_324, %swap3A_325], %swap3A_328 {strides = array<i32>} : memref<1024x16xf32, #tpu.memory_space<vmem>>, vector<1x16xf32>,
        %mul3A_329 = arith.constant 16 : i32
        %mul3A_330 = arith.muli %add3A_243, %mul3A_329 : i32
        %add3A_331 = arith.constant 5 : i32
        %add3A_332 = arith.addi %mul3A_330, %add3A_331 : i32
        %slice3A_333 = vector.extract_strided_slice %get3A_246 {offsets = [5], sizes = [1], strides = [1]} : vector<16xf32> to vector<1xf32>
        %squeeze3A_334 = vector.extract %slice3A_333[0] : f32 from vector<1xf32>
        %get3A_335 = arith.index_cast %add3A_332 : i32 to index
        %get3A_336 = arith.constant 0 : index
        %get3A_337 = tpu.vector_load %arg14[%get3A_335, %get3A_336] {strides = array<i32>} : memref<1024x16xf32, #tpu.memory_space<vmem>>, vector<1x16xf32>,
        %get3A_338 = vector.shape_cast %get3A_337 : vector<1x16xf32> to vector<16xf32>
        %mul3A_339 = vector.broadcast %squeeze3A_334 : f32 to vector<16xf32>
        %mul3A_340 = arith.mulf %get3A_338, %mul3A_339 : vector<16xf32>
        %swap3A_341 = arith.index_cast %add3A_332 : i32 to index
        %swap3A_342 = arith.constant 0 : index
        %swap3A_343 = tpu.vector_load %arg14[%swap3A_341, %swap3A_342] {strides = array<i32>} : memref<1024x16xf32, #tpu.memory_space<vmem>>, vector<1x16xf32>,
        %swap3A_344 = vector.shape_cast %swap3A_343 : vector<1x16xf32> to vector<16xf32>
        %swap3A_345 = vector.shape_cast %mul3A_340 : vector<16xf32> to vector<1x16xf32>
        tpu.vector_store %arg14[%swap3A_341, %swap3A_342], %swap3A_345 {strides = array<i32>} : memref<1024x16xf32, #tpu.memory_space<vmem>>, vector<1x16xf32>,
        %mul3A_346 = arith.constant 16 : i32
        %mul3A_347 = arith.muli %add3A_243, %mul3A_346 : i32
        %add3A_348 = arith.constant 6 : i32
        %add3A_349 = arith.addi %mul3A_347, %add3A_348 : i32
        %slice3A_350 = vector.extract_strided_slice %get3A_246 {offsets = [6], sizes = [1], strides = [1]} : vector<16xf32> to vector<1xf32>
        %squeeze3A_351 = vector.extract %slice3A_350[0] : f32 from vector<1xf32>
        %get3A_352 = arith.index_cast %add3A_349 : i32 to index
        %get3A_353 = arith.constant 0 : index
        %get3A_354 = tpu.vector_load %arg14[%get3A_352, %get3A_353] {strides = array<i32>} : memref<1024x16xf32, #tpu.memory_space<vmem>>, vector<1x16xf32>,
        %get3A_355 = vector.shape_cast %get3A_354 : vector<1x16xf32> to vector<16xf32>
        %mul3A_356 = vector.broadcast %squeeze3A_351 : f32 to vector<16xf32>
        %mul3A_357 = arith.mulf %get3A_355, %mul3A_356 : vector<16xf32>
        %swap3A_358 = arith.index_cast %add3A_349 : i32 to index
        %swap3A_359 = arith.constant 0 : index
        %swap3A_360 = tpu.vector_load %arg14[%swap3A_358, %swap3A_359] {strides = array<i32>} : memref<1024x16xf32, #tpu.memory_space<vmem>>, vector<1x16xf32>,
        %swap3A_361 = vector.shape_cast %swap3A_360 : vector<1x16xf32> to vector<16xf32>
        %swap3A_362 = vector.shape_cast %mul3A_357 : vector<16xf32> to vector<1x16xf32>
        tpu.vector_store %arg14[%swap3A_358, %swap3A_359], %swap3A_362 {strides = array<i32>} : memref<1024x16xf32, #tpu.memory_space<vmem>>, vector<1x16xf32>,
        %mul3A_363 = arith.constant 16 : i32
        %mul3A_364 = arith.muli %add3A_243, %mul3A_363 : i32
        %add3A_365 = arith.constant 7 : i32
        %add3A_366 = arith.addi %mul3A_364, %add3A_365 : i32
        %slice3A_367 = vector.extract_strided_slice %get3A_246 {offsets = [7], sizes = [1], strides = [1]} : vector<16xf32> to vector<1xf32>
        %squeeze3A_368 = vector.extract %slice3A_367[0] : f32 from vector<1xf32>
        %get3A_369 = arith.index_cast %add3A_366 : i32 to index
        %get3A_370 = arith.constant 0 : index
        %get3A_371 = tpu.vector_load %arg14[%get3A_369, %get3A_370] {strides = array<i32>} : memref<1024x16xf32, #tpu.memory_space<vmem>>, vector<1x16xf32>,
        %get3A_372 = vector.shape_cast %get3A_371 : vector<1x16xf32> to vector<16xf32>
        %mul3A_373 = vector.broadcast %squeeze3A_368 : f32 to vector<16xf32>
        %mul3A_374 = arith.mulf %get3A_372, %mul3A_373 : vector<16xf32>
        %swap3A_375 = arith.index_cast %add3A_366 : i32 to index
        %swap3A_376 = arith.constant 0 : index
        %swap3A_377 = tpu.vector_load %arg14[%swap3A_375, %swap3A_376] {strides = array<i32>} : memref<1024x16xf32, #tpu.memory_space<vmem>>, vector<1x16xf32>,
        %swap3A_378 = vector.shape_cast %swap3A_377 : vector<1x16xf32> to vector<16xf32>
        %swap3A_379 = vector.shape_cast %mul3A_374 : vector<16xf32> to vector<1x16xf32>
        tpu.vector_store %arg14[%swap3A_375, %swap3A_376], %swap3A_379 {strides = array<i32>} : memref<1024x16xf32, #tpu.memory_space<vmem>>, vector<1x16xf32>,
        %mul3A_380 = arith.constant 16 : i32
        %mul3A_381 = arith.muli %add3A_243, %mul3A_380 : i32
        %add3A_382 = arith.constant 8 : i32
        %add3A_383 = arith.addi %mul3A_381, %add3A_382 : i32
        %slice3A_384 = vector.extract_strided_slice %get3A_246 {offsets = [8], sizes = [1], strides = [1]} : vector<16xf32> to vector<1xf32>
        %squeeze3A_385 = vector.extract %slice3A_384[0] : f32 from vector<1xf32>
        %get3A_386 = arith.index_cast %add3A_383 : i32 to index
        %get3A_387 = arith.constant 0 : index
        %get3A_388 = tpu.vector_load %arg14[%get3A_386, %get3A_387] {strides = array<i32>} : memref<1024x16xf32, #tpu.memory_space<vmem>>, vector<1x16xf32>,
        %get3A_389 = vector.shape_cast %get3A_388 : vector<1x16xf32> to vector<16xf32>
        %mul3A_390 = vector.broadcast %squeeze3A_385 : f32 to vector<16xf32>
        %mul3A_391 = arith.mulf %get3A_389, %mul3A_390 : vector<16xf32>
        %swap3A_392 = arith.index_cast %add3A_383 : i32 to index
        %swap3A_393 = arith.constant 0 : index
        %swap3A_394 = tpu.vector_load %arg14[%swap3A_392, %swap3A_393] {strides = array<i32>} : memref<1024x16xf32, #tpu.memory_space<vmem>>, vector<1x16xf32>,
        %swap3A_395 = vector.shape_cast %swap3A_394 : vector<1x16xf32> to vector<16xf32>
        %swap3A_396 = vector.shape_cast %mul3A_391 : vector<16xf32> to vector<1x16xf32>
        tpu.vector_store %arg14[%swap3A_392, %swap3A_393], %swap3A_396 {strides = array<i32>} : memref<1024x16xf32, #tpu.memory_space<vmem>>, vector<1x16xf32>,
        %mul3A_397 = arith.constant 16 : i32
        %mul3A_398 = arith.muli %add3A_243, %mul3A_397 : i32
        %add3A_399 = arith.constant 9 : i32
        %add3A_400 = arith.addi %mul3A_398, %add3A_399 : i32
        %slice3A_401 = vector.extract_strided_slice %get3A_246 {offsets = [9], sizes = [1], strides = [1]} : vector<16xf32> to vector<1xf32>
        %squeeze3A_402 = vector.extract %slice3A_401[0] : f32 from vector<1xf32>
        %get3A_403 = arith.index_cast %add3A_400 : i32 to index
        %get3A_404 = arith.constant 0 : index
        %get3A_405 = tpu.vector_load %arg14[%get3A_403, %get3A_404] {strides = array<i32>} : memref<1024x16xf32, #tpu.memory_space<vmem>>, vector<1x16xf32>,
        %get3A_406 = vector.shape_cast %get3A_405 : vector<1x16xf32> to vector<16xf32>
        %mul3A_407 = vector.broadcast %squeeze3A_402 : f32 to vector<16xf32>
        %mul3A_408 = arith.mulf %get3A_406, %mul3A_407 : vector<16xf32>
        %swap3A_409 = arith.index_cast %add3A_400 : i32 to index
        %swap3A_410 = arith.constant 0 : index
        %swap3A_411 = tpu.vector_load %arg14[%swap3A_409, %swap3A_410] {strides = array<i32>} : memref<1024x16xf32, #tpu.memory_space<vmem>>, vector<1x16xf32>,
        %swap3A_412 = vector.shape_cast %swap3A_411 : vector<1x16xf32> to vector<16xf32>
        %swap3A_413 = vector.shape_cast %mul3A_408 : vector<16xf32> to vector<1x16xf32>
        tpu.vector_store %arg14[%swap3A_409, %swap3A_410], %swap3A_413 {strides = array<i32>} : memref<1024x16xf32, #tpu.memory_space<vmem>>, vector<1x16xf32>,
        %mul3A_414 = arith.constant 16 : i32
        %mul3A_415 = arith.muli %add3A_243, %mul3A_414 : i32
        %add3A_416 = arith.constant 10 : i32
        %add3A_417 = arith.addi %mul3A_415, %add3A_416 : i32
        %slice3A_418 = vector.extract_strided_slice %get3A_246 {offsets = [10], sizes = [1], strides = [1]} : vector<16xf32> to vector<1xf32>
        %squeeze3A_419 = vector.extract %slice3A_418[0] : f32 from vector<1xf32>
        %get3A_420 = arith.index_cast %add3A_417 : i32 to index
        %get3A_421 = arith.constant 0 : index
        %get3A_422 = tpu.vector_load %arg14[%get3A_420, %get3A_421] {strides = array<i32>} : memref<1024x16xf32, #tpu.memory_space<vmem>>, vector<1x16xf32>,
        %get3A_423 = vector.shape_cast %get3A_422 : vector<1x16xf32> to vector<16xf32>
        %mul3A_424 = vector.broadcast %squeeze3A_419 : f32 to vector<16xf32>
        %mul3A_425 = arith.mulf %get3A_423, %mul3A_424 : vector<16xf32>
        %swap3A_426 = arith.index_cast %add3A_417 : i32 to index
        %swap3A_427 = arith.constant 0 : index
        %swap3A_428 = tpu.vector_load %arg14[%swap3A_426, %swap3A_427] {strides = array<i32>} : memref<1024x16xf32, #tpu.memory_space<vmem>>, vector<1x16xf32>,
        %swap3A_429 = vector.shape_cast %swap3A_428 : vector<1x16xf32> to vector<16xf32>
        %swap3A_430 = vector.shape_cast %mul3A_425 : vector<16xf32> to vector<1x16xf32>
        tpu.vector_store %arg14[%swap3A_426, %swap3A_427], %swap3A_430 {strides = array<i32>} : memref<1024x16xf32, #tpu.memory_space<vmem>>, vector<1x16xf32>,
        %mul3A_431 = arith.constant 16 : i32
        %mul3A_432 = arith.muli %add3A_243, %mul3A_431 : i32
        %add3A_433 = arith.constant 11 : i32
        %add3A_434 = arith.addi %mul3A_432, %add3A_433 : i32
        %slice3A_435 = vector.extract_strided_slice %get3A_246 {offsets = [11], sizes = [1], strides = [1]} : vector<16xf32> to vector<1xf32>
        %squeeze3A_436 = vector.extract %slice3A_435[0] : f32 from vector<1xf32>
        %get3A_437 = arith.index_cast %add3A_434 : i32 to index
        %get3A_438 = arith.constant 0 : index
        %get3A_439 = tpu.vector_load %arg14[%get3A_437, %get3A_438] {strides = array<i32>} : memref<1024x16xf32, #tpu.memory_space<vmem>>, vector<1x16xf32>,
        %get3A_440 = vector.shape_cast %get3A_439 : vector<1x16xf32> to vector<16xf32>
        %mul3A_441 = vector.broadcast %squeeze3A_436 : f32 to vector<16xf32>
        %mul3A_442 = arith.mulf %get3A_440, %mul3A_441 : vector<16xf32>
        %swap3A_443 = arith.index_cast %add3A_434 : i32 to index
        %swap3A_444 = arith.constant 0 : index
        %swap3A_445 = tpu.vector_load %arg14[%swap3A_443, %swap3A_444] {strides = array<i32>} : memref<1024x16xf32, #tpu.memory_space<vmem>>, vector<1x16xf32>,
        %swap3A_446 = vector.shape_cast %swap3A_445 : vector<1x16xf32> to vector<16xf32>
        %swap3A_447 = vector.shape_cast %mul3A_442 : vector<16xf32> to vector<1x16xf32>
        tpu.vector_store %arg14[%swap3A_443, %swap3A_444], %swap3A_447 {strides = array<i32>} : memref<1024x16xf32, #tpu.memory_space<vmem>>, vector<1x16xf32>,
        %mul3A_448 = arith.constant 16 : i32
        %mul3A_449 = arith.muli %add3A_243, %mul3A_448 : i32
        %add3A_450 = arith.constant 12 : i32
        %add3A_451 = arith.addi %mul3A_449, %add3A_450 : i32
        %slice3A_452 = vector.extract_strided_slice %get3A_246 {offsets = [12], sizes = [1], strides = [1]} : vector<16xf32> to vector<1xf32>
        %squeeze3A_453 = vector.extract %slice3A_452[0] : f32 from vector<1xf32>
        %get3A_454 = arith.index_cast %add3A_451 : i32 to index
        %get3A_455 = arith.constant 0 : index
        %get3A_456 = tpu.vector_load %arg14[%get3A_454, %get3A_455] {strides = array<i32>} : memref<1024x16xf32, #tpu.memory_space<vmem>>, vector<1x16xf32>,
        %get3A_457 = vector.shape_cast %get3A_456 : vector<1x16xf32> to vector<16xf32>
        %mul3A_458 = vector.broadcast %squeeze3A_453 : f32 to vector<16xf32>
        %mul3A_459 = arith.mulf %get3A_457, %mul3A_458 : vector<16xf32>
        %swap3A_460 = arith.index_cast %add3A_451 : i32 to index
        %swap3A_461 = arith.constant 0 : index
        %swap3A_462 = tpu.vector_load %arg14[%swap3A_460, %swap3A_461] {strides = array<i32>} : memref<1024x16xf32, #tpu.memory_space<vmem>>, vector<1x16xf32>,
        %swap3A_463 = vector.shape_cast %swap3A_462 : vector<1x16xf32> to vector<16xf32>
        %swap3A_464 = vector.shape_cast %mul3A_459 : vector<16xf32> to vector<1x16xf32>
        tpu.vector_store %arg14[%swap3A_460, %swap3A_461], %swap3A_464 {strides = array<i32>} : memref<1024x16xf32, #tpu.memory_space<vmem>>, vector<1x16xf32>,
        %mul3A_465 = arith.constant 16 : i32
        %mul3A_466 = arith.muli %add3A_243, %mul3A_465 : i32
        %add3A_467 = arith.constant 13 : i32
        %add3A_468 = arith.addi %mul3A_466, %add3A_467 : i32
        %slice3A_469 = vector.extract_strided_slice %get3A_246 {offsets = [13], sizes = [1], strides = [1]} : vector<16xf32> to vector<1xf32>
        %squeeze3A_470 = vector.extract %slice3A_469[0] : f32 from vector<1xf32>
        %get3A_471 = arith.index_cast %add3A_468 : i32 to index
        %get3A_472 = arith.constant 0 : index
        %get3A_473 = tpu.vector_load %arg14[%get3A_471, %get3A_472] {strides = array<i32>} : memref<1024x16xf32, #tpu.memory_space<vmem>>, vector<1x16xf32>,
        %get3A_474 = vector.shape_cast %get3A_473 : vector<1x16xf32> to vector<16xf32>
        %mul3A_475 = vector.broadcast %squeeze3A_470 : f32 to vector<16xf32>
        %mul3A_476 = arith.mulf %get3A_474, %mul3A_475 : vector<16xf32>
        %swap3A_477 = arith.index_cast %add3A_468 : i32 to index
        %swap3A_478 = arith.constant 0 : index
        %swap3A_479 = tpu.vector_load %arg14[%swap3A_477, %swap3A_478] {strides = array<i32>} : memref<1024x16xf32, #tpu.memory_space<vmem>>, vector<1x16xf32>,
        %swap3A_480 = vector.shape_cast %swap3A_479 : vector<1x16xf32> to vector<16xf32>
        %swap3A_481 = vector.shape_cast %mul3A_476 : vector<16xf32> to vector<1x16xf32>
        tpu.vector_store %arg14[%swap3A_477, %swap3A_478], %swap3A_481 {strides = array<i32>} : memref<1024x16xf32, #tpu.memory_space<vmem>>, vector<1x16xf32>,
        %mul3A_482 = arith.constant 16 : i32
        %mul3A_483 = arith.muli %add3A_243, %mul3A_482 : i32
        %add3A_484 = arith.constant 14 : i32
        %add3A_485 = arith.addi %mul3A_483, %add3A_484 : i32
        %slice3A_486 = vector.extract_strided_slice %get3A_246 {offsets = [14], sizes = [1], strides = [1]} : vector<16xf32> to vector<1xf32>
        %squeeze3A_487 = vector.extract %slice3A_486[0] : f32 from vector<1xf32>
        %get3A_488 = arith.index_cast %add3A_485 : i32 to index
        %get3A_489 = arith.constant 0 : index
        %get3A_490 = tpu.vector_load %arg14[%get3A_488, %get3A_489] {strides = array<i32>} : memref<1024x16xf32, #tpu.memory_space<vmem>>, vector<1x16xf32>,
        %get3A_491 = vector.shape_cast %get3A_490 : vector<1x16xf32> to vector<16xf32>
        %mul3A_492 = vector.broadcast %squeeze3A_487 : f32 to vector<16xf32>
        %mul3A_493 = arith.mulf %get3A_491, %mul3A_492 : vector<16xf32>
        %swap3A_494 = arith.index_cast %add3A_485 : i32 to index
        %swap3A_495 = arith.constant 0 : index
        %swap3A_496 = tpu.vector_load %arg14[%swap3A_494, %swap3A_495] {strides = array<i32>} : memref<1024x16xf32, #tpu.memory_space<vmem>>, vector<1x16xf32>,
        %swap3A_497 = vector.shape_cast %swap3A_496 : vector<1x16xf32> to vector<16xf32>
        %swap3A_498 = vector.shape_cast %mul3A_493 : vector<16xf32> to vector<1x16xf32>
        tpu.vector_store %arg14[%swap3A_494, %swap3A_495], %swap3A_498 {strides = array<i32>} : memref<1024x16xf32, #tpu.memory_space<vmem>>, vector<1x16xf32>,
        %mul3A_499 = arith.constant 16 : i32
        %mul3A_500 = arith.muli %add3A_243, %mul3A_499 : i32
        %add3A_501 = arith.constant 15 : i32
        %add3A_502 = arith.addi %mul3A_500, %add3A_501 : i32
        %slice3A_503 = vector.extract_strided_slice %get3A_246 {offsets = [15], sizes = [1], strides = [1]} : vector<16xf32> to vector<1xf32>
        %squeeze3A_504 = vector.extract %slice3A_503[0] : f32 from vector<1xf32>
        %get3A_505 = arith.index_cast %add3A_502 : i32 to index
        %get3A_506 = arith.constant 0 : index
        %get3A_507 = tpu.vector_load %arg14[%get3A_505, %get3A_506] {strides = array<i32>} : memref<1024x16xf32, #tpu.memory_space<vmem>>, vector<1x16xf32>,
        %get3A_508 = vector.shape_cast %get3A_507 : vector<1x16xf32> to vector<16xf32>
        %mul3A_509 = vector.broadcast %squeeze3A_504 : f32 to vector<16xf32>
        %mul3A_510 = arith.mulf %get3A_508, %mul3A_509 : vector<16xf32>
        %swap3A_511 = arith.index_cast %add3A_502 : i32 to index
        %swap3A_512 = arith.constant 0 : index
        %swap3A_513 = tpu.vector_load %arg14[%swap3A_511, %swap3A_512] {strides = array<i32>} : memref<1024x16xf32, #tpu.memory_space<vmem>>, vector<1x16xf32>,
        %swap3A_514 = vector.shape_cast %swap3A_513 : vector<1x16xf32> to vector<16xf32>
        %swap3A_515 = vector.shape_cast %mul3A_510 : vector<16xf32> to vector<1x16xf32>
        tpu.vector_store %arg14[%swap3A_511, %swap3A_512], %swap3A_515 {strides = array<i32>} : memref<1024x16xf32, #tpu.memory_space<vmem>>, vector<1x16xf32>,
      }
      %scan3A_217 = arith.constant 8 : i32
      %mul3A_218 = arith.constant 128 : i32
      %mul3A_219 = arith.muli %scan3A_195, %mul3A_218 : i32
      %multiple_of3A_220 = tpu.assume_multiple %mul3A_219, 128 : i32
      %dma_start3A_221 = arith.constant 0 : i32
      %dma_start3A_222 = tpu.memref_slice %arg14[%multiple_of3A_220, %dma_start3A_221] : memref<1024x16xf32, #tpu.memory_space<vmem>> -> memref<128x16xf32, #tpu.memory_space<vmem>>
      %dma_start3A_223 = arith.constant 0 : i32
      %dma_start3A_224 = tpu.memref_slice %arg9[%scan3A_195, %dma_start3A_223] : memref<8x128xi32, #tpu.memory_space<vmem>> -> memref<1x128xi32, #tpu.memory_space<vmem>>
      %dma_start3A_225 = tpu.memref_squeeze %dma_start3A_224 : memref<1x128xi32, #tpu.memory_space<vmem>> -> memref<128xi32, #tpu.memory_space<vmem>>
      %dma_start3A_226 = arith.constant 0 : i32
      %dma_start3A_227 = arith.constant 0 : i32
      %dma_start3A_228 = tpu.memref_slice %arg16[%dma_start3A_226, %dma_start3A_227] : memref<50000x16xf32, #tpu.memory_space<vmem_shared>> -> memref<50000x16xf32, #tpu.memory_space<vmem_shared>>
      %dma_start3A_229 = tpu.memref_slice %arg18[%scan3A_195] : memref<8x!tpu.dma_semaphore, #tpu.memory_space<semaphore_mem>> -> memref<1x!tpu.dma_semaphore, #tpu.memory_space<semaphore_mem>>
      %dma_start3A_230 = tpu.memref_squeeze %dma_start3A_229 : memref<1x!tpu.dma_semaphore, #tpu.memory_space<semaphore_mem>> -> memref<!tpu.dma_semaphore, #tpu.memory_space<semaphore_mem>>
      tpu.enqueue_indirect_dma source(%dma_start3A_222 : memref<128x16xf32, #tpu.memory_space<vmem>>) target(%dma_start3A_228 : memref<50000x16xf32, #tpu.memory_space<vmem_shared>>) offsets(%dma_start3A_225 : memref<128xi32, #tpu.memory_space<vmem>>) semaphore(%dma_start3A_230 : memref<!tpu.dma_semaphore, #tpu.memory_space<semaphore_mem>>) {add = true}
      %eq3A_231 = arith.constant 1 : i32
      %eq3A_232 = arith.cmpi eq, %scan3A_195, %eq3A_231 : i32
      %convert_element_type3A_233 = arith.extui %eq3A_232 : i1 to i32
      %cond3A_234 = arith.constant 0 : i32
      %cond3A_235 = arith.cmpi ne, %convert_element_type3A_233, %cond3A_234 : i32
      scf.if %cond3A_235 {
        %dma_wait3A_240 = arith.constant 0 : i32
        %dma_wait3A_241 = tpu.memref_slice %arg3[%multiple_of3A_20, %dma_wait3A_240] : memref<6400x128xi32, #tpu.memory_space<hbm>> -> memref<8x128xi32, #tpu.memory_space<hbm>>
        %dma_wait3A_242 = arith.constant 0 : i32
        %dma_wait3A_243 = tpu.memref_slice %arg3[%multiple_of3A_20, %dma_wait3A_242] : memref<6400x128xi32, #tpu.memory_space<hbm>> -> memref<8x128xi32, #tpu.memory_space<hbm>>
        tpu.wait_dma2 semaphore(%arg19 : memref<!tpu.dma_semaphore, #tpu.memory_space<semaphore_mem>>) src(%dma_wait3A_243 : memref<8x128xi32, #tpu.memory_space<hbm>>) dst(%arg11 : memref<8x128xi32, #tpu.memory_space<vmem>>)
        %dma_wait3A_244 = arith.constant 0 : i32
        %dma_wait3A_245 = tpu.memref_slice %arg4[%multiple_of3A_20, %dma_wait3A_244] : memref<6400x128xi32, #tpu.memory_space<hbm>> -> memref<8x128xi32, #tpu.memory_space<hbm>>
        %dma_wait3A_246 = arith.constant 0 : i32
        %dma_wait3A_247 = tpu.memref_slice %arg4[%multiple_of3A_20, %dma_wait3A_246] : memref<6400x128xi32, #tpu.memory_space<hbm>> -> memref<8x128xi32, #tpu.memory_space<hbm>>
        tpu.wait_dma2 semaphore(%arg19 : memref<!tpu.dma_semaphore, #tpu.memory_space<semaphore_mem>>) src(%dma_wait3A_247 : memref<8x128xi32, #tpu.memory_space<hbm>>) dst(%arg12 : memref<8x128xi32, #tpu.memory_space<vmem>>)
        %dma_wait3A_248 = arith.constant 0 : i32
        %dma_wait3A_249 = tpu.memref_slice %arg5[%multiple_of3A_23, %dma_wait3A_248] : memref<51200x16xf32, #tpu.memory_space<hbm>> -> memref<64x16xf32, #tpu.memory_space<hbm>>
        %dma_wait3A_250 = arith.constant 0 : i32
        %dma_wait3A_251 = tpu.memref_slice %arg5[%multiple_of3A_23, %dma_wait3A_250] : memref<51200x16xf32, #tpu.memory_space<hbm>> -> memref<64x16xf32, #tpu.memory_space<hbm>>
        tpu.wait_dma2 semaphore(%arg19 : memref<!tpu.dma_semaphore, #tpu.memory_space<semaphore_mem>>) src(%dma_wait3A_251 : memref<64x16xf32, #tpu.memory_space<hbm>>) dst(%arg13 : memref<64x16xf32, #tpu.memory_space<vmem>>)
      } else {
      }
      %ge3A = arith.constant 1 : i32
      %ge3A_236 = arith.cmpi sge, %scan3A_195, %ge3A : i32
      %convert_element_type3A_237 = arith.extui %ge3A_236 : i1 to i32
      %cond3A_238 = arith.constant 0 : i32
      %cond3A_239 = arith.cmpi ne, %convert_element_type3A_237, %cond3A_238 : i32
      scf.if %cond3A_239 {
        %sub3A = arith.constant 1 : i32
        %sub3A_240 = arith.subi %scan3A_195, %sub3A : i32
        %mul3A_241 = arith.constant 128 : i32
        %mul3A_242 = arith.muli %sub3A_240, %mul3A_241 : i32
        %multiple_of3A_243 = tpu.assume_multiple %mul3A_242, 128 : i32
        %dma_start3A_244 = arith.constant 0 : i32
        %dma_start3A_245 = tpu.memref_slice %arg15[%multiple_of3A_243, %dma_start3A_244] : memref<1024x16xf32, #tpu.memory_space<vmem>> -> memref<128x16xf32, #tpu.memory_space<vmem>>
        %dma_start3A_246 = arith.constant 0 : i32
        %dma_start3A_247 = tpu.memref_slice %arg11[%sub3A_240, %dma_start3A_246] : memref<8x128xi32, #tpu.memory_space<vmem>> -> memref<1x128xi32, #tpu.memory_space<vmem>>
        %dma_start3A_248 = tpu.memref_squeeze %dma_start3A_247 : memref<1x128xi32, #tpu.memory_space<vmem>> -> memref<128xi32, #tpu.memory_space<vmem>>
        %dma_start3A_249 = arith.constant 0 : i32
        %dma_start3A_250 = arith.constant 0 : i32
        %dma_start3A_251 = tpu.memref_slice %arg2[%add3A_5, %dma_start3A_249, %dma_start3A_250] : memref<4x50000x16xf32, #tpu.memory_space<hbm>> -> memref<1x50000x16xf32, #tpu.memory_space<hbm>>
        %dma_start3A_252 = tpu.memref_squeeze %dma_start3A_251 : memref<1x50000x16xf32, #tpu.memory_space<hbm>> -> memref<50000x16xf32, #tpu.memory_space<hbm>>
        %dma_start3A_253 = arith.constant 0 : i32
        %dma_start3A_254 = arith.constant 0 : i32
        %dma_start3A_255 = tpu.memref_slice %dma_start3A_252[%dma_start3A_253, %dma_start3A_254] : memref<50000x16xf32, #tpu.memory_space<hbm>> -> memref<50000x16xf32, #tpu.memory_space<hbm>>
        %dma_start3A_256 = tpu.memref_slice %arg17[%sub3A_240] : memref<8x!tpu.dma_semaphore, #tpu.memory_space<semaphore_mem>> -> memref<1x!tpu.dma_semaphore, #tpu.memory_space<semaphore_mem>>
        %dma_start3A_257 = tpu.memref_squeeze %dma_start3A_256 : memref<1x!tpu.dma_semaphore, #tpu.memory_space<semaphore_mem>> -> memref<!tpu.dma_semaphore, #tpu.memory_space<semaphore_mem>>
        tpu.enqueue_indirect_dma source(%dma_start3A_255 : memref<50000x16xf32, #tpu.memory_space<hbm>>) target(%dma_start3A_245 : memref<128x16xf32, #tpu.memory_space<vmem>>) offsets(%dma_start3A_248 : memref<128xi32, #tpu.memory_space<vmem>>) semaphore(%dma_start3A_257 : memref<!tpu.dma_semaphore, #tpu.memory_space<semaphore_mem>>)
      } else {
      }
    }
    %scan3A_40 = arith.constant 8 : i32
    %multiple_of3A_41 = arith.constant 896 : i32
    %multiple_of3A_42 = tpu.assume_multiple %multiple_of3A_41, 128 : i32
    %dma_start3A_43 = arith.constant 7 : i32
    %dma_start3A_44 = arith.constant 7 : i32
    %dma_start3A_45 = arith.constant 0 : i32
    %dma_start3A_46 = tpu.memref_slice %arg15[%multiple_of3A_42, %dma_start3A_45] : memref<1024x16xf32, #tpu.memory_space<vmem>> -> memref<128x16xf32, #tpu.memory_space<vmem>>
    %dma_start3A_47 = arith.constant 0 : i32
    %dma_start3A_48 = tpu.memref_slice %arg11[%dma_start3A_43, %dma_start3A_47] : memref<8x128xi32, #tpu.memory_space<vmem>> -> memref<1x128xi32, #tpu.memory_space<vmem>>
    %dma_start3A_49 = tpu.memref_squeeze %dma_start3A_48 : memref<1x128xi32, #tpu.memory_space<vmem>> -> memref<128xi32, #tpu.memory_space<vmem>>
    %dma_start3A_50 = arith.constant 0 : i32
    %dma_start3A_51 = arith.constant 0 : i32
    %dma_start3A_52 = tpu.memref_slice %arg2[%add3A_5, %dma_start3A_50, %dma_start3A_51] : memref<4x50000x16xf32, #tpu.memory_space<hbm>> -> memref<1x50000x16xf32, #tpu.memory_space<hbm>>
    %dma_start3A_53 = tpu.memref_squeeze %dma_start3A_52 : memref<1x50000x16xf32, #tpu.memory_space<hbm>> -> memref<50000x16xf32, #tpu.memory_space<hbm>>
    %dma_start3A_54 = arith.constant 0 : i32
    %dma_start3A_55 = arith.constant 0 : i32
    %dma_start3A_56 = tpu.memref_slice %dma_start3A_53[%dma_start3A_54, %dma_start3A_55] : memref<50000x16xf32, #tpu.memory_space<hbm>> -> memref<50000x16xf32, #tpu.memory_space<hbm>>
    %dma_start3A_57 = tpu.memref_slice %arg17[%dma_start3A_44] : memref<8x!tpu.dma_semaphore, #tpu.memory_space<semaphore_mem>> -> memref<1x!tpu.dma_semaphore, #tpu.memory_space<semaphore_mem>>
    %dma_start3A_58 = tpu.memref_squeeze %dma_start3A_57 : memref<1x!tpu.dma_semaphore, #tpu.memory_space<semaphore_mem>> -> memref<!tpu.dma_semaphore, #tpu.memory_space<semaphore_mem>>
    tpu.enqueue_indirect_dma source(%dma_start3A_56 : memref<50000x16xf32, #tpu.memory_space<hbm>>) target(%dma_start3A_46 : memref<128x16xf32, #tpu.memory_space<vmem>>) offsets(%dma_start3A_49 : memref<128xi32, #tpu.memory_space<vmem>>) semaphore(%dma_start3A_58 : memref<!tpu.dma_semaphore, #tpu.memory_space<semaphore_mem>>)
    %scan3A_59 = arith.constant 0 : i32
    %scan3A_60 = arith.constant 0 : i32
    %scan3A_61 = arith.constant 24 : i32
    %scan3A_62 = arith.addi %scan3A_60, %scan3A_61 : i32
    %scan3A_63 = arith.constant 1 : i32
    scf.for %scan3A_195 = %scan3A_60 to %scan3A_62 step %scan3A_63  : i32 {
      %mul3A_196 = arith.constant 2 : i32
      %mul3A_197 = arith.muli %mul3A_196, %scan3A_195 : i32
      %add3A_198 = arith.constant 1 : i32
      %add3A_199 = arith.addi %mul3A_197, %add3A_198 : i32
      %scan3A_200 = arith.constant 0 : i32
      %scan3A_201 = arith.constant 0 : i32
      %scan3A_202 = arith.constant 8 : i32
      %scan3A_203 = arith.addi %scan3A_201, %scan3A_202 : i32
      %scan3A_204 = arith.constant 1 : i32
      scf.for %scan3A_312 = %scan3A_201 to %scan3A_203 step %scan3A_204  : i32 {
        %mul3A_313 = arith.constant 128 : i32
        %mul3A_314 = arith.muli %scan3A_312, %mul3A_313 : i32
        %multiple_of3A_315 = tpu.assume_multiple %mul3A_314, 128 : i32
        %dma_wait3A = arith.constant 0 : i32
        %dma_wait3A_316 = tpu.memref_slice %arg14[%multiple_of3A_315, %dma_wait3A] : memref<1024x16xf32, #tpu.memory_space<vmem>> -> memref<128x16xf32, #tpu.memory_space<vmem>>
        %dma_wait3A_317 = arith.constant 0 : i32
        %dma_wait3A_318 = tpu.memref_slice %arg9[%scan3A_312, %dma_wait3A_317] : memref<8x128xi32, #tpu.memory_space<vmem>> -> memref<1x128xi32, #tpu.memory_space<vmem>>
        %dma_wait3A_319 = tpu.memref_squeeze %dma_wait3A_318 : memref<1x128xi32, #tpu.memory_space<vmem>> -> memref<128xi32, #tpu.memory_space<vmem>>
        %dma_wait3A_320 = arith.constant 0 : i32
        %dma_wait3A_321 = arith.constant 0 : i32
        %dma_wait3A_322 = tpu.memref_slice %arg16[%dma_wait3A_320, %dma_wait3A_321] : memref<50000x16xf32, #tpu.memory_space<vmem_shared>> -> memref<50000x16xf32, #tpu.memory_space<vmem_shared>>
        %dma_wait3A_323 = tpu.memref_slice %arg18[%scan3A_312] : memref<8x!tpu.dma_semaphore, #tpu.memory_space<semaphore_mem>> -> memref<1x!tpu.dma_semaphore, #tpu.memory_space<semaphore_mem>>
        %dma_wait3A_324 = tpu.memref_squeeze %dma_wait3A_323 : memref<1x!tpu.dma_semaphore, #tpu.memory_space<semaphore_mem>> -> memref<!tpu.dma_semaphore, #tpu.memory_space<semaphore_mem>>
        tpu.wait_indirect_dma semaphore(%dma_wait3A_324 : memref<!tpu.dma_semaphore, #tpu.memory_space<semaphore_mem>>) src(%dma_wait3A_316 : memref<128x16xf32, #tpu.memory_space<vmem>>) dst(%dma_wait3A_322 : memref<50000x16xf32, #tpu.memory_space<vmem_shared>>)
      }
      %scan3A_205 = arith.constant 8 : i32
      %add3A_206 = arith.constant 1 : i32
      %add3A_207 = arith.addi %add3A_199, %add3A_206 : i32
      %mul3A_208 = arith.constant 8 : i32
      %mul3A_209 = arith.muli %add3A_207, %mul3A_208 : i32
      %add3A_210 = arith.addi %mul3A_0, %mul3A_209 : i32
      %multiple_of3A_211 = tpu.assume_multiple %add3A_210, 8 : i32
      %add3A_212 = arith.constant 1 : i32
      %add3A_213 = arith.addi %add3A_199, %add3A_212 : i32
      %mul3A_214 = arith.constant 64 : i32
      %mul3A_215 = arith.muli %add3A_213, %mul3A_214 : i32
      %add3A_216 = arith.addi %mul3A_2, %mul3A_215 : i32
      %multiple_of3A_217 = tpu.assume_multiple %add3A_216, 8 : i32
      %dma_start3A_218 = arith.constant 0 : i32
      %dma_start3A_219 = tpu.memref_slice %arg3[%multiple_of3A_211, %dma_start3A_218] : memref<6400x128xi32, #tpu.memory_space<hbm>> -> memref<8x128xi32, #tpu.memory_space<hbm>>
      %dma_start3A_220 = arith.constant 0 : i32
      %dma_start3A_221 = tpu.memref_slice %arg3[%multiple_of3A_211, %dma_start3A_220] : memref<6400x128xi32, #tpu.memory_space<hbm>> -> memref<8x128xi32, #tpu.memory_space<hbm>>
      tpu.enqueue_dma source(%dma_start3A_221 : memref<8x128xi32, #tpu.memory_space<hbm>>) target(%arg8 : memref<8x128xi32, #tpu.memory_space<vmem>>) target_semaphore(%arg19 : memref<!tpu.dma_semaphore, #tpu.memory_space<semaphore_mem>>)
      %dma_start3A_222 = arith.constant 0 : i32
      %dma_start3A_223 = tpu.memref_slice %arg4[%multiple_of3A_211, %dma_start3A_222] : memref<6400x128xi32, #tpu.memory_space<hbm>> -> memref<8x128xi32, #tpu.memory_space<hbm>>
      %dma_start3A_224 = arith.constant 0 : i32
      %dma_start3A_225 = tpu.memref_slice %arg4[%multiple_of3A_211, %dma_start3A_224] : memref<6400x128xi32, #tpu.memory_space<hbm>> -> memref<8x128xi32, #tpu.memory_space<hbm>>
      tpu.enqueue_dma source(%dma_start3A_225 : memref<8x128xi32, #tpu.memory_space<hbm>>) target(%arg9 : memref<8x128xi32, #tpu.memory_space<vmem>>) target_semaphore(%arg19 : memref<!tpu.dma_semaphore, #tpu.memory_space<semaphore_mem>>)
      %dma_start3A_226 = arith.constant 0 : i32
      %dma_start3A_227 = tpu.memref_slice %arg5[%multiple_of3A_217, %dma_start3A_226] : memref<51200x16xf32, #tpu.memory_space<hbm>> -> memref<64x16xf32, #tpu.memory_space<hbm>>
      %dma_start3A_228 = arith.constant 0 : i32
      %dma_start3A_229 = tpu.memref_slice %arg5[%multiple_of3A_217, %dma_start3A_228] : memref<51200x16xf32, #tpu.memory_space<hbm>> -> memref<64x16xf32, #tpu.memory_space<hbm>>
      tpu.enqueue_dma source(%dma_start3A_229 : memref<64x16xf32, #tpu.memory_space<hbm>>) target(%arg10 : memref<64x16xf32, #tpu.memory_space<vmem>>) target_semaphore(%arg19 : memref<!tpu.dma_semaphore, #tpu.memory_space<semaphore_mem>>)
      %scan3A_230 = arith.constant 0 : i32
      %scan3A_231 = arith.constant 0 : i32
      %scan3A_232 = arith.constant 8 : i32
      %scan3A_233 = arith.addi %scan3A_231, %scan3A_232 : i32
      %scan3A_234 = arith.constant 1 : i32
      scf.for %scan3A_312 = %scan3A_231 to %scan3A_233 step %scan3A_234  : i32 {
        %mul3A_313 = arith.constant 128 : i32
        %mul3A_314 = arith.muli %scan3A_312, %mul3A_313 : i32
        %multiple_of3A_315 = tpu.assume_multiple %mul3A_314, 128 : i32
        %dma_wait3A = arith.constant 0 : i32
        %dma_wait3A_316 = tpu.memref_slice %arg15[%multiple_of3A_315, %dma_wait3A] : memref<1024x16xf32, #tpu.memory_space<vmem>> -> memref<128x16xf32, #tpu.memory_space<vmem>>
        %dma_wait3A_317 = arith.constant 0 : i32
        %dma_wait3A_318 = tpu.memref_slice %arg11[%scan3A_312, %dma_wait3A_317] : memref<8x128xi32, #tpu.memory_space<vmem>> -> memref<1x128xi32, #tpu.memory_space<vmem>>
        %dma_wait3A_319 = tpu.memref_squeeze %dma_wait3A_318 : memref<1x128xi32, #tpu.memory_space<vmem>> -> memref<128xi32, #tpu.memory_space<vmem>>
        %dma_wait3A_320 = arith.constant 0 : i32
        %dma_wait3A_321 = arith.constant 0 : i32
        %dma_wait3A_322 = tpu.memref_slice %arg2[%add3A_5, %dma_wait3A_320, %dma_wait3A_321] : memref<4x50000x16xf32, #tpu.memory_space<hbm>> -> memref<1x50000x16xf32, #tpu.memory_space<hbm>>
        %dma_wait3A_323 = tpu.memref_squeeze %dma_wait3A_322 : memref<1x50000x16xf32, #tpu.memory_space<hbm>> -> memref<50000x16xf32, #tpu.memory_space<hbm>>
        %dma_wait3A_324 = arith.constant 0 : i32
        %dma_wait3A_325 = arith.constant 0 : i32
        %dma_wait3A_326 = tpu.memref_slice %dma_wait3A_323[%dma_wait3A_324, %dma_wait3A_325] : memref<50000x16xf32, #tpu.memory_space<hbm>> -> memref<50000x16xf32, #tpu.memory_space<hbm>>
        %dma_wait3A_327 = tpu.memref_slice %arg17[%scan3A_312] : memref<8x!tpu.dma_semaphore, #tpu.memory_space<semaphore_mem>> -> memref<1x!tpu.dma_semaphore, #tpu.memory_space<semaphore_mem>>
        %dma_wait3A_328 = tpu.memref_squeeze %dma_wait3A_327 : memref<1x!tpu.dma_semaphore, #tpu.memory_space<semaphore_mem>> -> memref<!tpu.dma_semaphore, #tpu.memory_space<semaphore_mem>>
        tpu.wait_indirect_dma semaphore(%dma_wait3A_328 : memref<!tpu.dma_semaphore, #tpu.memory_space<semaphore_mem>>) src(%dma_wait3A_326 : memref<50000x16xf32, #tpu.memory_space<hbm>>) dst(%dma_wait3A_316 : memref<128x16xf32, #tpu.memory_space<vmem>>)
        %scan3A_329 = arith.constant 0 : i32
        %scan3A_330 = arith.constant 0 : i32
        %scan3A_331 = arith.constant 8 : i32
        %scan3A_332 = arith.addi %scan3A_330, %scan3A_331 : i32
        %scan3A_333 = arith.constant 1 : i32
        scf.for %scan3A_357 = %scan3A_330 to %scan3A_332 step %scan3A_333  : i32 {
          %mul3A_358 = arith.constant 8 : i32
          %mul3A_359 = arith.muli %scan3A_312, %mul3A_358 : i32
          %add3A_360 = arith.addi %mul3A_359, %scan3A_357 : i32
          %get3A = arith.index_cast %add3A_360 : i32 to index
          %get3A_361 = arith.constant 0 : index
          %get3A_362 = tpu.vector_load %arg13[%get3A, %get3A_361] {strides = array<i32>} : memref<64x16xf32, #tpu.memory_space<vmem>>, vector<1x16xf32>,
          %get3A_363 = vector.shape_cast %get3A_362 : vector<1x16xf32> to vector<16xf32>
          %mul3A_364 = arith.constant 16 : i32
          %mul3A_365 = arith.muli %add3A_360, %mul3A_364 : i32
          %add3A_366 = arith.constant 0 : i32
          %add3A_367 = arith.addi %mul3A_365, %add3A_366 : i32
          %slice3A = vector.extract_strided_slice %get3A_363 {offsets = [0], sizes = [1], strides = [1]} : vector<16xf32> to vector<1xf32>
          %squeeze3A = vector.extract %slice3A[0] : f32 from vector<1xf32>
          %get3A_368 = arith.index_cast %add3A_367 : i32 to index
          %get3A_369 = arith.constant 0 : index
          %get3A_370 = tpu.vector_load %arg15[%get3A_368, %get3A_369] {strides = array<i32>} : memref<1024x16xf32, #tpu.memory_space<vmem>>, vector<1x16xf32>,
          %get3A_371 = vector.shape_cast %get3A_370 : vector<1x16xf32> to vector<16xf32>
          %mul3A_372 = vector.broadcast %squeeze3A : f32 to vector<16xf32>
          %mul3A_373 = arith.mulf %get3A_371, %mul3A_372 : vector<16xf32>
          %swap3A = arith.index_cast %add3A_367 : i32 to index
          %swap3A_374 = arith.constant 0 : index
          %swap3A_375 = tpu.vector_load %arg15[%swap3A, %swap3A_374] {strides = array<i32>} : memref<1024x16xf32, #tpu.memory_space<vmem>>, vector<1x16xf32>,
          %swap3A_376 = vector.shape_cast %swap3A_375 : vector<1x16xf32> to vector<16xf32>
          %swap3A_377 = vector.shape_cast %mul3A_373 : vector<16xf32> to vector<1x16xf32>
          tpu.vector_store %arg15[%swap3A, %swap3A_374], %swap3A_377 {strides = array<i32>} : memref<1024x16xf32, #tpu.memory_space<vmem>>, vector<1x16xf32>,
          %mul3A_378 = arith.constant 16 : i32
          %mul3A_379 = arith.muli %add3A_360, %mul3A_378 : i32
          %add3A_380 = arith.constant 1 : i32
          %add3A_381 = arith.addi %mul3A_379, %add3A_380 : i32
          %slice3A_382 = vector.extract_strided_slice %get3A_363 {offsets = [1], sizes = [1], strides = [1]} : vector<16xf32> to vector<1xf32>
          %squeeze3A_383 = vector.extract %slice3A_382[0] : f32 from vector<1xf32>
          %get3A_384 = arith.index_cast %add3A_381 : i32 to index
          %get3A_385 = arith.constant 0 : index
          %get3A_386 = tpu.vector_load %arg15[%get3A_384, %get3A_385] {strides = array<i32>} : memref<1024x16xf32, #tpu.memory_space<vmem>>, vector<1x16xf32>,
          %get3A_387 = vector.shape_cast %get3A_386 : vector<1x16xf32> to vector<16xf32>
          %mul3A_388 = vector.broadcast %squeeze3A_383 : f32 to vector<16xf32>
          %mul3A_389 = arith.mulf %get3A_387, %mul3A_388 : vector<16xf32>
          %swap3A_390 = arith.index_cast %add3A_381 : i32 to index
          %swap3A_391 = arith.constant 0 : index
          %swap3A_392 = tpu.vector_load %arg15[%swap3A_390, %swap3A_391] {strides = array<i32>} : memref<1024x16xf32, #tpu.memory_space<vmem>>, vector<1x16xf32>,
          %swap3A_393 = vector.shape_cast %swap3A_392 : vector<1x16xf32> to vector<16xf32>
          %swap3A_394 = vector.shape_cast %mul3A_389 : vector<16xf32> to vector<1x16xf32>
          tpu.vector_store %arg15[%swap3A_390, %swap3A_391], %swap3A_394 {strides = array<i32>} : memref<1024x16xf32, #tpu.memory_space<vmem>>, vector<1x16xf32>,
          %mul3A_395 = arith.constant 16 : i32
          %mul3A_396 = arith.muli %add3A_360, %mul3A_395 : i32
          %add3A_397 = arith.constant 2 : i32
          %add3A_398 = arith.addi %mul3A_396, %add3A_397 : i32
          %slice3A_399 = vector.extract_strided_slice %get3A_363 {offsets = [2], sizes = [1], strides = [1]} : vector<16xf32> to vector<1xf32>
          %squeeze3A_400 = vector.extract %slice3A_399[0] : f32 from vector<1xf32>
          %get3A_401 = arith.index_cast %add3A_398 : i32 to index
          %get3A_402 = arith.constant 0 : index
          %get3A_403 = tpu.vector_load %arg15[%get3A_401, %get3A_402] {strides = array<i32>} : memref<1024x16xf32, #tpu.memory_space<vmem>>, vector<1x16xf32>,
          %get3A_404 = vector.shape_cast %get3A_403 : vector<1x16xf32> to vector<16xf32>
          %mul3A_405 = vector.broadcast %squeeze3A_400 : f32 to vector<16xf32>
          %mul3A_406 = arith.mulf %get3A_404, %mul3A_405 : vector<16xf32>
          %swap3A_407 = arith.index_cast %add3A_398 : i32 to index
          %swap3A_408 = arith.constant 0 : index
          %swap3A_409 = tpu.vector_load %arg15[%swap3A_407, %swap3A_408] {strides = array<i32>} : memref<1024x16xf32, #tpu.memory_space<vmem>>, vector<1x16xf32>,
          %swap3A_410 = vector.shape_cast %swap3A_409 : vector<1x16xf32> to vector<16xf32>
          %swap3A_411 = vector.shape_cast %mul3A_406 : vector<16xf32> to vector<1x16xf32>
          tpu.vector_store %arg15[%swap3A_407, %swap3A_408], %swap3A_411 {strides = array<i32>} : memref<1024x16xf32, #tpu.memory_space<vmem>>, vector<1x16xf32>,
          %mul3A_412 = arith.constant 16 : i32
          %mul3A_413 = arith.muli %add3A_360, %mul3A_412 : i32
          %add3A_414 = arith.constant 3 : i32
          %add3A_415 = arith.addi %mul3A_413, %add3A_414 : i32
          %slice3A_416 = vector.extract_strided_slice %get3A_363 {offsets = [3], sizes = [1], strides = [1]} : vector<16xf32> to vector<1xf32>
          %squeeze3A_417 = vector.extract %slice3A_416[0] : f32 from vector<1xf32>
          %get3A_418 = arith.index_cast %add3A_415 : i32 to index
          %get3A_419 = arith.constant 0 : index
          %get3A_420 = tpu.vector_load %arg15[%get3A_418, %get3A_419] {strides = array<i32>} : memref<1024x16xf32, #tpu.memory_space<vmem>>, vector<1x16xf32>,
          %get3A_421 = vector.shape_cast %get3A_420 : vector<1x16xf32> to vector<16xf32>
          %mul3A_422 = vector.broadcast %squeeze3A_417 : f32 to vector<16xf32>
          %mul3A_423 = arith.mulf %get3A_421, %mul3A_422 : vector<16xf32>
          %swap3A_424 = arith.index_cast %add3A_415 : i32 to index
          %swap3A_425 = arith.constant 0 : index
          %swap3A_426 = tpu.vector_load %arg15[%swap3A_424, %swap3A_425] {strides = array<i32>} : memref<1024x16xf32, #tpu.memory_space<vmem>>, vector<1x16xf32>,
          %swap3A_427 = vector.shape_cast %swap3A_426 : vector<1x16xf32> to vector<16xf32>
          %swap3A_428 = vector.shape_cast %mul3A_423 : vector<16xf32> to vector<1x16xf32>
          tpu.vector_store %arg15[%swap3A_424, %swap3A_425], %swap3A_428 {strides = array<i32>} : memref<1024x16xf32, #tpu.memory_space<vmem>>, vector<1x16xf32>,
          %mul3A_429 = arith.constant 16 : i32
          %mul3A_430 = arith.muli %add3A_360, %mul3A_429 : i32
          %add3A_431 = arith.constant 4 : i32
          %add3A_432 = arith.addi %mul3A_430, %add3A_431 : i32
          %slice3A_433 = vector.extract_strided_slice %get3A_363 {offsets = [4], sizes = [1], strides = [1]} : vector<16xf32> to vector<1xf32>
          %squeeze3A_434 = vector.extract %slice3A_433[0] : f32 from vector<1xf32>
          %get3A_435 = arith.index_cast %add3A_432 : i32 to index
          %get3A_436 = arith.constant 0 : index
          %get3A_437 = tpu.vector_load %arg15[%get3A_435, %get3A_436] {strides = array<i32>} : memref<1024x16xf32, #tpu.memory_space<vmem>>, vector<1x16xf32>,
          %get3A_438 = vector.shape_cast %get3A_437 : vector<1x16xf32> to vector<16xf32>
          %mul3A_439 = vector.broadcast %squeeze3A_434 : f32 to vector<16xf32>
          %mul3A_440 = arith.mulf %get3A_438, %mul3A_439 : vector<16xf32>
          %swap3A_441 = arith.index_cast %add3A_432 : i32 to index
          %swap3A_442 = arith.constant 0 : index
          %swap3A_443 = tpu.vector_load %arg15[%swap3A_441, %swap3A_442] {strides = array<i32>} : memref<1024x16xf32, #tpu.memory_space<vmem>>, vector<1x16xf32>,
          %swap3A_444 = vector.shape_cast %swap3A_443 : vector<1x16xf32> to vector<16xf32>
          %swap3A_445 = vector.shape_cast %mul3A_440 : vector<16xf32> to vector<1x16xf32>
          tpu.vector_store %arg15[%swap3A_441, %swap3A_442], %swap3A_445 {strides = array<i32>} : memref<1024x16xf32, #tpu.memory_space<vmem>>, vector<1x16xf32>,
          %mul3A_446 = arith.constant 16 : i32
          %mul3A_447 = arith.muli %add3A_360, %mul3A_446 : i32
          %add3A_448 = arith.constant 5 : i32
          %add3A_449 = arith.addi %mul3A_447, %add3A_448 : i32
          %slice3A_450 = vector.extract_strided_slice %get3A_363 {offsets = [5], sizes = [1], strides = [1]} : vector<16xf32> to vector<1xf32>
          %squeeze3A_451 = vector.extract %slice3A_450[0] : f32 from vector<1xf32>
          %get3A_452 = arith.index_cast %add3A_449 : i32 to index
          %get3A_453 = arith.constant 0 : index
          %get3A_454 = tpu.vector_load %arg15[%get3A_452, %get3A_453] {strides = array<i32>} : memref<1024x16xf32, #tpu.memory_space<vmem>>, vector<1x16xf32>,
          %get3A_455 = vector.shape_cast %get3A_454 : vector<1x16xf32> to vector<16xf32>
          %mul3A_456 = vector.broadcast %squeeze3A_451 : f32 to vector<16xf32>
          %mul3A_457 = arith.mulf %get3A_455, %mul3A_456 : vector<16xf32>
          %swap3A_458 = arith.index_cast %add3A_449 : i32 to index
          %swap3A_459 = arith.constant 0 : index
          %swap3A_460 = tpu.vector_load %arg15[%swap3A_458, %swap3A_459] {strides = array<i32>} : memref<1024x16xf32, #tpu.memory_space<vmem>>, vector<1x16xf32>,
          %swap3A_461 = vector.shape_cast %swap3A_460 : vector<1x16xf32> to vector<16xf32>
          %swap3A_462 = vector.shape_cast %mul3A_457 : vector<16xf32> to vector<1x16xf32>
          tpu.vector_store %arg15[%swap3A_458, %swap3A_459], %swap3A_462 {strides = array<i32>} : memref<1024x16xf32, #tpu.memory_space<vmem>>, vector<1x16xf32>,
          %mul3A_463 = arith.constant 16 : i32
          %mul3A_464 = arith.muli %add3A_360, %mul3A_463 : i32
          %add3A_465 = arith.constant 6 : i32
          %add3A_466 = arith.addi %mul3A_464, %add3A_465 : i32
          %slice3A_467 = vector.extract_strided_slice %get3A_363 {offsets = [6], sizes = [1], strides = [1]} : vector<16xf32> to vector<1xf32>
          %squeeze3A_468 = vector.extract %slice3A_467[0] : f32 from vector<1xf32>
          %get3A_469 = arith.index_cast %add3A_466 : i32 to index
          %get3A_470 = arith.constant 0 : index
          %get3A_471 = tpu.vector_load %arg15[%get3A_469, %get3A_470] {strides = array<i32>} : memref<1024x16xf32, #tpu.memory_space<vmem>>, vector<1x16xf32>,
          %get3A_472 = vector.shape_cast %get3A_471 : vector<1x16xf32> to vector<16xf32>
          %mul3A_473 = vector.broadcast %squeeze3A_468 : f32 to vector<16xf32>
          %mul3A_474 = arith.mulf %get3A_472, %mul3A_473 : vector<16xf32>
          %swap3A_475 = arith.index_cast %add3A_466 : i32 to index
          %swap3A_476 = arith.constant 0 : index
          %swap3A_477 = tpu.vector_load %arg15[%swap3A_475, %swap3A_476] {strides = array<i32>} : memref<1024x16xf32, #tpu.memory_space<vmem>>, vector<1x16xf32>,
          %swap3A_478 = vector.shape_cast %swap3A_477 : vector<1x16xf32> to vector<16xf32>
          %swap3A_479 = vector.shape_cast %mul3A_474 : vector<16xf32> to vector<1x16xf32>
          tpu.vector_store %arg15[%swap3A_475, %swap3A_476], %swap3A_479 {strides = array<i32>} : memref<1024x16xf32, #tpu.memory_space<vmem>>, vector<1x16xf32>,
          %mul3A_480 = arith.constant 16 : i32
          %mul3A_481 = arith.muli %add3A_360, %mul3A_480 : i32
          %add3A_482 = arith.constant 7 : i32
          %add3A_483 = arith.addi %mul3A_481, %add3A_482 : i32
          %slice3A_484 = vector.extract_strided_slice %get3A_363 {offsets = [7], sizes = [1], strides = [1]} : vector<16xf32> to vector<1xf32>
          %squeeze3A_485 = vector.extract %slice3A_484[0] : f32 from vector<1xf32>
          %get3A_486 = arith.index_cast %add3A_483 : i32 to index
          %get3A_487 = arith.constant 0 : index
          %get3A_488 = tpu.vector_load %arg15[%get3A_486, %get3A_487] {strides = array<i32>} : memref<1024x16xf32, #tpu.memory_space<vmem>>, vector<1x16xf32>,
          %get3A_489 = vector.shape_cast %get3A_488 : vector<1x16xf32> to vector<16xf32>
          %mul3A_490 = vector.broadcast %squeeze3A_485 : f32 to vector<16xf32>
          %mul3A_491 = arith.mulf %get3A_489, %mul3A_490 : vector<16xf32>
          %swap3A_492 = arith.index_cast %add3A_483 : i32 to index
          %swap3A_493 = arith.constant 0 : index
          %swap3A_494 = tpu.vector_load %arg15[%swap3A_492, %swap3A_493] {strides = array<i32>} : memref<1024x16xf32, #tpu.memory_space<vmem>>, vector<1x16xf32>,
          %swap3A_495 = vector.shape_cast %swap3A_494 : vector<1x16xf32> to vector<16xf32>
          %swap3A_496 = vector.shape_cast %mul3A_491 : vector<16xf32> to vector<1x16xf32>
          tpu.vector_store %arg15[%swap3A_492, %swap3A_493], %swap3A_496 {strides = array<i32>} : memref<1024x16xf32, #tpu.memory_space<vmem>>, vector<1x16xf32>,
          %mul3A_497 = arith.constant 16 : i32
          %mul3A_498 = arith.muli %add3A_360, %mul3A_497 : i32
          %add3A_499 = arith.constant 8 : i32
          %add3A_500 = arith.addi %mul3A_498, %add3A_499 : i32
          %slice3A_501 = vector.extract_strided_slice %get3A_363 {offsets = [8], sizes = [1], strides = [1]} : vector<16xf32> to vector<1xf32>
          %squeeze3A_502 = vector.extract %slice3A_501[0] : f32 from vector<1xf32>
          %get3A_503 = arith.index_cast %add3A_500 : i32 to index
          %get3A_504 = arith.constant 0 : index
          %get3A_505 = tpu.vector_load %arg15[%get3A_503, %get3A_504] {strides = array<i32>} : memref<1024x16xf32, #tpu.memory_space<vmem>>, vector<1x16xf32>,
          %get3A_506 = vector.shape_cast %get3A_505 : vector<1x16xf32> to vector<16xf32>
          %mul3A_507 = vector.broadcast %squeeze3A_502 : f32 to vector<16xf32>
          %mul3A_508 = arith.mulf %get3A_506, %mul3A_507 : vector<16xf32>
          %swap3A_509 = arith.index_cast %add3A_500 : i32 to index
          %swap3A_510 = arith.constant 0 : index
          %swap3A_511 = tpu.vector_load %arg15[%swap3A_509, %swap3A_510] {strides = array<i32>} : memref<1024x16xf32, #tpu.memory_space<vmem>>, vector<1x16xf32>,
          %swap3A_512 = vector.shape_cast %swap3A_511 : vector<1x16xf32> to vector<16xf32>
          %swap3A_513 = vector.shape_cast %mul3A_508 : vector<16xf32> to vector<1x16xf32>
          tpu.vector_store %arg15[%swap3A_509, %swap3A_510], %swap3A_513 {strides = array<i32>} : memref<1024x16xf32, #tpu.memory_space<vmem>>, vector<1x16xf32>,
          %mul3A_514 = arith.constant 16 : i32
          %mul3A_515 = arith.muli %add3A_360, %mul3A_514 : i32
          %add3A_516 = arith.constant 9 : i32
          %add3A_517 = arith.addi %mul3A_515, %add3A_516 : i32
          %slice3A_518 = vector.extract_strided_slice %get3A_363 {offsets = [9], sizes = [1], strides = [1]} : vector<16xf32> to vector<1xf32>
          %squeeze3A_519 = vector.extract %slice3A_518[0] : f32 from vector<1xf32>
          %get3A_520 = arith.index_cast %add3A_517 : i32 to index
          %get3A_521 = arith.constant 0 : index
          %get3A_522 = tpu.vector_load %arg15[%get3A_520, %get3A_521] {strides = array<i32>} : memref<1024x16xf32, #tpu.memory_space<vmem>>, vector<1x16xf32>,
          %get3A_523 = vector.shape_cast %get3A_522 : vector<1x16xf32> to vector<16xf32>
          %mul3A_524 = vector.broadcast %squeeze3A_519 : f32 to vector<16xf32>
          %mul3A_525 = arith.mulf %get3A_523, %mul3A_524 : vector<16xf32>
          %swap3A_526 = arith.index_cast %add3A_517 : i32 to index
          %swap3A_527 = arith.constant 0 : index
          %swap3A_528 = tpu.vector_load %arg15[%swap3A_526, %swap3A_527] {strides = array<i32>} : memref<1024x16xf32, #tpu.memory_space<vmem>>, vector<1x16xf32>,
          %swap3A_529 = vector.shape_cast %swap3A_528 : vector<1x16xf32> to vector<16xf32>
          %swap3A_530 = vector.shape_cast %mul3A_525 : vector<16xf32> to vector<1x16xf32>
          tpu.vector_store %arg15[%swap3A_526, %swap3A_527], %swap3A_530 {strides = array<i32>} : memref<1024x16xf32, #tpu.memory_space<vmem>>, vector<1x16xf32>,
          %mul3A_531 = arith.constant 16 : i32
          %mul3A_532 = arith.muli %add3A_360, %mul3A_531 : i32
          %add3A_533 = arith.constant 10 : i32
          %add3A_534 = arith.addi %mul3A_532, %add3A_533 : i32
          %slice3A_535 = vector.extract_strided_slice %get3A_363 {offsets = [10], sizes = [1], strides = [1]} : vector<16xf32> to vector<1xf32>
          %squeeze3A_536 = vector.extract %slice3A_535[0] : f32 from vector<1xf32>
          %get3A_537 = arith.index_cast %add3A_534 : i32 to index
          %get3A_538 = arith.constant 0 : index
          %get3A_539 = tpu.vector_load %arg15[%get3A_537, %get3A_538] {strides = array<i32>} : memref<1024x16xf32, #tpu.memory_space<vmem>>, vector<1x16xf32>,
          %get3A_540 = vector.shape_cast %get3A_539 : vector<1x16xf32> to vector<16xf32>
          %mul3A_541 = vector.broadcast %squeeze3A_536 : f32 to vector<16xf32>
          %mul3A_542 = arith.mulf %get3A_540, %mul3A_541 : vector<16xf32>
          %swap3A_543 = arith.index_cast %add3A_534 : i32 to index
          %swap3A_544 = arith.constant 0 : index
          %swap3A_545 = tpu.vector_load %arg15[%swap3A_543, %swap3A_544] {strides = array<i32>} : memref<1024x16xf32, #tpu.memory_space<vmem>>, vector<1x16xf32>,
          %swap3A_546 = vector.shape_cast %swap3A_545 : vector<1x16xf32> to vector<16xf32>
          %swap3A_547 = vector.shape_cast %mul3A_542 : vector<16xf32> to vector<1x16xf32>
          tpu.vector_store %arg15[%swap3A_543, %swap3A_544], %swap3A_547 {strides = array<i32>} : memref<1024x16xf32, #tpu.memory_space<vmem>>, vector<1x16xf32>,
          %mul3A_548 = arith.constant 16 : i32
          %mul3A_549 = arith.muli %add3A_360, %mul3A_548 : i32
          %add3A_550 = arith.constant 11 : i32
          %add3A_551 = arith.addi %mul3A_549, %add3A_550 : i32
          %slice3A_552 = vector.extract_strided_slice %get3A_363 {offsets = [11], sizes = [1], strides = [1]} : vector<16xf32> to vector<1xf32>
          %squeeze3A_553 = vector.extract %slice3A_552[0] : f32 from vector<1xf32>
          %get3A_554 = arith.index_cast %add3A_551 : i32 to index
          %get3A_555 = arith.constant 0 : index
          %get3A_556 = tpu.vector_load %arg15[%get3A_554, %get3A_555] {strides = array<i32>} : memref<1024x16xf32, #tpu.memory_space<vmem>>, vector<1x16xf32>,
          %get3A_557 = vector.shape_cast %get3A_556 : vector<1x16xf32> to vector<16xf32>
          %mul3A_558 = vector.broadcast %squeeze3A_553 : f32 to vector<16xf32>
          %mul3A_559 = arith.mulf %get3A_557, %mul3A_558 : vector<16xf32>
          %swap3A_560 = arith.index_cast %add3A_551 : i32 to index
          %swap3A_561 = arith.constant 0 : index
          %swap3A_562 = tpu.vector_load %arg15[%swap3A_560, %swap3A_561] {strides = array<i32>} : memref<1024x16xf32, #tpu.memory_space<vmem>>, vector<1x16xf32>,
          %swap3A_563 = vector.shape_cast %swap3A_562 : vector<1x16xf32> to vector<16xf32>
          %swap3A_564 = vector.shape_cast %mul3A_559 : vector<16xf32> to vector<1x16xf32>
          tpu.vector_store %arg15[%swap3A_560, %swap3A_561], %swap3A_564 {strides = array<i32>} : memref<1024x16xf32, #tpu.memory_space<vmem>>, vector<1x16xf32>,
          %mul3A_565 = arith.constant 16 : i32
          %mul3A_566 = arith.muli %add3A_360, %mul3A_565 : i32
          %add3A_567 = arith.constant 12 : i32
          %add3A_568 = arith.addi %mul3A_566, %add3A_567 : i32
          %slice3A_569 = vector.extract_strided_slice %get3A_363 {offsets = [12], sizes = [1], strides = [1]} : vector<16xf32> to vector<1xf32>
          %squeeze3A_570 = vector.extract %slice3A_569[0] : f32 from vector<1xf32>
          %get3A_571 = arith.index_cast %add3A_568 : i32 to index
          %get3A_572 = arith.constant 0 : index
          %get3A_573 = tpu.vector_load %arg15[%get3A_571, %get3A_572] {strides = array<i32>} : memref<1024x16xf32, #tpu.memory_space<vmem>>, vector<1x16xf32>,
          %get3A_574 = vector.shape_cast %get3A_573 : vector<1x16xf32> to vector<16xf32>
          %mul3A_575 = vector.broadcast %squeeze3A_570 : f32 to vector<16xf32>
          %mul3A_576 = arith.mulf %get3A_574, %mul3A_575 : vector<16xf32>
          %swap3A_577 = arith.index_cast %add3A_568 : i32 to index
          %swap3A_578 = arith.constant 0 : index
          %swap3A_579 = tpu.vector_load %arg15[%swap3A_577, %swap3A_578] {strides = array<i32>} : memref<1024x16xf32, #tpu.memory_space<vmem>>, vector<1x16xf32>,
          %swap3A_580 = vector.shape_cast %swap3A_579 : vector<1x16xf32> to vector<16xf32>
          %swap3A_581 = vector.shape_cast %mul3A_576 : vector<16xf32> to vector<1x16xf32>
          tpu.vector_store %arg15[%swap3A_577, %swap3A_578], %swap3A_581 {strides = array<i32>} : memref<1024x16xf32, #tpu.memory_space<vmem>>, vector<1x16xf32>,
          %mul3A_582 = arith.constant 16 : i32
          %mul3A_583 = arith.muli %add3A_360, %mul3A_582 : i32
          %add3A_584 = arith.constant 13 : i32
          %add3A_585 = arith.addi %mul3A_583, %add3A_584 : i32
          %slice3A_586 = vector.extract_strided_slice %get3A_363 {offsets = [13], sizes = [1], strides = [1]} : vector<16xf32> to vector<1xf32>
          %squeeze3A_587 = vector.extract %slice3A_586[0] : f32 from vector<1xf32>
          %get3A_588 = arith.index_cast %add3A_585 : i32 to index
          %get3A_589 = arith.constant 0 : index
          %get3A_590 = tpu.vector_load %arg15[%get3A_588, %get3A_589] {strides = array<i32>} : memref<1024x16xf32, #tpu.memory_space<vmem>>, vector<1x16xf32>,
          %get3A_591 = vector.shape_cast %get3A_590 : vector<1x16xf32> to vector<16xf32>
          %mul3A_592 = vector.broadcast %squeeze3A_587 : f32 to vector<16xf32>
          %mul3A_593 = arith.mulf %get3A_591, %mul3A_592 : vector<16xf32>
          %swap3A_594 = arith.index_cast %add3A_585 : i32 to index
          %swap3A_595 = arith.constant 0 : index
          %swap3A_596 = tpu.vector_load %arg15[%swap3A_594, %swap3A_595] {strides = array<i32>} : memref<1024x16xf32, #tpu.memory_space<vmem>>, vector<1x16xf32>,
          %swap3A_597 = vector.shape_cast %swap3A_596 : vector<1x16xf32> to vector<16xf32>
          %swap3A_598 = vector.shape_cast %mul3A_593 : vector<16xf32> to vector<1x16xf32>
          tpu.vector_store %arg15[%swap3A_594, %swap3A_595], %swap3A_598 {strides = array<i32>} : memref<1024x16xf32, #tpu.memory_space<vmem>>, vector<1x16xf32>,
          %mul3A_599 = arith.constant 16 : i32
          %mul3A_600 = arith.muli %add3A_360, %mul3A_599 : i32
          %add3A_601 = arith.constant 14 : i32
          %add3A_602 = arith.addi %mul3A_600, %add3A_601 : i32
          %slice3A_603 = vector.extract_strided_slice %get3A_363 {offsets = [14], sizes = [1], strides = [1]} : vector<16xf32> to vector<1xf32>
          %squeeze3A_604 = vector.extract %slice3A_603[0] : f32 from vector<1xf32>
          %get3A_605 = arith.index_cast %add3A_602 : i32 to index
          %get3A_606 = arith.constant 0 : index
          %get3A_607 = tpu.vector_load %arg15[%get3A_605, %get3A_606] {strides = array<i32>} : memref<1024x16xf32, #tpu.memory_space<vmem>>, vector<1x16xf32>,
          %get3A_608 = vector.shape_cast %get3A_607 : vector<1x16xf32> to vector<16xf32>
          %mul3A_609 = vector.broadcast %squeeze3A_604 : f32 to vector<16xf32>
          %mul3A_610 = arith.mulf %get3A_608, %mul3A_609 : vector<16xf32>
          %swap3A_611 = arith.index_cast %add3A_602 : i32 to index
          %swap3A_612 = arith.constant 0 : index
          %swap3A_613 = tpu.vector_load %arg15[%swap3A_611, %swap3A_612] {strides = array<i32>} : memref<1024x16xf32, #tpu.memory_space<vmem>>, vector<1x16xf32>,
          %swap3A_614 = vector.shape_cast %swap3A_613 : vector<1x16xf32> to vector<16xf32>
          %swap3A_615 = vector.shape_cast %mul3A_610 : vector<16xf32> to vector<1x16xf32>
          tpu.vector_store %arg15[%swap3A_611, %swap3A_612], %swap3A_615 {strides = array<i32>} : memref<1024x16xf32, #tpu.memory_space<vmem>>, vector<1x16xf32>,
          %mul3A_616 = arith.constant 16 : i32
          %mul3A_617 = arith.muli %add3A_360, %mul3A_616 : i32
          %add3A_618 = arith.constant 15 : i32
          %add3A_619 = arith.addi %mul3A_617, %add3A_618 : i32
          %slice3A_620 = vector.extract_strided_slice %get3A_363 {offsets = [15], sizes = [1], strides = [1]} : vector<16xf32> to vector<1xf32>
          %squeeze3A_621 = vector.extract %slice3A_620[0] : f32 from vector<1xf32>
          %get3A_622 = arith.index_cast %add3A_619 : i32 to index
          %get3A_623 = arith.constant 0 : index
          %get3A_624 = tpu.vector_load %arg15[%get3A_622, %get3A_623] {strides = array<i32>} : memref<1024x16xf32, #tpu.memory_space<vmem>>, vector<1x16xf32>,
          %get3A_625 = vector.shape_cast %get3A_624 : vector<1x16xf32> to vector<16xf32>
          %mul3A_626 = vector.broadcast %squeeze3A_621 : f32 to vector<16xf32>
          %mul3A_627 = arith.mulf %get3A_625, %mul3A_626 : vector<16xf32>
          %swap3A_628 = arith.index_cast %add3A_619 : i32 to index
          %swap3A_629 = arith.constant 0 : index
          %swap3A_630 = tpu.vector_load %arg15[%swap3A_628, %swap3A_629] {strides = array<i32>} : memref<1024x16xf32, #tpu.memory_space<vmem>>, vector<1x16xf32>,
          %swap3A_631 = vector.shape_cast %swap3A_630 : vector<1x16xf32> to vector<16xf32>
          %swap3A_632 = vector.shape_cast %mul3A_627 : vector<16xf32> to vector<1x16xf32>
          tpu.vector_store %arg15[%swap3A_628, %swap3A_629], %swap3A_632 {strides = array<i32>} : memref<1024x16xf32, #tpu.memory_space<vmem>>, vector<1x16xf32>,
        }
        %scan3A_334 = arith.constant 8 : i32
        %mul3A_335 = arith.constant 128 : i32
        %mul3A_336 = arith.muli %scan3A_312, %mul3A_335 : i32
        %multiple_of3A_337 = tpu.assume_multiple %mul3A_336, 128 : i32
        %dma_start3A_338 = arith.constant 0 : i32
        %dma_start3A_339 = tpu.memref_slice %arg15[%multiple_of3A_337, %dma_start3A_338] : memref<1024x16xf32, #tpu.memory_space<vmem>> -> memref<128x16xf32, #tpu.memory_space<vmem>>
        %dma_start3A_340 = arith.constant 0 : i32
        %dma_start3A_341 = tpu.memref_slice %arg12[%scan3A_312, %dma_start3A_340] : memref<8x128xi32, #tpu.memory_space<vmem>> -> memref<1x128xi32, #tpu.memory_space<vmem>>
        %dma_start3A_342 = tpu.memref_squeeze %dma_start3A_341 : memref<1x128xi32, #tpu.memory_space<vmem>> -> memref<128xi32, #tpu.memory_space<vmem>>
        %dma_start3A_343 = arith.constant 0 : i32
        %dma_start3A_344 = arith.constant 0 : i32
        %dma_start3A_345 = tpu.memref_slice %arg16[%dma_start3A_343, %dma_start3A_344] : memref<50000x16xf32, #tpu.memory_space<vmem_shared>> -> memref<50000x16xf32, #tpu.memory_space<vmem_shared>>
        %dma_start3A_346 = tpu.memref_slice %arg18[%scan3A_312] : memref<8x!tpu.dma_semaphore, #tpu.memory_space<semaphore_mem>> -> memref<1x!tpu.dma_semaphore, #tpu.memory_space<semaphore_mem>>
        %dma_start3A_347 = tpu.memref_squeeze %dma_start3A_346 : memref<1x!tpu.dma_semaphore, #tpu.memory_space<semaphore_mem>> -> memref<!tpu.dma_semaphore, #tpu.memory_space<semaphore_mem>>
        tpu.enqueue_indirect_dma source(%dma_start3A_339 : memref<128x16xf32, #tpu.memory_space<vmem>>) target(%dma_start3A_345 : memref<50000x16xf32, #tpu.memory_space<vmem_shared>>) offsets(%dma_start3A_342 : memref<128xi32, #tpu.memory_space<vmem>>) semaphore(%dma_start3A_347 : memref<!tpu.dma_semaphore, #tpu.memory_space<semaphore_mem>>) {add = true}
        %eq3A_348 = arith.constant 1 : i32
        %eq3A_349 = arith.cmpi eq, %scan3A_312, %eq3A_348 : i32
        %convert_element_type3A_350 = arith.extui %eq3A_349 : i1 to i32
        %cond3A_351 = arith.constant 0 : i32
        %cond3A_352 = arith.cmpi ne, %convert_element_type3A_350, %cond3A_351 : i32
        scf.if %cond3A_352 {
          %dma_wait3A_357 = arith.constant 0 : i32
          %dma_wait3A_358 = tpu.memref_slice %arg3[%multiple_of3A_211, %dma_wait3A_357] : memref<6400x128xi32, #tpu.memory_space<hbm>> -> memref<8x128xi32, #tpu.memory_space<hbm>>
          %dma_wait3A_359 = arith.constant 0 : i32
          %dma_wait3A_360 = tpu.memref_slice %arg3[%multiple_of3A_211, %dma_wait3A_359] : memref<6400x128xi32, #tpu.memory_space<hbm>> -> memref<8x128xi32, #tpu.memory_space<hbm>>
          tpu.wait_dma2 semaphore(%arg19 : memref<!tpu.dma_semaphore, #tpu.memory_space<semaphore_mem>>) src(%dma_wait3A_360 : memref<8x128xi32, #tpu.memory_space<hbm>>) dst(%arg8 : memref<8x128xi32, #tpu.memory_space<vmem>>)
          %dma_wait3A_361 = arith.constant 0 : i32
          %dma_wait3A_362 = tpu.memref_slice %arg4[%multiple_of3A_211, %dma_wait3A_361] : memref<6400x128xi32, #tpu.memory_space<hbm>> -> memref<8x128xi32, #tpu.memory_space<hbm>>
          %dma_wait3A_363 = arith.constant 0 : i32
          %dma_wait3A_364 = tpu.memref_slice %arg4[%multiple_of3A_211, %dma_wait3A_363] : memref<6400x128xi32, #tpu.memory_space<hbm>> -> memref<8x128xi32, #tpu.memory_space<hbm>>
          tpu.wait_dma2 semaphore(%arg19 : memref<!tpu.dma_semaphore, #tpu.memory_space<semaphore_mem>>) src(%dma_wait3A_364 : memref<8x128xi32, #tpu.memory_space<hbm>>) dst(%arg9 : memref<8x128xi32, #tpu.memory_space<vmem>>)
          %dma_wait3A_365 = arith.constant 0 : i32
          %dma_wait3A_366 = tpu.memref_slice %arg5[%multiple_of3A_217, %dma_wait3A_365] : memref<51200x16xf32, #tpu.memory_space<hbm>> -> memref<64x16xf32, #tpu.memory_space<hbm>>
          %dma_wait3A_367 = arith.constant 0 : i32
          %dma_wait3A_368 = tpu.memref_slice %arg5[%multiple_of3A_217, %dma_wait3A_367] : memref<51200x16xf32, #tpu.memory_space<hbm>> -> memref<64x16xf32, #tpu.memory_space<hbm>>
          tpu.wait_dma2 semaphore(%arg19 : memref<!tpu.dma_semaphore, #tpu.memory_space<semaphore_mem>>) src(%dma_wait3A_368 : memref<64x16xf32, #tpu.memory_space<hbm>>) dst(%arg10 : memref<64x16xf32, #tpu.memory_space<vmem>>)
        } else {
        }
        %ge3A = arith.constant 1 : i32
        %ge3A_353 = arith.cmpi sge, %scan3A_312, %ge3A : i32
        %convert_element_type3A_354 = arith.extui %ge3A_353 : i1 to i32
        %cond3A_355 = arith.constant 0 : i32
        %cond3A_356 = arith.cmpi ne, %convert_element_type3A_354, %cond3A_355 : i32
        scf.if %cond3A_356 {
          %sub3A = arith.constant 1 : i32
          %sub3A_357 = arith.subi %scan3A_312, %sub3A : i32
          %mul3A_358 = arith.constant 128 : i32
          %mul3A_359 = arith.muli %sub3A_357, %mul3A_358 : i32
          %multiple_of3A_360 = tpu.assume_multiple %mul3A_359, 128 : i32
          %dma_start3A_361 = arith.constant 0 : i32
          %dma_start3A_362 = tpu.memref_slice %arg14[%multiple_of3A_360, %dma_start3A_361] : memref<1024x16xf32, #tpu.memory_space<vmem>> -> memref<128x16xf32, #tpu.memory_space<vmem>>
          %dma_start3A_363 = arith.constant 0 : i32
          %dma_start3A_364 = tpu.memref_slice %arg8[%sub3A_357, %dma_start3A_363] : memref<8x128xi32, #tpu.memory_space<vmem>> -> memref<1x128xi32, #tpu.memory_space<vmem>>
          %dma_start3A_365 = tpu.memref_squeeze %dma_start3A_364 : memref<1x128xi32, #tpu.memory_space<vmem>> -> memref<128xi32, #tpu.memory_space<vmem>>
          %dma_start3A_366 = arith.constant 0 : i32
          %dma_start3A_367 = arith.constant 0 : i32
          %dma_start3A_368 = tpu.memref_slice %arg2[%add3A_5, %dma_start3A_366, %dma_start3A_367] : memref<4x50000x16xf32, #tpu.memory_space<hbm>> -> memref<1x50000x16xf32, #tpu.memory_space<hbm>>
          %dma_start3A_369 = tpu.memref_squeeze %dma_start3A_368 : memref<1x50000x16xf32, #tpu.memory_space<hbm>> -> memref<50000x16xf32, #tpu.memory_space<hbm>>
          %dma_start3A_370 = arith.constant 0 : i32
          %dma_start3A_371 = arith.constant 0 : i32
          %dma_start3A_372 = tpu.memref_slice %dma_start3A_369[%dma_start3A_370, %dma_start3A_371] : memref<50000x16xf32, #tpu.memory_space<hbm>> -> memref<50000x16xf32, #tpu.memory_space<hbm>>
          %dma_start3A_373 = tpu.memref_slice %arg17[%sub3A_357] : memref<8x!tpu.dma_semaphore, #tpu.memory_space<semaphore_mem>> -> memref<1x!tpu.dma_semaphore, #tpu.memory_space<semaphore_mem>>
          %dma_start3A_374 = tpu.memref_squeeze %dma_start3A_373 : memref<1x!tpu.dma_semaphore, #tpu.memory_space<semaphore_mem>> -> memref<!tpu.dma_semaphore, #tpu.memory_space<semaphore_mem>>
          tpu.enqueue_indirect_dma source(%dma_start3A_372 : memref<50000x16xf32, #tpu.memory_space<hbm>>) target(%dma_start3A_362 : memref<128x16xf32, #tpu.memory_space<vmem>>) offsets(%dma_start3A_365 : memref<128xi32, #tpu.memory_space<vmem>>) semaphore(%dma_start3A_374 : memref<!tpu.dma_semaphore, #tpu.memory_space<semaphore_mem>>)
        } else {
        }
      }
      %scan3A_235 = arith.constant 8 : i32
      %multiple_of3A_236 = arith.constant 896 : i32
      %multiple_of3A_237 = tpu.assume_multiple %multiple_of3A_236, 128 : i32
      %dma_start3A_238 = arith.constant 7 : i32
      %dma_start3A_239 = arith.constant 7 : i32
      %dma_start3A_240 = arith.constant 0 : i32
      %dma_start3A_241 = tpu.memref_slice %arg14[%multiple_of3A_237, %dma_start3A_240] : memref<1024x16xf32, #tpu.memory_space<vmem>> -> memref<128x16xf32, #tpu.memory_space<vmem>>
      %dma_start3A_242 = arith.constant 0 : i32
      %dma_start3A_243 = tpu.memref_slice %arg8[%dma_start3A_238, %dma_start3A_242] : memref<8x128xi32, #tpu.memory_space<vmem>> -> memref<1x128xi32, #tpu.memory_space<vmem>>
      %dma_start3A_244 = tpu.memref_squeeze %dma_start3A_243 : memref<1x128xi32, #tpu.memory_space<vmem>> -> memref<128xi32, #tpu.memory_space<vmem>>
      %dma_start3A_245 = arith.constant 0 : i32
      %dma_start3A_246 = arith.constant 0 : i32
      %dma_start3A_247 = tpu.memref_slice %arg2[%add3A_5, %dma_start3A_245, %dma_start3A_246] : memref<4x50000x16xf32, #tpu.memory_space<hbm>> -> memref<1x50000x16xf32, #tpu.memory_space<hbm>>
      %dma_start3A_248 = tpu.memref_squeeze %dma_start3A_247 : memref<1x50000x16xf32, #tpu.memory_space<hbm>> -> memref<50000x16xf32, #tpu.memory_space<hbm>>
      %dma_start3A_249 = arith.constant 0 : i32
      %dma_start3A_250 = arith.constant 0 : i32
      %dma_start3A_251 = tpu.memref_slice %dma_start3A_248[%dma_start3A_249, %dma_start3A_250] : memref<50000x16xf32, #tpu.memory_space<hbm>> -> memref<50000x16xf32, #tpu.memory_space<hbm>>
      %dma_start3A_252 = tpu.memref_slice %arg17[%dma_start3A_239] : memref<8x!tpu.dma_semaphore, #tpu.memory_space<semaphore_mem>> -> memref<1x!tpu.dma_semaphore, #tpu.memory_space<semaphore_mem>>
      %dma_start3A_253 = tpu.memref_squeeze %dma_start3A_252 : memref<1x!tpu.dma_semaphore, #tpu.memory_space<semaphore_mem>> -> memref<!tpu.dma_semaphore, #tpu.memory_space<semaphore_mem>>
      tpu.enqueue_indirect_dma source(%dma_start3A_251 : memref<50000x16xf32, #tpu.memory_space<hbm>>) target(%dma_start3A_241 : memref<128x16xf32, #tpu.memory_space<vmem>>) offsets(%dma_start3A_244 : memref<128xi32, #tpu.memory_space<vmem>>) semaphore(%dma_start3A_253 : memref<!tpu.dma_semaphore, #tpu.memory_space<semaphore_mem>>)
      %mul3A_254 = arith.constant 2 : i32
      %mul3A_255 = arith.muli %mul3A_254, %scan3A_195 : i32
      %add3A_256 = arith.constant 2 : i32
      %add3A_257 = arith.addi %mul3A_255, %add3A_256 : i32
      %scan3A_258 = arith.constant 0 : i32
      %scan3A_259 = arith.constant 0 : i32
      %scan3A_260 = arith.constant 8 : i32
      %scan3A_261 = arith.addi %scan3A_259, %scan3A_260 : i32
      %scan3A_262 = arith.constant 1 : i32
      scf.for %scan3A_312 = %scan3A_259 to %scan3A_261 step %scan3A_262  : i32 {
        %mul3A_313 = arith.constant 128 : i32
        %mul3A_314 = arith.muli %scan3A_312, %mul3A_313 : i32
        %multiple_of3A_315 = tpu.assume_multiple %mul3A_314, 128 : i32
        %dma_wait3A = arith.constant 0 : i32
        %dma_wait3A_316 = tpu.memref_slice %arg15[%multiple_of3A_315, %dma_wait3A] : memref<1024x16xf32, #tpu.memory_space<vmem>> -> memref<128x16xf32, #tpu.memory_space<vmem>>
        %dma_wait3A_317 = arith.constant 0 : i32
        %dma_wait3A_318 = tpu.memref_slice %arg12[%scan3A_312, %dma_wait3A_317] : memref<8x128xi32, #tpu.memory_space<vmem>> -> memref<1x128xi32, #tpu.memory_space<vmem>>
        %dma_wait3A_319 = tpu.memref_squeeze %dma_wait3A_318 : memref<1x128xi32, #tpu.memory_space<vmem>> -> memref<128xi32, #tpu.memory_space<vmem>>
        %dma_wait3A_320 = arith.constant 0 : i32
        %dma_wait3A_321 = arith.constant 0 : i32
        %dma_wait3A_322 = tpu.memref_slice %arg16[%dma_wait3A_320, %dma_wait3A_321] : memref<50000x16xf32, #tpu.memory_space<vmem_shared>> -> memref<50000x16xf32, #tpu.memory_space<vmem_shared>>
        %dma_wait3A_323 = tpu.memref_slice %arg18[%scan3A_312] : memref<8x!tpu.dma_semaphore, #tpu.memory_space<semaphore_mem>> -> memref<1x!tpu.dma_semaphore, #tpu.memory_space<semaphore_mem>>
        %dma_wait3A_324 = tpu.memref_squeeze %dma_wait3A_323 : memref<1x!tpu.dma_semaphore, #tpu.memory_space<semaphore_mem>> -> memref<!tpu.dma_semaphore, #tpu.memory_space<semaphore_mem>>
        tpu.wait_indirect_dma semaphore(%dma_wait3A_324 : memref<!tpu.dma_semaphore, #tpu.memory_space<semaphore_mem>>) src(%dma_wait3A_316 : memref<128x16xf32, #tpu.memory_space<vmem>>) dst(%dma_wait3A_322 : memref<50000x16xf32, #tpu.memory_space<vmem_shared>>)
      }
      %scan3A_263 = arith.constant 8 : i32
      %add3A_264 = arith.constant 1 : i32
      %add3A_265 = arith.addi %add3A_257, %add3A_264 : i32
      %mul3A_266 = arith.constant 8 : i32
      %mul3A_267 = arith.muli %add3A_265, %mul3A_266 : i32
      %add3A_268 = arith.addi %mul3A_0, %mul3A_267 : i32
      %multiple_of3A_269 = tpu.assume_multiple %add3A_268, 8 : i32
      %add3A_270 = arith.constant 1 : i32
      %add3A_271 = arith.addi %add3A_257, %add3A_270 : i32
      %mul3A_272 = arith.constant 64 : i32
      %mul3A_273 = arith.muli %add3A_271, %mul3A_272 : i32
      %add3A_274 = arith.addi %mul3A_2, %mul3A_273 : i32
      %multiple_of3A_275 = tpu.assume_multiple %add3A_274, 8 : i32
      %dma_start3A_276 = arith.constant 0 : i32
      %dma_start3A_277 = tpu.memref_slice %arg3[%multiple_of3A_269, %dma_start3A_276] : memref<6400x128xi32, #tpu.memory_space<hbm>> -> memref<8x128xi32, #tpu.memory_space<hbm>>
      %dma_start3A_278 = arith.constant 0 : i32
      %dma_start3A_279 = tpu.memref_slice %arg3[%multiple_of3A_269, %dma_start3A_278] : memref<6400x128xi32, #tpu.memory_space<hbm>> -> memref<8x128xi32, #tpu.memory_space<hbm>>
      tpu.enqueue_dma source(%dma_start3A_279 : memref<8x128xi32, #tpu.memory_space<hbm>>) target(%arg11 : memref<8x128xi32, #tpu.memory_space<vmem>>) target_semaphore(%arg19 : memref<!tpu.dma_semaphore, #tpu.memory_space<semaphore_mem>>)
      %dma_start3A_280 = arith.constant 0 : i32
      %dma_start3A_281 = tpu.memref_slice %arg4[%multiple_of3A_269, %dma_start3A_280] : memref<6400x128xi32, #tpu.memory_space<hbm>> -> memref<8x128xi32, #tpu.memory_space<hbm>>
      %dma_start3A_282 = arith.constant 0 : i32
      %dma_start3A_283 = tpu.memref_slice %arg4[%multiple_of3A_269, %dma_start3A_282] : memref<6400x128xi32, #tpu.memory_space<hbm>> -> memref<8x128xi32, #tpu.memory_space<hbm>>
      tpu.enqueue_dma source(%dma_start3A_283 : memref<8x128xi32, #tpu.memory_space<hbm>>) target(%arg12 : memref<8x128xi32, #tpu.memory_space<vmem>>) target_semaphore(%arg19 : memref<!tpu.dma_semaphore, #tpu.memory_space<semaphore_mem>>)
      %dma_start3A_284 = arith.constant 0 : i32
      %dma_start3A_285 = tpu.memref_slice %arg5[%multiple_of3A_275, %dma_start3A_284] : memref<51200x16xf32, #tpu.memory_space<hbm>> -> memref<64x16xf32, #tpu.memory_space<hbm>>
      %dma_start3A_286 = arith.constant 0 : i32
      %dma_start3A_287 = tpu.memref_slice %arg5[%multiple_of3A_275, %dma_start3A_286] : memref<51200x16xf32, #tpu.memory_space<hbm>> -> memref<64x16xf32, #tpu.memory_space<hbm>>
      tpu.enqueue_dma source(%dma_start3A_287 : memref<64x16xf32, #tpu.memory_space<hbm>>) target(%arg13 : memref<64x16xf32, #tpu.memory_space<vmem>>) target_semaphore(%arg19 : memref<!tpu.dma_semaphore, #tpu.memory_space<semaphore_mem>>)
      %scan3A_288 = arith.constant 0 : i32
      %scan3A_289 = arith.constant 0 : i32
      %scan3A_290 = arith.constant 8 : i32
      %scan3A_291 = arith.addi %scan3A_289, %scan3A_290 : i32
      %scan3A_292 = arith.constant 1 : i32
      scf.for %scan3A_312 = %scan3A_289 to %scan3A_291 step %scan3A_292  : i32 {
        %mul3A_313 = arith.constant 128 : i32
        %mul3A_314 = arith.muli %scan3A_312, %mul3A_313 : i32
        %multiple_of3A_315 = tpu.assume_multiple %mul3A_314, 128 : i32
        %dma_wait3A = arith.constant 0 : i32
        %dma_wait3A_316 = tpu.memref_slice %arg14[%multiple_of3A_315, %dma_wait3A] : memref<1024x16xf32, #tpu.memory_space<vmem>> -> memref<128x16xf32, #tpu.memory_space<vmem>>
        %dma_wait3A_317 = arith.constant 0 : i32
        %dma_wait3A_318 = tpu.memref_slice %arg8[%scan3A_312, %dma_wait3A_317] : memref<8x128xi32, #tpu.memory_space<vmem>> -> memref<1x128xi32, #tpu.memory_space<vmem>>
        %dma_wait3A_319 = tpu.memref_squeeze %dma_wait3A_318 : memref<1x128xi32, #tpu.memory_space<vmem>> -> memref<128xi32, #tpu.memory_space<vmem>>
        %dma_wait3A_320 = arith.constant 0 : i32
        %dma_wait3A_321 = arith.constant 0 : i32
        %dma_wait3A_322 = tpu.memref_slice %arg2[%add3A_5, %dma_wait3A_320, %dma_wait3A_321] : memref<4x50000x16xf32, #tpu.memory_space<hbm>> -> memref<1x50000x16xf32, #tpu.memory_space<hbm>>
        %dma_wait3A_323 = tpu.memref_squeeze %dma_wait3A_322 : memref<1x50000x16xf32, #tpu.memory_space<hbm>> -> memref<50000x16xf32, #tpu.memory_space<hbm>>
        %dma_wait3A_324 = arith.constant 0 : i32
        %dma_wait3A_325 = arith.constant 0 : i32
        %dma_wait3A_326 = tpu.memref_slice %dma_wait3A_323[%dma_wait3A_324, %dma_wait3A_325] : memref<50000x16xf32, #tpu.memory_space<hbm>> -> memref<50000x16xf32, #tpu.memory_space<hbm>>
        %dma_wait3A_327 = tpu.memref_slice %arg17[%scan3A_312] : memref<8x!tpu.dma_semaphore, #tpu.memory_space<semaphore_mem>> -> memref<1x!tpu.dma_semaphore, #tpu.memory_space<semaphore_mem>>
        %dma_wait3A_328 = tpu.memref_squeeze %dma_wait3A_327 : memref<1x!tpu.dma_semaphore, #tpu.memory_space<semaphore_mem>> -> memref<!tpu.dma_semaphore, #tpu.memory_space<semaphore_mem>>
        tpu.wait_indirect_dma semaphore(%dma_wait3A_328 : memref<!tpu.dma_semaphore, #tpu.memory_space<semaphore_mem>>) src(%dma_wait3A_326 : memref<50000x16xf32, #tpu.memory_space<hbm>>) dst(%dma_wait3A_316 : memref<128x16xf32, #tpu.memory_space<vmem>>)
        %scan3A_329 = arith.constant 0 : i32
        %scan3A_330 = arith.constant 0 : i32
        %scan3A_331 = arith.constant 8 : i32
        %scan3A_332 = arith.addi %scan3A_330, %scan3A_331 : i32
        %scan3A_333 = arith.constant 1 : i32
        scf.for %scan3A_357 = %scan3A_330 to %scan3A_332 step %scan3A_333  : i32 {
          %mul3A_358 = arith.constant 8 : i32
          %mul3A_359 = arith.muli %scan3A_312, %mul3A_358 : i32
          %add3A_360 = arith.addi %mul3A_359, %scan3A_357 : i32
          %get3A = arith.index_cast %add3A_360 : i32 to index
          %get3A_361 = arith.constant 0 : index
          %get3A_362 = tpu.vector_load %arg10[%get3A, %get3A_361] {strides = array<i32>} : memref<64x16xf32, #tpu.memory_space<vmem>>, vector<1x16xf32>,
          %get3A_363 = vector.shape_cast %get3A_362 : vector<1x16xf32> to vector<16xf32>
          %mul3A_364 = arith.constant 16 : i32
          %mul3A_365 = arith.muli %add3A_360, %mul3A_364 : i32
          %add3A_366 = arith.constant 0 : i32
          %add3A_367 = arith.addi %mul3A_365, %add3A_366 : i32
          %slice3A = vector.extract_strided_slice %get3A_363 {offsets = [0], sizes = [1], strides = [1]} : vector<16xf32> to vector<1xf32>
          %squeeze3A = vector.extract %slice3A[0] : f32 from vector<1xf32>
          %get3A_368 = arith.index_cast %add3A_367 : i32 to index
          %get3A_369 = arith.constant 0 : index
          %get3A_370 = tpu.vector_load %arg14[%get3A_368, %get3A_369] {strides = array<i32>} : memref<1024x16xf32, #tpu.memory_space<vmem>>, vector<1x16xf32>,
          %get3A_371 = vector.shape_cast %get3A_370 : vector<1x16xf32> to vector<16xf32>
          %mul3A_372 = vector.broadcast %squeeze3A : f32 to vector<16xf32>
          %mul3A_373 = arith.mulf %get3A_371, %mul3A_372 : vector<16xf32>
          %swap3A = arith.index_cast %add3A_367 : i32 to index
          %swap3A_374 = arith.constant 0 : index
          %swap3A_375 = tpu.vector_load %arg14[%swap3A, %swap3A_374] {strides = array<i32>} : memref<1024x16xf32, #tpu.memory_space<vmem>>, vector<1x16xf32>,
          %swap3A_376 = vector.shape_cast %swap3A_375 : vector<1x16xf32> to vector<16xf32>
          %swap3A_377 = vector.shape_cast %mul3A_373 : vector<16xf32> to vector<1x16xf32>
          tpu.vector_store %arg14[%swap3A, %swap3A_374], %swap3A_377 {strides = array<i32>} : memref<1024x16xf32, #tpu.memory_space<vmem>>, vector<1x16xf32>,
          %mul3A_378 = arith.constant 16 : i32
          %mul3A_379 = arith.muli %add3A_360, %mul3A_378 : i32
          %add3A_380 = arith.constant 1 : i32
          %add3A_381 = arith.addi %mul3A_379, %add3A_380 : i32
          %slice3A_382 = vector.extract_strided_slice %get3A_363 {offsets = [1], sizes = [1], strides = [1]} : vector<16xf32> to vector<1xf32>
          %squeeze3A_383 = vector.extract %slice3A_382[0] : f32 from vector<1xf32>
          %get3A_384 = arith.index_cast %add3A_381 : i32 to index
          %get3A_385 = arith.constant 0 : index
          %get3A_386 = tpu.vector_load %arg14[%get3A_384, %get3A_385] {strides = array<i32>} : memref<1024x16xf32, #tpu.memory_space<vmem>>, vector<1x16xf32>,
          %get3A_387 = vector.shape_cast %get3A_386 : vector<1x16xf32> to vector<16xf32>
          %mul3A_388 = vector.broadcast %squeeze3A_383 : f32 to vector<16xf32>
          %mul3A_389 = arith.mulf %get3A_387, %mul3A_388 : vector<16xf32>
          %swap3A_390 = arith.index_cast %add3A_381 : i32 to index
          %swap3A_391 = arith.constant 0 : index
          %swap3A_392 = tpu.vector_load %arg14[%swap3A_390, %swap3A_391] {strides = array<i32>} : memref<1024x16xf32, #tpu.memory_space<vmem>>, vector<1x16xf32>,
          %swap3A_393 = vector.shape_cast %swap3A_392 : vector<1x16xf32> to vector<16xf32>
          %swap3A_394 = vector.shape_cast %mul3A_389 : vector<16xf32> to vector<1x16xf32>
          tpu.vector_store %arg14[%swap3A_390, %swap3A_391], %swap3A_394 {strides = array<i32>} : memref<1024x16xf32, #tpu.memory_space<vmem>>, vector<1x16xf32>,
          %mul3A_395 = arith.constant 16 : i32
          %mul3A_396 = arith.muli %add3A_360, %mul3A_395 : i32
          %add3A_397 = arith.constant 2 : i32
          %add3A_398 = arith.addi %mul3A_396, %add3A_397 : i32
          %slice3A_399 = vector.extract_strided_slice %get3A_363 {offsets = [2], sizes = [1], strides = [1]} : vector<16xf32> to vector<1xf32>
          %squeeze3A_400 = vector.extract %slice3A_399[0] : f32 from vector<1xf32>
          %get3A_401 = arith.index_cast %add3A_398 : i32 to index
          %get3A_402 = arith.constant 0 : index
          %get3A_403 = tpu.vector_load %arg14[%get3A_401, %get3A_402] {strides = array<i32>} : memref<1024x16xf32, #tpu.memory_space<vmem>>, vector<1x16xf32>,
          %get3A_404 = vector.shape_cast %get3A_403 : vector<1x16xf32> to vector<16xf32>
          %mul3A_405 = vector.broadcast %squeeze3A_400 : f32 to vector<16xf32>
          %mul3A_406 = arith.mulf %get3A_404, %mul3A_405 : vector<16xf32>
          %swap3A_407 = arith.index_cast %add3A_398 : i32 to index
          %swap3A_408 = arith.constant 0 : index
          %swap3A_409 = tpu.vector_load %arg14[%swap3A_407, %swap3A_408] {strides = array<i32>} : memref<1024x16xf32, #tpu.memory_space<vmem>>, vector<1x16xf32>,
          %swap3A_410 = vector.shape_cast %swap3A_409 : vector<1x16xf32> to vector<16xf32>
          %swap3A_411 = vector.shape_cast %mul3A_406 : vector<16xf32> to vector<1x16xf32>
          tpu.vector_store %arg14[%swap3A_407, %swap3A_408], %swap3A_411 {strides = array<i32>} : memref<1024x16xf32, #tpu.memory_space<vmem>>, vector<1x16xf32>,
          %mul3A_412 = arith.constant 16 : i32
          %mul3A_413 = arith.muli %add3A_360, %mul3A_412 : i32
          %add3A_414 = arith.constant 3 : i32
          %add3A_415 = arith.addi %mul3A_413, %add3A_414 : i32
          %slice3A_416 = vector.extract_strided_slice %get3A_363 {offsets = [3], sizes = [1], strides = [1]} : vector<16xf32> to vector<1xf32>
          %squeeze3A_417 = vector.extract %slice3A_416[0] : f32 from vector<1xf32>
          %get3A_418 = arith.index_cast %add3A_415 : i32 to index
          %get3A_419 = arith.constant 0 : index
          %get3A_420 = tpu.vector_load %arg14[%get3A_418, %get3A_419] {strides = array<i32>} : memref<1024x16xf32, #tpu.memory_space<vmem>>, vector<1x16xf32>,
          %get3A_421 = vector.shape_cast %get3A_420 : vector<1x16xf32> to vector<16xf32>
          %mul3A_422 = vector.broadcast %squeeze3A_417 : f32 to vector<16xf32>
          %mul3A_423 = arith.mulf %get3A_421, %mul3A_422 : vector<16xf32>
          %swap3A_424 = arith.index_cast %add3A_415 : i32 to index
          %swap3A_425 = arith.constant 0 : index
          %swap3A_426 = tpu.vector_load %arg14[%swap3A_424, %swap3A_425] {strides = array<i32>} : memref<1024x16xf32, #tpu.memory_space<vmem>>, vector<1x16xf32>,
          %swap3A_427 = vector.shape_cast %swap3A_426 : vector<1x16xf32> to vector<16xf32>
          %swap3A_428 = vector.shape_cast %mul3A_423 : vector<16xf32> to vector<1x16xf32>
          tpu.vector_store %arg14[%swap3A_424, %swap3A_425], %swap3A_428 {strides = array<i32>} : memref<1024x16xf32, #tpu.memory_space<vmem>>, vector<1x16xf32>,
          %mul3A_429 = arith.constant 16 : i32
          %mul3A_430 = arith.muli %add3A_360, %mul3A_429 : i32
          %add3A_431 = arith.constant 4 : i32
          %add3A_432 = arith.addi %mul3A_430, %add3A_431 : i32
          %slice3A_433 = vector.extract_strided_slice %get3A_363 {offsets = [4], sizes = [1], strides = [1]} : vector<16xf32> to vector<1xf32>
          %squeeze3A_434 = vector.extract %slice3A_433[0] : f32 from vector<1xf32>
          %get3A_435 = arith.index_cast %add3A_432 : i32 to index
          %get3A_436 = arith.constant 0 : index
          %get3A_437 = tpu.vector_load %arg14[%get3A_435, %get3A_436] {strides = array<i32>} : memref<1024x16xf32, #tpu.memory_space<vmem>>, vector<1x16xf32>,
          %get3A_438 = vector.shape_cast %get3A_437 : vector<1x16xf32> to vector<16xf32>
          %mul3A_439 = vector.broadcast %squeeze3A_434 : f32 to vector<16xf32>
          %mul3A_440 = arith.mulf %get3A_438, %mul3A_439 : vector<16xf32>
          %swap3A_441 = arith.index_cast %add3A_432 : i32 to index
          %swap3A_442 = arith.constant 0 : index
          %swap3A_443 = tpu.vector_load %arg14[%swap3A_441, %swap3A_442] {strides = array<i32>} : memref<1024x16xf32, #tpu.memory_space<vmem>>, vector<1x16xf32>,
          %swap3A_444 = vector.shape_cast %swap3A_443 : vector<1x16xf32> to vector<16xf32>
          %swap3A_445 = vector.shape_cast %mul3A_440 : vector<16xf32> to vector<1x16xf32>
          tpu.vector_store %arg14[%swap3A_441, %swap3A_442], %swap3A_445 {strides = array<i32>} : memref<1024x16xf32, #tpu.memory_space<vmem>>, vector<1x16xf32>,
          %mul3A_446 = arith.constant 16 : i32
          %mul3A_447 = arith.muli %add3A_360, %mul3A_446 : i32
          %add3A_448 = arith.constant 5 : i32
          %add3A_449 = arith.addi %mul3A_447, %add3A_448 : i32
          %slice3A_450 = vector.extract_strided_slice %get3A_363 {offsets = [5], sizes = [1], strides = [1]} : vector<16xf32> to vector<1xf32>
          %squeeze3A_451 = vector.extract %slice3A_450[0] : f32 from vector<1xf32>
          %get3A_452 = arith.index_cast %add3A_449 : i32 to index
          %get3A_453 = arith.constant 0 : index
          %get3A_454 = tpu.vector_load %arg14[%get3A_452, %get3A_453] {strides = array<i32>} : memref<1024x16xf32, #tpu.memory_space<vmem>>, vector<1x16xf32>,
          %get3A_455 = vector.shape_cast %get3A_454 : vector<1x16xf32> to vector<16xf32>
          %mul3A_456 = vector.broadcast %squeeze3A_451 : f32 to vector<16xf32>
          %mul3A_457 = arith.mulf %get3A_455, %mul3A_456 : vector<16xf32>
          %swap3A_458 = arith.index_cast %add3A_449 : i32 to index
          %swap3A_459 = arith.constant 0 : index
          %swap3A_460 = tpu.vector_load %arg14[%swap3A_458, %swap3A_459] {strides = array<i32>} : memref<1024x16xf32, #tpu.memory_space<vmem>>, vector<1x16xf32>,
          %swap3A_461 = vector.shape_cast %swap3A_460 : vector<1x16xf32> to vector<16xf32>
          %swap3A_462 = vector.shape_cast %mul3A_457 : vector<16xf32> to vector<1x16xf32>
          tpu.vector_store %arg14[%swap3A_458, %swap3A_459], %swap3A_462 {strides = array<i32>} : memref<1024x16xf32, #tpu.memory_space<vmem>>, vector<1x16xf32>,
          %mul3A_463 = arith.constant 16 : i32
          %mul3A_464 = arith.muli %add3A_360, %mul3A_463 : i32
          %add3A_465 = arith.constant 6 : i32
          %add3A_466 = arith.addi %mul3A_464, %add3A_465 : i32
          %slice3A_467 = vector.extract_strided_slice %get3A_363 {offsets = [6], sizes = [1], strides = [1]} : vector<16xf32> to vector<1xf32>
          %squeeze3A_468 = vector.extract %slice3A_467[0] : f32 from vector<1xf32>
          %get3A_469 = arith.index_cast %add3A_466 : i32 to index
          %get3A_470 = arith.constant 0 : index
          %get3A_471 = tpu.vector_load %arg14[%get3A_469, %get3A_470] {strides = array<i32>} : memref<1024x16xf32, #tpu.memory_space<vmem>>, vector<1x16xf32>,
          %get3A_472 = vector.shape_cast %get3A_471 : vector<1x16xf32> to vector<16xf32>
          %mul3A_473 = vector.broadcast %squeeze3A_468 : f32 to vector<16xf32>
          %mul3A_474 = arith.mulf %get3A_472, %mul3A_473 : vector<16xf32>
          %swap3A_475 = arith.index_cast %add3A_466 : i32 to index
          %swap3A_476 = arith.constant 0 : index
          %swap3A_477 = tpu.vector_load %arg14[%swap3A_475, %swap3A_476] {strides = array<i32>} : memref<1024x16xf32, #tpu.memory_space<vmem>>, vector<1x16xf32>,
          %swap3A_478 = vector.shape_cast %swap3A_477 : vector<1x16xf32> to vector<16xf32>
          %swap3A_479 = vector.shape_cast %mul3A_474 : vector<16xf32> to vector<1x16xf32>
          tpu.vector_store %arg14[%swap3A_475, %swap3A_476], %swap3A_479 {strides = array<i32>} : memref<1024x16xf32, #tpu.memory_space<vmem>>, vector<1x16xf32>,
          %mul3A_480 = arith.constant 16 : i32
          %mul3A_481 = arith.muli %add3A_360, %mul3A_480 : i32
          %add3A_482 = arith.constant 7 : i32
          %add3A_483 = arith.addi %mul3A_481, %add3A_482 : i32
          %slice3A_484 = vector.extract_strided_slice %get3A_363 {offsets = [7], sizes = [1], strides = [1]} : vector<16xf32> to vector<1xf32>
          %squeeze3A_485 = vector.extract %slice3A_484[0] : f32 from vector<1xf32>
          %get3A_486 = arith.index_cast %add3A_483 : i32 to index
          %get3A_487 = arith.constant 0 : index
          %get3A_488 = tpu.vector_load %arg14[%get3A_486, %get3A_487] {strides = array<i32>} : memref<1024x16xf32, #tpu.memory_space<vmem>>, vector<1x16xf32>,
          %get3A_489 = vector.shape_cast %get3A_488 : vector<1x16xf32> to vector<16xf32>
          %mul3A_490 = vector.broadcast %squeeze3A_485 : f32 to vector<16xf32>
          %mul3A_491 = arith.mulf %get3A_489, %mul3A_490 : vector<16xf32>
          %swap3A_492 = arith.index_cast %add3A_483 : i32 to index
          %swap3A_493 = arith.constant 0 : index
          %swap3A_494 = tpu.vector_load %arg14[%swap3A_492, %swap3A_493] {strides = array<i32>} : memref<1024x16xf32, #tpu.memory_space<vmem>>, vector<1x16xf32>,
          %swap3A_495 = vector.shape_cast %swap3A_494 : vector<1x16xf32> to vector<16xf32>
          %swap3A_496 = vector.shape_cast %mul3A_491 : vector<16xf32> to vector<1x16xf32>
          tpu.vector_store %arg14[%swap3A_492, %swap3A_493], %swap3A_496 {strides = array<i32>} : memref<1024x16xf32, #tpu.memory_space<vmem>>, vector<1x16xf32>,
          %mul3A_497 = arith.constant 16 : i32
          %mul3A_498 = arith.muli %add3A_360, %mul3A_497 : i32
          %add3A_499 = arith.constant 8 : i32
          %add3A_500 = arith.addi %mul3A_498, %add3A_499 : i32
          %slice3A_501 = vector.extract_strided_slice %get3A_363 {offsets = [8], sizes = [1], strides = [1]} : vector<16xf32> to vector<1xf32>
          %squeeze3A_502 = vector.extract %slice3A_501[0] : f32 from vector<1xf32>
          %get3A_503 = arith.index_cast %add3A_500 : i32 to index
          %get3A_504 = arith.constant 0 : index
          %get3A_505 = tpu.vector_load %arg14[%get3A_503, %get3A_504] {strides = array<i32>} : memref<1024x16xf32, #tpu.memory_space<vmem>>, vector<1x16xf32>,
          %get3A_506 = vector.shape_cast %get3A_505 : vector<1x16xf32> to vector<16xf32>
          %mul3A_507 = vector.broadcast %squeeze3A_502 : f32 to vector<16xf32>
          %mul3A_508 = arith.mulf %get3A_506, %mul3A_507 : vector<16xf32>
          %swap3A_509 = arith.index_cast %add3A_500 : i32 to index
          %swap3A_510 = arith.constant 0 : index
          %swap3A_511 = tpu.vector_load %arg14[%swap3A_509, %swap3A_510] {strides = array<i32>} : memref<1024x16xf32, #tpu.memory_space<vmem>>, vector<1x16xf32>,
          %swap3A_512 = vector.shape_cast %swap3A_511 : vector<1x16xf32> to vector<16xf32>
          %swap3A_513 = vector.shape_cast %mul3A_508 : vector<16xf32> to vector<1x16xf32>
          tpu.vector_store %arg14[%swap3A_509, %swap3A_510], %swap3A_513 {strides = array<i32>} : memref<1024x16xf32, #tpu.memory_space<vmem>>, vector<1x16xf32>,
          %mul3A_514 = arith.constant 16 : i32
          %mul3A_515 = arith.muli %add3A_360, %mul3A_514 : i32
          %add3A_516 = arith.constant 9 : i32
          %add3A_517 = arith.addi %mul3A_515, %add3A_516 : i32
          %slice3A_518 = vector.extract_strided_slice %get3A_363 {offsets = [9], sizes = [1], strides = [1]} : vector<16xf32> to vector<1xf32>
          %squeeze3A_519 = vector.extract %slice3A_518[0] : f32 from vector<1xf32>
          %get3A_520 = arith.index_cast %add3A_517 : i32 to index
          %get3A_521 = arith.constant 0 : index
          %get3A_522 = tpu.vector_load %arg14[%get3A_520, %get3A_521] {strides = array<i32>} : memref<1024x16xf32, #tpu.memory_space<vmem>>, vector<1x16xf32>,
          %get3A_523 = vector.shape_cast %get3A_522 : vector<1x16xf32> to vector<16xf32>
          %mul3A_524 = vector.broadcast %squeeze3A_519 : f32 to vector<16xf32>
          %mul3A_525 = arith.mulf %get3A_523, %mul3A_524 : vector<16xf32>
          %swap3A_526 = arith.index_cast %add3A_517 : i32 to index
          %swap3A_527 = arith.constant 0 : index
          %swap3A_528 = tpu.vector_load %arg14[%swap3A_526, %swap3A_527] {strides = array<i32>} : memref<1024x16xf32, #tpu.memory_space<vmem>>, vector<1x16xf32>,
          %swap3A_529 = vector.shape_cast %swap3A_528 : vector<1x16xf32> to vector<16xf32>
          %swap3A_530 = vector.shape_cast %mul3A_525 : vector<16xf32> to vector<1x16xf32>
          tpu.vector_store %arg14[%swap3A_526, %swap3A_527], %swap3A_530 {strides = array<i32>} : memref<1024x16xf32, #tpu.memory_space<vmem>>, vector<1x16xf32>,
          %mul3A_531 = arith.constant 16 : i32
          %mul3A_532 = arith.muli %add3A_360, %mul3A_531 : i32
          %add3A_533 = arith.constant 10 : i32
          %add3A_534 = arith.addi %mul3A_532, %add3A_533 : i32
          %slice3A_535 = vector.extract_strided_slice %get3A_363 {offsets = [10], sizes = [1], strides = [1]} : vector<16xf32> to vector<1xf32>
          %squeeze3A_536 = vector.extract %slice3A_535[0] : f32 from vector<1xf32>
          %get3A_537 = arith.index_cast %add3A_534 : i32 to index
          %get3A_538 = arith.constant 0 : index
          %get3A_539 = tpu.vector_load %arg14[%get3A_537, %get3A_538] {strides = array<i32>} : memref<1024x16xf32, #tpu.memory_space<vmem>>, vector<1x16xf32>,
          %get3A_540 = vector.shape_cast %get3A_539 : vector<1x16xf32> to vector<16xf32>
          %mul3A_541 = vector.broadcast %squeeze3A_536 : f32 to vector<16xf32>
          %mul3A_542 = arith.mulf %get3A_540, %mul3A_541 : vector<16xf32>
          %swap3A_543 = arith.index_cast %add3A_534 : i32 to index
          %swap3A_544 = arith.constant 0 : index
          %swap3A_545 = tpu.vector_load %arg14[%swap3A_543, %swap3A_544] {strides = array<i32>} : memref<1024x16xf32, #tpu.memory_space<vmem>>, vector<1x16xf32>,
          %swap3A_546 = vector.shape_cast %swap3A_545 : vector<1x16xf32> to vector<16xf32>
          %swap3A_547 = vector.shape_cast %mul3A_542 : vector<16xf32> to vector<1x16xf32>
          tpu.vector_store %arg14[%swap3A_543, %swap3A_544], %swap3A_547 {strides = array<i32>} : memref<1024x16xf32, #tpu.memory_space<vmem>>, vector<1x16xf32>,
          %mul3A_548 = arith.constant 16 : i32
          %mul3A_549 = arith.muli %add3A_360, %mul3A_548 : i32
          %add3A_550 = arith.constant 11 : i32
          %add3A_551 = arith.addi %mul3A_549, %add3A_550 : i32
          %slice3A_552 = vector.extract_strided_slice %get3A_363 {offsets = [11], sizes = [1], strides = [1]} : vector<16xf32> to vector<1xf32>
          %squeeze3A_553 = vector.extract %slice3A_552[0] : f32 from vector<1xf32>
          %get3A_554 = arith.index_cast %add3A_551 : i32 to index
          %get3A_555 = arith.constant 0 : index
          %get3A_556 = tpu.vector_load %arg14[%get3A_554, %get3A_555] {strides = array<i32>} : memref<1024x16xf32, #tpu.memory_space<vmem>>, vector<1x16xf32>,
          %get3A_557 = vector.shape_cast %get3A_556 : vector<1x16xf32> to vector<16xf32>
          %mul3A_558 = vector.broadcast %squeeze3A_553 : f32 to vector<16xf32>
          %mul3A_559 = arith.mulf %get3A_557, %mul3A_558 : vector<16xf32>
          %swap3A_560 = arith.index_cast %add3A_551 : i32 to index
          %swap3A_561 = arith.constant 0 : index
          %swap3A_562 = tpu.vector_load %arg14[%swap3A_560, %swap3A_561] {strides = array<i32>} : memref<1024x16xf32, #tpu.memory_space<vmem>>, vector<1x16xf32>,
          %swap3A_563 = vector.shape_cast %swap3A_562 : vector<1x16xf32> to vector<16xf32>
          %swap3A_564 = vector.shape_cast %mul3A_559 : vector<16xf32> to vector<1x16xf32>
          tpu.vector_store %arg14[%swap3A_560, %swap3A_561], %swap3A_564 {strides = array<i32>} : memref<1024x16xf32, #tpu.memory_space<vmem>>, vector<1x16xf32>,
          %mul3A_565 = arith.constant 16 : i32
          %mul3A_566 = arith.muli %add3A_360, %mul3A_565 : i32
          %add3A_567 = arith.constant 12 : i32
          %add3A_568 = arith.addi %mul3A_566, %add3A_567 : i32
          %slice3A_569 = vector.extract_strided_slice %get3A_363 {offsets = [12], sizes = [1], strides = [1]} : vector<16xf32> to vector<1xf32>
          %squeeze3A_570 = vector.extract %slice3A_569[0] : f32 from vector<1xf32>
          %get3A_571 = arith.index_cast %add3A_568 : i32 to index
          %get3A_572 = arith.constant 0 : index
          %get3A_573 = tpu.vector_load %arg14[%get3A_571, %get3A_572] {strides = array<i32>} : memref<1024x16xf32, #tpu.memory_space<vmem>>, vector<1x16xf32>,
          %get3A_574 = vector.shape_cast %get3A_573 : vector<1x16xf32> to vector<16xf32>
          %mul3A_575 = vector.broadcast %squeeze3A_570 : f32 to vector<16xf32>
          %mul3A_576 = arith.mulf %get3A_574, %mul3A_575 : vector<16xf32>
          %swap3A_577 = arith.index_cast %add3A_568 : i32 to index
          %swap3A_578 = arith.constant 0 : index
          %swap3A_579 = tpu.vector_load %arg14[%swap3A_577, %swap3A_578] {strides = array<i32>} : memref<1024x16xf32, #tpu.memory_space<vmem>>, vector<1x16xf32>,
          %swap3A_580 = vector.shape_cast %swap3A_579 : vector<1x16xf32> to vector<16xf32>
          %swap3A_581 = vector.shape_cast %mul3A_576 : vector<16xf32> to vector<1x16xf32>
          tpu.vector_store %arg14[%swap3A_577, %swap3A_578], %swap3A_581 {strides = array<i32>} : memref<1024x16xf32, #tpu.memory_space<vmem>>, vector<1x16xf32>,
          %mul3A_582 = arith.constant 16 : i32
          %mul3A_583 = arith.muli %add3A_360, %mul3A_582 : i32
          %add3A_584 = arith.constant 13 : i32
          %add3A_585 = arith.addi %mul3A_583, %add3A_584 : i32
          %slice3A_586 = vector.extract_strided_slice %get3A_363 {offsets = [13], sizes = [1], strides = [1]} : vector<16xf32> to vector<1xf32>
          %squeeze3A_587 = vector.extract %slice3A_586[0] : f32 from vector<1xf32>
          %get3A_588 = arith.index_cast %add3A_585 : i32 to index
          %get3A_589 = arith.constant 0 : index
          %get3A_590 = tpu.vector_load %arg14[%get3A_588, %get3A_589] {strides = array<i32>} : memref<1024x16xf32, #tpu.memory_space<vmem>>, vector<1x16xf32>,
          %get3A_591 = vector.shape_cast %get3A_590 : vector<1x16xf32> to vector<16xf32>
          %mul3A_592 = vector.broadcast %squeeze3A_587 : f32 to vector<16xf32>
          %mul3A_593 = arith.mulf %get3A_591, %mul3A_592 : vector<16xf32>
          %swap3A_594 = arith.index_cast %add3A_585 : i32 to index
          %swap3A_595 = arith.constant 0 : index
          %swap3A_596 = tpu.vector_load %arg14[%swap3A_594, %swap3A_595] {strides = array<i32>} : memref<1024x16xf32, #tpu.memory_space<vmem>>, vector<1x16xf32>,
          %swap3A_597 = vector.shape_cast %swap3A_596 : vector<1x16xf32> to vector<16xf32>
          %swap3A_598 = vector.shape_cast %mul3A_593 : vector<16xf32> to vector<1x16xf32>
          tpu.vector_store %arg14[%swap3A_594, %swap3A_595], %swap3A_598 {strides = array<i32>} : memref<1024x16xf32, #tpu.memory_space<vmem>>, vector<1x16xf32>,
          %mul3A_599 = arith.constant 16 : i32
          %mul3A_600 = arith.muli %add3A_360, %mul3A_599 : i32
          %add3A_601 = arith.constant 14 : i32
          %add3A_602 = arith.addi %mul3A_600, %add3A_601 : i32
          %slice3A_603 = vector.extract_strided_slice %get3A_363 {offsets = [14], sizes = [1], strides = [1]} : vector<16xf32> to vector<1xf32>
          %squeeze3A_604 = vector.extract %slice3A_603[0] : f32 from vector<1xf32>
          %get3A_605 = arith.index_cast %add3A_602 : i32 to index
          %get3A_606 = arith.constant 0 : index
          %get3A_607 = tpu.vector_load %arg14[%get3A_605, %get3A_606] {strides = array<i32>} : memref<1024x16xf32, #tpu.memory_space<vmem>>, vector<1x16xf32>,
          %get3A_608 = vector.shape_cast %get3A_607 : vector<1x16xf32> to vector<16xf32>
          %mul3A_609 = vector.broadcast %squeeze3A_604 : f32 to vector<16xf32>
          %mul3A_610 = arith.mulf %get3A_608, %mul3A_609 : vector<16xf32>
          %swap3A_611 = arith.index_cast %add3A_602 : i32 to index
          %swap3A_612 = arith.constant 0 : index
          %swap3A_613 = tpu.vector_load %arg14[%swap3A_611, %swap3A_612] {strides = array<i32>} : memref<1024x16xf32, #tpu.memory_space<vmem>>, vector<1x16xf32>,
          %swap3A_614 = vector.shape_cast %swap3A_613 : vector<1x16xf32> to vector<16xf32>
          %swap3A_615 = vector.shape_cast %mul3A_610 : vector<16xf32> to vector<1x16xf32>
          tpu.vector_store %arg14[%swap3A_611, %swap3A_612], %swap3A_615 {strides = array<i32>} : memref<1024x16xf32, #tpu.memory_space<vmem>>, vector<1x16xf32>,
          %mul3A_616 = arith.constant 16 : i32
          %mul3A_617 = arith.muli %add3A_360, %mul3A_616 : i32
          %add3A_618 = arith.constant 15 : i32
          %add3A_619 = arith.addi %mul3A_617, %add3A_618 : i32
          %slice3A_620 = vector.extract_strided_slice %get3A_363 {offsets = [15], sizes = [1], strides = [1]} : vector<16xf32> to vector<1xf32>
          %squeeze3A_621 = vector.extract %slice3A_620[0] : f32 from vector<1xf32>
          %get3A_622 = arith.index_cast %add3A_619 : i32 to index
          %get3A_623 = arith.constant 0 : index
          %get3A_624 = tpu.vector_load %arg14[%get3A_622, %get3A_623] {strides = array<i32>} : memref<1024x16xf32, #tpu.memory_space<vmem>>, vector<1x16xf32>,
          %get3A_625 = vector.shape_cast %get3A_624 : vector<1x16xf32> to vector<16xf32>
          %mul3A_626 = vector.broadcast %squeeze3A_621 : f32 to vector<16xf32>
          %mul3A_627 = arith.mulf %get3A_625, %mul3A_626 : vector<16xf32>
          %swap3A_628 = arith.index_cast %add3A_619 : i32 to index
          %swap3A_629 = arith.constant 0 : index
          %swap3A_630 = tpu.vector_load %arg14[%swap3A_628, %swap3A_629] {strides = array<i32>} : memref<1024x16xf32, #tpu.memory_space<vmem>>, vector<1x16xf32>,
          %swap3A_631 = vector.shape_cast %swap3A_630 : vector<1x16xf32> to vector<16xf32>
          %swap3A_632 = vector.shape_cast %mul3A_627 : vector<16xf32> to vector<1x16xf32>
          tpu.vector_store %arg14[%swap3A_628, %swap3A_629], %swap3A_632 {strides = array<i32>} : memref<1024x16xf32, #tpu.memory_space<vmem>>, vector<1x16xf32>,
        }
        %scan3A_334 = arith.constant 8 : i32
        %mul3A_335 = arith.constant 128 : i32
        %mul3A_336 = arith.muli %scan3A_312, %mul3A_335 : i32
        %multiple_of3A_337 = tpu.assume_multiple %mul3A_336, 128 : i32
        %dma_start3A_338 = arith.constant 0 : i32
        %dma_start3A_339 = tpu.memref_slice %arg14[%multiple_of3A_337, %dma_start3A_338] : memref<1024x16xf32, #tpu.memory_space<vmem>> -> memref<128x16xf32, #tpu.memory_space<vmem>>
        %dma_start3A_340 = arith.constant 0 : i32
        %dma_start3A_341 = tpu.memref_slice %arg9[%scan3A_312, %dma_start3A_340] : memref<8x128xi32, #tpu.memory_space<vmem>> -> memref<1x128xi32, #tpu.memory_space<vmem>>
        %dma_start3A_342 = tpu.memref_squeeze %dma_start3A_341 : memref<1x128xi32, #tpu.memory_space<vmem>> -> memref<128xi32, #tpu.memory_space<vmem>>
        %dma_start3A_343 = arith.constant 0 : i32
        %dma_start3A_344 = arith.constant 0 : i32
        %dma_start3A_345 = tpu.memref_slice %arg16[%dma_start3A_343, %dma_start3A_344] : memref<50000x16xf32, #tpu.memory_space<vmem_shared>> -> memref<50000x16xf32, #tpu.memory_space<vmem_shared>>
        %dma_start3A_346 = tpu.memref_slice %arg18[%scan3A_312] : memref<8x!tpu.dma_semaphore, #tpu.memory_space<semaphore_mem>> -> memref<1x!tpu.dma_semaphore, #tpu.memory_space<semaphore_mem>>
        %dma_start3A_347 = tpu.memref_squeeze %dma_start3A_346 : memref<1x!tpu.dma_semaphore, #tpu.memory_space<semaphore_mem>> -> memref<!tpu.dma_semaphore, #tpu.memory_space<semaphore_mem>>
        tpu.enqueue_indirect_dma source(%dma_start3A_339 : memref<128x16xf32, #tpu.memory_space<vmem>>) target(%dma_start3A_345 : memref<50000x16xf32, #tpu.memory_space<vmem_shared>>) offsets(%dma_start3A_342 : memref<128xi32, #tpu.memory_space<vmem>>) semaphore(%dma_start3A_347 : memref<!tpu.dma_semaphore, #tpu.memory_space<semaphore_mem>>) {add = true}
        %eq3A_348 = arith.constant 1 : i32
        %eq3A_349 = arith.cmpi eq, %scan3A_312, %eq3A_348 : i32
        %convert_element_type3A_350 = arith.extui %eq3A_349 : i1 to i32
        %cond3A_351 = arith.constant 0 : i32
        %cond3A_352 = arith.cmpi ne, %convert_element_type3A_350, %cond3A_351 : i32
        scf.if %cond3A_352 {
          %dma_wait3A_357 = arith.constant 0 : i32
          %dma_wait3A_358 = tpu.memref_slice %arg3[%multiple_of3A_269, %dma_wait3A_357] : memref<6400x128xi32, #tpu.memory_space<hbm>> -> memref<8x128xi32, #tpu.memory_space<hbm>>
          %dma_wait3A_359 = arith.constant 0 : i32
          %dma_wait3A_360 = tpu.memref_slice %arg3[%multiple_of3A_269, %dma_wait3A_359] : memref<6400x128xi32, #tpu.memory_space<hbm>> -> memref<8x128xi32, #tpu.memory_space<hbm>>
          tpu.wait_dma2 semaphore(%arg19 : memref<!tpu.dma_semaphore, #tpu.memory_space<semaphore_mem>>) src(%dma_wait3A_360 : memref<8x128xi32, #tpu.memory_space<hbm>>) dst(%arg11 : memref<8x128xi32, #tpu.memory_space<vmem>>)
          %dma_wait3A_361 = arith.constant 0 : i32
          %dma_wait3A_362 = tpu.memref_slice %arg4[%multiple_of3A_269, %dma_wait3A_361] : memref<6400x128xi32, #tpu.memory_space<hbm>> -> memref<8x128xi32, #tpu.memory_space<hbm>>
          %dma_wait3A_363 = arith.constant 0 : i32
          %dma_wait3A_364 = tpu.memref_slice %arg4[%multiple_of3A_269, %dma_wait3A_363] : memref<6400x128xi32, #tpu.memory_space<hbm>> -> memref<8x128xi32, #tpu.memory_space<hbm>>
          tpu.wait_dma2 semaphore(%arg19 : memref<!tpu.dma_semaphore, #tpu.memory_space<semaphore_mem>>) src(%dma_wait3A_364 : memref<8x128xi32, #tpu.memory_space<hbm>>) dst(%arg12 : memref<8x128xi32, #tpu.memory_space<vmem>>)
          %dma_wait3A_365 = arith.constant 0 : i32
          %dma_wait3A_366 = tpu.memref_slice %arg5[%multiple_of3A_275, %dma_wait3A_365] : memref<51200x16xf32, #tpu.memory_space<hbm>> -> memref<64x16xf32, #tpu.memory_space<hbm>>
          %dma_wait3A_367 = arith.constant 0 : i32
          %dma_wait3A_368 = tpu.memref_slice %arg5[%multiple_of3A_275, %dma_wait3A_367] : memref<51200x16xf32, #tpu.memory_space<hbm>> -> memref<64x16xf32, #tpu.memory_space<hbm>>
          tpu.wait_dma2 semaphore(%arg19 : memref<!tpu.dma_semaphore, #tpu.memory_space<semaphore_mem>>) src(%dma_wait3A_368 : memref<64x16xf32, #tpu.memory_space<hbm>>) dst(%arg13 : memref<64x16xf32, #tpu.memory_space<vmem>>)
        } else {
        }
        %ge3A = arith.constant 1 : i32
        %ge3A_353 = arith.cmpi sge, %scan3A_312, %ge3A : i32
        %convert_element_type3A_354 = arith.extui %ge3A_353 : i1 to i32
        %cond3A_355 = arith.constant 0 : i32
        %cond3A_356 = arith.cmpi ne, %convert_element_type3A_354, %cond3A_355 : i32
        scf.if %cond3A_356 {
          %sub3A = arith.constant 1 : i32
          %sub3A_357 = arith.subi %scan3A_312, %sub3A : i32
          %mul3A_358 = arith.constant 128 : i32
          %mul3A_359 = arith.muli %sub3A_357, %mul3A_358 : i32
          %multiple_of3A_360 = tpu.assume_multiple %mul3A_359, 128 : i32
          %dma_start3A_361 = arith.constant 0 : i32
          %dma_start3A_362 = tpu.memref_slice %arg15[%multiple_of3A_360, %dma_start3A_361] : memref<1024x16xf32, #tpu.memory_space<vmem>> -> memref<128x16xf32, #tpu.memory_space<vmem>>
          %dma_start3A_363 = arith.constant 0 : i32
          %dma_start3A_364 = tpu.memref_slice %arg11[%sub3A_357, %dma_start3A_363] : memref<8x128xi32, #tpu.memory_space<vmem>> -> memref<1x128xi32, #tpu.memory_space<vmem>>
          %dma_start3A_365 = tpu.memref_squeeze %dma_start3A_364 : memref<1x128xi32, #tpu.memory_space<vmem>> -> memref<128xi32, #tpu.memory_space<vmem>>
          %dma_start3A_366 = arith.constant 0 : i32
          %dma_start3A_367 = arith.constant 0 : i32
          %dma_start3A_368 = tpu.memref_slice %arg2[%add3A_5, %dma_start3A_366, %dma_start3A_367] : memref<4x50000x16xf32, #tpu.memory_space<hbm>> -> memref<1x50000x16xf32, #tpu.memory_space<hbm>>
          %dma_start3A_369 = tpu.memref_squeeze %dma_start3A_368 : memref<1x50000x16xf32, #tpu.memory_space<hbm>> -> memref<50000x16xf32, #tpu.memory_space<hbm>>
          %dma_start3A_370 = arith.constant 0 : i32
          %dma_start3A_371 = arith.constant 0 : i32
          %dma_start3A_372 = tpu.memref_slice %dma_start3A_369[%dma_start3A_370, %dma_start3A_371] : memref<50000x16xf32, #tpu.memory_space<hbm>> -> memref<50000x16xf32, #tpu.memory_space<hbm>>
          %dma_start3A_373 = tpu.memref_slice %arg17[%sub3A_357] : memref<8x!tpu.dma_semaphore, #tpu.memory_space<semaphore_mem>> -> memref<1x!tpu.dma_semaphore, #tpu.memory_space<semaphore_mem>>
          %dma_start3A_374 = tpu.memref_squeeze %dma_start3A_373 : memref<1x!tpu.dma_semaphore, #tpu.memory_space<semaphore_mem>> -> memref<!tpu.dma_semaphore, #tpu.memory_space<semaphore_mem>>
          tpu.enqueue_indirect_dma source(%dma_start3A_372 : memref<50000x16xf32, #tpu.memory_space<hbm>>) target(%dma_start3A_362 : memref<128x16xf32, #tpu.memory_space<vmem>>) offsets(%dma_start3A_365 : memref<128xi32, #tpu.memory_space<vmem>>) semaphore(%dma_start3A_374 : memref<!tpu.dma_semaphore, #tpu.memory_space<semaphore_mem>>)
        } else {
        }
      }
      %scan3A_293 = arith.constant 8 : i32
      %multiple_of3A_294 = arith.constant 896 : i32
      %multiple_of3A_295 = tpu.assume_multiple %multiple_of3A_294, 128 : i32
      %dma_start3A_296 = arith.constant 7 : i32
      %dma_start3A_297 = arith.constant 7 : i32
      %dma_start3A_298 = arith.constant 0 : i32
      %dma_start3A_299 = tpu.memref_slice %arg15[%multiple_of3A_295, %dma_start3A_298] : memref<1024x16xf32, #tpu.memory_space<vmem>> -> memref<128x16xf32, #tpu.memory_space<vmem>>
      %dma_start3A_300 = arith.constant 0 : i32
      %dma_start3A_301 = tpu.memref_slice %arg11[%dma_start3A_296, %dma_start3A_300] : memref<8x128xi32, #tpu.memory_space<vmem>> -> memref<1x128xi32, #tpu.memory_space<vmem>>
      %dma_start3A_302 = tpu.memref_squeeze %dma_start3A_301 : memref<1x128xi32, #tpu.memory_space<vmem>> -> memref<128xi32, #tpu.memory_space<vmem>>
      %dma_start3A_303 = arith.constant 0 : i32
      %dma_start3A_304 = arith.constant 0 : i32
      %dma_start3A_305 = tpu.memref_slice %arg2[%add3A_5, %dma_start3A_303, %dma_start3A_304] : memref<4x50000x16xf32, #tpu.memory_space<hbm>> -> memref<1x50000x16xf32, #tpu.memory_space<hbm>>
      %dma_start3A_306 = tpu.memref_squeeze %dma_start3A_305 : memref<1x50000x16xf32, #tpu.memory_space<hbm>> -> memref<50000x16xf32, #tpu.memory_space<hbm>>
      %dma_start3A_307 = arith.constant 0 : i32
      %dma_start3A_308 = arith.constant 0 : i32
      %dma_start3A_309 = tpu.memref_slice %dma_start3A_306[%dma_start3A_307, %dma_start3A_308] : memref<50000x16xf32, #tpu.memory_space<hbm>> -> memref<50000x16xf32, #tpu.memory_space<hbm>>
      %dma_start3A_310 = tpu.memref_slice %arg17[%dma_start3A_297] : memref<8x!tpu.dma_semaphore, #tpu.memory_space<semaphore_mem>> -> memref<1x!tpu.dma_semaphore, #tpu.memory_space<semaphore_mem>>
      %dma_start3A_311 = tpu.memref_squeeze %dma_start3A_310 : memref<1x!tpu.dma_semaphore, #tpu.memory_space<semaphore_mem>> -> memref<!tpu.dma_semaphore, #tpu.memory_space<semaphore_mem>>
      tpu.enqueue_indirect_dma source(%dma_start3A_309 : memref<50000x16xf32, #tpu.memory_space<hbm>>) target(%dma_start3A_299 : memref<128x16xf32, #tpu.memory_space<vmem>>) offsets(%dma_start3A_302 : memref<128xi32, #tpu.memory_space<vmem>>) semaphore(%dma_start3A_311 : memref<!tpu.dma_semaphore, #tpu.memory_space<semaphore_mem>>)
    }
    %scan3A_64 = arith.constant 24 : i32
    %scan3A_65 = arith.constant 0 : i32
    %scan3A_66 = arith.constant 0 : i32
    %scan3A_67 = arith.constant 8 : i32
    %scan3A_68 = arith.addi %scan3A_66, %scan3A_67 : i32
    %scan3A_69 = arith.constant 1 : i32
    scf.for %scan3A_195 = %scan3A_66 to %scan3A_68 step %scan3A_69  : i32 {
      %mul3A_196 = arith.constant 128 : i32
      %mul3A_197 = arith.muli %scan3A_195, %mul3A_196 : i32
      %multiple_of3A_198 = tpu.assume_multiple %mul3A_197, 128 : i32
      %dma_wait3A = arith.constant 0 : i32
      %dma_wait3A_199 = tpu.memref_slice %arg14[%multiple_of3A_198, %dma_wait3A] : memref<1024x16xf32, #tpu.memory_space<vmem>> -> memref<128x16xf32, #tpu.memory_space<vmem>>
      %dma_wait3A_200 = arith.constant 0 : i32
      %dma_wait3A_201 = tpu.memref_slice %arg9[%scan3A_195, %dma_wait3A_200] : memref<8x128xi32, #tpu.memory_space<vmem>> -> memref<1x128xi32, #tpu.memory_space<vmem>>
      %dma_wait3A_202 = tpu.memref_squeeze %dma_wait3A_201 : memref<1x128xi32, #tpu.memory_space<vmem>> -> memref<128xi32, #tpu.memory_space<vmem>>
      %dma_wait3A_203 = arith.constant 0 : i32
      %dma_wait3A_204 = arith.constant 0 : i32
      %dma_wait3A_205 = tpu.memref_slice %arg16[%dma_wait3A_203, %dma_wait3A_204] : memref<50000x16xf32, #tpu.memory_space<vmem_shared>> -> memref<50000x16xf32, #tpu.memory_space<vmem_shared>>
      %dma_wait3A_206 = tpu.memref_slice %arg18[%scan3A_195] : memref<8x!tpu.dma_semaphore, #tpu.memory_space<semaphore_mem>> -> memref<1x!tpu.dma_semaphore, #tpu.memory_space<semaphore_mem>>
      %dma_wait3A_207 = tpu.memref_squeeze %dma_wait3A_206 : memref<1x!tpu.dma_semaphore, #tpu.memory_space<semaphore_mem>> -> memref<!tpu.dma_semaphore, #tpu.memory_space<semaphore_mem>>
      tpu.wait_indirect_dma semaphore(%dma_wait3A_207 : memref<!tpu.dma_semaphore, #tpu.memory_space<semaphore_mem>>) src(%dma_wait3A_199 : memref<128x16xf32, #tpu.memory_space<vmem>>) dst(%dma_wait3A_205 : memref<50000x16xf32, #tpu.memory_space<vmem_shared>>)
    }
    %scan3A_70 = arith.constant 8 : i32
    %scan3A_71 = arith.constant 0 : i32
    %scan3A_72 = arith.constant 0 : i32
    %scan3A_73 = arith.constant 8 : i32
    %scan3A_74 = arith.addi %scan3A_72, %scan3A_73 : i32
    %scan3A_75 = arith.constant 1 : i32
    scf.for %scan3A_195 = %scan3A_72 to %scan3A_74 step %scan3A_75  : i32 {
      %mul3A_196 = arith.constant 128 : i32
      %mul3A_197 = arith.muli %scan3A_195, %mul3A_196 : i32
      %multiple_of3A_198 = tpu.assume_multiple %mul3A_197, 128 : i32
      %dma_wait3A = arith.constant 0 : i32
      %dma_wait3A_199 = tpu.memref_slice %arg15[%multiple_of3A_198, %dma_wait3A] : memref<1024x16xf32, #tpu.memory_space<vmem>> -> memref<128x16xf32, #tpu.memory_space<vmem>>
      %dma_wait3A_200 = arith.constant 0 : i32
      %dma_wait3A_201 = tpu.memref_slice %arg11[%scan3A_195, %dma_wait3A_200] : memref<8x128xi32, #tpu.memory_space<vmem>> -> memref<1x128xi32, #tpu.memory_space<vmem>>
      %dma_wait3A_202 = tpu.memref_squeeze %dma_wait3A_201 : memref<1x128xi32, #tpu.memory_space<vmem>> -> memref<128xi32, #tpu.memory_space<vmem>>
      %dma_wait3A_203 = arith.constant 0 : i32
      %dma_wait3A_204 = arith.constant 0 : i32
      %dma_wait3A_205 = tpu.memref_slice %arg2[%add3A_5, %dma_wait3A_203, %dma_wait3A_204] : memref<4x50000x16xf32, #tpu.memory_space<hbm>> -> memref<1x50000x16xf32, #tpu.memory_space<hbm>>
      %dma_wait3A_206 = tpu.memref_squeeze %dma_wait3A_205 : memref<1x50000x16xf32, #tpu.memory_space<hbm>> -> memref<50000x16xf32, #tpu.memory_space<hbm>>
      %dma_wait3A_207 = arith.constant 0 : i32
      %dma_wait3A_208 = arith.constant 0 : i32
      %dma_wait3A_209 = tpu.memref_slice %dma_wait3A_206[%dma_wait3A_207, %dma_wait3A_208] : memref<50000x16xf32, #tpu.memory_space<hbm>> -> memref<50000x16xf32, #tpu.memory_space<hbm>>
      %dma_wait3A_210 = tpu.memref_slice %arg17[%scan3A_195] : memref<8x!tpu.dma_semaphore, #tpu.memory_space<semaphore_mem>> -> memref<1x!tpu.dma_semaphore, #tpu.memory_space<semaphore_mem>>
      %dma_wait3A_211 = tpu.memref_squeeze %dma_wait3A_210 : memref<1x!tpu.dma_semaphore, #tpu.memory_space<semaphore_mem>> -> memref<!tpu.dma_semaphore, #tpu.memory_space<semaphore_mem>>
      tpu.wait_indirect_dma semaphore(%dma_wait3A_211 : memref<!tpu.dma_semaphore, #tpu.memory_space<semaphore_mem>>) src(%dma_wait3A_209 : memref<50000x16xf32, #tpu.memory_space<hbm>>) dst(%dma_wait3A_199 : memref<128x16xf32, #tpu.memory_space<vmem>>)
      %scan3A_212 = arith.constant 0 : i32
      %scan3A_213 = arith.constant 0 : i32
      %scan3A_214 = arith.constant 8 : i32
      %scan3A_215 = arith.addi %scan3A_213, %scan3A_214 : i32
      %scan3A_216 = arith.constant 1 : i32
      scf.for %scan3A_231 = %scan3A_213 to %scan3A_215 step %scan3A_216  : i32 {
        %mul3A_232 = arith.constant 8 : i32
        %mul3A_233 = arith.muli %scan3A_195, %mul3A_232 : i32
        %add3A_234 = arith.addi %mul3A_233, %scan3A_231 : i32
        %get3A = arith.index_cast %add3A_234 : i32 to index
        %get3A_235 = arith.constant 0 : index
        %get3A_236 = tpu.vector_load %arg13[%get3A, %get3A_235] {strides = array<i32>} : memref<64x16xf32, #tpu.memory_space<vmem>>, vector<1x16xf32>,
        %get3A_237 = vector.shape_cast %get3A_236 : vector<1x16xf32> to vector<16xf32>
        %mul3A_238 = arith.constant 16 : i32
        %mul3A_239 = arith.muli %add3A_234, %mul3A_238 : i32
        %add3A_240 = arith.constant 0 : i32
        %add3A_241 = arith.addi %mul3A_239, %add3A_240 : i32
        %slice3A = vector.extract_strided_slice %get3A_237 {offsets = [0], sizes = [1], strides = [1]} : vector<16xf32> to vector<1xf32>
        %squeeze3A = vector.extract %slice3A[0] : f32 from vector<1xf32>
        %get3A_242 = arith.index_cast %add3A_241 : i32 to index
        %get3A_243 = arith.constant 0 : index
        %get3A_244 = tpu.vector_load %arg15[%get3A_242, %get3A_243] {strides = array<i32>} : memref<1024x16xf32, #tpu.memory_space<vmem>>, vector<1x16xf32>,
        %get3A_245 = vector.shape_cast %get3A_244 : vector<1x16xf32> to vector<16xf32>
        %mul3A_246 = vector.broadcast %squeeze3A : f32 to vector<16xf32>
        %mul3A_247 = arith.mulf %get3A_245, %mul3A_246 : vector<16xf32>
        %swap3A = arith.index_cast %add3A_241 : i32 to index
        %swap3A_248 = arith.constant 0 : index
        %swap3A_249 = tpu.vector_load %arg15[%swap3A, %swap3A_248] {strides = array<i32>} : memref<1024x16xf32, #tpu.memory_space<vmem>>, vector<1x16xf32>,
        %swap3A_250 = vector.shape_cast %swap3A_249 : vector<1x16xf32> to vector<16xf32>
        %swap3A_251 = vector.shape_cast %mul3A_247 : vector<16xf32> to vector<1x16xf32>
        tpu.vector_store %arg15[%swap3A, %swap3A_248], %swap3A_251 {strides = array<i32>} : memref<1024x16xf32, #tpu.memory_space<vmem>>, vector<1x16xf32>,
        %mul3A_252 = arith.constant 16 : i32
        %mul3A_253 = arith.muli %add3A_234, %mul3A_252 : i32
        %add3A_254 = arith.constant 1 : i32
        %add3A_255 = arith.addi %mul3A_253, %add3A_254 : i32
        %slice3A_256 = vector.extract_strided_slice %get3A_237 {offsets = [1], sizes = [1], strides = [1]} : vector<16xf32> to vector<1xf32>
        %squeeze3A_257 = vector.extract %slice3A_256[0] : f32 from vector<1xf32>
        %get3A_258 = arith.index_cast %add3A_255 : i32 to index
        %get3A_259 = arith.constant 0 : index
        %get3A_260 = tpu.vector_load %arg15[%get3A_258, %get3A_259] {strides = array<i32>} : memref<1024x16xf32, #tpu.memory_space<vmem>>, vector<1x16xf32>,
        %get3A_261 = vector.shape_cast %get3A_260 : vector<1x16xf32> to vector<16xf32>
        %mul3A_262 = vector.broadcast %squeeze3A_257 : f32 to vector<16xf32>
        %mul3A_263 = arith.mulf %get3A_261, %mul3A_262 : vector<16xf32>
        %swap3A_264 = arith.index_cast %add3A_255 : i32 to index
        %swap3A_265 = arith.constant 0 : index
        %swap3A_266 = tpu.vector_load %arg15[%swap3A_264, %swap3A_265] {strides = array<i32>} : memref<1024x16xf32, #tpu.memory_space<vmem>>, vector<1x16xf32>,
        %swap3A_267 = vector.shape_cast %swap3A_266 : vector<1x16xf32> to vector<16xf32>
        %swap3A_268 = vector.shape_cast %mul3A_263 : vector<16xf32> to vector<1x16xf32>
        tpu.vector_store %arg15[%swap3A_264, %swap3A_265], %swap3A_268 {strides = array<i32>} : memref<1024x16xf32, #tpu.memory_space<vmem>>, vector<1x16xf32>,
        %mul3A_269 = arith.constant 16 : i32
        %mul3A_270 = arith.muli %add3A_234, %mul3A_269 : i32
        %add3A_271 = arith.constant 2 : i32
        %add3A_272 = arith.addi %mul3A_270, %add3A_271 : i32
        %slice3A_273 = vector.extract_strided_slice %get3A_237 {offsets = [2], sizes = [1], strides = [1]} : vector<16xf32> to vector<1xf32>
        %squeeze3A_274 = vector.extract %slice3A_273[0] : f32 from vector<1xf32>
        %get3A_275 = arith.index_cast %add3A_272 : i32 to index
        %get3A_276 = arith.constant 0 : index
        %get3A_277 = tpu.vector_load %arg15[%get3A_275, %get3A_276] {strides = array<i32>} : memref<1024x16xf32, #tpu.memory_space<vmem>>, vector<1x16xf32>,
        %get3A_278 = vector.shape_cast %get3A_277 : vector<1x16xf32> to vector<16xf32>
        %mul3A_279 = vector.broadcast %squeeze3A_274 : f32 to vector<16xf32>
        %mul3A_280 = arith.mulf %get3A_278, %mul3A_279 : vector<16xf32>
        %swap3A_281 = arith.index_cast %add3A_272 : i32 to index
        %swap3A_282 = arith.constant 0 : index
        %swap3A_283 = tpu.vector_load %arg15[%swap3A_281, %swap3A_282] {strides = array<i32>} : memref<1024x16xf32, #tpu.memory_space<vmem>>, vector<1x16xf32>,
        %swap3A_284 = vector.shape_cast %swap3A_283 : vector<1x16xf32> to vector<16xf32>
        %swap3A_285 = vector.shape_cast %mul3A_280 : vector<16xf32> to vector<1x16xf32>
        tpu.vector_store %arg15[%swap3A_281, %swap3A_282], %swap3A_285 {strides = array<i32>} : memref<1024x16xf32, #tpu.memory_space<vmem>>, vector<1x16xf32>,
        %mul3A_286 = arith.constant 16 : i32
        %mul3A_287 = arith.muli %add3A_234, %mul3A_286 : i32
        %add3A_288 = arith.constant 3 : i32
        %add3A_289 = arith.addi %mul3A_287, %add3A_288 : i32
        %slice3A_290 = vector.extract_strided_slice %get3A_237 {offsets = [3], sizes = [1], strides = [1]} : vector<16xf32> to vector<1xf32>
        %squeeze3A_291 = vector.extract %slice3A_290[0] : f32 from vector<1xf32>
        %get3A_292 = arith.index_cast %add3A_289 : i32 to index
        %get3A_293 = arith.constant 0 : index
        %get3A_294 = tpu.vector_load %arg15[%get3A_292, %get3A_293] {strides = array<i32>} : memref<1024x16xf32, #tpu.memory_space<vmem>>, vector<1x16xf32>,
        %get3A_295 = vector.shape_cast %get3A_294 : vector<1x16xf32> to vector<16xf32>
        %mul3A_296 = vector.broadcast %squeeze3A_291 : f32 to vector<16xf32>
        %mul3A_297 = arith.mulf %get3A_295, %mul3A_296 : vector<16xf32>
        %swap3A_298 = arith.index_cast %add3A_289 : i32 to index
        %swap3A_299 = arith.constant 0 : index
        %swap3A_300 = tpu.vector_load %arg15[%swap3A_298, %swap3A_299] {strides = array<i32>} : memref<1024x16xf32, #tpu.memory_space<vmem>>, vector<1x16xf32>,
        %swap3A_301 = vector.shape_cast %swap3A_300 : vector<1x16xf32> to vector<16xf32>
        %swap3A_302 = vector.shape_cast %mul3A_297 : vector<16xf32> to vector<1x16xf32>
        tpu.vector_store %arg15[%swap3A_298, %swap3A_299], %swap3A_302 {strides = array<i32>} : memref<1024x16xf32, #tpu.memory_space<vmem>>, vector<1x16xf32>,
        %mul3A_303 = arith.constant 16 : i32
        %mul3A_304 = arith.muli %add3A_234, %mul3A_303 : i32
        %add3A_305 = arith.constant 4 : i32
        %add3A_306 = arith.addi %mul3A_304, %add3A_305 : i32
        %slice3A_307 = vector.extract_strided_slice %get3A_237 {offsets = [4], sizes = [1], strides = [1]} : vector<16xf32> to vector<1xf32>
        %squeeze3A_308 = vector.extract %slice3A_307[0] : f32 from vector<1xf32>
        %get3A_309 = arith.index_cast %add3A_306 : i32 to index
        %get3A_310 = arith.constant 0 : index
        %get3A_311 = tpu.vector_load %arg15[%get3A_309, %get3A_310] {strides = array<i32>} : memref<1024x16xf32, #tpu.memory_space<vmem>>, vector<1x16xf32>,
        %get3A_312 = vector.shape_cast %get3A_311 : vector<1x16xf32> to vector<16xf32>
        %mul3A_313 = vector.broadcast %squeeze3A_308 : f32 to vector<16xf32>
        %mul3A_314 = arith.mulf %get3A_312, %mul3A_313 : vector<16xf32>
        %swap3A_315 = arith.index_cast %add3A_306 : i32 to index
        %swap3A_316 = arith.constant 0 : index
        %swap3A_317 = tpu.vector_load %arg15[%swap3A_315, %swap3A_316] {strides = array<i32>} : memref<1024x16xf32, #tpu.memory_space<vmem>>, vector<1x16xf32>,
        %swap3A_318 = vector.shape_cast %swap3A_317 : vector<1x16xf32> to vector<16xf32>
        %swap3A_319 = vector.shape_cast %mul3A_314 : vector<16xf32> to vector<1x16xf32>
        tpu.vector_store %arg15[%swap3A_315, %swap3A_316], %swap3A_319 {strides = array<i32>} : memref<1024x16xf32, #tpu.memory_space<vmem>>, vector<1x16xf32>,
        %mul3A_320 = arith.constant 16 : i32
        %mul3A_321 = arith.muli %add3A_234, %mul3A_320 : i32
        %add3A_322 = arith.constant 5 : i32
        %add3A_323 = arith.addi %mul3A_321, %add3A_322 : i32
        %slice3A_324 = vector.extract_strided_slice %get3A_237 {offsets = [5], sizes = [1], strides = [1]} : vector<16xf32> to vector<1xf32>
        %squeeze3A_325 = vector.extract %slice3A_324[0] : f32 from vector<1xf32>
        %get3A_326 = arith.index_cast %add3A_323 : i32 to index
        %get3A_327 = arith.constant 0 : index
        %get3A_328 = tpu.vector_load %arg15[%get3A_326, %get3A_327] {strides = array<i32>} : memref<1024x16xf32, #tpu.memory_space<vmem>>, vector<1x16xf32>,
        %get3A_329 = vector.shape_cast %get3A_328 : vector<1x16xf32> to vector<16xf32>
        %mul3A_330 = vector.broadcast %squeeze3A_325 : f32 to vector<16xf32>
        %mul3A_331 = arith.mulf %get3A_329, %mul3A_330 : vector<16xf32>
        %swap3A_332 = arith.index_cast %add3A_323 : i32 to index
        %swap3A_333 = arith.constant 0 : index
        %swap3A_334 = tpu.vector_load %arg15[%swap3A_332, %swap3A_333] {strides = array<i32>} : memref<1024x16xf32, #tpu.memory_space<vmem>>, vector<1x16xf32>,
        %swap3A_335 = vector.shape_cast %swap3A_334 : vector<1x16xf32> to vector<16xf32>
        %swap3A_336 = vector.shape_cast %mul3A_331 : vector<16xf32> to vector<1x16xf32>
        tpu.vector_store %arg15[%swap3A_332, %swap3A_333], %swap3A_336 {strides = array<i32>} : memref<1024x16xf32, #tpu.memory_space<vmem>>, vector<1x16xf32>,
        %mul3A_337 = arith.constant 16 : i32
        %mul3A_338 = arith.muli %add3A_234, %mul3A_337 : i32
        %add3A_339 = arith.constant 6 : i32
        %add3A_340 = arith.addi %mul3A_338, %add3A_339 : i32
        %slice3A_341 = vector.extract_strided_slice %get3A_237 {offsets = [6], sizes = [1], strides = [1]} : vector<16xf32> to vector<1xf32>
        %squeeze3A_342 = vector.extract %slice3A_341[0] : f32 from vector<1xf32>
        %get3A_343 = arith.index_cast %add3A_340 : i32 to index
        %get3A_344 = arith.constant 0 : index
        %get3A_345 = tpu.vector_load %arg15[%get3A_343, %get3A_344] {strides = array<i32>} : memref<1024x16xf32, #tpu.memory_space<vmem>>, vector<1x16xf32>,
        %get3A_346 = vector.shape_cast %get3A_345 : vector<1x16xf32> to vector<16xf32>
        %mul3A_347 = vector.broadcast %squeeze3A_342 : f32 to vector<16xf32>
        %mul3A_348 = arith.mulf %get3A_346, %mul3A_347 : vector<16xf32>
        %swap3A_349 = arith.index_cast %add3A_340 : i32 to index
        %swap3A_350 = arith.constant 0 : index
        %swap3A_351 = tpu.vector_load %arg15[%swap3A_349, %swap3A_350] {strides = array<i32>} : memref<1024x16xf32, #tpu.memory_space<vmem>>, vector<1x16xf32>,
        %swap3A_352 = vector.shape_cast %swap3A_351 : vector<1x16xf32> to vector<16xf32>
        %swap3A_353 = vector.shape_cast %mul3A_348 : vector<16xf32> to vector<1x16xf32>
        tpu.vector_store %arg15[%swap3A_349, %swap3A_350], %swap3A_353 {strides = array<i32>} : memref<1024x16xf32, #tpu.memory_space<vmem>>, vector<1x16xf32>,
        %mul3A_354 = arith.constant 16 : i32
        %mul3A_355 = arith.muli %add3A_234, %mul3A_354 : i32
        %add3A_356 = arith.constant 7 : i32
        %add3A_357 = arith.addi %mul3A_355, %add3A_356 : i32
        %slice3A_358 = vector.extract_strided_slice %get3A_237 {offsets = [7], sizes = [1], strides = [1]} : vector<16xf32> to vector<1xf32>
        %squeeze3A_359 = vector.extract %slice3A_358[0] : f32 from vector<1xf32>
        %get3A_360 = arith.index_cast %add3A_357 : i32 to index
        %get3A_361 = arith.constant 0 : index
        %get3A_362 = tpu.vector_load %arg15[%get3A_360, %get3A_361] {strides = array<i32>} : memref<1024x16xf32, #tpu.memory_space<vmem>>, vector<1x16xf32>,
        %get3A_363 = vector.shape_cast %get3A_362 : vector<1x16xf32> to vector<16xf32>
        %mul3A_364 = vector.broadcast %squeeze3A_359 : f32 to vector<16xf32>
        %mul3A_365 = arith.mulf %get3A_363, %mul3A_364 : vector<16xf32>
        %swap3A_366 = arith.index_cast %add3A_357 : i32 to index
        %swap3A_367 = arith.constant 0 : index
        %swap3A_368 = tpu.vector_load %arg15[%swap3A_366, %swap3A_367] {strides = array<i32>} : memref<1024x16xf32, #tpu.memory_space<vmem>>, vector<1x16xf32>,
        %swap3A_369 = vector.shape_cast %swap3A_368 : vector<1x16xf32> to vector<16xf32>
        %swap3A_370 = vector.shape_cast %mul3A_365 : vector<16xf32> to vector<1x16xf32>
        tpu.vector_store %arg15[%swap3A_366, %swap3A_367], %swap3A_370 {strides = array<i32>} : memref<1024x16xf32, #tpu.memory_space<vmem>>, vector<1x16xf32>,
        %mul3A_371 = arith.constant 16 : i32
        %mul3A_372 = arith.muli %add3A_234, %mul3A_371 : i32
        %add3A_373 = arith.constant 8 : i32
        %add3A_374 = arith.addi %mul3A_372, %add3A_373 : i32
        %slice3A_375 = vector.extract_strided_slice %get3A_237 {offsets = [8], sizes = [1], strides = [1]} : vector<16xf32> to vector<1xf32>
        %squeeze3A_376 = vector.extract %slice3A_375[0] : f32 from vector<1xf32>
        %get3A_377 = arith.index_cast %add3A_374 : i32 to index
        %get3A_378 = arith.constant 0 : index
        %get3A_379 = tpu.vector_load %arg15[%get3A_377, %get3A_378] {strides = array<i32>} : memref<1024x16xf32, #tpu.memory_space<vmem>>, vector<1x16xf32>,
        %get3A_380 = vector.shape_cast %get3A_379 : vector<1x16xf32> to vector<16xf32>
        %mul3A_381 = vector.broadcast %squeeze3A_376 : f32 to vector<16xf32>
        %mul3A_382 = arith.mulf %get3A_380, %mul3A_381 : vector<16xf32>
        %swap3A_383 = arith.index_cast %add3A_374 : i32 to index
        %swap3A_384 = arith.constant 0 : index
        %swap3A_385 = tpu.vector_load %arg15[%swap3A_383, %swap3A_384] {strides = array<i32>} : memref<1024x16xf32, #tpu.memory_space<vmem>>, vector<1x16xf32>,
        %swap3A_386 = vector.shape_cast %swap3A_385 : vector<1x16xf32> to vector<16xf32>
        %swap3A_387 = vector.shape_cast %mul3A_382 : vector<16xf32> to vector<1x16xf32>
        tpu.vector_store %arg15[%swap3A_383, %swap3A_384], %swap3A_387 {strides = array<i32>} : memref<1024x16xf32, #tpu.memory_space<vmem>>, vector<1x16xf32>,
        %mul3A_388 = arith.constant 16 : i32
        %mul3A_389 = arith.muli %add3A_234, %mul3A_388 : i32
        %add3A_390 = arith.constant 9 : i32
        %add3A_391 = arith.addi %mul3A_389, %add3A_390 : i32
        %slice3A_392 = vector.extract_strided_slice %get3A_237 {offsets = [9], sizes = [1], strides = [1]} : vector<16xf32> to vector<1xf32>
        %squeeze3A_393 = vector.extract %slice3A_392[0] : f32 from vector<1xf32>
        %get3A_394 = arith.index_cast %add3A_391 : i32 to index
        %get3A_395 = arith.constant 0 : index
        %get3A_396 = tpu.vector_load %arg15[%get3A_394, %get3A_395] {strides = array<i32>} : memref<1024x16xf32, #tpu.memory_space<vmem>>, vector<1x16xf32>,
        %get3A_397 = vector.shape_cast %get3A_396 : vector<1x16xf32> to vector<16xf32>
        %mul3A_398 = vector.broadcast %squeeze3A_393 : f32 to vector<16xf32>
        %mul3A_399 = arith.mulf %get3A_397, %mul3A_398 : vector<16xf32>
        %swap3A_400 = arith.index_cast %add3A_391 : i32 to index
        %swap3A_401 = arith.constant 0 : index
        %swap3A_402 = tpu.vector_load %arg15[%swap3A_400, %swap3A_401] {strides = array<i32>} : memref<1024x16xf32, #tpu.memory_space<vmem>>, vector<1x16xf32>,
        %swap3A_403 = vector.shape_cast %swap3A_402 : vector<1x16xf32> to vector<16xf32>
        %swap3A_404 = vector.shape_cast %mul3A_399 : vector<16xf32> to vector<1x16xf32>
        tpu.vector_store %arg15[%swap3A_400, %swap3A_401], %swap3A_404 {strides = array<i32>} : memref<1024x16xf32, #tpu.memory_space<vmem>>, vector<1x16xf32>,
        %mul3A_405 = arith.constant 16 : i32
        %mul3A_406 = arith.muli %add3A_234, %mul3A_405 : i32
        %add3A_407 = arith.constant 10 : i32
        %add3A_408 = arith.addi %mul3A_406, %add3A_407 : i32
        %slice3A_409 = vector.extract_strided_slice %get3A_237 {offsets = [10], sizes = [1], strides = [1]} : vector<16xf32> to vector<1xf32>
        %squeeze3A_410 = vector.extract %slice3A_409[0] : f32 from vector<1xf32>
        %get3A_411 = arith.index_cast %add3A_408 : i32 to index
        %get3A_412 = arith.constant 0 : index
        %get3A_413 = tpu.vector_load %arg15[%get3A_411, %get3A_412] {strides = array<i32>} : memref<1024x16xf32, #tpu.memory_space<vmem>>, vector<1x16xf32>,
        %get3A_414 = vector.shape_cast %get3A_413 : vector<1x16xf32> to vector<16xf32>
        %mul3A_415 = vector.broadcast %squeeze3A_410 : f32 to vector<16xf32>
        %mul3A_416 = arith.mulf %get3A_414, %mul3A_415 : vector<16xf32>
        %swap3A_417 = arith.index_cast %add3A_408 : i32 to index
        %swap3A_418 = arith.constant 0 : index
        %swap3A_419 = tpu.vector_load %arg15[%swap3A_417, %swap3A_418] {strides = array<i32>} : memref<1024x16xf32, #tpu.memory_space<vmem>>, vector<1x16xf32>,
        %swap3A_420 = vector.shape_cast %swap3A_419 : vector<1x16xf32> to vector<16xf32>
        %swap3A_421 = vector.shape_cast %mul3A_416 : vector<16xf32> to vector<1x16xf32>
        tpu.vector_store %arg15[%swap3A_417, %swap3A_418], %swap3A_421 {strides = array<i32>} : memref<1024x16xf32, #tpu.memory_space<vmem>>, vector<1x16xf32>,
        %mul3A_422 = arith.constant 16 : i32
        %mul3A_423 = arith.muli %add3A_234, %mul3A_422 : i32
        %add3A_424 = arith.constant 11 : i32
        %add3A_425 = arith.addi %mul3A_423, %add3A_424 : i32
        %slice3A_426 = vector.extract_strided_slice %get3A_237 {offsets = [11], sizes = [1], strides = [1]} : vector<16xf32> to vector<1xf32>
        %squeeze3A_427 = vector.extract %slice3A_426[0] : f32 from vector<1xf32>
        %get3A_428 = arith.index_cast %add3A_425 : i32 to index
        %get3A_429 = arith.constant 0 : index
        %get3A_430 = tpu.vector_load %arg15[%get3A_428, %get3A_429] {strides = array<i32>} : memref<1024x16xf32, #tpu.memory_space<vmem>>, vector<1x16xf32>,
        %get3A_431 = vector.shape_cast %get3A_430 : vector<1x16xf32> to vector<16xf32>
        %mul3A_432 = vector.broadcast %squeeze3A_427 : f32 to vector<16xf32>
        %mul3A_433 = arith.mulf %get3A_431, %mul3A_432 : vector<16xf32>
        %swap3A_434 = arith.index_cast %add3A_425 : i32 to index
        %swap3A_435 = arith.constant 0 : index
        %swap3A_436 = tpu.vector_load %arg15[%swap3A_434, %swap3A_435] {strides = array<i32>} : memref<1024x16xf32, #tpu.memory_space<vmem>>, vector<1x16xf32>,
        %swap3A_437 = vector.shape_cast %swap3A_436 : vector<1x16xf32> to vector<16xf32>
        %swap3A_438 = vector.shape_cast %mul3A_433 : vector<16xf32> to vector<1x16xf32>
        tpu.vector_store %arg15[%swap3A_434, %swap3A_435], %swap3A_438 {strides = array<i32>} : memref<1024x16xf32, #tpu.memory_space<vmem>>, vector<1x16xf32>,
        %mul3A_439 = arith.constant 16 : i32
        %mul3A_440 = arith.muli %add3A_234, %mul3A_439 : i32
        %add3A_441 = arith.constant 12 : i32
        %add3A_442 = arith.addi %mul3A_440, %add3A_441 : i32
        %slice3A_443 = vector.extract_strided_slice %get3A_237 {offsets = [12], sizes = [1], strides = [1]} : vector<16xf32> to vector<1xf32>
        %squeeze3A_444 = vector.extract %slice3A_443[0] : f32 from vector<1xf32>
        %get3A_445 = arith.index_cast %add3A_442 : i32 to index
        %get3A_446 = arith.constant 0 : index
        %get3A_447 = tpu.vector_load %arg15[%get3A_445, %get3A_446] {strides = array<i32>} : memref<1024x16xf32, #tpu.memory_space<vmem>>, vector<1x16xf32>,
        %get3A_448 = vector.shape_cast %get3A_447 : vector<1x16xf32> to vector<16xf32>
        %mul3A_449 = vector.broadcast %squeeze3A_444 : f32 to vector<16xf32>
        %mul3A_450 = arith.mulf %get3A_448, %mul3A_449 : vector<16xf32>
        %swap3A_451 = arith.index_cast %add3A_442 : i32 to index
        %swap3A_452 = arith.constant 0 : index
        %swap3A_453 = tpu.vector_load %arg15[%swap3A_451, %swap3A_452] {strides = array<i32>} : memref<1024x16xf32, #tpu.memory_space<vmem>>, vector<1x16xf32>,
        %swap3A_454 = vector.shape_cast %swap3A_453 : vector<1x16xf32> to vector<16xf32>
        %swap3A_455 = vector.shape_cast %mul3A_450 : vector<16xf32> to vector<1x16xf32>
        tpu.vector_store %arg15[%swap3A_451, %swap3A_452], %swap3A_455 {strides = array<i32>} : memref<1024x16xf32, #tpu.memory_space<vmem>>, vector<1x16xf32>,
        %mul3A_456 = arith.constant 16 : i32
        %mul3A_457 = arith.muli %add3A_234, %mul3A_456 : i32
        %add3A_458 = arith.constant 13 : i32
        %add3A_459 = arith.addi %mul3A_457, %add3A_458 : i32
        %slice3A_460 = vector.extract_strided_slice %get3A_237 {offsets = [13], sizes = [1], strides = [1]} : vector<16xf32> to vector<1xf32>
        %squeeze3A_461 = vector.extract %slice3A_460[0] : f32 from vector<1xf32>
        %get3A_462 = arith.index_cast %add3A_459 : i32 to index
        %get3A_463 = arith.constant 0 : index
        %get3A_464 = tpu.vector_load %arg15[%get3A_462, %get3A_463] {strides = array<i32>} : memref<1024x16xf32, #tpu.memory_space<vmem>>, vector<1x16xf32>,
        %get3A_465 = vector.shape_cast %get3A_464 : vector<1x16xf32> to vector<16xf32>
        %mul3A_466 = vector.broadcast %squeeze3A_461 : f32 to vector<16xf32>
        %mul3A_467 = arith.mulf %get3A_465, %mul3A_466 : vector<16xf32>
        %swap3A_468 = arith.index_cast %add3A_459 : i32 to index
        %swap3A_469 = arith.constant 0 : index
        %swap3A_470 = tpu.vector_load %arg15[%swap3A_468, %swap3A_469] {strides = array<i32>} : memref<1024x16xf32, #tpu.memory_space<vmem>>, vector<1x16xf32>,
        %swap3A_471 = vector.shape_cast %swap3A_470 : vector<1x16xf32> to vector<16xf32>
        %swap3A_472 = vector.shape_cast %mul3A_467 : vector<16xf32> to vector<1x16xf32>
        tpu.vector_store %arg15[%swap3A_468, %swap3A_469], %swap3A_472 {strides = array<i32>} : memref<1024x16xf32, #tpu.memory_space<vmem>>, vector<1x16xf32>,
        %mul3A_473 = arith.constant 16 : i32
        %mul3A_474 = arith.muli %add3A_234, %mul3A_473 : i32
        %add3A_475 = arith.constant 14 : i32
        %add3A_476 = arith.addi %mul3A_474, %add3A_475 : i32
        %slice3A_477 = vector.extract_strided_slice %get3A_237 {offsets = [14], sizes = [1], strides = [1]} : vector<16xf32> to vector<1xf32>
        %squeeze3A_478 = vector.extract %slice3A_477[0] : f32 from vector<1xf32>
        %get3A_479 = arith.index_cast %add3A_476 : i32 to index
        %get3A_480 = arith.constant 0 : index
        %get3A_481 = tpu.vector_load %arg15[%get3A_479, %get3A_480] {strides = array<i32>} : memref<1024x16xf32, #tpu.memory_space<vmem>>, vector<1x16xf32>,
        %get3A_482 = vector.shape_cast %get3A_481 : vector<1x16xf32> to vector<16xf32>
        %mul3A_483 = vector.broadcast %squeeze3A_478 : f32 to vector<16xf32>
        %mul3A_484 = arith.mulf %get3A_482, %mul3A_483 : vector<16xf32>
        %swap3A_485 = arith.index_cast %add3A_476 : i32 to index
        %swap3A_486 = arith.constant 0 : index
        %swap3A_487 = tpu.vector_load %arg15[%swap3A_485, %swap3A_486] {strides = array<i32>} : memref<1024x16xf32, #tpu.memory_space<vmem>>, vector<1x16xf32>,
        %swap3A_488 = vector.shape_cast %swap3A_487 : vector<1x16xf32> to vector<16xf32>
        %swap3A_489 = vector.shape_cast %mul3A_484 : vector<16xf32> to vector<1x16xf32>
        tpu.vector_store %arg15[%swap3A_485, %swap3A_486], %swap3A_489 {strides = array<i32>} : memref<1024x16xf32, #tpu.memory_space<vmem>>, vector<1x16xf32>,
        %mul3A_490 = arith.constant 16 : i32
        %mul3A_491 = arith.muli %add3A_234, %mul3A_490 : i32
        %add3A_492 = arith.constant 15 : i32
        %add3A_493 = arith.addi %mul3A_491, %add3A_492 : i32
        %slice3A_494 = vector.extract_strided_slice %get3A_237 {offsets = [15], sizes = [1], strides = [1]} : vector<16xf32> to vector<1xf32>
        %squeeze3A_495 = vector.extract %slice3A_494[0] : f32 from vector<1xf32>
        %get3A_496 = arith.index_cast %add3A_493 : i32 to index
        %get3A_497 = arith.constant 0 : index
        %get3A_498 = tpu.vector_load %arg15[%get3A_496, %get3A_497] {strides = array<i32>} : memref<1024x16xf32, #tpu.memory_space<vmem>>, vector<1x16xf32>,
        %get3A_499 = vector.shape_cast %get3A_498 : vector<1x16xf32> to vector<16xf32>
        %mul3A_500 = vector.broadcast %squeeze3A_495 : f32 to vector<16xf32>
        %mul3A_501 = arith.mulf %get3A_499, %mul3A_500 : vector<16xf32>
        %swap3A_502 = arith.index_cast %add3A_493 : i32 to index
        %swap3A_503 = arith.constant 0 : index
        %swap3A_504 = tpu.vector_load %arg15[%swap3A_502, %swap3A_503] {strides = array<i32>} : memref<1024x16xf32, #tpu.memory_space<vmem>>, vector<1x16xf32>,
        %swap3A_505 = vector.shape_cast %swap3A_504 : vector<1x16xf32> to vector<16xf32>
        %swap3A_506 = vector.shape_cast %mul3A_501 : vector<16xf32> to vector<1x16xf32>
        tpu.vector_store %arg15[%swap3A_502, %swap3A_503], %swap3A_506 {strides = array<i32>} : memref<1024x16xf32, #tpu.memory_space<vmem>>, vector<1x16xf32>,
      }
      %scan3A_217 = arith.constant 8 : i32
      %mul3A_218 = arith.constant 128 : i32
      %mul3A_219 = arith.muli %scan3A_195, %mul3A_218 : i32
      %multiple_of3A_220 = tpu.assume_multiple %mul3A_219, 128 : i32
      %dma_start3A_221 = arith.constant 0 : i32
      %dma_start3A_222 = tpu.memref_slice %arg15[%multiple_of3A_220, %dma_start3A_221] : memref<1024x16xf32, #tpu.memory_space<vmem>> -> memref<128x16xf32, #tpu.memory_space<vmem>>
      %dma_start3A_223 = arith.constant 0 : i32
      %dma_start3A_224 = tpu.memref_slice %arg12[%scan3A_195, %dma_start3A_223] : memref<8x128xi32, #tpu.memory_space<vmem>> -> memref<1x128xi32, #tpu.memory_space<vmem>>
      %dma_start3A_225 = tpu.memref_squeeze %dma_start3A_224 : memref<1x128xi32, #tpu.memory_space<vmem>> -> memref<128xi32, #tpu.memory_space<vmem>>
      %dma_start3A_226 = arith.constant 0 : i32
      %dma_start3A_227 = arith.constant 0 : i32
      %dma_start3A_228 = tpu.memref_slice %arg16[%dma_start3A_226, %dma_start3A_227] : memref<50000x16xf32, #tpu.memory_space<vmem_shared>> -> memref<50000x16xf32, #tpu.memory_space<vmem_shared>>
      %dma_start3A_229 = tpu.memref_slice %arg18[%scan3A_195] : memref<8x!tpu.dma_semaphore, #tpu.memory_space<semaphore_mem>> -> memref<1x!tpu.dma_semaphore, #tpu.memory_space<semaphore_mem>>
      %dma_start3A_230 = tpu.memref_squeeze %dma_start3A_229 : memref<1x!tpu.dma_semaphore, #tpu.memory_space<semaphore_mem>> -> memref<!tpu.dma_semaphore, #tpu.memory_space<semaphore_mem>>
      tpu.enqueue_indirect_dma source(%dma_start3A_222 : memref<128x16xf32, #tpu.memory_space<vmem>>) target(%dma_start3A_228 : memref<50000x16xf32, #tpu.memory_space<vmem_shared>>) offsets(%dma_start3A_225 : memref<128xi32, #tpu.memory_space<vmem>>) semaphore(%dma_start3A_230 : memref<!tpu.dma_semaphore, #tpu.memory_space<semaphore_mem>>) {add = true}
    }
    %scan3A_76 = arith.constant 8 : i32
    %scan3A_77 = arith.constant 0 : i32
    %scan3A_78 = arith.constant 0 : i32
    %scan3A_79 = arith.constant 8 : i32
    %scan3A_80 = arith.addi %scan3A_78, %scan3A_79 : i32
    %scan3A_81 = arith.constant 1 : i32
    scf.for %scan3A_195 = %scan3A_78 to %scan3A_80 step %scan3A_81  : i32 {
      %mul3A_196 = arith.constant 128 : i32
      %mul3A_197 = arith.muli %scan3A_195, %mul3A_196 : i32
      %multiple_of3A_198 = tpu.assume_multiple %mul3A_197, 128 : i32
      %dma_wait3A = arith.constant 0 : i32
      %dma_wait3A_199 = tpu.memref_slice %arg15[%multiple_of3A_198, %dma_wait3A] : memref<1024x16xf32, #tpu.memory_space<vmem>> -> memref<128x16xf32, #tpu.memory_space<vmem>>
      %dma_wait3A_200 = arith.constant 0 : i32
      %dma_wait3A_201 = tpu.memref_slice %arg12[%scan3A_195, %dma_wait3A_200] : memref<8x128xi32, #tpu.memory_space<vmem>> -> memref<1x128xi32, #tpu.memory_space<vmem>>
      %dma_wait3A_202 = tpu.memref_squeeze %dma_wait3A_201 : memref<1x128xi32, #tpu.memory_space<vmem>> -> memref<128xi32, #tpu.memory_space<vmem>>
      %dma_wait3A_203 = arith.constant 0 : i32
      %dma_wait3A_204 = arith.constant 0 : i32
      %dma_wait3A_205 = tpu.memref_slice %arg16[%dma_wait3A_203, %dma_wait3A_204] : memref<50000x16xf32, #tpu.memory_space<vmem_shared>> -> memref<50000x16xf32, #tpu.memory_space<vmem_shared>>
      %dma_wait3A_206 = tpu.memref_slice %arg18[%scan3A_195] : memref<8x!tpu.dma_semaphore, #tpu.memory_space<semaphore_mem>> -> memref<1x!tpu.dma_semaphore, #tpu.memory_space<semaphore_mem>>
      %dma_wait3A_207 = tpu.memref_squeeze %dma_wait3A_206 : memref<1x!tpu.dma_semaphore, #tpu.memory_space<semaphore_mem>> -> memref<!tpu.dma_semaphore, #tpu.memory_space<semaphore_mem>>
      tpu.wait_indirect_dma semaphore(%dma_wait3A_207 : memref<!tpu.dma_semaphore, #tpu.memory_space<semaphore_mem>>) src(%dma_wait3A_199 : memref<128x16xf32, #tpu.memory_space<vmem>>) dst(%dma_wait3A_205 : memref<50000x16xf32, #tpu.memory_space<vmem_shared>>)
    }
    %scan3A_82 = arith.constant 8 : i32
    %barrier3A_83 = arith.constant 0 : index
    tpu.barrier barrier_id(%barrier3A_83)
    %lt3A_84 = arith.constant 15 : i32
    %lt3A_85 = arith.cmpi slt, %arg1, %lt3A_84 : i32
    %convert_element_type3A_86 = arith.extui %lt3A_85 : i1 to i32
    %cond3A_87 = arith.constant 0 : i32
    %cond3A_88 = arith.cmpi ne, %convert_element_type3A_86, %cond3A_87 : i32
    scf.if %cond3A_88 {
      %mul3A_195 = arith.constant 3128 : i32
      %mul3A_196 = arith.muli %arg1, %mul3A_195 : i32
      %multiple_of3A_197 = tpu.assume_multiple %mul3A_196, 8 : i32
      "tpu.region"() ({
        %run_scoped3A = tpu.sem_alloc : memref<!tpu.dma_semaphore, #tpu.memory_space<semaphore_mem>>
        %dma_start3A_198 = arith.constant 0 : i32
        %dma_start3A_199 = arith.constant 0 : i32
        %dma_start3A_200 = tpu.memref_slice %arg7[%add3A_5, %dma_start3A_198, %dma_start3A_199] : memref<4x50000x16xf32, #tpu.memory_space<hbm>> -> memref<1x50000x16xf32, #tpu.memory_space<hbm>>
        %dma_start3A_201 = tpu.memref_squeeze %dma_start3A_200 : memref<1x50000x16xf32, #tpu.memory_space<hbm>> -> memref<50000x16xf32, #tpu.memory_space<hbm>>
        %dma_start3A_202 = arith.constant 0 : i32
        %dma_start3A_203 = tpu.memref_slice %dma_start3A_201[%multiple_of3A_197, %dma_start3A_202] : memref<50000x16xf32, #tpu.memory_space<hbm>> -> memref<3128x16xf32, #tpu.memory_space<hbm>>
        %dma_start3A_204 = arith.constant 0 : i32
        %dma_start3A_205 = tpu.memref_slice %arg16[%multiple_of3A_197, %dma_start3A_204] : memref<50000x16xf32, #tpu.memory_space<vmem_shared>> -> memref<3128x16xf32, #tpu.memory_space<vmem_shared>>
        tpu.enqueue_dma source(%dma_start3A_205 : memref<3128x16xf32, #tpu.memory_space<vmem_shared>>) target(%dma_start3A_203 : memref<3128x16xf32, #tpu.memory_space<hbm>>) target_semaphore(%run_scoped3A : memref<!tpu.dma_semaphore, #tpu.memory_space<semaphore_mem>>)
        %dma_wait3A = arith.constant 0 : i32
        %dma_wait3A_206 = arith.constant 0 : i32
        %dma_wait3A_207 = tpu.memref_slice %arg7[%add3A_5, %dma_wait3A, %dma_wait3A_206] : memref<4x50000x16xf32, #tpu.memory_space<hbm>> -> memref<1x50000x16xf32, #tpu.memory_space<hbm>>
        %dma_wait3A_208 = tpu.memref_squeeze %dma_wait3A_207 : memref<1x50000x16xf32, #tpu.memory_space<hbm>> -> memref<50000x16xf32, #tpu.memory_space<hbm>>
        %dma_wait3A_209 = arith.constant 0 : i32
        %dma_wait3A_210 = tpu.memref_slice %dma_wait3A_208[%multiple_of3A_197, %dma_wait3A_209] : memref<50000x16xf32, #tpu.memory_space<hbm>> -> memref<3128x16xf32, #tpu.memory_space<hbm>>
        %dma_wait3A_211 = arith.constant 0 : i32
        %dma_wait3A_212 = tpu.memref_slice %arg16[%multiple_of3A_197, %dma_wait3A_211] : memref<50000x16xf32, #tpu.memory_space<vmem_shared>> -> memref<3128x16xf32, #tpu.memory_space<vmem_shared>>
        tpu.wait_dma2 semaphore(%run_scoped3A : memref<!tpu.dma_semaphore, #tpu.memory_space<semaphore_mem>>) src(%dma_wait3A_212 : memref<3128x16xf32, #tpu.memory_space<vmem_shared>>) dst(%dma_wait3A_210 : memref<3128x16xf32, #tpu.memory_space<hbm>>)
        tpu.yield
      }) : () -> ()
    } else {
    }
    %eq3A_89 = arith.constant 15 : i32
    %eq3A_90 = arith.cmpi eq, %arg1, %eq3A_89 : i32
    %convert_element_type3A_91 = arith.extui %eq3A_90 : i1 to i32
    %cond3A_92 = arith.constant 0 : i32
    %cond3A_93 = arith.cmpi ne, %convert_element_type3A_91, %cond3A_92 : i32
    scf.if %cond3A_93 {
      "tpu.region"() ({
        %run_scoped3A = tpu.sem_alloc : memref<!tpu.dma_semaphore, #tpu.memory_space<semaphore_mem>>
        %dma_start3A_195 = arith.constant 0 : i32
        %dma_start3A_196 = arith.constant 0 : i32
        %dma_start3A_197 = tpu.memref_slice %arg7[%add3A_5, %dma_start3A_195, %dma_start3A_196] : memref<4x50000x16xf32, #tpu.memory_space<hbm>> -> memref<1x50000x16xf32, #tpu.memory_space<hbm>>
        %dma_start3A_198 = tpu.memref_squeeze %dma_start3A_197 : memref<1x50000x16xf32, #tpu.memory_space<hbm>> -> memref<50000x16xf32, #tpu.memory_space<hbm>>
        %dma_start3A_199 = arith.constant 46920 : i32
        %dma_start3A_200 = arith.constant 0 : i32
        %dma_start3A_201 = tpu.memref_slice %dma_start3A_198[%dma_start3A_199, %dma_start3A_200] : memref<50000x16xf32, #tpu.memory_space<hbm>> -> memref<3080x16xf32, #tpu.memory_space<hbm>>
        %dma_start3A_202 = arith.constant 46920 : i32
        %dma_start3A_203 = arith.constant 0 : i32
        %dma_start3A_204 = tpu.memref_slice %arg16[%dma_start3A_202, %dma_start3A_203] : memref<50000x16xf32, #tpu.memory_space<vmem_shared>> -> memref<3080x16xf32, #tpu.memory_space<vmem_shared>>
        tpu.enqueue_dma source(%dma_start3A_204 : memref<3080x16xf32, #tpu.memory_space<vmem_shared>>) target(%dma_start3A_201 : memref<3080x16xf32, #tpu.memory_space<hbm>>) target_semaphore(%run_scoped3A : memref<!tpu.dma_semaphore, #tpu.memory_space<semaphore_mem>>)
        %dma_wait3A = arith.constant 0 : i32
        %dma_wait3A_205 = arith.constant 0 : i32
        %dma_wait3A_206 = tpu.memref_slice %arg7[%add3A_5, %dma_wait3A, %dma_wait3A_205] : memref<4x50000x16xf32, #tpu.memory_space<hbm>> -> memref<1x50000x16xf32, #tpu.memory_space<hbm>>
        %dma_wait3A_207 = tpu.memref_squeeze %dma_wait3A_206 : memref<1x50000x16xf32, #tpu.memory_space<hbm>> -> memref<50000x16xf32, #tpu.memory_space<hbm>>
        %dma_wait3A_208 = arith.constant 46920 : i32
        %dma_wait3A_209 = arith.constant 0 : i32
        %dma_wait3A_210 = tpu.memref_slice %dma_wait3A_207[%dma_wait3A_208, %dma_wait3A_209] : memref<50000x16xf32, #tpu.memory_space<hbm>> -> memref<3080x16xf32, #tpu.memory_space<hbm>>
        %dma_wait3A_211 = arith.constant 46920 : i32
        %dma_wait3A_212 = arith.constant 0 : i32
        %dma_wait3A_213 = tpu.memref_slice %arg16[%dma_wait3A_211, %dma_wait3A_212] : memref<50000x16xf32, #tpu.memory_space<vmem_shared>> -> memref<3080x16xf32, #tpu.memory_space<vmem_shared>>
        tpu.wait_dma2 semaphore(%run_scoped3A : memref<!tpu.dma_semaphore, #tpu.memory_space<semaphore_mem>>) src(%dma_wait3A_213 : memref<3080x16xf32, #tpu.memory_space<vmem_shared>>) dst(%dma_wait3A_210 : memref<3080x16xf32, #tpu.memory_space<hbm>>)
        tpu.yield
      }) : () -> ()
    } else {
    }
    %barrier3A_94 = arith.constant 0 : index
    tpu.barrier barrier_id(%barrier3A_94)
    %mul3A_95 = arith.constant 2 : i32
    %mul3A_96 = arith.muli %arg0, %mul3A_95 : i32
    %add3A_97 = arith.constant 1 : i32
    %add3A_98 = arith.addi %mul3A_96, %add3A_97 : i32
    %lt3A_99 = arith.constant 15 : i32
    %lt3A_100 = arith.cmpi slt, %arg1, %lt3A_99 : i32
    %convert_element_type3A_101 = arith.extui %lt3A_100 : i1 to i32
    %cond3A_102 = arith.constant 0 : i32
    %cond3A_103 = arith.cmpi ne, %convert_element_type3A_101, %cond3A_102 : i32
    scf.if %cond3A_103 {
      %mul3A_195 = arith.constant 3128 : i32
      %mul3A_196 = arith.muli %arg1, %mul3A_195 : i32
      %multiple_of3A_197 = tpu.assume_multiple %mul3A_196, 8 : i32
      "tpu.region"() ({
        %run_scoped3A = tpu.sem_alloc : memref<!tpu.dma_semaphore, #tpu.memory_space<semaphore_mem>>
        %dma_start3A_198 = arith.constant 0 : i32
        %dma_start3A_199 = tpu.memref_slice %arg16[%multiple_of3A_197, %dma_start3A_198] : memref<50000x16xf32, #tpu.memory_space<vmem_shared>> -> memref<3128x16xf32, #tpu.memory_space<vmem_shared>>
        %dma_start3A_200 = arith.constant 0 : i32
        %dma_start3A_201 = tpu.memref_slice %arg6[%multiple_of3A_197, %dma_start3A_200] : memref<50000x16xf32, #tpu.memory_space<hbm>> -> memref<3128x16xf32, #tpu.memory_space<hbm>>
        tpu.enqueue_dma source(%dma_start3A_201 : memref<3128x16xf32, #tpu.memory_space<hbm>>) target(%dma_start3A_199 : memref<3128x16xf32, #tpu.memory_space<vmem_shared>>) target_semaphore(%run_scoped3A : memref<!tpu.dma_semaphore, #tpu.memory_space<semaphore_mem>>)
        %dma_wait3A = arith.constant 0 : i32
        %dma_wait3A_202 = tpu.memref_slice %arg16[%multiple_of3A_197, %dma_wait3A] : memref<50000x16xf32, #tpu.memory_space<vmem_shared>> -> memref<3128x16xf32, #tpu.memory_space<vmem_shared>>
        %dma_wait3A_203 = arith.constant 0 : i32
        %dma_wait3A_204 = tpu.memref_slice %arg6[%multiple_of3A_197, %dma_wait3A_203] : memref<50000x16xf32, #tpu.memory_space<hbm>> -> memref<3128x16xf32, #tpu.memory_space<hbm>>
        tpu.wait_dma2 semaphore(%run_scoped3A : memref<!tpu.dma_semaphore, #tpu.memory_space<semaphore_mem>>) src(%dma_wait3A_204 : memref<3128x16xf32, #tpu.memory_space<hbm>>) dst(%dma_wait3A_202 : memref<3128x16xf32, #tpu.memory_space<vmem_shared>>)
        tpu.yield
      }) : () -> ()
    } else {
    }
    %eq3A_104 = arith.constant 15 : i32
    %eq3A_105 = arith.cmpi eq, %arg1, %eq3A_104 : i32
    %convert_element_type3A_106 = arith.extui %eq3A_105 : i1 to i32
    %cond3A_107 = arith.constant 0 : i32
    %cond3A_108 = arith.cmpi ne, %convert_element_type3A_106, %cond3A_107 : i32
    scf.if %cond3A_108 {
      "tpu.region"() ({
        %run_scoped3A = tpu.sem_alloc : memref<!tpu.dma_semaphore, #tpu.memory_space<semaphore_mem>>
        %dma_start3A_195 = arith.constant 46920 : i32
        %dma_start3A_196 = arith.constant 0 : i32
        %dma_start3A_197 = tpu.memref_slice %arg16[%dma_start3A_195, %dma_start3A_196] : memref<50000x16xf32, #tpu.memory_space<vmem_shared>> -> memref<3080x16xf32, #tpu.memory_space<vmem_shared>>
        %dma_start3A_198 = arith.constant 46920 : i32
        %dma_start3A_199 = arith.constant 0 : i32
        %dma_start3A_200 = tpu.memref_slice %arg6[%dma_start3A_198, %dma_start3A_199] : memref<50000x16xf32, #tpu.memory_space<hbm>> -> memref<3080x16xf32, #tpu.memory_space<hbm>>
        tpu.enqueue_dma source(%dma_start3A_200 : memref<3080x16xf32, #tpu.memory_space<hbm>>) target(%dma_start3A_197 : memref<3080x16xf32, #tpu.memory_space<vmem_shared>>) target_semaphore(%run_scoped3A : memref<!tpu.dma_semaphore, #tpu.memory_space<semaphore_mem>>)
        %dma_wait3A = arith.constant 46920 : i32
        %dma_wait3A_201 = arith.constant 0 : i32
        %dma_wait3A_202 = tpu.memref_slice %arg16[%dma_wait3A, %dma_wait3A_201] : memref<50000x16xf32, #tpu.memory_space<vmem_shared>> -> memref<3080x16xf32, #tpu.memory_space<vmem_shared>>
        %dma_wait3A_203 = arith.constant 46920 : i32
        %dma_wait3A_204 = arith.constant 0 : i32
        %dma_wait3A_205 = tpu.memref_slice %arg6[%dma_wait3A_203, %dma_wait3A_204] : memref<50000x16xf32, #tpu.memory_space<hbm>> -> memref<3080x16xf32, #tpu.memory_space<hbm>>
        tpu.wait_dma2 semaphore(%run_scoped3A : memref<!tpu.dma_semaphore, #tpu.memory_space<semaphore_mem>>) src(%dma_wait3A_205 : memref<3080x16xf32, #tpu.memory_space<hbm>>) dst(%dma_wait3A_202 : memref<3080x16xf32, #tpu.memory_space<vmem_shared>>)
        tpu.yield
      }) : () -> ()
    } else {
    }
    %barrier3A_109 = arith.constant 0 : index
    tpu.barrier barrier_id(%barrier3A_109)
    %multiple_of3A_110 = tpu.assume_multiple %mul3A_0, 8 : i32
    "tpu.region"() ({
      %run_scoped3A = tpu.sem_alloc : memref<!tpu.dma_semaphore, #tpu.memory_space<semaphore_mem>>
      %dma_start3A_195 = arith.constant 0 : i32
      %dma_start3A_196 = tpu.memref_slice %arg3[%multiple_of3A_110, %dma_start3A_195] : memref<6400x128xi32, #tpu.memory_space<hbm>> -> memref<8x128xi32, #tpu.memory_space<hbm>>
      %dma_start3A_197 = arith.constant 0 : i32
      %dma_start3A_198 = tpu.memref_slice %arg3[%multiple_of3A_110, %dma_start3A_197] : memref<6400x128xi32, #tpu.memory_space<hbm>> -> memref<8x128xi32, #tpu.memory_space<hbm>>
      tpu.enqueue_dma source(%dma_start3A_198 : memref<8x128xi32, #tpu.memory_space<hbm>>) target(%arg8 : memref<8x128xi32, #tpu.memory_space<vmem>>) target_semaphore(%run_scoped3A : memref<!tpu.dma_semaphore, #tpu.memory_space<semaphore_mem>>)
      %dma_wait3A = arith.constant 0 : i32
      %dma_wait3A_199 = tpu.memref_slice %arg3[%multiple_of3A_110, %dma_wait3A] : memref<6400x128xi32, #tpu.memory_space<hbm>> -> memref<8x128xi32, #tpu.memory_space<hbm>>
      %dma_wait3A_200 = arith.constant 0 : i32
      %dma_wait3A_201 = tpu.memref_slice %arg3[%multiple_of3A_110, %dma_wait3A_200] : memref<6400x128xi32, #tpu.memory_space<hbm>> -> memref<8x128xi32, #tpu.memory_space<hbm>>
      tpu.wait_dma2 semaphore(%run_scoped3A : memref<!tpu.dma_semaphore, #tpu.memory_space<semaphore_mem>>) src(%dma_wait3A_201 : memref<8x128xi32, #tpu.memory_space<hbm>>) dst(%arg8 : memref<8x128xi32, #tpu.memory_space<vmem>>)
      tpu.yield
    }) : () -> ()
    "tpu.region"() ({
      %run_scoped3A = tpu.sem_alloc : memref<!tpu.dma_semaphore, #tpu.memory_space<semaphore_mem>>
      %dma_start3A_195 = arith.constant 0 : i32
      %dma_start3A_196 = tpu.memref_slice %arg4[%multiple_of3A_110, %dma_start3A_195] : memref<6400x128xi32, #tpu.memory_space<hbm>> -> memref<8x128xi32, #tpu.memory_space<hbm>>
      %dma_start3A_197 = arith.constant 0 : i32
      %dma_start3A_198 = tpu.memref_slice %arg4[%multiple_of3A_110, %dma_start3A_197] : memref<6400x128xi32, #tpu.memory_space<hbm>> -> memref<8x128xi32, #tpu.memory_space<hbm>>
      tpu.enqueue_dma source(%dma_start3A_198 : memref<8x128xi32, #tpu.memory_space<hbm>>) target(%arg9 : memref<8x128xi32, #tpu.memory_space<vmem>>) target_semaphore(%run_scoped3A : memref<!tpu.dma_semaphore, #tpu.memory_space<semaphore_mem>>)
      %dma_wait3A = arith.constant 0 : i32
      %dma_wait3A_199 = tpu.memref_slice %arg4[%multiple_of3A_110, %dma_wait3A] : memref<6400x128xi32, #tpu.memory_space<hbm>> -> memref<8x128xi32, #tpu.memory_space<hbm>>
      %dma_wait3A_200 = arith.constant 0 : i32
      %dma_wait3A_201 = tpu.memref_slice %arg4[%multiple_of3A_110, %dma_wait3A_200] : memref<6400x128xi32, #tpu.memory_space<hbm>> -> memref<8x128xi32, #tpu.memory_space<hbm>>
      tpu.wait_dma2 semaphore(%run_scoped3A : memref<!tpu.dma_semaphore, #tpu.memory_space<semaphore_mem>>) src(%dma_wait3A_201 : memref<8x128xi32, #tpu.memory_space<hbm>>) dst(%arg9 : memref<8x128xi32, #tpu.memory_space<vmem>>)
      tpu.yield
    }) : () -> ()
    %multiple_of3A_111 = tpu.assume_multiple %mul3A_2, 8 : i32
    "tpu.region"() ({
      %run_scoped3A = tpu.sem_alloc : memref<!tpu.dma_semaphore, #tpu.memory_space<semaphore_mem>>
      %dma_start3A_195 = arith.constant 0 : i32
      %dma_start3A_196 = tpu.memref_slice %arg5[%multiple_of3A_111, %dma_start3A_195] : memref<51200x16xf32, #tpu.memory_space<hbm>> -> memref<64x16xf32, #tpu.memory_space<hbm>>
      %dma_start3A_197 = arith.constant 0 : i32
      %dma_start3A_198 = tpu.memref_slice %arg5[%multiple_of3A_111, %dma_start3A_197] : memref<51200x16xf32, #tpu.memory_space<hbm>> -> memref<64x16xf32, #tpu.memory_space<hbm>>
      tpu.enqueue_dma source(%dma_start3A_198 : memref<64x16xf32, #tpu.memory_space<hbm>>) target(%arg10 : memref<64x16xf32, #tpu.memory_space<vmem>>) target_semaphore(%run_scoped3A : memref<!tpu.dma_semaphore, #tpu.memory_space<semaphore_mem>>)
      %dma_wait3A = arith.constant 0 : i32
      %dma_wait3A_199 = tpu.memref_slice %arg5[%multiple_of3A_111, %dma_wait3A] : memref<51200x16xf32, #tpu.memory_space<hbm>> -> memref<64x16xf32, #tpu.memory_space<hbm>>
      %dma_wait3A_200 = arith.constant 0 : i32
      %dma_wait3A_201 = tpu.memref_slice %arg5[%multiple_of3A_111, %dma_wait3A_200] : memref<51200x16xf32, #tpu.memory_space<hbm>> -> memref<64x16xf32, #tpu.memory_space<hbm>>
      tpu.wait_dma2 semaphore(%run_scoped3A : memref<!tpu.dma_semaphore, #tpu.memory_space<semaphore_mem>>) src(%dma_wait3A_201 : memref<64x16xf32, #tpu.memory_space<hbm>>) dst(%arg10 : memref<64x16xf32, #tpu.memory_space<vmem>>)
      tpu.yield
    }) : () -> ()
    %scan3A_112 = arith.constant 0 : i32
    %scan3A_113 = arith.constant 0 : i32
    %scan3A_114 = arith.constant 8 : i32
    %scan3A_115 = arith.addi %scan3A_113, %scan3A_114 : i32
    %scan3A_116 = arith.constant 1 : i32
    scf.for %scan3A_195 = %scan3A_113 to %scan3A_115 step %scan3A_116  : i32 {
      %mul3A_196 = arith.constant 128 : i32
      %mul3A_197 = arith.muli %scan3A_195, %mul3A_196 : i32
      %multiple_of3A_198 = tpu.assume_multiple %mul3A_197, 128 : i32
      %dma_start3A_199 = arith.constant 0 : i32
      %dma_start3A_200 = tpu.memref_slice %arg14[%multiple_of3A_198, %dma_start3A_199] : memref<1024x16xf32, #tpu.memory_space<vmem>> -> memref<128x16xf32, #tpu.memory_space<vmem>>
      %dma_start3A_201 = arith.constant 0 : i32
      %dma_start3A_202 = tpu.memref_slice %arg8[%scan3A_195, %dma_start3A_201] : memref<8x128xi32, #tpu.memory_space<vmem>> -> memref<1x128xi32, #tpu.memory_space<vmem>>
      %dma_start3A_203 = tpu.memref_squeeze %dma_start3A_202 : memref<1x128xi32, #tpu.memory_space<vmem>> -> memref<128xi32, #tpu.memory_space<vmem>>
      %dma_start3A_204 = arith.constant 0 : i32
      %dma_start3A_205 = arith.constant 0 : i32
      %dma_start3A_206 = tpu.memref_slice %arg2[%add3A_98, %dma_start3A_204, %dma_start3A_205] : memref<4x50000x16xf32, #tpu.memory_space<hbm>> -> memref<1x50000x16xf32, #tpu.memory_space<hbm>>
      %dma_start3A_207 = tpu.memref_squeeze %dma_start3A_206 : memref<1x50000x16xf32, #tpu.memory_space<hbm>> -> memref<50000x16xf32, #tpu.memory_space<hbm>>
      %dma_start3A_208 = arith.constant 0 : i32
      %dma_start3A_209 = arith.constant 0 : i32
      %dma_start3A_210 = tpu.memref_slice %dma_start3A_207[%dma_start3A_208, %dma_start3A_209] : memref<50000x16xf32, #tpu.memory_space<hbm>> -> memref<50000x16xf32, #tpu.memory_space<hbm>>
      %dma_start3A_211 = tpu.memref_slice %arg17[%scan3A_195] : memref<8x!tpu.dma_semaphore, #tpu.memory_space<semaphore_mem>> -> memref<1x!tpu.dma_semaphore, #tpu.memory_space<semaphore_mem>>
      %dma_start3A_212 = tpu.memref_squeeze %dma_start3A_211 : memref<1x!tpu.dma_semaphore, #tpu.memory_space<semaphore_mem>> -> memref<!tpu.dma_semaphore, #tpu.memory_space<semaphore_mem>>
      tpu.enqueue_indirect_dma source(%dma_start3A_210 : memref<50000x16xf32, #tpu.memory_space<hbm>>) target(%dma_start3A_200 : memref<128x16xf32, #tpu.memory_space<vmem>>) offsets(%dma_start3A_203 : memref<128xi32, #tpu.memory_space<vmem>>) semaphore(%dma_start3A_212 : memref<!tpu.dma_semaphore, #tpu.memory_space<semaphore_mem>>)
    }
    %scan3A_117 = arith.constant 8 : i32
    %add3A_118 = arith.constant 8 : i32
    %add3A_119 = arith.addi %mul3A_0, %add3A_118 : i32
    %multiple_of3A_120 = tpu.assume_multiple %add3A_119, 8 : i32
    %add3A_121 = arith.constant 64 : i32
    %add3A_122 = arith.addi %mul3A_2, %add3A_121 : i32
    %multiple_of3A_123 = tpu.assume_multiple %add3A_122, 8 : i32
    %dma_start3A_124 = arith.constant 0 : i32
    %dma_start3A_125 = tpu.memref_slice %arg3[%multiple_of3A_120, %dma_start3A_124] : memref<6400x128xi32, #tpu.memory_space<hbm>> -> memref<8x128xi32, #tpu.memory_space<hbm>>
    %dma_start3A_126 = arith.constant 0 : i32
    %dma_start3A_127 = tpu.memref_slice %arg3[%multiple_of3A_120, %dma_start3A_126] : memref<6400x128xi32, #tpu.memory_space<hbm>> -> memref<8x128xi32, #tpu.memory_space<hbm>>
    tpu.enqueue_dma source(%dma_start3A_127 : memref<8x128xi32, #tpu.memory_space<hbm>>) target(%arg11 : memref<8x128xi32, #tpu.memory_space<vmem>>) target_semaphore(%arg19 : memref<!tpu.dma_semaphore, #tpu.memory_space<semaphore_mem>>)
    %dma_start3A_128 = arith.constant 0 : i32
    %dma_start3A_129 = tpu.memref_slice %arg4[%multiple_of3A_120, %dma_start3A_128] : memref<6400x128xi32, #tpu.memory_space<hbm>> -> memref<8x128xi32, #tpu.memory_space<hbm>>
    %dma_start3A_130 = arith.constant 0 : i32
    %dma_start3A_131 = tpu.memref_slice %arg4[%multiple_of3A_120, %dma_start3A_130] : memref<6400x128xi32, #tpu.memory_space<hbm>> -> memref<8x128xi32, #tpu.memory_space<hbm>>
    tpu.enqueue_dma source(%dma_start3A_131 : memref<8x128xi32, #tpu.memory_space<hbm>>) target(%arg12 : memref<8x128xi32, #tpu.memory_space<vmem>>) target_semaphore(%arg19 : memref<!tpu.dma_semaphore, #tpu.memory_space<semaphore_mem>>)
    %dma_start3A_132 = arith.constant 0 : i32
    %dma_start3A_133 = tpu.memref_slice %arg5[%multiple_of3A_123, %dma_start3A_132] : memref<51200x16xf32, #tpu.memory_space<hbm>> -> memref<64x16xf32, #tpu.memory_space<hbm>>
    %dma_start3A_134 = arith.constant 0 : i32
    %dma_start3A_135 = tpu.memref_slice %arg5[%multiple_of3A_123, %dma_start3A_134] : memref<51200x16xf32, #tpu.memory_space<hbm>> -> memref<64x16xf32, #tpu.memory_space<hbm>>
    tpu.enqueue_dma source(%dma_start3A_135 : memref<64x16xf32, #tpu.memory_space<hbm>>) target(%arg13 : memref<64x16xf32, #tpu.memory_space<vmem>>) target_semaphore(%arg19 : memref<!tpu.dma_semaphore, #tpu.memory_space<semaphore_mem>>)
    %scan3A_136 = arith.constant 0 : i32
    %scan3A_137 = arith.constant 0 : i32
    %scan3A_138 = arith.constant 8 : i32
    %scan3A_139 = arith.addi %scan3A_137, %scan3A_138 : i32
    %scan3A_140 = arith.constant 1 : i32
    scf.for %scan3A_195 = %scan3A_137 to %scan3A_139 step %scan3A_140  : i32 {
      %mul3A_196 = arith.constant 128 : i32
      %mul3A_197 = arith.muli %scan3A_195, %mul3A_196 : i32
      %multiple_of3A_198 = tpu.assume_multiple %mul3A_197, 128 : i32
      %dma_wait3A = arith.constant 0 : i32
      %dma_wait3A_199 = tpu.memref_slice %arg14[%multiple_of3A_198, %dma_wait3A] : memref<1024x16xf32, #tpu.memory_space<vmem>> -> memref<128x16xf32, #tpu.memory_space<vmem>>
      %dma_wait3A_200 = arith.constant 0 : i32
      %dma_wait3A_201 = tpu.memref_slice %arg8[%scan3A_195, %dma_wait3A_200] : memref<8x128xi32, #tpu.memory_space<vmem>> -> memref<1x128xi32, #tpu.memory_space<vmem>>
      %dma_wait3A_202 = tpu.memref_squeeze %dma_wait3A_201 : memref<1x128xi32, #tpu.memory_space<vmem>> -> memref<128xi32, #tpu.memory_space<vmem>>
      %dma_wait3A_203 = arith.constant 0 : i32
      %dma_wait3A_204 = arith.constant 0 : i32
      %dma_wait3A_205 = tpu.memref_slice %arg2[%add3A_98, %dma_wait3A_203, %dma_wait3A_204] : memref<4x50000x16xf32, #tpu.memory_space<hbm>> -> memref<1x50000x16xf32, #tpu.memory_space<hbm>>
      %dma_wait3A_206 = tpu.memref_squeeze %dma_wait3A_205 : memref<1x50000x16xf32, #tpu.memory_space<hbm>> -> memref<50000x16xf32, #tpu.memory_space<hbm>>
      %dma_wait3A_207 = arith.constant 0 : i32
      %dma_wait3A_208 = arith.constant 0 : i32
      %dma_wait3A_209 = tpu.memref_slice %dma_wait3A_206[%dma_wait3A_207, %dma_wait3A_208] : memref<50000x16xf32, #tpu.memory_space<hbm>> -> memref<50000x16xf32, #tpu.memory_space<hbm>>
      %dma_wait3A_210 = tpu.memref_slice %arg17[%scan3A_195] : memref<8x!tpu.dma_semaphore, #tpu.memory_space<semaphore_mem>> -> memref<1x!tpu.dma_semaphore, #tpu.memory_space<semaphore_mem>>
      %dma_wait3A_211 = tpu.memref_squeeze %dma_wait3A_210 : memref<1x!tpu.dma_semaphore, #tpu.memory_space<semaphore_mem>> -> memref<!tpu.dma_semaphore, #tpu.memory_space<semaphore_mem>>
      tpu.wait_indirect_dma semaphore(%dma_wait3A_211 : memref<!tpu.dma_semaphore, #tpu.memory_space<semaphore_mem>>) src(%dma_wait3A_209 : memref<50000x16xf32, #tpu.memory_space<hbm>>) dst(%dma_wait3A_199 : memref<128x16xf32, #tpu.memory_space<vmem>>)
      %scan3A_212 = arith.constant 0 : i32
      %scan3A_213 = arith.constant 0 : i32
      %scan3A_214 = arith.constant 8 : i32
      %scan3A_215 = arith.addi %scan3A_213, %scan3A_214 : i32
      %scan3A_216 = arith.constant 1 : i32
      scf.for %scan3A_240 = %scan3A_213 to %scan3A_215 step %scan3A_216  : i32 {
        %mul3A_241 = arith.constant 8 : i32
        %mul3A_242 = arith.muli %scan3A_195, %mul3A_241 : i32
        %add3A_243 = arith.addi %mul3A_242, %scan3A_240 : i32
        %get3A = arith.index_cast %add3A_243 : i32 to index
        %get3A_244 = arith.constant 0 : index
        %get3A_245 = tpu.vector_load %arg10[%get3A, %get3A_244] {strides = array<i32>} : memref<64x16xf32, #tpu.memory_space<vmem>>, vector<1x16xf32>,
        %get3A_246 = vector.shape_cast %get3A_245 : vector<1x16xf32> to vector<16xf32>
        %mul3A_247 = arith.constant 16 : i32
        %mul3A_248 = arith.muli %add3A_243, %mul3A_247 : i32
        %add3A_249 = arith.constant 0 : i32
        %add3A_250 = arith.addi %mul3A_248, %add3A_249 : i32
        %slice3A = vector.extract_strided_slice %get3A_246 {offsets = [0], sizes = [1], strides = [1]} : vector<16xf32> to vector<1xf32>
        %squeeze3A = vector.extract %slice3A[0] : f32 from vector<1xf32>
        %get3A_251 = arith.index_cast %add3A_250 : i32 to index
        %get3A_252 = arith.constant 0 : index
        %get3A_253 = tpu.vector_load %arg14[%get3A_251, %get3A_252] {strides = array<i32>} : memref<1024x16xf32, #tpu.memory_space<vmem>>, vector<1x16xf32>,
        %get3A_254 = vector.shape_cast %get3A_253 : vector<1x16xf32> to vector<16xf32>
        %mul3A_255 = vector.broadcast %squeeze3A : f32 to vector<16xf32>
        %mul3A_256 = arith.mulf %get3A_254, %mul3A_255 : vector<16xf32>
        %swap3A = arith.index_cast %add3A_250 : i32 to index
        %swap3A_257 = arith.constant 0 : index
        %swap3A_258 = tpu.vector_load %arg14[%swap3A, %swap3A_257] {strides = array<i32>} : memref<1024x16xf32, #tpu.memory_space<vmem>>, vector<1x16xf32>,
        %swap3A_259 = vector.shape_cast %swap3A_258 : vector<1x16xf32> to vector<16xf32>
        %swap3A_260 = vector.shape_cast %mul3A_256 : vector<16xf32> to vector<1x16xf32>
        tpu.vector_store %arg14[%swap3A, %swap3A_257], %swap3A_260 {strides = array<i32>} : memref<1024x16xf32, #tpu.memory_space<vmem>>, vector<1x16xf32>,
        %mul3A_261 = arith.constant 16 : i32
        %mul3A_262 = arith.muli %add3A_243, %mul3A_261 : i32
        %add3A_263 = arith.constant 1 : i32
        %add3A_264 = arith.addi %mul3A_262, %add3A_263 : i32
        %slice3A_265 = vector.extract_strided_slice %get3A_246 {offsets = [1], sizes = [1], strides = [1]} : vector<16xf32> to vector<1xf32>
        %squeeze3A_266 = vector.extract %slice3A_265[0] : f32 from vector<1xf32>
        %get3A_267 = arith.index_cast %add3A_264 : i32 to index
        %get3A_268 = arith.constant 0 : index
        %get3A_269 = tpu.vector_load %arg14[%get3A_267, %get3A_268] {strides = array<i32>} : memref<1024x16xf32, #tpu.memory_space<vmem>>, vector<1x16xf32>,
        %get3A_270 = vector.shape_cast %get3A_269 : vector<1x16xf32> to vector<16xf32>
        %mul3A_271 = vector.broadcast %squeeze3A_266 : f32 to vector<16xf32>
        %mul3A_272 = arith.mulf %get3A_270, %mul3A_271 : vector<16xf32>
        %swap3A_273 = arith.index_cast %add3A_264 : i32 to index
        %swap3A_274 = arith.constant 0 : index
        %swap3A_275 = tpu.vector_load %arg14[%swap3A_273, %swap3A_274] {strides = array<i32>} : memref<1024x16xf32, #tpu.memory_space<vmem>>, vector<1x16xf32>,
        %swap3A_276 = vector.shape_cast %swap3A_275 : vector<1x16xf32> to vector<16xf32>
        %swap3A_277 = vector.shape_cast %mul3A_272 : vector<16xf32> to vector<1x16xf32>
        tpu.vector_store %arg14[%swap3A_273, %swap3A_274], %swap3A_277 {strides = array<i32>} : memref<1024x16xf32, #tpu.memory_space<vmem>>, vector<1x16xf32>,
        %mul3A_278 = arith.constant 16 : i32
        %mul3A_279 = arith.muli %add3A_243, %mul3A_278 : i32
        %add3A_280 = arith.constant 2 : i32
        %add3A_281 = arith.addi %mul3A_279, %add3A_280 : i32
        %slice3A_282 = vector.extract_strided_slice %get3A_246 {offsets = [2], sizes = [1], strides = [1]} : vector<16xf32> to vector<1xf32>
        %squeeze3A_283 = vector.extract %slice3A_282[0] : f32 from vector<1xf32>
        %get3A_284 = arith.index_cast %add3A_281 : i32 to index
        %get3A_285 = arith.constant 0 : index
        %get3A_286 = tpu.vector_load %arg14[%get3A_284, %get3A_285] {strides = array<i32>} : memref<1024x16xf32, #tpu.memory_space<vmem>>, vector<1x16xf32>,
        %get3A_287 = vector.shape_cast %get3A_286 : vector<1x16xf32> to vector<16xf32>
        %mul3A_288 = vector.broadcast %squeeze3A_283 : f32 to vector<16xf32>
        %mul3A_289 = arith.mulf %get3A_287, %mul3A_288 : vector<16xf32>
        %swap3A_290 = arith.index_cast %add3A_281 : i32 to index
        %swap3A_291 = arith.constant 0 : index
        %swap3A_292 = tpu.vector_load %arg14[%swap3A_290, %swap3A_291] {strides = array<i32>} : memref<1024x16xf32, #tpu.memory_space<vmem>>, vector<1x16xf32>,
        %swap3A_293 = vector.shape_cast %swap3A_292 : vector<1x16xf32> to vector<16xf32>
        %swap3A_294 = vector.shape_cast %mul3A_289 : vector<16xf32> to vector<1x16xf32>
        tpu.vector_store %arg14[%swap3A_290, %swap3A_291], %swap3A_294 {strides = array<i32>} : memref<1024x16xf32, #tpu.memory_space<vmem>>, vector<1x16xf32>,
        %mul3A_295 = arith.constant 16 : i32
        %mul3A_296 = arith.muli %add3A_243, %mul3A_295 : i32
        %add3A_297 = arith.constant 3 : i32
        %add3A_298 = arith.addi %mul3A_296, %add3A_297 : i32
        %slice3A_299 = vector.extract_strided_slice %get3A_246 {offsets = [3], sizes = [1], strides = [1]} : vector<16xf32> to vector<1xf32>
        %squeeze3A_300 = vector.extract %slice3A_299[0] : f32 from vector<1xf32>
        %get3A_301 = arith.index_cast %add3A_298 : i32 to index
        %get3A_302 = arith.constant 0 : index
        %get3A_303 = tpu.vector_load %arg14[%get3A_301, %get3A_302] {strides = array<i32>} : memref<1024x16xf32, #tpu.memory_space<vmem>>, vector<1x16xf32>,
        %get3A_304 = vector.shape_cast %get3A_303 : vector<1x16xf32> to vector<16xf32>
        %mul3A_305 = vector.broadcast %squeeze3A_300 : f32 to vector<16xf32>
        %mul3A_306 = arith.mulf %get3A_304, %mul3A_305 : vector<16xf32>
        %swap3A_307 = arith.index_cast %add3A_298 : i32 to index
        %swap3A_308 = arith.constant 0 : index
        %swap3A_309 = tpu.vector_load %arg14[%swap3A_307, %swap3A_308] {strides = array<i32>} : memref<1024x16xf32, #tpu.memory_space<vmem>>, vector<1x16xf32>,
        %swap3A_310 = vector.shape_cast %swap3A_309 : vector<1x16xf32> to vector<16xf32>
        %swap3A_311 = vector.shape_cast %mul3A_306 : vector<16xf32> to vector<1x16xf32>
        tpu.vector_store %arg14[%swap3A_307, %swap3A_308], %swap3A_311 {strides = array<i32>} : memref<1024x16xf32, #tpu.memory_space<vmem>>, vector<1x16xf32>,
        %mul3A_312 = arith.constant 16 : i32
        %mul3A_313 = arith.muli %add3A_243, %mul3A_312 : i32
        %add3A_314 = arith.constant 4 : i32
        %add3A_315 = arith.addi %mul3A_313, %add3A_314 : i32
        %slice3A_316 = vector.extract_strided_slice %get3A_246 {offsets = [4], sizes = [1], strides = [1]} : vector<16xf32> to vector<1xf32>
        %squeeze3A_317 = vector.extract %slice3A_316[0] : f32 from vector<1xf32>
        %get3A_318 = arith.index_cast %add3A_315 : i32 to index
        %get3A_319 = arith.constant 0 : index
        %get3A_320 = tpu.vector_load %arg14[%get3A_318, %get3A_319] {strides = array<i32>} : memref<1024x16xf32, #tpu.memory_space<vmem>>, vector<1x16xf32>,
        %get3A_321 = vector.shape_cast %get3A_320 : vector<1x16xf32> to vector<16xf32>
        %mul3A_322 = vector.broadcast %squeeze3A_317 : f32 to vector<16xf32>
        %mul3A_323 = arith.mulf %get3A_321, %mul3A_322 : vector<16xf32>
        %swap3A_324 = arith.index_cast %add3A_315 : i32 to index
        %swap3A_325 = arith.constant 0 : index
        %swap3A_326 = tpu.vector_load %arg14[%swap3A_324, %swap3A_325] {strides = array<i32>} : memref<1024x16xf32, #tpu.memory_space<vmem>>, vector<1x16xf32>,
        %swap3A_327 = vector.shape_cast %swap3A_326 : vector<1x16xf32> to vector<16xf32>
        %swap3A_328 = vector.shape_cast %mul3A_323 : vector<16xf32> to vector<1x16xf32>
        tpu.vector_store %arg14[%swap3A_324, %swap3A_325], %swap3A_328 {strides = array<i32>} : memref<1024x16xf32, #tpu.memory_space<vmem>>, vector<1x16xf32>,
        %mul3A_329 = arith.constant 16 : i32
        %mul3A_330 = arith.muli %add3A_243, %mul3A_329 : i32
        %add3A_331 = arith.constant 5 : i32
        %add3A_332 = arith.addi %mul3A_330, %add3A_331 : i32
        %slice3A_333 = vector.extract_strided_slice %get3A_246 {offsets = [5], sizes = [1], strides = [1]} : vector<16xf32> to vector<1xf32>
        %squeeze3A_334 = vector.extract %slice3A_333[0] : f32 from vector<1xf32>
        %get3A_335 = arith.index_cast %add3A_332 : i32 to index
        %get3A_336 = arith.constant 0 : index
        %get3A_337 = tpu.vector_load %arg14[%get3A_335, %get3A_336] {strides = array<i32>} : memref<1024x16xf32, #tpu.memory_space<vmem>>, vector<1x16xf32>,
        %get3A_338 = vector.shape_cast %get3A_337 : vector<1x16xf32> to vector<16xf32>
        %mul3A_339 = vector.broadcast %squeeze3A_334 : f32 to vector<16xf32>
        %mul3A_340 = arith.mulf %get3A_338, %mul3A_339 : vector<16xf32>
        %swap3A_341 = arith.index_cast %add3A_332 : i32 to index
        %swap3A_342 = arith.constant 0 : index
        %swap3A_343 = tpu.vector_load %arg14[%swap3A_341, %swap3A_342] {strides = array<i32>} : memref<1024x16xf32, #tpu.memory_space<vmem>>, vector<1x16xf32>,
        %swap3A_344 = vector.shape_cast %swap3A_343 : vector<1x16xf32> to vector<16xf32>
        %swap3A_345 = vector.shape_cast %mul3A_340 : vector<16xf32> to vector<1x16xf32>
        tpu.vector_store %arg14[%swap3A_341, %swap3A_342], %swap3A_345 {strides = array<i32>} : memref<1024x16xf32, #tpu.memory_space<vmem>>, vector<1x16xf32>,
        %mul3A_346 = arith.constant 16 : i32
        %mul3A_347 = arith.muli %add3A_243, %mul3A_346 : i32
        %add3A_348 = arith.constant 6 : i32
        %add3A_349 = arith.addi %mul3A_347, %add3A_348 : i32
        %slice3A_350 = vector.extract_strided_slice %get3A_246 {offsets = [6], sizes = [1], strides = [1]} : vector<16xf32> to vector<1xf32>
        %squeeze3A_351 = vector.extract %slice3A_350[0] : f32 from vector<1xf32>
        %get3A_352 = arith.index_cast %add3A_349 : i32 to index
        %get3A_353 = arith.constant 0 : index
        %get3A_354 = tpu.vector_load %arg14[%get3A_352, %get3A_353] {strides = array<i32>} : memref<1024x16xf32, #tpu.memory_space<vmem>>, vector<1x16xf32>,
        %get3A_355 = vector.shape_cast %get3A_354 : vector<1x16xf32> to vector<16xf32>
        %mul3A_356 = vector.broadcast %squeeze3A_351 : f32 to vector<16xf32>
        %mul3A_357 = arith.mulf %get3A_355, %mul3A_356 : vector<16xf32>
        %swap3A_358 = arith.index_cast %add3A_349 : i32 to index
        %swap3A_359 = arith.constant 0 : index
        %swap3A_360 = tpu.vector_load %arg14[%swap3A_358, %swap3A_359] {strides = array<i32>} : memref<1024x16xf32, #tpu.memory_space<vmem>>, vector<1x16xf32>,
        %swap3A_361 = vector.shape_cast %swap3A_360 : vector<1x16xf32> to vector<16xf32>
        %swap3A_362 = vector.shape_cast %mul3A_357 : vector<16xf32> to vector<1x16xf32>
        tpu.vector_store %arg14[%swap3A_358, %swap3A_359], %swap3A_362 {strides = array<i32>} : memref<1024x16xf32, #tpu.memory_space<vmem>>, vector<1x16xf32>,
        %mul3A_363 = arith.constant 16 : i32
        %mul3A_364 = arith.muli %add3A_243, %mul3A_363 : i32
        %add3A_365 = arith.constant 7 : i32
        %add3A_366 = arith.addi %mul3A_364, %add3A_365 : i32
        %slice3A_367 = vector.extract_strided_slice %get3A_246 {offsets = [7], sizes = [1], strides = [1]} : vector<16xf32> to vector<1xf32>
        %squeeze3A_368 = vector.extract %slice3A_367[0] : f32 from vector<1xf32>
        %get3A_369 = arith.index_cast %add3A_366 : i32 to index
        %get3A_370 = arith.constant 0 : index
        %get3A_371 = tpu.vector_load %arg14[%get3A_369, %get3A_370] {strides = array<i32>} : memref<1024x16xf32, #tpu.memory_space<vmem>>, vector<1x16xf32>,
        %get3A_372 = vector.shape_cast %get3A_371 : vector<1x16xf32> to vector<16xf32>
        %mul3A_373 = vector.broadcast %squeeze3A_368 : f32 to vector<16xf32>
        %mul3A_374 = arith.mulf %get3A_372, %mul3A_373 : vector<16xf32>
        %swap3A_375 = arith.index_cast %add3A_366 : i32 to index
        %swap3A_376 = arith.constant 0 : index
        %swap3A_377 = tpu.vector_load %arg14[%swap3A_375, %swap3A_376] {strides = array<i32>} : memref<1024x16xf32, #tpu.memory_space<vmem>>, vector<1x16xf32>,
        %swap3A_378 = vector.shape_cast %swap3A_377 : vector<1x16xf32> to vector<16xf32>
        %swap3A_379 = vector.shape_cast %mul3A_374 : vector<16xf32> to vector<1x16xf32>
        tpu.vector_store %arg14[%swap3A_375, %swap3A_376], %swap3A_379 {strides = array<i32>} : memref<1024x16xf32, #tpu.memory_space<vmem>>, vector<1x16xf32>,
        %mul3A_380 = arith.constant 16 : i32
        %mul3A_381 = arith.muli %add3A_243, %mul3A_380 : i32
        %add3A_382 = arith.constant 8 : i32
        %add3A_383 = arith.addi %mul3A_381, %add3A_382 : i32
        %slice3A_384 = vector.extract_strided_slice %get3A_246 {offsets = [8], sizes = [1], strides = [1]} : vector<16xf32> to vector<1xf32>
        %squeeze3A_385 = vector.extract %slice3A_384[0] : f32 from vector<1xf32>
        %get3A_386 = arith.index_cast %add3A_383 : i32 to index
        %get3A_387 = arith.constant 0 : index
        %get3A_388 = tpu.vector_load %arg14[%get3A_386, %get3A_387] {strides = array<i32>} : memref<1024x16xf32, #tpu.memory_space<vmem>>, vector<1x16xf32>,
        %get3A_389 = vector.shape_cast %get3A_388 : vector<1x16xf32> to vector<16xf32>
        %mul3A_390 = vector.broadcast %squeeze3A_385 : f32 to vector<16xf32>
        %mul3A_391 = arith.mulf %get3A_389, %mul3A_390 : vector<16xf32>
        %swap3A_392 = arith.index_cast %add3A_383 : i32 to index
        %swap3A_393 = arith.constant 0 : index
        %swap3A_394 = tpu.vector_load %arg14[%swap3A_392, %swap3A_393] {strides = array<i32>} : memref<1024x16xf32, #tpu.memory_space<vmem>>, vector<1x16xf32>,
        %swap3A_395 = vector.shape_cast %swap3A_394 : vector<1x16xf32> to vector<16xf32>
        %swap3A_396 = vector.shape_cast %mul3A_391 : vector<16xf32> to vector<1x16xf32>
        tpu.vector_store %arg14[%swap3A_392, %swap3A_393], %swap3A_396 {strides = array<i32>} : memref<1024x16xf32, #tpu.memory_space<vmem>>, vector<1x16xf32>,
        %mul3A_397 = arith.constant 16 : i32
        %mul3A_398 = arith.muli %add3A_243, %mul3A_397 : i32
        %add3A_399 = arith.constant 9 : i32
        %add3A_400 = arith.addi %mul3A_398, %add3A_399 : i32
        %slice3A_401 = vector.extract_strided_slice %get3A_246 {offsets = [9], sizes = [1], strides = [1]} : vector<16xf32> to vector<1xf32>
        %squeeze3A_402 = vector.extract %slice3A_401[0] : f32 from vector<1xf32>
        %get3A_403 = arith.index_cast %add3A_400 : i32 to index
        %get3A_404 = arith.constant 0 : index
        %get3A_405 = tpu.vector_load %arg14[%get3A_403, %get3A_404] {strides = array<i32>} : memref<1024x16xf32, #tpu.memory_space<vmem>>, vector<1x16xf32>,
        %get3A_406 = vector.shape_cast %get3A_405 : vector<1x16xf32> to vector<16xf32>
        %mul3A_407 = vector.broadcast %squeeze3A_402 : f32 to vector<16xf32>
        %mul3A_408 = arith.mulf %get3A_406, %mul3A_407 : vector<16xf32>
        %swap3A_409 = arith.index_cast %add3A_400 : i32 to index
        %swap3A_410 = arith.constant 0 : index
        %swap3A_411 = tpu.vector_load %arg14[%swap3A_409, %swap3A_410] {strides = array<i32>} : memref<1024x16xf32, #tpu.memory_space<vmem>>, vector<1x16xf32>,
        %swap3A_412 = vector.shape_cast %swap3A_411 : vector<1x16xf32> to vector<16xf32>
        %swap3A_413 = vector.shape_cast %mul3A_408 : vector<16xf32> to vector<1x16xf32>
        tpu.vector_store %arg14[%swap3A_409, %swap3A_410], %swap3A_413 {strides = array<i32>} : memref<1024x16xf32, #tpu.memory_space<vmem>>, vector<1x16xf32>,
        %mul3A_414 = arith.constant 16 : i32
        %mul3A_415 = arith.muli %add3A_243, %mul3A_414 : i32
        %add3A_416 = arith.constant 10 : i32
        %add3A_417 = arith.addi %mul3A_415, %add3A_416 : i32
        %slice3A_418 = vector.extract_strided_slice %get3A_246 {offsets = [10], sizes = [1], strides = [1]} : vector<16xf32> to vector<1xf32>
        %squeeze3A_419 = vector.extract %slice3A_418[0] : f32 from vector<1xf32>
        %get3A_420 = arith.index_cast %add3A_417 : i32 to index
        %get3A_421 = arith.constant 0 : index
        %get3A_422 = tpu.vector_load %arg14[%get3A_420, %get3A_421] {strides = array<i32>} : memref<1024x16xf32, #tpu.memory_space<vmem>>, vector<1x16xf32>,
        %get3A_423 = vector.shape_cast %get3A_422 : vector<1x16xf32> to vector<16xf32>
        %mul3A_424 = vector.broadcast %squeeze3A_419 : f32 to vector<16xf32>
        %mul3A_425 = arith.mulf %get3A_423, %mul3A_424 : vector<16xf32>
        %swap3A_426 = arith.index_cast %add3A_417 : i32 to index
        %swap3A_427 = arith.constant 0 : index
        %swap3A_428 = tpu.vector_load %arg14[%swap3A_426, %swap3A_427] {strides = array<i32>} : memref<1024x16xf32, #tpu.memory_space<vmem>>, vector<1x16xf32>,
        %swap3A_429 = vector.shape_cast %swap3A_428 : vector<1x16xf32> to vector<16xf32>
        %swap3A_430 = vector.shape_cast %mul3A_425 : vector<16xf32> to vector<1x16xf32>
        tpu.vector_store %arg14[%swap3A_426, %swap3A_427], %swap3A_430 {strides = array<i32>} : memref<1024x16xf32, #tpu.memory_space<vmem>>, vector<1x16xf32>,
        %mul3A_431 = arith.constant 16 : i32
        %mul3A_432 = arith.muli %add3A_243, %mul3A_431 : i32
        %add3A_433 = arith.constant 11 : i32
        %add3A_434 = arith.addi %mul3A_432, %add3A_433 : i32
        %slice3A_435 = vector.extract_strided_slice %get3A_246 {offsets = [11], sizes = [1], strides = [1]} : vector<16xf32> to vector<1xf32>
        %squeeze3A_436 = vector.extract %slice3A_435[0] : f32 from vector<1xf32>
        %get3A_437 = arith.index_cast %add3A_434 : i32 to index
        %get3A_438 = arith.constant 0 : index
        %get3A_439 = tpu.vector_load %arg14[%get3A_437, %get3A_438] {strides = array<i32>} : memref<1024x16xf32, #tpu.memory_space<vmem>>, vector<1x16xf32>,
        %get3A_440 = vector.shape_cast %get3A_439 : vector<1x16xf32> to vector<16xf32>
        %mul3A_441 = vector.broadcast %squeeze3A_436 : f32 to vector<16xf32>
        %mul3A_442 = arith.mulf %get3A_440, %mul3A_441 : vector<16xf32>
        %swap3A_443 = arith.index_cast %add3A_434 : i32 to index
        %swap3A_444 = arith.constant 0 : index
        %swap3A_445 = tpu.vector_load %arg14[%swap3A_443, %swap3A_444] {strides = array<i32>} : memref<1024x16xf32, #tpu.memory_space<vmem>>, vector<1x16xf32>,
        %swap3A_446 = vector.shape_cast %swap3A_445 : vector<1x16xf32> to vector<16xf32>
        %swap3A_447 = vector.shape_cast %mul3A_442 : vector<16xf32> to vector<1x16xf32>
        tpu.vector_store %arg14[%swap3A_443, %swap3A_444], %swap3A_447 {strides = array<i32>} : memref<1024x16xf32, #tpu.memory_space<vmem>>, vector<1x16xf32>,
        %mul3A_448 = arith.constant 16 : i32
        %mul3A_449 = arith.muli %add3A_243, %mul3A_448 : i32
        %add3A_450 = arith.constant 12 : i32
        %add3A_451 = arith.addi %mul3A_449, %add3A_450 : i32
        %slice3A_452 = vector.extract_strided_slice %get3A_246 {offsets = [12], sizes = [1], strides = [1]} : vector<16xf32> to vector<1xf32>
        %squeeze3A_453 = vector.extract %slice3A_452[0] : f32 from vector<1xf32>
        %get3A_454 = arith.index_cast %add3A_451 : i32 to index
        %get3A_455 = arith.constant 0 : index
        %get3A_456 = tpu.vector_load %arg14[%get3A_454, %get3A_455] {strides = array<i32>} : memref<1024x16xf32, #tpu.memory_space<vmem>>, vector<1x16xf32>,
        %get3A_457 = vector.shape_cast %get3A_456 : vector<1x16xf32> to vector<16xf32>
        %mul3A_458 = vector.broadcast %squeeze3A_453 : f32 to vector<16xf32>
        %mul3A_459 = arith.mulf %get3A_457, %mul3A_458 : vector<16xf32>
        %swap3A_460 = arith.index_cast %add3A_451 : i32 to index
        %swap3A_461 = arith.constant 0 : index
        %swap3A_462 = tpu.vector_load %arg14[%swap3A_460, %swap3A_461] {strides = array<i32>} : memref<1024x16xf32, #tpu.memory_space<vmem>>, vector<1x16xf32>,
        %swap3A_463 = vector.shape_cast %swap3A_462 : vector<1x16xf32> to vector<16xf32>
        %swap3A_464 = vector.shape_cast %mul3A_459 : vector<16xf32> to vector<1x16xf32>
        tpu.vector_store %arg14[%swap3A_460, %swap3A_461], %swap3A_464 {strides = array<i32>} : memref<1024x16xf32, #tpu.memory_space<vmem>>, vector<1x16xf32>,
        %mul3A_465 = arith.constant 16 : i32
        %mul3A_466 = arith.muli %add3A_243, %mul3A_465 : i32
        %add3A_467 = arith.constant 13 : i32
        %add3A_468 = arith.addi %mul3A_466, %add3A_467 : i32
        %slice3A_469 = vector.extract_strided_slice %get3A_246 {offsets = [13], sizes = [1], strides = [1]} : vector<16xf32> to vector<1xf32>
        %squeeze3A_470 = vector.extract %slice3A_469[0] : f32 from vector<1xf32>
        %get3A_471 = arith.index_cast %add3A_468 : i32 to index
        %get3A_472 = arith.constant 0 : index
        %get3A_473 = tpu.vector_load %arg14[%get3A_471, %get3A_472] {strides = array<i32>} : memref<1024x16xf32, #tpu.memory_space<vmem>>, vector<1x16xf32>,
        %get3A_474 = vector.shape_cast %get3A_473 : vector<1x16xf32> to vector<16xf32>
        %mul3A_475 = vector.broadcast %squeeze3A_470 : f32 to vector<16xf32>
        %mul3A_476 = arith.mulf %get3A_474, %mul3A_475 : vector<16xf32>
        %swap3A_477 = arith.index_cast %add3A_468 : i32 to index
        %swap3A_478 = arith.constant 0 : index
        %swap3A_479 = tpu.vector_load %arg14[%swap3A_477, %swap3A_478] {strides = array<i32>} : memref<1024x16xf32, #tpu.memory_space<vmem>>, vector<1x16xf32>,
        %swap3A_480 = vector.shape_cast %swap3A_479 : vector<1x16xf32> to vector<16xf32>
        %swap3A_481 = vector.shape_cast %mul3A_476 : vector<16xf32> to vector<1x16xf32>
        tpu.vector_store %arg14[%swap3A_477, %swap3A_478], %swap3A_481 {strides = array<i32>} : memref<1024x16xf32, #tpu.memory_space<vmem>>, vector<1x16xf32>,
        %mul3A_482 = arith.constant 16 : i32
        %mul3A_483 = arith.muli %add3A_243, %mul3A_482 : i32
        %add3A_484 = arith.constant 14 : i32
        %add3A_485 = arith.addi %mul3A_483, %add3A_484 : i32
        %slice3A_486 = vector.extract_strided_slice %get3A_246 {offsets = [14], sizes = [1], strides = [1]} : vector<16xf32> to vector<1xf32>
        %squeeze3A_487 = vector.extract %slice3A_486[0] : f32 from vector<1xf32>
        %get3A_488 = arith.index_cast %add3A_485 : i32 to index
        %get3A_489 = arith.constant 0 : index
        %get3A_490 = tpu.vector_load %arg14[%get3A_488, %get3A_489] {strides = array<i32>} : memref<1024x16xf32, #tpu.memory_space<vmem>>, vector<1x16xf32>,
        %get3A_491 = vector.shape_cast %get3A_490 : vector<1x16xf32> to vector<16xf32>
        %mul3A_492 = vector.broadcast %squeeze3A_487 : f32 to vector<16xf32>
        %mul3A_493 = arith.mulf %get3A_491, %mul3A_492 : vector<16xf32>
        %swap3A_494 = arith.index_cast %add3A_485 : i32 to index
        %swap3A_495 = arith.constant 0 : index
        %swap3A_496 = tpu.vector_load %arg14[%swap3A_494, %swap3A_495] {strides = array<i32>} : memref<1024x16xf32, #tpu.memory_space<vmem>>, vector<1x16xf32>,
        %swap3A_497 = vector.shape_cast %swap3A_496 : vector<1x16xf32> to vector<16xf32>
        %swap3A_498 = vector.shape_cast %mul3A_493 : vector<16xf32> to vector<1x16xf32>
        tpu.vector_store %arg14[%swap3A_494, %swap3A_495], %swap3A_498 {strides = array<i32>} : memref<1024x16xf32, #tpu.memory_space<vmem>>, vector<1x16xf32>,
        %mul3A_499 = arith.constant 16 : i32
        %mul3A_500 = arith.muli %add3A_243, %mul3A_499 : i32
        %add3A_501 = arith.constant 15 : i32
        %add3A_502 = arith.addi %mul3A_500, %add3A_501 : i32
        %slice3A_503 = vector.extract_strided_slice %get3A_246 {offsets = [15], sizes = [1], strides = [1]} : vector<16xf32> to vector<1xf32>
        %squeeze3A_504 = vector.extract %slice3A_503[0] : f32 from vector<1xf32>
        %get3A_505 = arith.index_cast %add3A_502 : i32 to index
        %get3A_506 = arith.constant 0 : index
        %get3A_507 = tpu.vector_load %arg14[%get3A_505, %get3A_506] {strides = array<i32>} : memref<1024x16xf32, #tpu.memory_space<vmem>>, vector<1x16xf32>,
        %get3A_508 = vector.shape_cast %get3A_507 : vector<1x16xf32> to vector<16xf32>
        %mul3A_509 = vector.broadcast %squeeze3A_504 : f32 to vector<16xf32>
        %mul3A_510 = arith.mulf %get3A_508, %mul3A_509 : vector<16xf32>
        %swap3A_511 = arith.index_cast %add3A_502 : i32 to index
        %swap3A_512 = arith.constant 0 : index
        %swap3A_513 = tpu.vector_load %arg14[%swap3A_511, %swap3A_512] {strides = array<i32>} : memref<1024x16xf32, #tpu.memory_space<vmem>>, vector<1x16xf32>,
        %swap3A_514 = vector.shape_cast %swap3A_513 : vector<1x16xf32> to vector<16xf32>
        %swap3A_515 = vector.shape_cast %mul3A_510 : vector<16xf32> to vector<1x16xf32>
        tpu.vector_store %arg14[%swap3A_511, %swap3A_512], %swap3A_515 {strides = array<i32>} : memref<1024x16xf32, #tpu.memory_space<vmem>>, vector<1x16xf32>,
      }
      %scan3A_217 = arith.constant 8 : i32
      %mul3A_218 = arith.constant 128 : i32
      %mul3A_219 = arith.muli %scan3A_195, %mul3A_218 : i32
      %multiple_of3A_220 = tpu.assume_multiple %mul3A_219, 128 : i32
      %dma_start3A_221 = arith.constant 0 : i32
      %dma_start3A_222 = tpu.memref_slice %arg14[%multiple_of3A_220, %dma_start3A_221] : memref<1024x16xf32, #tpu.memory_space<vmem>> -> memref<128x16xf32, #tpu.memory_space<vmem>>
      %dma_start3A_223 = arith.constant 0 : i32
      %dma_start3A_224 = tpu.memref_slice %arg9[%scan3A_195, %dma_start3A_223] : memref<8x128xi32, #tpu.memory_space<vmem>> -> memref<1x128xi32, #tpu.memory_space<vmem>>
      %dma_start3A_225 = tpu.memref_squeeze %dma_start3A_224 : memref<1x128xi32, #tpu.memory_space<vmem>> -> memref<128xi32, #tpu.memory_space<vmem>>
      %dma_start3A_226 = arith.constant 0 : i32
      %dma_start3A_227 = arith.constant 0 : i32
      %dma_start3A_228 = tpu.memref_slice %arg16[%dma_start3A_226, %dma_start3A_227] : memref<50000x16xf32, #tpu.memory_space<vmem_shared>> -> memref<50000x16xf32, #tpu.memory_space<vmem_shared>>
      %dma_start3A_229 = tpu.memref_slice %arg18[%scan3A_195] : memref<8x!tpu.dma_semaphore, #tpu.memory_space<semaphore_mem>> -> memref<1x!tpu.dma_semaphore, #tpu.memory_space<semaphore_mem>>
      %dma_start3A_230 = tpu.memref_squeeze %dma_start3A_229 : memref<1x!tpu.dma_semaphore, #tpu.memory_space<semaphore_mem>> -> memref<!tpu.dma_semaphore, #tpu.memory_space<semaphore_mem>>
      tpu.enqueue_indirect_dma source(%dma_start3A_222 : memref<128x16xf32, #tpu.memory_space<vmem>>) target(%dma_start3A_228 : memref<50000x16xf32, #tpu.memory_space<vmem_shared>>) offsets(%dma_start3A_225 : memref<128xi32, #tpu.memory_space<vmem>>) semaphore(%dma_start3A_230 : memref<!tpu.dma_semaphore, #tpu.memory_space<semaphore_mem>>) {add = true}
      %eq3A_231 = arith.constant 1 : i32
      %eq3A_232 = arith.cmpi eq, %scan3A_195, %eq3A_231 : i32
      %convert_element_type3A_233 = arith.extui %eq3A_232 : i1 to i32
      %cond3A_234 = arith.constant 0 : i32
      %cond3A_235 = arith.cmpi ne, %convert_element_type3A_233, %cond3A_234 : i32
      scf.if %cond3A_235 {
        %dma_wait3A_240 = arith.constant 0 : i32
        %dma_wait3A_241 = tpu.memref_slice %arg3[%multiple_of3A_120, %dma_wait3A_240] : memref<6400x128xi32, #tpu.memory_space<hbm>> -> memref<8x128xi32, #tpu.memory_space<hbm>>
        %dma_wait3A_242 = arith.constant 0 : i32
        %dma_wait3A_243 = tpu.memref_slice %arg3[%multiple_of3A_120, %dma_wait3A_242] : memref<6400x128xi32, #tpu.memory_space<hbm>> -> memref<8x128xi32, #tpu.memory_space<hbm>>
        tpu.wait_dma2 semaphore(%arg19 : memref<!tpu.dma_semaphore, #tpu.memory_space<semaphore_mem>>) src(%dma_wait3A_243 : memref<8x128xi32, #tpu.memory_space<hbm>>) dst(%arg11 : memref<8x128xi32, #tpu.memory_space<vmem>>)
        %dma_wait3A_244 = arith.constant 0 : i32
        %dma_wait3A_245 = tpu.memref_slice %arg4[%multiple_of3A_120, %dma_wait3A_244] : memref<6400x128xi32, #tpu.memory_space<hbm>> -> memref<8x128xi32, #tpu.memory_space<hbm>>
        %dma_wait3A_246 = arith.constant 0 : i32
        %dma_wait3A_247 = tpu.memref_slice %arg4[%multiple_of3A_120, %dma_wait3A_246] : memref<6400x128xi32, #tpu.memory_space<hbm>> -> memref<8x128xi32, #tpu.memory_space<hbm>>
        tpu.wait_dma2 semaphore(%arg19 : memref<!tpu.dma_semaphore, #tpu.memory_space<semaphore_mem>>) src(%dma_wait3A_247 : memref<8x128xi32, #tpu.memory_space<hbm>>) dst(%arg12 : memref<8x128xi32, #tpu.memory_space<vmem>>)
        %dma_wait3A_248 = arith.constant 0 : i32
        %dma_wait3A_249 = tpu.memref_slice %arg5[%multiple_of3A_123, %dma_wait3A_248] : memref<51200x16xf32, #tpu.memory_space<hbm>> -> memref<64x16xf32, #tpu.memory_space<hbm>>
        %dma_wait3A_250 = arith.constant 0 : i32
        %dma_wait3A_251 = tpu.memref_slice %arg5[%multiple_of3A_123, %dma_wait3A_250] : memref<51200x16xf32, #tpu.memory_space<hbm>> -> memref<64x16xf32, #tpu.memory_space<hbm>>
        tpu.wait_dma2 semaphore(%arg19 : memref<!tpu.dma_semaphore, #tpu.memory_space<semaphore_mem>>) src(%dma_wait3A_251 : memref<64x16xf32, #tpu.memory_space<hbm>>) dst(%arg13 : memref<64x16xf32, #tpu.memory_space<vmem>>)
      } else {
      }
      %ge3A = arith.constant 1 : i32
      %ge3A_236 = arith.cmpi sge, %scan3A_195, %ge3A : i32
      %convert_element_type3A_237 = arith.extui %ge3A_236 : i1 to i32
      %cond3A_238 = arith.constant 0 : i32
      %cond3A_239 = arith.cmpi ne, %convert_element_type3A_237, %cond3A_238 : i32
      scf.if %cond3A_239 {
        %sub3A = arith.constant 1 : i32
        %sub3A_240 = arith.subi %scan3A_195, %sub3A : i32
        %mul3A_241 = arith.constant 128 : i32
        %mul3A_242 = arith.muli %sub3A_240, %mul3A_241 : i32
        %multiple_of3A_243 = tpu.assume_multiple %mul3A_242, 128 : i32
        %dma_start3A_244 = arith.constant 0 : i32
        %dma_start3A_245 = tpu.memref_slice %arg15[%multiple_of3A_243, %dma_start3A_244] : memref<1024x16xf32, #tpu.memory_space<vmem>> -> memref<128x16xf32, #tpu.memory_space<vmem>>
        %dma_start3A_246 = arith.constant 0 : i32
        %dma_start3A_247 = tpu.memref_slice %arg11[%sub3A_240, %dma_start3A_246] : memref<8x128xi32, #tpu.memory_space<vmem>> -> memref<1x128xi32, #tpu.memory_space<vmem>>
        %dma_start3A_248 = tpu.memref_squeeze %dma_start3A_247 : memref<1x128xi32, #tpu.memory_space<vmem>> -> memref<128xi32, #tpu.memory_space<vmem>>
        %dma_start3A_249 = arith.constant 0 : i32
        %dma_start3A_250 = arith.constant 0 : i32
        %dma_start3A_251 = tpu.memref_slice %arg2[%add3A_98, %dma_start3A_249, %dma_start3A_250] : memref<4x50000x16xf32, #tpu.memory_space<hbm>> -> memref<1x50000x16xf32, #tpu.memory_space<hbm>>
        %dma_start3A_252 = tpu.memref_squeeze %dma_start3A_251 : memref<1x50000x16xf32, #tpu.memory_space<hbm>> -> memref<50000x16xf32, #tpu.memory_space<hbm>>
        %dma_start3A_253 = arith.constant 0 : i32
        %dma_start3A_254 = arith.constant 0 : i32
        %dma_start3A_255 = tpu.memref_slice %dma_start3A_252[%dma_start3A_253, %dma_start3A_254] : memref<50000x16xf32, #tpu.memory_space<hbm>> -> memref<50000x16xf32, #tpu.memory_space<hbm>>
        %dma_start3A_256 = tpu.memref_slice %arg17[%sub3A_240] : memref<8x!tpu.dma_semaphore, #tpu.memory_space<semaphore_mem>> -> memref<1x!tpu.dma_semaphore, #tpu.memory_space<semaphore_mem>>
        %dma_start3A_257 = tpu.memref_squeeze %dma_start3A_256 : memref<1x!tpu.dma_semaphore, #tpu.memory_space<semaphore_mem>> -> memref<!tpu.dma_semaphore, #tpu.memory_space<semaphore_mem>>
        tpu.enqueue_indirect_dma source(%dma_start3A_255 : memref<50000x16xf32, #tpu.memory_space<hbm>>) target(%dma_start3A_245 : memref<128x16xf32, #tpu.memory_space<vmem>>) offsets(%dma_start3A_248 : memref<128xi32, #tpu.memory_space<vmem>>) semaphore(%dma_start3A_257 : memref<!tpu.dma_semaphore, #tpu.memory_space<semaphore_mem>>)
      } else {
      }
    }
    %scan3A_141 = arith.constant 8 : i32
    %multiple_of3A_142 = arith.constant 896 : i32
    %multiple_of3A_143 = tpu.assume_multiple %multiple_of3A_142, 128 : i32
    %dma_start3A_144 = arith.constant 7 : i32
    %dma_start3A_145 = arith.constant 7 : i32
    %dma_start3A_146 = arith.constant 0 : i32
    %dma_start3A_147 = tpu.memref_slice %arg15[%multiple_of3A_143, %dma_start3A_146] : memref<1024x16xf32, #tpu.memory_space<vmem>> -> memref<128x16xf32, #tpu.memory_space<vmem>>
    %dma_start3A_148 = arith.constant 0 : i32
    %dma_start3A_149 = tpu.memref_slice %arg11[%dma_start3A_144, %dma_start3A_148] : memref<8x128xi32, #tpu.memory_space<vmem>> -> memref<1x128xi32, #tpu.memory_space<vmem>>
    %dma_start3A_150 = tpu.memref_squeeze %dma_start3A_149 : memref<1x128xi32, #tpu.memory_space<vmem>> -> memref<128xi32, #tpu.memory_space<vmem>>
    %dma_start3A_151 = arith.constant 0 : i32
    %dma_start3A_152 = arith.constant 0 : i32
    %dma_start3A_153 = tpu.memref_slice %arg2[%add3A_98, %dma_start3A_151, %dma_start3A_152] : memref<4x50000x16xf32, #tpu.memory_space<hbm>> -> memref<1x50000x16xf32, #tpu.memory_space<hbm>>
    %dma_start3A_154 = tpu.memref_squeeze %dma_start3A_153 : memref<1x50000x16xf32, #tpu.memory_space<hbm>> -> memref<50000x16xf32, #tpu.memory_space<hbm>>
    %dma_start3A_155 = arith.constant 0 : i32
    %dma_start3A_156 = arith.constant 0 : i32
    %dma_start3A_157 = tpu.memref_slice %dma_start3A_154[%dma_start3A_155, %dma_start3A_156] : memref<50000x16xf32, #tpu.memory_space<hbm>> -> memref<50000x16xf32, #tpu.memory_space<hbm>>
    %dma_start3A_158 = tpu.memref_slice %arg17[%dma_start3A_145] : memref<8x!tpu.dma_semaphore, #tpu.memory_space<semaphore_mem>> -> memref<1x!tpu.dma_semaphore, #tpu.memory_space<semaphore_mem>>
    %dma_start3A_159 = tpu.memref_squeeze %dma_start3A_158 : memref<1x!tpu.dma_semaphore, #tpu.memory_space<semaphore_mem>> -> memref<!tpu.dma_semaphore, #tpu.memory_space<semaphore_mem>>
    tpu.enqueue_indirect_dma source(%dma_start3A_157 : memref<50000x16xf32, #tpu.memory_space<hbm>>) target(%dma_start3A_147 : memref<128x16xf32, #tpu.memory_space<vmem>>) offsets(%dma_start3A_150 : memref<128xi32, #tpu.memory_space<vmem>>) semaphore(%dma_start3A_159 : memref<!tpu.dma_semaphore, #tpu.memory_space<semaphore_mem>>)
    %scan3A_160 = arith.constant 0 : i32
    %scan3A_161 = arith.constant 0 : i32
    %scan3A_162 = arith.constant 24 : i32
    %scan3A_163 = arith.addi %scan3A_161, %scan3A_162 : i32
    %scan3A_164 = arith.constant 1 : i32
    scf.for %scan3A_195 = %scan3A_161 to %scan3A_163 step %scan3A_164  : i32 {
      %mul3A_196 = arith.constant 2 : i32
      %mul3A_197 = arith.muli %mul3A_196, %scan3A_195 : i32
      %add3A_198 = arith.constant 1 : i32
      %add3A_199 = arith.addi %mul3A_197, %add3A_198 : i32
      %scan3A_200 = arith.constant 0 : i32
      %scan3A_201 = arith.constant 0 : i32
      %scan3A_202 = arith.constant 8 : i32
      %scan3A_203 = arith.addi %scan3A_201, %scan3A_202 : i32
      %scan3A_204 = arith.constant 1 : i32
      scf.for %scan3A_312 = %scan3A_201 to %scan3A_203 step %scan3A_204  : i32 {
        %mul3A_313 = arith.constant 128 : i32
        %mul3A_314 = arith.muli %scan3A_312, %mul3A_313 : i32
        %multiple_of3A_315 = tpu.assume_multiple %mul3A_314, 128 : i32
        %dma_wait3A = arith.constant 0 : i32
        %dma_wait3A_316 = tpu.memref_slice %arg14[%multiple_of3A_315, %dma_wait3A] : memref<1024x16xf32, #tpu.memory_space<vmem>> -> memref<128x16xf32, #tpu.memory_space<vmem>>
        %dma_wait3A_317 = arith.constant 0 : i32
        %dma_wait3A_318 = tpu.memref_slice %arg9[%scan3A_312, %dma_wait3A_317] : memref<8x128xi32, #tpu.memory_space<vmem>> -> memref<1x128xi32, #tpu.memory_space<vmem>>
        %dma_wait3A_319 = tpu.memref_squeeze %dma_wait3A_318 : memref<1x128xi32, #tpu.memory_space<vmem>> -> memref<128xi32, #tpu.memory_space<vmem>>
        %dma_wait3A_320 = arith.constant 0 : i32
        %dma_wait3A_321 = arith.constant 0 : i32
        %dma_wait3A_322 = tpu.memref_slice %arg16[%dma_wait3A_320, %dma_wait3A_321] : memref<50000x16xf32, #tpu.memory_space<vmem_shared>> -> memref<50000x16xf32, #tpu.memory_space<vmem_shared>>
        %dma_wait3A_323 = tpu.memref_slice %arg18[%scan3A_312] : memref<8x!tpu.dma_semaphore, #tpu.memory_space<semaphore_mem>> -> memref<1x!tpu.dma_semaphore, #tpu.memory_space<semaphore_mem>>
        %dma_wait3A_324 = tpu.memref_squeeze %dma_wait3A_323 : memref<1x!tpu.dma_semaphore, #tpu.memory_space<semaphore_mem>> -> memref<!tpu.dma_semaphore, #tpu.memory_space<semaphore_mem>>
        tpu.wait_indirect_dma semaphore(%dma_wait3A_324 : memref<!tpu.dma_semaphore, #tpu.memory_space<semaphore_mem>>) src(%dma_wait3A_316 : memref<128x16xf32, #tpu.memory_space<vmem>>) dst(%dma_wait3A_322 : memref<50000x16xf32, #tpu.memory_space<vmem_shared>>)
      }
      %scan3A_205 = arith.constant 8 : i32
      %add3A_206 = arith.constant 1 : i32
      %add3A_207 = arith.addi %add3A_199, %add3A_206 : i32
      %mul3A_208 = arith.constant 8 : i32
      %mul3A_209 = arith.muli %add3A_207, %mul3A_208 : i32
      %add3A_210 = arith.addi %mul3A_0, %mul3A_209 : i32
      %multiple_of3A_211 = tpu.assume_multiple %add3A_210, 8 : i32
      %add3A_212 = arith.constant 1 : i32
      %add3A_213 = arith.addi %add3A_199, %add3A_212 : i32
      %mul3A_214 = arith.constant 64 : i32
      %mul3A_215 = arith.muli %add3A_213, %mul3A_214 : i32
      %add3A_216 = arith.addi %mul3A_2, %mul3A_215 : i32
      %multiple_of3A_217 = tpu.assume_multiple %add3A_216, 8 : i32
      %dma_start3A_218 = arith.constant 0 : i32
      %dma_start3A_219 = tpu.memref_slice %arg3[%multiple_of3A_211, %dma_start3A_218] : memref<6400x128xi32, #tpu.memory_space<hbm>> -> memref<8x128xi32, #tpu.memory_space<hbm>>
      %dma_start3A_220 = arith.constant 0 : i32
      %dma_start3A_221 = tpu.memref_slice %arg3[%multiple_of3A_211, %dma_start3A_220] : memref<6400x128xi32, #tpu.memory_space<hbm>> -> memref<8x128xi32, #tpu.memory_space<hbm>>
      tpu.enqueue_dma source(%dma_start3A_221 : memref<8x128xi32, #tpu.memory_space<hbm>>) target(%arg8 : memref<8x128xi32, #tpu.memory_space<vmem>>) target_semaphore(%arg19 : memref<!tpu.dma_semaphore, #tpu.memory_space<semaphore_mem>>)
      %dma_start3A_222 = arith.constant 0 : i32
      %dma_start3A_223 = tpu.memref_slice %arg4[%multiple_of3A_211, %dma_start3A_222] : memref<6400x128xi32, #tpu.memory_space<hbm>> -> memref<8x128xi32, #tpu.memory_space<hbm>>
      %dma_start3A_224 = arith.constant 0 : i32
      %dma_start3A_225 = tpu.memref_slice %arg4[%multiple_of3A_211, %dma_start3A_224] : memref<6400x128xi32, #tpu.memory_space<hbm>> -> memref<8x128xi32, #tpu.memory_space<hbm>>
      tpu.enqueue_dma source(%dma_start3A_225 : memref<8x128xi32, #tpu.memory_space<hbm>>) target(%arg9 : memref<8x128xi32, #tpu.memory_space<vmem>>) target_semaphore(%arg19 : memref<!tpu.dma_semaphore, #tpu.memory_space<semaphore_mem>>)
      %dma_start3A_226 = arith.constant 0 : i32
      %dma_start3A_227 = tpu.memref_slice %arg5[%multiple_of3A_217, %dma_start3A_226] : memref<51200x16xf32, #tpu.memory_space<hbm>> -> memref<64x16xf32, #tpu.memory_space<hbm>>
      %dma_start3A_228 = arith.constant 0 : i32
      %dma_start3A_229 = tpu.memref_slice %arg5[%multiple_of3A_217, %dma_start3A_228] : memref<51200x16xf32, #tpu.memory_space<hbm>> -> memref<64x16xf32, #tpu.memory_space<hbm>>
      tpu.enqueue_dma source(%dma_start3A_229 : memref<64x16xf32, #tpu.memory_space<hbm>>) target(%arg10 : memref<64x16xf32, #tpu.memory_space<vmem>>) target_semaphore(%arg19 : memref<!tpu.dma_semaphore, #tpu.memory_space<semaphore_mem>>)
      %scan3A_230 = arith.constant 0 : i32
      %scan3A_231 = arith.constant 0 : i32
      %scan3A_232 = arith.constant 8 : i32
      %scan3A_233 = arith.addi %scan3A_231, %scan3A_232 : i32
      %scan3A_234 = arith.constant 1 : i32
      scf.for %scan3A_312 = %scan3A_231 to %scan3A_233 step %scan3A_234  : i32 {
        %mul3A_313 = arith.constant 128 : i32
        %mul3A_314 = arith.muli %scan3A_312, %mul3A_313 : i32
        %multiple_of3A_315 = tpu.assume_multiple %mul3A_314, 128 : i32
        %dma_wait3A = arith.constant 0 : i32
        %dma_wait3A_316 = tpu.memref_slice %arg15[%multiple_of3A_315, %dma_wait3A] : memref<1024x16xf32, #tpu.memory_space<vmem>> -> memref<128x16xf32, #tpu.memory_space<vmem>>
        %dma_wait3A_317 = arith.constant 0 : i32
        %dma_wait3A_318 = tpu.memref_slice %arg11[%scan3A_312, %dma_wait3A_317] : memref<8x128xi32, #tpu.memory_space<vmem>> -> memref<1x128xi32, #tpu.memory_space<vmem>>
        %dma_wait3A_319 = tpu.memref_squeeze %dma_wait3A_318 : memref<1x128xi32, #tpu.memory_space<vmem>> -> memref<128xi32, #tpu.memory_space<vmem>>
        %dma_wait3A_320 = arith.constant 0 : i32
        %dma_wait3A_321 = arith.constant 0 : i32
        %dma_wait3A_322 = tpu.memref_slice %arg2[%add3A_98, %dma_wait3A_320, %dma_wait3A_321] : memref<4x50000x16xf32, #tpu.memory_space<hbm>> -> memref<1x50000x16xf32, #tpu.memory_space<hbm>>
        %dma_wait3A_323 = tpu.memref_squeeze %dma_wait3A_322 : memref<1x50000x16xf32, #tpu.memory_space<hbm>> -> memref<50000x16xf32, #tpu.memory_space<hbm>>
        %dma_wait3A_324 = arith.constant 0 : i32
        %dma_wait3A_325 = arith.constant 0 : i32
        %dma_wait3A_326 = tpu.memref_slice %dma_wait3A_323[%dma_wait3A_324, %dma_wait3A_325] : memref<50000x16xf32, #tpu.memory_space<hbm>> -> memref<50000x16xf32, #tpu.memory_space<hbm>>
        %dma_wait3A_327 = tpu.memref_slice %arg17[%scan3A_312] : memref<8x!tpu.dma_semaphore, #tpu.memory_space<semaphore_mem>> -> memref<1x!tpu.dma_semaphore, #tpu.memory_space<semaphore_mem>>
        %dma_wait3A_328 = tpu.memref_squeeze %dma_wait3A_327 : memref<1x!tpu.dma_semaphore, #tpu.memory_space<semaphore_mem>> -> memref<!tpu.dma_semaphore, #tpu.memory_space<semaphore_mem>>
        tpu.wait_indirect_dma semaphore(%dma_wait3A_328 : memref<!tpu.dma_semaphore, #tpu.memory_space<semaphore_mem>>) src(%dma_wait3A_326 : memref<50000x16xf32, #tpu.memory_space<hbm>>) dst(%dma_wait3A_316 : memref<128x16xf32, #tpu.memory_space<vmem>>)
        %scan3A_329 = arith.constant 0 : i32
        %scan3A_330 = arith.constant 0 : i32
        %scan3A_331 = arith.constant 8 : i32
        %scan3A_332 = arith.addi %scan3A_330, %scan3A_331 : i32
        %scan3A_333 = arith.constant 1 : i32
        scf.for %scan3A_357 = %scan3A_330 to %scan3A_332 step %scan3A_333  : i32 {
          %mul3A_358 = arith.constant 8 : i32
          %mul3A_359 = arith.muli %scan3A_312, %mul3A_358 : i32
          %add3A_360 = arith.addi %mul3A_359, %scan3A_357 : i32
          %get3A = arith.index_cast %add3A_360 : i32 to index
          %get3A_361 = arith.constant 0 : index
          %get3A_362 = tpu.vector_load %arg13[%get3A, %get3A_361] {strides = array<i32>} : memref<64x16xf32, #tpu.memory_space<vmem>>, vector<1x16xf32>,
          %get3A_363 = vector.shape_cast %get3A_362 : vector<1x16xf32> to vector<16xf32>
          %mul3A_364 = arith.constant 16 : i32
          %mul3A_365 = arith.muli %add3A_360, %mul3A_364 : i32
          %add3A_366 = arith.constant 0 : i32
          %add3A_367 = arith.addi %mul3A_365, %add3A_366 : i32
          %slice3A = vector.extract_strided_slice %get3A_363 {offsets = [0], sizes = [1], strides = [1]} : vector<16xf32> to vector<1xf32>
          %squeeze3A = vector.extract %slice3A[0] : f32 from vector<1xf32>
          %get3A_368 = arith.index_cast %add3A_367 : i32 to index
          %get3A_369 = arith.constant 0 : index
          %get3A_370 = tpu.vector_load %arg15[%get3A_368, %get3A_369] {strides = array<i32>} : memref<1024x16xf32, #tpu.memory_space<vmem>>, vector<1x16xf32>,
          %get3A_371 = vector.shape_cast %get3A_370 : vector<1x16xf32> to vector<16xf32>
          %mul3A_372 = vector.broadcast %squeeze3A : f32 to vector<16xf32>
          %mul3A_373 = arith.mulf %get3A_371, %mul3A_372 : vector<16xf32>
          %swap3A = arith.index_cast %add3A_367 : i32 to index
          %swap3A_374 = arith.constant 0 : index
          %swap3A_375 = tpu.vector_load %arg15[%swap3A, %swap3A_374] {strides = array<i32>} : memref<1024x16xf32, #tpu.memory_space<vmem>>, vector<1x16xf32>,
          %swap3A_376 = vector.shape_cast %swap3A_375 : vector<1x16xf32> to vector<16xf32>
          %swap3A_377 = vector.shape_cast %mul3A_373 : vector<16xf32> to vector<1x16xf32>
          tpu.vector_store %arg15[%swap3A, %swap3A_374], %swap3A_377 {strides = array<i32>} : memref<1024x16xf32, #tpu.memory_space<vmem>>, vector<1x16xf32>,
          %mul3A_378 = arith.constant 16 : i32
          %mul3A_379 = arith.muli %add3A_360, %mul3A_378 : i32
          %add3A_380 = arith.constant 1 : i32
          %add3A_381 = arith.addi %mul3A_379, %add3A_380 : i32
          %slice3A_382 = vector.extract_strided_slice %get3A_363 {offsets = [1], sizes = [1], strides = [1]} : vector<16xf32> to vector<1xf32>
          %squeeze3A_383 = vector.extract %slice3A_382[0] : f32 from vector<1xf32>
          %get3A_384 = arith.index_cast %add3A_381 : i32 to index
          %get3A_385 = arith.constant 0 : index
          %get3A_386 = tpu.vector_load %arg15[%get3A_384, %get3A_385] {strides = array<i32>} : memref<1024x16xf32, #tpu.memory_space<vmem>>, vector<1x16xf32>,
          %get3A_387 = vector.shape_cast %get3A_386 : vector<1x16xf32> to vector<16xf32>
          %mul3A_388 = vector.broadcast %squeeze3A_383 : f32 to vector<16xf32>
          %mul3A_389 = arith.mulf %get3A_387, %mul3A_388 : vector<16xf32>
          %swap3A_390 = arith.index_cast %add3A_381 : i32 to index
          %swap3A_391 = arith.constant 0 : index
          %swap3A_392 = tpu.vector_load %arg15[%swap3A_390, %swap3A_391] {strides = array<i32>} : memref<1024x16xf32, #tpu.memory_space<vmem>>, vector<1x16xf32>,
          %swap3A_393 = vector.shape_cast %swap3A_392 : vector<1x16xf32> to vector<16xf32>
          %swap3A_394 = vector.shape_cast %mul3A_389 : vector<16xf32> to vector<1x16xf32>
          tpu.vector_store %arg15[%swap3A_390, %swap3A_391], %swap3A_394 {strides = array<i32>} : memref<1024x16xf32, #tpu.memory_space<vmem>>, vector<1x16xf32>,
          %mul3A_395 = arith.constant 16 : i32
          %mul3A_396 = arith.muli %add3A_360, %mul3A_395 : i32
          %add3A_397 = arith.constant 2 : i32
          %add3A_398 = arith.addi %mul3A_396, %add3A_397 : i32
          %slice3A_399 = vector.extract_strided_slice %get3A_363 {offsets = [2], sizes = [1], strides = [1]} : vector<16xf32> to vector<1xf32>
          %squeeze3A_400 = vector.extract %slice3A_399[0] : f32 from vector<1xf32>
          %get3A_401 = arith.index_cast %add3A_398 : i32 to index
          %get3A_402 = arith.constant 0 : index
          %get3A_403 = tpu.vector_load %arg15[%get3A_401, %get3A_402] {strides = array<i32>} : memref<1024x16xf32, #tpu.memory_space<vmem>>, vector<1x16xf32>,
          %get3A_404 = vector.shape_cast %get3A_403 : vector<1x16xf32> to vector<16xf32>
          %mul3A_405 = vector.broadcast %squeeze3A_400 : f32 to vector<16xf32>
          %mul3A_406 = arith.mulf %get3A_404, %mul3A_405 : vector<16xf32>
          %swap3A_407 = arith.index_cast %add3A_398 : i32 to index
          %swap3A_408 = arith.constant 0 : index
          %swap3A_409 = tpu.vector_load %arg15[%swap3A_407, %swap3A_408] {strides = array<i32>} : memref<1024x16xf32, #tpu.memory_space<vmem>>, vector<1x16xf32>,
          %swap3A_410 = vector.shape_cast %swap3A_409 : vector<1x16xf32> to vector<16xf32>
          %swap3A_411 = vector.shape_cast %mul3A_406 : vector<16xf32> to vector<1x16xf32>
          tpu.vector_store %arg15[%swap3A_407, %swap3A_408], %swap3A_411 {strides = array<i32>} : memref<1024x16xf32, #tpu.memory_space<vmem>>, vector<1x16xf32>,
          %mul3A_412 = arith.constant 16 : i32
          %mul3A_413 = arith.muli %add3A_360, %mul3A_412 : i32
          %add3A_414 = arith.constant 3 : i32
          %add3A_415 = arith.addi %mul3A_413, %add3A_414 : i32
          %slice3A_416 = vector.extract_strided_slice %get3A_363 {offsets = [3], sizes = [1], strides = [1]} : vector<16xf32> to vector<1xf32>
          %squeeze3A_417 = vector.extract %slice3A_416[0] : f32 from vector<1xf32>
          %get3A_418 = arith.index_cast %add3A_415 : i32 to index
          %get3A_419 = arith.constant 0 : index
          %get3A_420 = tpu.vector_load %arg15[%get3A_418, %get3A_419] {strides = array<i32>} : memref<1024x16xf32, #tpu.memory_space<vmem>>, vector<1x16xf32>,
          %get3A_421 = vector.shape_cast %get3A_420 : vector<1x16xf32> to vector<16xf32>
          %mul3A_422 = vector.broadcast %squeeze3A_417 : f32 to vector<16xf32>
          %mul3A_423 = arith.mulf %get3A_421, %mul3A_422 : vector<16xf32>
          %swap3A_424 = arith.index_cast %add3A_415 : i32 to index
          %swap3A_425 = arith.constant 0 : index
          %swap3A_426 = tpu.vector_load %arg15[%swap3A_424, %swap3A_425] {strides = array<i32>} : memref<1024x16xf32, #tpu.memory_space<vmem>>, vector<1x16xf32>,
          %swap3A_427 = vector.shape_cast %swap3A_426 : vector<1x16xf32> to vector<16xf32>
          %swap3A_428 = vector.shape_cast %mul3A_423 : vector<16xf32> to vector<1x16xf32>
          tpu.vector_store %arg15[%swap3A_424, %swap3A_425], %swap3A_428 {strides = array<i32>} : memref<1024x16xf32, #tpu.memory_space<vmem>>, vector<1x16xf32>,
          %mul3A_429 = arith.constant 16 : i32
          %mul3A_430 = arith.muli %add3A_360, %mul3A_429 : i32
          %add3A_431 = arith.constant 4 : i32
          %add3A_432 = arith.addi %mul3A_430, %add3A_431 : i32
          %slice3A_433 = vector.extract_strided_slice %get3A_363 {offsets = [4], sizes = [1], strides = [1]} : vector<16xf32> to vector<1xf32>
          %squeeze3A_434 = vector.extract %slice3A_433[0] : f32 from vector<1xf32>
          %get3A_435 = arith.index_cast %add3A_432 : i32 to index
          %get3A_436 = arith.constant 0 : index
          %get3A_437 = tpu.vector_load %arg15[%get3A_435, %get3A_436] {strides = array<i32>} : memref<1024x16xf32, #tpu.memory_space<vmem>>, vector<1x16xf32>,
          %get3A_438 = vector.shape_cast %get3A_437 : vector<1x16xf32> to vector<16xf32>
          %mul3A_439 = vector.broadcast %squeeze3A_434 : f32 to vector<16xf32>
          %mul3A_440 = arith.mulf %get3A_438, %mul3A_439 : vector<16xf32>
          %swap3A_441 = arith.index_cast %add3A_432 : i32 to index
          %swap3A_442 = arith.constant 0 : index
          %swap3A_443 = tpu.vector_load %arg15[%swap3A_441, %swap3A_442] {strides = array<i32>} : memref<1024x16xf32, #tpu.memory_space<vmem>>, vector<1x16xf32>,
          %swap3A_444 = vector.shape_cast %swap3A_443 : vector<1x16xf32> to vector<16xf32>
          %swap3A_445 = vector.shape_cast %mul3A_440 : vector<16xf32> to vector<1x16xf32>
          tpu.vector_store %arg15[%swap3A_441, %swap3A_442], %swap3A_445 {strides = array<i32>} : memref<1024x16xf32, #tpu.memory_space<vmem>>, vector<1x16xf32>,
          %mul3A_446 = arith.constant 16 : i32
          %mul3A_447 = arith.muli %add3A_360, %mul3A_446 : i32
          %add3A_448 = arith.constant 5 : i32
          %add3A_449 = arith.addi %mul3A_447, %add3A_448 : i32
          %slice3A_450 = vector.extract_strided_slice %get3A_363 {offsets = [5], sizes = [1], strides = [1]} : vector<16xf32> to vector<1xf32>
          %squeeze3A_451 = vector.extract %slice3A_450[0] : f32 from vector<1xf32>
          %get3A_452 = arith.index_cast %add3A_449 : i32 to index
          %get3A_453 = arith.constant 0 : index
          %get3A_454 = tpu.vector_load %arg15[%get3A_452, %get3A_453] {strides = array<i32>} : memref<1024x16xf32, #tpu.memory_space<vmem>>, vector<1x16xf32>,
          %get3A_455 = vector.shape_cast %get3A_454 : vector<1x16xf32> to vector<16xf32>
          %mul3A_456 = vector.broadcast %squeeze3A_451 : f32 to vector<16xf32>
          %mul3A_457 = arith.mulf %get3A_455, %mul3A_456 : vector<16xf32>
          %swap3A_458 = arith.index_cast %add3A_449 : i32 to index
          %swap3A_459 = arith.constant 0 : index
          %swap3A_460 = tpu.vector_load %arg15[%swap3A_458, %swap3A_459] {strides = array<i32>} : memref<1024x16xf32, #tpu.memory_space<vmem>>, vector<1x16xf32>,
          %swap3A_461 = vector.shape_cast %swap3A_460 : vector<1x16xf32> to vector<16xf32>
          %swap3A_462 = vector.shape_cast %mul3A_457 : vector<16xf32> to vector<1x16xf32>
          tpu.vector_store %arg15[%swap3A_458, %swap3A_459], %swap3A_462 {strides = array<i32>} : memref<1024x16xf32, #tpu.memory_space<vmem>>, vector<1x16xf32>,
          %mul3A_463 = arith.constant 16 : i32
          %mul3A_464 = arith.muli %add3A_360, %mul3A_463 : i32
          %add3A_465 = arith.constant 6 : i32
          %add3A_466 = arith.addi %mul3A_464, %add3A_465 : i32
          %slice3A_467 = vector.extract_strided_slice %get3A_363 {offsets = [6], sizes = [1], strides = [1]} : vector<16xf32> to vector<1xf32>
          %squeeze3A_468 = vector.extract %slice3A_467[0] : f32 from vector<1xf32>
          %get3A_469 = arith.index_cast %add3A_466 : i32 to index
          %get3A_470 = arith.constant 0 : index
          %get3A_471 = tpu.vector_load %arg15[%get3A_469, %get3A_470] {strides = array<i32>} : memref<1024x16xf32, #tpu.memory_space<vmem>>, vector<1x16xf32>,
          %get3A_472 = vector.shape_cast %get3A_471 : vector<1x16xf32> to vector<16xf32>
          %mul3A_473 = vector.broadcast %squeeze3A_468 : f32 to vector<16xf32>
          %mul3A_474 = arith.mulf %get3A_472, %mul3A_473 : vector<16xf32>
          %swap3A_475 = arith.index_cast %add3A_466 : i32 to index
          %swap3A_476 = arith.constant 0 : index
          %swap3A_477 = tpu.vector_load %arg15[%swap3A_475, %swap3A_476] {strides = array<i32>} : memref<1024x16xf32, #tpu.memory_space<vmem>>, vector<1x16xf32>,
          %swap3A_478 = vector.shape_cast %swap3A_477 : vector<1x16xf32> to vector<16xf32>
          %swap3A_479 = vector.shape_cast %mul3A_474 : vector<16xf32> to vector<1x16xf32>
          tpu.vector_store %arg15[%swap3A_475, %swap3A_476], %swap3A_479 {strides = array<i32>} : memref<1024x16xf32, #tpu.memory_space<vmem>>, vector<1x16xf32>,
          %mul3A_480 = arith.constant 16 : i32
          %mul3A_481 = arith.muli %add3A_360, %mul3A_480 : i32
          %add3A_482 = arith.constant 7 : i32
          %add3A_483 = arith.addi %mul3A_481, %add3A_482 : i32
          %slice3A_484 = vector.extract_strided_slice %get3A_363 {offsets = [7], sizes = [1], strides = [1]} : vector<16xf32> to vector<1xf32>
          %squeeze3A_485 = vector.extract %slice3A_484[0] : f32 from vector<1xf32>
          %get3A_486 = arith.index_cast %add3A_483 : i32 to index
          %get3A_487 = arith.constant 0 : index
          %get3A_488 = tpu.vector_load %arg15[%get3A_486, %get3A_487] {strides = array<i32>} : memref<1024x16xf32, #tpu.memory_space<vmem>>, vector<1x16xf32>,
          %get3A_489 = vector.shape_cast %get3A_488 : vector<1x16xf32> to vector<16xf32>
          %mul3A_490 = vector.broadcast %squeeze3A_485 : f32 to vector<16xf32>
          %mul3A_491 = arith.mulf %get3A_489, %mul3A_490 : vector<16xf32>
          %swap3A_492 = arith.index_cast %add3A_483 : i32 to index
          %swap3A_493 = arith.constant 0 : index
          %swap3A_494 = tpu.vector_load %arg15[%swap3A_492, %swap3A_493] {strides = array<i32>} : memref<1024x16xf32, #tpu.memory_space<vmem>>, vector<1x16xf32>,
          %swap3A_495 = vector.shape_cast %swap3A_494 : vector<1x16xf32> to vector<16xf32>
          %swap3A_496 = vector.shape_cast %mul3A_491 : vector<16xf32> to vector<1x16xf32>
          tpu.vector_store %arg15[%swap3A_492, %swap3A_493], %swap3A_496 {strides = array<i32>} : memref<1024x16xf32, #tpu.memory_space<vmem>>, vector<1x16xf32>,
          %mul3A_497 = arith.constant 16 : i32
          %mul3A_498 = arith.muli %add3A_360, %mul3A_497 : i32
          %add3A_499 = arith.constant 8 : i32
          %add3A_500 = arith.addi %mul3A_498, %add3A_499 : i32
          %slice3A_501 = vector.extract_strided_slice %get3A_363 {offsets = [8], sizes = [1], strides = [1]} : vector<16xf32> to vector<1xf32>
          %squeeze3A_502 = vector.extract %slice3A_501[0] : f32 from vector<1xf32>
          %get3A_503 = arith.index_cast %add3A_500 : i32 to index
          %get3A_504 = arith.constant 0 : index
          %get3A_505 = tpu.vector_load %arg15[%get3A_503, %get3A_504] {strides = array<i32>} : memref<1024x16xf32, #tpu.memory_space<vmem>>, vector<1x16xf32>,
          %get3A_506 = vector.shape_cast %get3A_505 : vector<1x16xf32> to vector<16xf32>
          %mul3A_507 = vector.broadcast %squeeze3A_502 : f32 to vector<16xf32>
          %mul3A_508 = arith.mulf %get3A_506, %mul3A_507 : vector<16xf32>
          %swap3A_509 = arith.index_cast %add3A_500 : i32 to index
          %swap3A_510 = arith.constant 0 : index
          %swap3A_511 = tpu.vector_load %arg15[%swap3A_509, %swap3A_510] {strides = array<i32>} : memref<1024x16xf32, #tpu.memory_space<vmem>>, vector<1x16xf32>,
          %swap3A_512 = vector.shape_cast %swap3A_511 : vector<1x16xf32> to vector<16xf32>
          %swap3A_513 = vector.shape_cast %mul3A_508 : vector<16xf32> to vector<1x16xf32>
          tpu.vector_store %arg15[%swap3A_509, %swap3A_510], %swap3A_513 {strides = array<i32>} : memref<1024x16xf32, #tpu.memory_space<vmem>>, vector<1x16xf32>,
          %mul3A_514 = arith.constant 16 : i32
          %mul3A_515 = arith.muli %add3A_360, %mul3A_514 : i32
          %add3A_516 = arith.constant 9 : i32
          %add3A_517 = arith.addi %mul3A_515, %add3A_516 : i32
          %slice3A_518 = vector.extract_strided_slice %get3A_363 {offsets = [9], sizes = [1], strides = [1]} : vector<16xf32> to vector<1xf32>
          %squeeze3A_519 = vector.extract %slice3A_518[0] : f32 from vector<1xf32>
          %get3A_520 = arith.index_cast %add3A_517 : i32 to index
          %get3A_521 = arith.constant 0 : index
          %get3A_522 = tpu.vector_load %arg15[%get3A_520, %get3A_521] {strides = array<i32>} : memref<1024x16xf32, #tpu.memory_space<vmem>>, vector<1x16xf32>,
          %get3A_523 = vector.shape_cast %get3A_522 : vector<1x16xf32> to vector<16xf32>
          %mul3A_524 = vector.broadcast %squeeze3A_519 : f32 to vector<16xf32>
          %mul3A_525 = arith.mulf %get3A_523, %mul3A_524 : vector<16xf32>
          %swap3A_526 = arith.index_cast %add3A_517 : i32 to index
          %swap3A_527 = arith.constant 0 : index
          %swap3A_528 = tpu.vector_load %arg15[%swap3A_526, %swap3A_527] {strides = array<i32>} : memref<1024x16xf32, #tpu.memory_space<vmem>>, vector<1x16xf32>,
          %swap3A_529 = vector.shape_cast %swap3A_528 : vector<1x16xf32> to vector<16xf32>
          %swap3A_530 = vector.shape_cast %mul3A_525 : vector<16xf32> to vector<1x16xf32>
          tpu.vector_store %arg15[%swap3A_526, %swap3A_527], %swap3A_530 {strides = array<i32>} : memref<1024x16xf32, #tpu.memory_space<vmem>>, vector<1x16xf32>,
          %mul3A_531 = arith.constant 16 : i32
          %mul3A_532 = arith.muli %add3A_360, %mul3A_531 : i32
          %add3A_533 = arith.constant 10 : i32
          %add3A_534 = arith.addi %mul3A_532, %add3A_533 : i32
          %slice3A_535 = vector.extract_strided_slice %get3A_363 {offsets = [10], sizes = [1], strides = [1]} : vector<16xf32> to vector<1xf32>
          %squeeze3A_536 = vector.extract %slice3A_535[0] : f32 from vector<1xf32>
          %get3A_537 = arith.index_cast %add3A_534 : i32 to index
          %get3A_538 = arith.constant 0 : index
          %get3A_539 = tpu.vector_load %arg15[%get3A_537, %get3A_538] {strides = array<i32>} : memref<1024x16xf32, #tpu.memory_space<vmem>>, vector<1x16xf32>,
          %get3A_540 = vector.shape_cast %get3A_539 : vector<1x16xf32> to vector<16xf32>
          %mul3A_541 = vector.broadcast %squeeze3A_536 : f32 to vector<16xf32>
          %mul3A_542 = arith.mulf %get3A_540, %mul3A_541 : vector<16xf32>
          %swap3A_543 = arith.index_cast %add3A_534 : i32 to index
          %swap3A_544 = arith.constant 0 : index
          %swap3A_545 = tpu.vector_load %arg15[%swap3A_543, %swap3A_544] {strides = array<i32>} : memref<1024x16xf32, #tpu.memory_space<vmem>>, vector<1x16xf32>,
          %swap3A_546 = vector.shape_cast %swap3A_545 : vector<1x16xf32> to vector<16xf32>
          %swap3A_547 = vector.shape_cast %mul3A_542 : vector<16xf32> to vector<1x16xf32>
          tpu.vector_store %arg15[%swap3A_543, %swap3A_544], %swap3A_547 {strides = array<i32>} : memref<1024x16xf32, #tpu.memory_space<vmem>>, vector<1x16xf32>,
          %mul3A_548 = arith.constant 16 : i32
          %mul3A_549 = arith.muli %add3A_360, %mul3A_548 : i32
          %add3A_550 = arith.constant 11 : i32
          %add3A_551 = arith.addi %mul3A_549, %add3A_550 : i32
          %slice3A_552 = vector.extract_strided_slice %get3A_363 {offsets = [11], sizes = [1], strides = [1]} : vector<16xf32> to vector<1xf32>
          %squeeze3A_553 = vector.extract %slice3A_552[0] : f32 from vector<1xf32>
          %get3A_554 = arith.index_cast %add3A_551 : i32 to index
          %get3A_555 = arith.constant 0 : index
          %get3A_556 = tpu.vector_load %arg15[%get3A_554, %get3A_555] {strides = array<i32>} : memref<1024x16xf32, #tpu.memory_space<vmem>>, vector<1x16xf32>,
          %get3A_557 = vector.shape_cast %get3A_556 : vector<1x16xf32> to vector<16xf32>
          %mul3A_558 = vector.broadcast %squeeze3A_553 : f32 to vector<16xf32>
          %mul3A_559 = arith.mulf %get3A_557, %mul3A_558 : vector<16xf32>
          %swap3A_560 = arith.index_cast %add3A_551 : i32 to index
          %swap3A_561 = arith.constant 0 : index
          %swap3A_562 = tpu.vector_load %arg15[%swap3A_560, %swap3A_561] {strides = array<i32>} : memref<1024x16xf32, #tpu.memory_space<vmem>>, vector<1x16xf32>,
          %swap3A_563 = vector.shape_cast %swap3A_562 : vector<1x16xf32> to vector<16xf32>
          %swap3A_564 = vector.shape_cast %mul3A_559 : vector<16xf32> to vector<1x16xf32>
          tpu.vector_store %arg15[%swap3A_560, %swap3A_561], %swap3A_564 {strides = array<i32>} : memref<1024x16xf32, #tpu.memory_space<vmem>>, vector<1x16xf32>,
          %mul3A_565 = arith.constant 16 : i32
          %mul3A_566 = arith.muli %add3A_360, %mul3A_565 : i32
          %add3A_567 = arith.constant 12 : i32
          %add3A_568 = arith.addi %mul3A_566, %add3A_567 : i32
          %slice3A_569 = vector.extract_strided_slice %get3A_363 {offsets = [12], sizes = [1], strides = [1]} : vector<16xf32> to vector<1xf32>
          %squeeze3A_570 = vector.extract %slice3A_569[0] : f32 from vector<1xf32>
          %get3A_571 = arith.index_cast %add3A_568 : i32 to index
          %get3A_572 = arith.constant 0 : index
          %get3A_573 = tpu.vector_load %arg15[%get3A_571, %get3A_572] {strides = array<i32>} : memref<1024x16xf32, #tpu.memory_space<vmem>>, vector<1x16xf32>,
          %get3A_574 = vector.shape_cast %get3A_573 : vector<1x16xf32> to vector<16xf32>
          %mul3A_575 = vector.broadcast %squeeze3A_570 : f32 to vector<16xf32>
          %mul3A_576 = arith.mulf %get3A_574, %mul3A_575 : vector<16xf32>
          %swap3A_577 = arith.index_cast %add3A_568 : i32 to index
          %swap3A_578 = arith.constant 0 : index
          %swap3A_579 = tpu.vector_load %arg15[%swap3A_577, %swap3A_578] {strides = array<i32>} : memref<1024x16xf32, #tpu.memory_space<vmem>>, vector<1x16xf32>,
          %swap3A_580 = vector.shape_cast %swap3A_579 : vector<1x16xf32> to vector<16xf32>
          %swap3A_581 = vector.shape_cast %mul3A_576 : vector<16xf32> to vector<1x16xf32>
          tpu.vector_store %arg15[%swap3A_577, %swap3A_578], %swap3A_581 {strides = array<i32>} : memref<1024x16xf32, #tpu.memory_space<vmem>>, vector<1x16xf32>,
          %mul3A_582 = arith.constant 16 : i32
          %mul3A_583 = arith.muli %add3A_360, %mul3A_582 : i32
          %add3A_584 = arith.constant 13 : i32
          %add3A_585 = arith.addi %mul3A_583, %add3A_584 : i32
          %slice3A_586 = vector.extract_strided_slice %get3A_363 {offsets = [13], sizes = [1], strides = [1]} : vector<16xf32> to vector<1xf32>
          %squeeze3A_587 = vector.extract %slice3A_586[0] : f32 from vector<1xf32>
          %get3A_588 = arith.index_cast %add3A_585 : i32 to index
          %get3A_589 = arith.constant 0 : index
          %get3A_590 = tpu.vector_load %arg15[%get3A_588, %get3A_589] {strides = array<i32>} : memref<1024x16xf32, #tpu.memory_space<vmem>>, vector<1x16xf32>,
          %get3A_591 = vector.shape_cast %get3A_590 : vector<1x16xf32> to vector<16xf32>
          %mul3A_592 = vector.broadcast %squeeze3A_587 : f32 to vector<16xf32>
          %mul3A_593 = arith.mulf %get3A_591, %mul3A_592 : vector<16xf32>
          %swap3A_594 = arith.index_cast %add3A_585 : i32 to index
          %swap3A_595 = arith.constant 0 : index
          %swap3A_596 = tpu.vector_load %arg15[%swap3A_594, %swap3A_595] {strides = array<i32>} : memref<1024x16xf32, #tpu.memory_space<vmem>>, vector<1x16xf32>,
          %swap3A_597 = vector.shape_cast %swap3A_596 : vector<1x16xf32> to vector<16xf32>
          %swap3A_598 = vector.shape_cast %mul3A_593 : vector<16xf32> to vector<1x16xf32>
          tpu.vector_store %arg15[%swap3A_594, %swap3A_595], %swap3A_598 {strides = array<i32>} : memref<1024x16xf32, #tpu.memory_space<vmem>>, vector<1x16xf32>,
          %mul3A_599 = arith.constant 16 : i32
          %mul3A_600 = arith.muli %add3A_360, %mul3A_599 : i32
          %add3A_601 = arith.constant 14 : i32
          %add3A_602 = arith.addi %mul3A_600, %add3A_601 : i32
          %slice3A_603 = vector.extract_strided_slice %get3A_363 {offsets = [14], sizes = [1], strides = [1]} : vector<16xf32> to vector<1xf32>
          %squeeze3A_604 = vector.extract %slice3A_603[0] : f32 from vector<1xf32>
          %get3A_605 = arith.index_cast %add3A_602 : i32 to index
          %get3A_606 = arith.constant 0 : index
          %get3A_607 = tpu.vector_load %arg15[%get3A_605, %get3A_606] {strides = array<i32>} : memref<1024x16xf32, #tpu.memory_space<vmem>>, vector<1x16xf32>,
          %get3A_608 = vector.shape_cast %get3A_607 : vector<1x16xf32> to vector<16xf32>
          %mul3A_609 = vector.broadcast %squeeze3A_604 : f32 to vector<16xf32>
          %mul3A_610 = arith.mulf %get3A_608, %mul3A_609 : vector<16xf32>
          %swap3A_611 = arith.index_cast %add3A_602 : i32 to index
          %swap3A_612 = arith.constant 0 : index
          %swap3A_613 = tpu.vector_load %arg15[%swap3A_611, %swap3A_612] {strides = array<i32>} : memref<1024x16xf32, #tpu.memory_space<vmem>>, vector<1x16xf32>,
          %swap3A_614 = vector.shape_cast %swap3A_613 : vector<1x16xf32> to vector<16xf32>
          %swap3A_615 = vector.shape_cast %mul3A_610 : vector<16xf32> to vector<1x16xf32>
          tpu.vector_store %arg15[%swap3A_611, %swap3A_612], %swap3A_615 {strides = array<i32>} : memref<1024x16xf32, #tpu.memory_space<vmem>>, vector<1x16xf32>,
          %mul3A_616 = arith.constant 16 : i32
          %mul3A_617 = arith.muli %add3A_360, %mul3A_616 : i32
          %add3A_618 = arith.constant 15 : i32
          %add3A_619 = arith.addi %mul3A_617, %add3A_618 : i32
          %slice3A_620 = vector.extract_strided_slice %get3A_363 {offsets = [15], sizes = [1], strides = [1]} : vector<16xf32> to vector<1xf32>
          %squeeze3A_621 = vector.extract %slice3A_620[0] : f32 from vector<1xf32>
          %get3A_622 = arith.index_cast %add3A_619 : i32 to index
          %get3A_623 = arith.constant 0 : index
          %get3A_624 = tpu.vector_load %arg15[%get3A_622, %get3A_623] {strides = array<i32>} : memref<1024x16xf32, #tpu.memory_space<vmem>>, vector<1x16xf32>,
          %get3A_625 = vector.shape_cast %get3A_624 : vector<1x16xf32> to vector<16xf32>
          %mul3A_626 = vector.broadcast %squeeze3A_621 : f32 to vector<16xf32>
          %mul3A_627 = arith.mulf %get3A_625, %mul3A_626 : vector<16xf32>
          %swap3A_628 = arith.index_cast %add3A_619 : i32 to index
          %swap3A_629 = arith.constant 0 : index
          %swap3A_630 = tpu.vector_load %arg15[%swap3A_628, %swap3A_629] {strides = array<i32>} : memref<1024x16xf32, #tpu.memory_space<vmem>>, vector<1x16xf32>,
          %swap3A_631 = vector.shape_cast %swap3A_630 : vector<1x16xf32> to vector<16xf32>
          %swap3A_632 = vector.shape_cast %mul3A_627 : vector<16xf32> to vector<1x16xf32>
          tpu.vector_store %arg15[%swap3A_628, %swap3A_629], %swap3A_632 {strides = array<i32>} : memref<1024x16xf32, #tpu.memory_space<vmem>>, vector<1x16xf32>,
        }
        %scan3A_334 = arith.constant 8 : i32
        %mul3A_335 = arith.constant 128 : i32
        %mul3A_336 = arith.muli %scan3A_312, %mul3A_335 : i32
        %multiple_of3A_337 = tpu.assume_multiple %mul3A_336, 128 : i32
        %dma_start3A_338 = arith.constant 0 : i32
        %dma_start3A_339 = tpu.memref_slice %arg15[%multiple_of3A_337, %dma_start3A_338] : memref<1024x16xf32, #tpu.memory_space<vmem>> -> memref<128x16xf32, #tpu.memory_space<vmem>>
        %dma_start3A_340 = arith.constant 0 : i32
        %dma_start3A_341 = tpu.memref_slice %arg12[%scan3A_312, %dma_start3A_340] : memref<8x128xi32, #tpu.memory_space<vmem>> -> memref<1x128xi32, #tpu.memory_space<vmem>>
        %dma_start3A_342 = tpu.memref_squeeze %dma_start3A_341 : memref<1x128xi32, #tpu.memory_space<vmem>> -> memref<128xi32, #tpu.memory_space<vmem>>
        %dma_start3A_343 = arith.constant 0 : i32
        %dma_start3A_344 = arith.constant 0 : i32
        %dma_start3A_345 = tpu.memref_slice %arg16[%dma_start3A_343, %dma_start3A_344] : memref<50000x16xf32, #tpu.memory_space<vmem_shared>> -> memref<50000x16xf32, #tpu.memory_space<vmem_shared>>
        %dma_start3A_346 = tpu.memref_slice %arg18[%scan3A_312] : memref<8x!tpu.dma_semaphore, #tpu.memory_space<semaphore_mem>> -> memref<1x!tpu.dma_semaphore, #tpu.memory_space<semaphore_mem>>
        %dma_start3A_347 = tpu.memref_squeeze %dma_start3A_346 : memref<1x!tpu.dma_semaphore, #tpu.memory_space<semaphore_mem>> -> memref<!tpu.dma_semaphore, #tpu.memory_space<semaphore_mem>>
        tpu.enqueue_indirect_dma source(%dma_start3A_339 : memref<128x16xf32, #tpu.memory_space<vmem>>) target(%dma_start3A_345 : memref<50000x16xf32, #tpu.memory_space<vmem_shared>>) offsets(%dma_start3A_342 : memref<128xi32, #tpu.memory_space<vmem>>) semaphore(%dma_start3A_347 : memref<!tpu.dma_semaphore, #tpu.memory_space<semaphore_mem>>) {add = true}
        %eq3A_348 = arith.constant 1 : i32
        %eq3A_349 = arith.cmpi eq, %scan3A_312, %eq3A_348 : i32
        %convert_element_type3A_350 = arith.extui %eq3A_349 : i1 to i32
        %cond3A_351 = arith.constant 0 : i32
        %cond3A_352 = arith.cmpi ne, %convert_element_type3A_350, %cond3A_351 : i32
        scf.if %cond3A_352 {
          %dma_wait3A_357 = arith.constant 0 : i32
          %dma_wait3A_358 = tpu.memref_slice %arg3[%multiple_of3A_211, %dma_wait3A_357] : memref<6400x128xi32, #tpu.memory_space<hbm>> -> memref<8x128xi32, #tpu.memory_space<hbm>>
          %dma_wait3A_359 = arith.constant 0 : i32
          %dma_wait3A_360 = tpu.memref_slice %arg3[%multiple_of3A_211, %dma_wait3A_359] : memref<6400x128xi32, #tpu.memory_space<hbm>> -> memref<8x128xi32, #tpu.memory_space<hbm>>
          tpu.wait_dma2 semaphore(%arg19 : memref<!tpu.dma_semaphore, #tpu.memory_space<semaphore_mem>>) src(%dma_wait3A_360 : memref<8x128xi32, #tpu.memory_space<hbm>>) dst(%arg8 : memref<8x128xi32, #tpu.memory_space<vmem>>)
          %dma_wait3A_361 = arith.constant 0 : i32
          %dma_wait3A_362 = tpu.memref_slice %arg4[%multiple_of3A_211, %dma_wait3A_361] : memref<6400x128xi32, #tpu.memory_space<hbm>> -> memref<8x128xi32, #tpu.memory_space<hbm>>
          %dma_wait3A_363 = arith.constant 0 : i32
          %dma_wait3A_364 = tpu.memref_slice %arg4[%multiple_of3A_211, %dma_wait3A_363] : memref<6400x128xi32, #tpu.memory_space<hbm>> -> memref<8x128xi32, #tpu.memory_space<hbm>>
          tpu.wait_dma2 semaphore(%arg19 : memref<!tpu.dma_semaphore, #tpu.memory_space<semaphore_mem>>) src(%dma_wait3A_364 : memref<8x128xi32, #tpu.memory_space<hbm>>) dst(%arg9 : memref<8x128xi32, #tpu.memory_space<vmem>>)
          %dma_wait3A_365 = arith.constant 0 : i32
          %dma_wait3A_366 = tpu.memref_slice %arg5[%multiple_of3A_217, %dma_wait3A_365] : memref<51200x16xf32, #tpu.memory_space<hbm>> -> memref<64x16xf32, #tpu.memory_space<hbm>>
          %dma_wait3A_367 = arith.constant 0 : i32
          %dma_wait3A_368 = tpu.memref_slice %arg5[%multiple_of3A_217, %dma_wait3A_367] : memref<51200x16xf32, #tpu.memory_space<hbm>> -> memref<64x16xf32, #tpu.memory_space<hbm>>
          tpu.wait_dma2 semaphore(%arg19 : memref<!tpu.dma_semaphore, #tpu.memory_space<semaphore_mem>>) src(%dma_wait3A_368 : memref<64x16xf32, #tpu.memory_space<hbm>>) dst(%arg10 : memref<64x16xf32, #tpu.memory_space<vmem>>)
        } else {
        }
        %ge3A = arith.constant 1 : i32
        %ge3A_353 = arith.cmpi sge, %scan3A_312, %ge3A : i32
        %convert_element_type3A_354 = arith.extui %ge3A_353 : i1 to i32
        %cond3A_355 = arith.constant 0 : i32
        %cond3A_356 = arith.cmpi ne, %convert_element_type3A_354, %cond3A_355 : i32
        scf.if %cond3A_356 {
          %sub3A = arith.constant 1 : i32
          %sub3A_357 = arith.subi %scan3A_312, %sub3A : i32
          %mul3A_358 = arith.constant 128 : i32
          %mul3A_359 = arith.muli %sub3A_357, %mul3A_358 : i32
          %multiple_of3A_360 = tpu.assume_multiple %mul3A_359, 128 : i32
          %dma_start3A_361 = arith.constant 0 : i32
          %dma_start3A_362 = tpu.memref_slice %arg14[%multiple_of3A_360, %dma_start3A_361] : memref<1024x16xf32, #tpu.memory_space<vmem>> -> memref<128x16xf32, #tpu.memory_space<vmem>>
          %dma_start3A_363 = arith.constant 0 : i32
          %dma_start3A_364 = tpu.memref_slice %arg8[%sub3A_357, %dma_start3A_363] : memref<8x128xi32, #tpu.memory_space<vmem>> -> memref<1x128xi32, #tpu.memory_space<vmem>>
          %dma_start3A_365 = tpu.memref_squeeze %dma_start3A_364 : memref<1x128xi32, #tpu.memory_space<vmem>> -> memref<128xi32, #tpu.memory_space<vmem>>
          %dma_start3A_366 = arith.constant 0 : i32
          %dma_start3A_367 = arith.constant 0 : i32
          %dma_start3A_368 = tpu.memref_slice %arg2[%add3A_98, %dma_start3A_366, %dma_start3A_367] : memref<4x50000x16xf32, #tpu.memory_space<hbm>> -> memref<1x50000x16xf32, #tpu.memory_space<hbm>>
          %dma_start3A_369 = tpu.memref_squeeze %dma_start3A_368 : memref<1x50000x16xf32, #tpu.memory_space<hbm>> -> memref<50000x16xf32, #tpu.memory_space<hbm>>
          %dma_start3A_370 = arith.constant 0 : i32
          %dma_start3A_371 = arith.constant 0 : i32
          %dma_start3A_372 = tpu.memref_slice %dma_start3A_369[%dma_start3A_370, %dma_start3A_371] : memref<50000x16xf32, #tpu.memory_space<hbm>> -> memref<50000x16xf32, #tpu.memory_space<hbm>>
          %dma_start3A_373 = tpu.memref_slice %arg17[%sub3A_357] : memref<8x!tpu.dma_semaphore, #tpu.memory_space<semaphore_mem>> -> memref<1x!tpu.dma_semaphore, #tpu.memory_space<semaphore_mem>>
          %dma_start3A_374 = tpu.memref_squeeze %dma_start3A_373 : memref<1x!tpu.dma_semaphore, #tpu.memory_space<semaphore_mem>> -> memref<!tpu.dma_semaphore, #tpu.memory_space<semaphore_mem>>
          tpu.enqueue_indirect_dma source(%dma_start3A_372 : memref<50000x16xf32, #tpu.memory_space<hbm>>) target(%dma_start3A_362 : memref<128x16xf32, #tpu.memory_space<vmem>>) offsets(%dma_start3A_365 : memref<128xi32, #tpu.memory_space<vmem>>) semaphore(%dma_start3A_374 : memref<!tpu.dma_semaphore, #tpu.memory_space<semaphore_mem>>)
        } else {
        }
      }
      %scan3A_235 = arith.constant 8 : i32
      %multiple_of3A_236 = arith.constant 896 : i32
      %multiple_of3A_237 = tpu.assume_multiple %multiple_of3A_236, 128 : i32
      %dma_start3A_238 = arith.constant 7 : i32
      %dma_start3A_239 = arith.constant 7 : i32
      %dma_start3A_240 = arith.constant 0 : i32
      %dma_start3A_241 = tpu.memref_slice %arg14[%multiple_of3A_237, %dma_start3A_240] : memref<1024x16xf32, #tpu.memory_space<vmem>> -> memref<128x16xf32, #tpu.memory_space<vmem>>
      %dma_start3A_242 = arith.constant 0 : i32
      %dma_start3A_243 = tpu.memref_slice %arg8[%dma_start3A_238, %dma_start3A_242] : memref<8x128xi32, #tpu.memory_space<vmem>> -> memref<1x128xi32, #tpu.memory_space<vmem>>
      %dma_start3A_244 = tpu.memref_squeeze %dma_start3A_243 : memref<1x128xi32, #tpu.memory_space<vmem>> -> memref<128xi32, #tpu.memory_space<vmem>>
      %dma_start3A_245 = arith.constant 0 : i32
      %dma_start3A_246 = arith.constant 0 : i32
      %dma_start3A_247 = tpu.memref_slice %arg2[%add3A_98, %dma_start3A_245, %dma_start3A_246] : memref<4x50000x16xf32, #tpu.memory_space<hbm>> -> memref<1x50000x16xf32, #tpu.memory_space<hbm>>
      %dma_start3A_248 = tpu.memref_squeeze %dma_start3A_247 : memref<1x50000x16xf32, #tpu.memory_space<hbm>> -> memref<50000x16xf32, #tpu.memory_space<hbm>>
      %dma_start3A_249 = arith.constant 0 : i32
      %dma_start3A_250 = arith.constant 0 : i32
      %dma_start3A_251 = tpu.memref_slice %dma_start3A_248[%dma_start3A_249, %dma_start3A_250] : memref<50000x16xf32, #tpu.memory_space<hbm>> -> memref<50000x16xf32, #tpu.memory_space<hbm>>
      %dma_start3A_252 = tpu.memref_slice %arg17[%dma_start3A_239] : memref<8x!tpu.dma_semaphore, #tpu.memory_space<semaphore_mem>> -> memref<1x!tpu.dma_semaphore, #tpu.memory_space<semaphore_mem>>
      %dma_start3A_253 = tpu.memref_squeeze %dma_start3A_252 : memref<1x!tpu.dma_semaphore, #tpu.memory_space<semaphore_mem>> -> memref<!tpu.dma_semaphore, #tpu.memory_space<semaphore_mem>>
      tpu.enqueue_indirect_dma source(%dma_start3A_251 : memref<50000x16xf32, #tpu.memory_space<hbm>>) target(%dma_start3A_241 : memref<128x16xf32, #tpu.memory_space<vmem>>) offsets(%dma_start3A_244 : memref<128xi32, #tpu.memory_space<vmem>>) semaphore(%dma_start3A_253 : memref<!tpu.dma_semaphore, #tpu.memory_space<semaphore_mem>>)
      %mul3A_254 = arith.constant 2 : i32
      %mul3A_255 = arith.muli %mul3A_254, %scan3A_195 : i32
      %add3A_256 = arith.constant 2 : i32
      %add3A_257 = arith.addi %mul3A_255, %add3A_256 : i32
      %scan3A_258 = arith.constant 0 : i32
      %scan3A_259 = arith.constant 0 : i32
      %scan3A_260 = arith.constant 8 : i32
      %scan3A_261 = arith.addi %scan3A_259, %scan3A_260 : i32
      %scan3A_262 = arith.constant 1 : i32
      scf.for %scan3A_312 = %scan3A_259 to %scan3A_261 step %scan3A_262  : i32 {
        %mul3A_313 = arith.constant 128 : i32
        %mul3A_314 = arith.muli %scan3A_312, %mul3A_313 : i32
        %multiple_of3A_315 = tpu.assume_multiple %mul3A_314, 128 : i32
        %dma_wait3A = arith.constant 0 : i32
        %dma_wait3A_316 = tpu.memref_slice %arg15[%multiple_of3A_315, %dma_wait3A] : memref<1024x16xf32, #tpu.memory_space<vmem>> -> memref<128x16xf32, #tpu.memory_space<vmem>>
        %dma_wait3A_317 = arith.constant 0 : i32
        %dma_wait3A_318 = tpu.memref_slice %arg12[%scan3A_312, %dma_wait3A_317] : memref<8x128xi32, #tpu.memory_space<vmem>> -> memref<1x128xi32, #tpu.memory_space<vmem>>
        %dma_wait3A_319 = tpu.memref_squeeze %dma_wait3A_318 : memref<1x128xi32, #tpu.memory_space<vmem>> -> memref<128xi32, #tpu.memory_space<vmem>>
        %dma_wait3A_320 = arith.constant 0 : i32
        %dma_wait3A_321 = arith.constant 0 : i32
        %dma_wait3A_322 = tpu.memref_slice %arg16[%dma_wait3A_320, %dma_wait3A_321] : memref<50000x16xf32, #tpu.memory_space<vmem_shared>> -> memref<50000x16xf32, #tpu.memory_space<vmem_shared>>
        %dma_wait3A_323 = tpu.memref_slice %arg18[%scan3A_312] : memref<8x!tpu.dma_semaphore, #tpu.memory_space<semaphore_mem>> -> memref<1x!tpu.dma_semaphore, #tpu.memory_space<semaphore_mem>>
        %dma_wait3A_324 = tpu.memref_squeeze %dma_wait3A_323 : memref<1x!tpu.dma_semaphore, #tpu.memory_space<semaphore_mem>> -> memref<!tpu.dma_semaphore, #tpu.memory_space<semaphore_mem>>
        tpu.wait_indirect_dma semaphore(%dma_wait3A_324 : memref<!tpu.dma_semaphore, #tpu.memory_space<semaphore_mem>>) src(%dma_wait3A_316 : memref<128x16xf32, #tpu.memory_space<vmem>>) dst(%dma_wait3A_322 : memref<50000x16xf32, #tpu.memory_space<vmem_shared>>)
      }
      %scan3A_263 = arith.constant 8 : i32
      %add3A_264 = arith.constant 1 : i32
      %add3A_265 = arith.addi %add3A_257, %add3A_264 : i32
      %mul3A_266 = arith.constant 8 : i32
      %mul3A_267 = arith.muli %add3A_265, %mul3A_266 : i32
      %add3A_268 = arith.addi %mul3A_0, %mul3A_267 : i32
      %multiple_of3A_269 = tpu.assume_multiple %add3A_268, 8 : i32
      %add3A_270 = arith.constant 1 : i32
      %add3A_271 = arith.addi %add3A_257, %add3A_270 : i32
      %mul3A_272 = arith.constant 64 : i32
      %mul3A_273 = arith.muli %add3A_271, %mul3A_272 : i32
      %add3A_274 = arith.addi %mul3A_2, %mul3A_273 : i32
      %multiple_of3A_275 = tpu.assume_multiple %add3A_274, 8 : i32
      %dma_start3A_276 = arith.constant 0 : i32
      %dma_start3A_277 = tpu.memref_slice %arg3[%multiple_of3A_269, %dma_start3A_276] : memref<6400x128xi32, #tpu.memory_space<hbm>> -> memref<8x128xi32, #tpu.memory_space<hbm>>
      %dma_start3A_278 = arith.constant 0 : i32
      %dma_start3A_279 = tpu.memref_slice %arg3[%multiple_of3A_269, %dma_start3A_278] : memref<6400x128xi32, #tpu.memory_space<hbm>> -> memref<8x128xi32, #tpu.memory_space<hbm>>
      tpu.enqueue_dma source(%dma_start3A_279 : memref<8x128xi32, #tpu.memory_space<hbm>>) target(%arg11 : memref<8x128xi32, #tpu.memory_space<vmem>>) target_semaphore(%arg19 : memref<!tpu.dma_semaphore, #tpu.memory_space<semaphore_mem>>)
      %dma_start3A_280 = arith.constant 0 : i32
      %dma_start3A_281 = tpu.memref_slice %arg4[%multiple_of3A_269, %dma_start3A_280] : memref<6400x128xi32, #tpu.memory_space<hbm>> -> memref<8x128xi32, #tpu.memory_space<hbm>>
      %dma_start3A_282 = arith.constant 0 : i32
      %dma_start3A_283 = tpu.memref_slice %arg4[%multiple_of3A_269, %dma_start3A_282] : memref<6400x128xi32, #tpu.memory_space<hbm>> -> memref<8x128xi32, #tpu.memory_space<hbm>>
      tpu.enqueue_dma source(%dma_start3A_283 : memref<8x128xi32, #tpu.memory_space<hbm>>) target(%arg12 : memref<8x128xi32, #tpu.memory_space<vmem>>) target_semaphore(%arg19 : memref<!tpu.dma_semaphore, #tpu.memory_space<semaphore_mem>>)
      %dma_start3A_284 = arith.constant 0 : i32
      %dma_start3A_285 = tpu.memref_slice %arg5[%multiple_of3A_275, %dma_start3A_284] : memref<51200x16xf32, #tpu.memory_space<hbm>> -> memref<64x16xf32, #tpu.memory_space<hbm>>
      %dma_start3A_286 = arith.constant 0 : i32
      %dma_start3A_287 = tpu.memref_slice %arg5[%multiple_of3A_275, %dma_start3A_286] : memref<51200x16xf32, #tpu.memory_space<hbm>> -> memref<64x16xf32, #tpu.memory_space<hbm>>
      tpu.enqueue_dma source(%dma_start3A_287 : memref<64x16xf32, #tpu.memory_space<hbm>>) target(%arg13 : memref<64x16xf32, #tpu.memory_space<vmem>>) target_semaphore(%arg19 : memref<!tpu.dma_semaphore, #tpu.memory_space<semaphore_mem>>)
      %scan3A_288 = arith.constant 0 : i32
      %scan3A_289 = arith.constant 0 : i32
      %scan3A_290 = arith.constant 8 : i32
      %scan3A_291 = arith.addi %scan3A_289, %scan3A_290 : i32
      %scan3A_292 = arith.constant 1 : i32
      scf.for %scan3A_312 = %scan3A_289 to %scan3A_291 step %scan3A_292  : i32 {
        %mul3A_313 = arith.constant 128 : i32
        %mul3A_314 = arith.muli %scan3A_312, %mul3A_313 : i32
        %multiple_of3A_315 = tpu.assume_multiple %mul3A_314, 128 : i32
        %dma_wait3A = arith.constant 0 : i32
        %dma_wait3A_316 = tpu.memref_slice %arg14[%multiple_of3A_315, %dma_wait3A] : memref<1024x16xf32, #tpu.memory_space<vmem>> -> memref<128x16xf32, #tpu.memory_space<vmem>>
        %dma_wait3A_317 = arith.constant 0 : i32
        %dma_wait3A_318 = tpu.memref_slice %arg8[%scan3A_312, %dma_wait3A_317] : memref<8x128xi32, #tpu.memory_space<vmem>> -> memref<1x128xi32, #tpu.memory_space<vmem>>
        %dma_wait3A_319 = tpu.memref_squeeze %dma_wait3A_318 : memref<1x128xi32, #tpu.memory_space<vmem>> -> memref<128xi32, #tpu.memory_space<vmem>>
        %dma_wait3A_320 = arith.constant 0 : i32
        %dma_wait3A_321 = arith.constant 0 : i32
        %dma_wait3A_322 = tpu.memref_slice %arg2[%add3A_98, %dma_wait3A_320, %dma_wait3A_321] : memref<4x50000x16xf32, #tpu.memory_space<hbm>> -> memref<1x50000x16xf32, #tpu.memory_space<hbm>>
        %dma_wait3A_323 = tpu.memref_squeeze %dma_wait3A_322 : memref<1x50000x16xf32, #tpu.memory_space<hbm>> -> memref<50000x16xf32, #tpu.memory_space<hbm>>
        %dma_wait3A_324 = arith.constant 0 : i32
        %dma_wait3A_325 = arith.constant 0 : i32
        %dma_wait3A_326 = tpu.memref_slice %dma_wait3A_323[%dma_wait3A_324, %dma_wait3A_325] : memref<50000x16xf32, #tpu.memory_space<hbm>> -> memref<50000x16xf32, #tpu.memory_space<hbm>>
        %dma_wait3A_327 = tpu.memref_slice %arg17[%scan3A_312] : memref<8x!tpu.dma_semaphore, #tpu.memory_space<semaphore_mem>> -> memref<1x!tpu.dma_semaphore, #tpu.memory_space<semaphore_mem>>
        %dma_wait3A_328 = tpu.memref_squeeze %dma_wait3A_327 : memref<1x!tpu.dma_semaphore, #tpu.memory_space<semaphore_mem>> -> memref<!tpu.dma_semaphore, #tpu.memory_space<semaphore_mem>>
        tpu.wait_indirect_dma semaphore(%dma_wait3A_328 : memref<!tpu.dma_semaphore, #tpu.memory_space<semaphore_mem>>) src(%dma_wait3A_326 : memref<50000x16xf32, #tpu.memory_space<hbm>>) dst(%dma_wait3A_316 : memref<128x16xf32, #tpu.memory_space<vmem>>)
        %scan3A_329 = arith.constant 0 : i32
        %scan3A_330 = arith.constant 0 : i32
        %scan3A_331 = arith.constant 8 : i32
        %scan3A_332 = arith.addi %scan3A_330, %scan3A_331 : i32
        %scan3A_333 = arith.constant 1 : i32
        scf.for %scan3A_357 = %scan3A_330 to %scan3A_332 step %scan3A_333  : i32 {
          %mul3A_358 = arith.constant 8 : i32
          %mul3A_359 = arith.muli %scan3A_312, %mul3A_358 : i32
          %add3A_360 = arith.addi %mul3A_359, %scan3A_357 : i32
          %get3A = arith.index_cast %add3A_360 : i32 to index
          %get3A_361 = arith.constant 0 : index
          %get3A_362 = tpu.vector_load %arg10[%get3A, %get3A_361] {strides = array<i32>} : memref<64x16xf32, #tpu.memory_space<vmem>>, vector<1x16xf32>,
          %get3A_363 = vector.shape_cast %get3A_362 : vector<1x16xf32> to vector<16xf32>
          %mul3A_364 = arith.constant 16 : i32
          %mul3A_365 = arith.muli %add3A_360, %mul3A_364 : i32
          %add3A_366 = arith.constant 0 : i32
          %add3A_367 = arith.addi %mul3A_365, %add3A_366 : i32
          %slice3A = vector.extract_strided_slice %get3A_363 {offsets = [0], sizes = [1], strides = [1]} : vector<16xf32> to vector<1xf32>
          %squeeze3A = vector.extract %slice3A[0] : f32 from vector<1xf32>
          %get3A_368 = arith.index_cast %add3A_367 : i32 to index
          %get3A_369 = arith.constant 0 : index
          %get3A_370 = tpu.vector_load %arg14[%get3A_368, %get3A_369] {strides = array<i32>} : memref<1024x16xf32, #tpu.memory_space<vmem>>, vector<1x16xf32>,
          %get3A_371 = vector.shape_cast %get3A_370 : vector<1x16xf32> to vector<16xf32>
          %mul3A_372 = vector.broadcast %squeeze3A : f32 to vector<16xf32>
          %mul3A_373 = arith.mulf %get3A_371, %mul3A_372 : vector<16xf32>
          %swap3A = arith.index_cast %add3A_367 : i32 to index
          %swap3A_374 = arith.constant 0 : index
          %swap3A_375 = tpu.vector_load %arg14[%swap3A, %swap3A_374] {strides = array<i32>} : memref<1024x16xf32, #tpu.memory_space<vmem>>, vector<1x16xf32>,
          %swap3A_376 = vector.shape_cast %swap3A_375 : vector<1x16xf32> to vector<16xf32>
          %swap3A_377 = vector.shape_cast %mul3A_373 : vector<16xf32> to vector<1x16xf32>
          tpu.vector_store %arg14[%swap3A, %swap3A_374], %swap3A_377 {strides = array<i32>} : memref<1024x16xf32, #tpu.memory_space<vmem>>, vector<1x16xf32>,
          %mul3A_378 = arith.constant 16 : i32
          %mul3A_379 = arith.muli %add3A_360, %mul3A_378 : i32
          %add3A_380 = arith.constant 1 : i32
          %add3A_381 = arith.addi %mul3A_379, %add3A_380 : i32
          %slice3A_382 = vector.extract_strided_slice %get3A_363 {offsets = [1], sizes = [1], strides = [1]} : vector<16xf32> to vector<1xf32>
          %squeeze3A_383 = vector.extract %slice3A_382[0] : f32 from vector<1xf32>
          %get3A_384 = arith.index_cast %add3A_381 : i32 to index
          %get3A_385 = arith.constant 0 : index
          %get3A_386 = tpu.vector_load %arg14[%get3A_384, %get3A_385] {strides = array<i32>} : memref<1024x16xf32, #tpu.memory_space<vmem>>, vector<1x16xf32>,
          %get3A_387 = vector.shape_cast %get3A_386 : vector<1x16xf32> to vector<16xf32>
          %mul3A_388 = vector.broadcast %squeeze3A_383 : f32 to vector<16xf32>
          %mul3A_389 = arith.mulf %get3A_387, %mul3A_388 : vector<16xf32>
          %swap3A_390 = arith.index_cast %add3A_381 : i32 to index
          %swap3A_391 = arith.constant 0 : index
          %swap3A_392 = tpu.vector_load %arg14[%swap3A_390, %swap3A_391] {strides = array<i32>} : memref<1024x16xf32, #tpu.memory_space<vmem>>, vector<1x16xf32>,
          %swap3A_393 = vector.shape_cast %swap3A_392 : vector<1x16xf32> to vector<16xf32>
          %swap3A_394 = vector.shape_cast %mul3A_389 : vector<16xf32> to vector<1x16xf32>
          tpu.vector_store %arg14[%swap3A_390, %swap3A_391], %swap3A_394 {strides = array<i32>} : memref<1024x16xf32, #tpu.memory_space<vmem>>, vector<1x16xf32>,
          %mul3A_395 = arith.constant 16 : i32
          %mul3A_396 = arith.muli %add3A_360, %mul3A_395 : i32
          %add3A_397 = arith.constant 2 : i32
          %add3A_398 = arith.addi %mul3A_396, %add3A_397 : i32
          %slice3A_399 = vector.extract_strided_slice %get3A_363 {offsets = [2], sizes = [1], strides = [1]} : vector<16xf32> to vector<1xf32>
          %squeeze3A_400 = vector.extract %slice3A_399[0] : f32 from vector<1xf32>
          %get3A_401 = arith.index_cast %add3A_398 : i32 to index
          %get3A_402 = arith.constant 0 : index
          %get3A_403 = tpu.vector_load %arg14[%get3A_401, %get3A_402] {strides = array<i32>} : memref<1024x16xf32, #tpu.memory_space<vmem>>, vector<1x16xf32>,
          %get3A_404 = vector.shape_cast %get3A_403 : vector<1x16xf32> to vector<16xf32>
          %mul3A_405 = vector.broadcast %squeeze3A_400 : f32 to vector<16xf32>
          %mul3A_406 = arith.mulf %get3A_404, %mul3A_405 : vector<16xf32>
          %swap3A_407 = arith.index_cast %add3A_398 : i32 to index
          %swap3A_408 = arith.constant 0 : index
          %swap3A_409 = tpu.vector_load %arg14[%swap3A_407, %swap3A_408] {strides = array<i32>} : memref<1024x16xf32, #tpu.memory_space<vmem>>, vector<1x16xf32>,
          %swap3A_410 = vector.shape_cast %swap3A_409 : vector<1x16xf32> to vector<16xf32>
          %swap3A_411 = vector.shape_cast %mul3A_406 : vector<16xf32> to vector<1x16xf32>
          tpu.vector_store %arg14[%swap3A_407, %swap3A_408], %swap3A_411 {strides = array<i32>} : memref<1024x16xf32, #tpu.memory_space<vmem>>, vector<1x16xf32>,
          %mul3A_412 = arith.constant 16 : i32
          %mul3A_413 = arith.muli %add3A_360, %mul3A_412 : i32
          %add3A_414 = arith.constant 3 : i32
          %add3A_415 = arith.addi %mul3A_413, %add3A_414 : i32
          %slice3A_416 = vector.extract_strided_slice %get3A_363 {offsets = [3], sizes = [1], strides = [1]} : vector<16xf32> to vector<1xf32>
          %squeeze3A_417 = vector.extract %slice3A_416[0] : f32 from vector<1xf32>
          %get3A_418 = arith.index_cast %add3A_415 : i32 to index
          %get3A_419 = arith.constant 0 : index
          %get3A_420 = tpu.vector_load %arg14[%get3A_418, %get3A_419] {strides = array<i32>} : memref<1024x16xf32, #tpu.memory_space<vmem>>, vector<1x16xf32>,
          %get3A_421 = vector.shape_cast %get3A_420 : vector<1x16xf32> to vector<16xf32>
          %mul3A_422 = vector.broadcast %squeeze3A_417 : f32 to vector<16xf32>
          %mul3A_423 = arith.mulf %get3A_421, %mul3A_422 : vector<16xf32>
          %swap3A_424 = arith.index_cast %add3A_415 : i32 to index
          %swap3A_425 = arith.constant 0 : index
          %swap3A_426 = tpu.vector_load %arg14[%swap3A_424, %swap3A_425] {strides = array<i32>} : memref<1024x16xf32, #tpu.memory_space<vmem>>, vector<1x16xf32>,
          %swap3A_427 = vector.shape_cast %swap3A_426 : vector<1x16xf32> to vector<16xf32>
          %swap3A_428 = vector.shape_cast %mul3A_423 : vector<16xf32> to vector<1x16xf32>
          tpu.vector_store %arg14[%swap3A_424, %swap3A_425], %swap3A_428 {strides = array<i32>} : memref<1024x16xf32, #tpu.memory_space<vmem>>, vector<1x16xf32>,
          %mul3A_429 = arith.constant 16 : i32
          %mul3A_430 = arith.muli %add3A_360, %mul3A_429 : i32
          %add3A_431 = arith.constant 4 : i32
          %add3A_432 = arith.addi %mul3A_430, %add3A_431 : i32
          %slice3A_433 = vector.extract_strided_slice %get3A_363 {offsets = [4], sizes = [1], strides = [1]} : vector<16xf32> to vector<1xf32>
          %squeeze3A_434 = vector.extract %slice3A_433[0] : f32 from vector<1xf32>
          %get3A_435 = arith.index_cast %add3A_432 : i32 to index
          %get3A_436 = arith.constant 0 : index
          %get3A_437 = tpu.vector_load %arg14[%get3A_435, %get3A_436] {strides = array<i32>} : memref<1024x16xf32, #tpu.memory_space<vmem>>, vector<1x16xf32>,
          %get3A_438 = vector.shape_cast %get3A_437 : vector<1x16xf32> to vector<16xf32>
          %mul3A_439 = vector.broadcast %squeeze3A_434 : f32 to vector<16xf32>
          %mul3A_440 = arith.mulf %get3A_438, %mul3A_439 : vector<16xf32>
          %swap3A_441 = arith.index_cast %add3A_432 : i32 to index
          %swap3A_442 = arith.constant 0 : index
          %swap3A_443 = tpu.vector_load %arg14[%swap3A_441, %swap3A_442] {strides = array<i32>} : memref<1024x16xf32, #tpu.memory_space<vmem>>, vector<1x16xf32>,
          %swap3A_444 = vector.shape_cast %swap3A_443 : vector<1x16xf32> to vector<16xf32>
          %swap3A_445 = vector.shape_cast %mul3A_440 : vector<16xf32> to vector<1x16xf32>
          tpu.vector_store %arg14[%swap3A_441, %swap3A_442], %swap3A_445 {strides = array<i32>} : memref<1024x16xf32, #tpu.memory_space<vmem>>, vector<1x16xf32>,
          %mul3A_446 = arith.constant 16 : i32
          %mul3A_447 = arith.muli %add3A_360, %mul3A_446 : i32
          %add3A_448 = arith.constant 5 : i32
          %add3A_449 = arith.addi %mul3A_447, %add3A_448 : i32
          %slice3A_450 = vector.extract_strided_slice %get3A_363 {offsets = [5], sizes = [1], strides = [1]} : vector<16xf32> to vector<1xf32>
          %squeeze3A_451 = vector.extract %slice3A_450[0] : f32 from vector<1xf32>
          %get3A_452 = arith.index_cast %add3A_449 : i32 to index
          %get3A_453 = arith.constant 0 : index
          %get3A_454 = tpu.vector_load %arg14[%get3A_452, %get3A_453] {strides = array<i32>} : memref<1024x16xf32, #tpu.memory_space<vmem>>, vector<1x16xf32>,
          %get3A_455 = vector.shape_cast %get3A_454 : vector<1x16xf32> to vector<16xf32>
          %mul3A_456 = vector.broadcast %squeeze3A_451 : f32 to vector<16xf32>
          %mul3A_457 = arith.mulf %get3A_455, %mul3A_456 : vector<16xf32>
          %swap3A_458 = arith.index_cast %add3A_449 : i32 to index
          %swap3A_459 = arith.constant 0 : index
          %swap3A_460 = tpu.vector_load %arg14[%swap3A_458, %swap3A_459] {strides = array<i32>} : memref<1024x16xf32, #tpu.memory_space<vmem>>, vector<1x16xf32>,
          %swap3A_461 = vector.shape_cast %swap3A_460 : vector<1x16xf32> to vector<16xf32>
          %swap3A_462 = vector.shape_cast %mul3A_457 : vector<16xf32> to vector<1x16xf32>
          tpu.vector_store %arg14[%swap3A_458, %swap3A_459], %swap3A_462 {strides = array<i32>} : memref<1024x16xf32, #tpu.memory_space<vmem>>, vector<1x16xf32>,
          %mul3A_463 = arith.constant 16 : i32
          %mul3A_464 = arith.muli %add3A_360, %mul3A_463 : i32
          %add3A_465 = arith.constant 6 : i32
          %add3A_466 = arith.addi %mul3A_464, %add3A_465 : i32
          %slice3A_467 = vector.extract_strided_slice %get3A_363 {offsets = [6], sizes = [1], strides = [1]} : vector<16xf32> to vector<1xf32>
          %squeeze3A_468 = vector.extract %slice3A_467[0] : f32 from vector<1xf32>
          %get3A_469 = arith.index_cast %add3A_466 : i32 to index
          %get3A_470 = arith.constant 0 : index
          %get3A_471 = tpu.vector_load %arg14[%get3A_469, %get3A_470] {strides = array<i32>} : memref<1024x16xf32, #tpu.memory_space<vmem>>, vector<1x16xf32>,
          %get3A_472 = vector.shape_cast %get3A_471 : vector<1x16xf32> to vector<16xf32>
          %mul3A_473 = vector.broadcast %squeeze3A_468 : f32 to vector<16xf32>
          %mul3A_474 = arith.mulf %get3A_472, %mul3A_473 : vector<16xf32>
          %swap3A_475 = arith.index_cast %add3A_466 : i32 to index
          %swap3A_476 = arith.constant 0 : index
          %swap3A_477 = tpu.vector_load %arg14[%swap3A_475, %swap3A_476] {strides = array<i32>} : memref<1024x16xf32, #tpu.memory_space<vmem>>, vector<1x16xf32>,
          %swap3A_478 = vector.shape_cast %swap3A_477 : vector<1x16xf32> to vector<16xf32>
          %swap3A_479 = vector.shape_cast %mul3A_474 : vector<16xf32> to vector<1x16xf32>
          tpu.vector_store %arg14[%swap3A_475, %swap3A_476], %swap3A_479 {strides = array<i32>} : memref<1024x16xf32, #tpu.memory_space<vmem>>, vector<1x16xf32>,
          %mul3A_480 = arith.constant 16 : i32
          %mul3A_481 = arith.muli %add3A_360, %mul3A_480 : i32
          %add3A_482 = arith.constant 7 : i32
          %add3A_483 = arith.addi %mul3A_481, %add3A_482 : i32
          %slice3A_484 = vector.extract_strided_slice %get3A_363 {offsets = [7], sizes = [1], strides = [1]} : vector<16xf32> to vector<1xf32>
          %squeeze3A_485 = vector.extract %slice3A_484[0] : f32 from vector<1xf32>
          %get3A_486 = arith.index_cast %add3A_483 : i32 to index
          %get3A_487 = arith.constant 0 : index
          %get3A_488 = tpu.vector_load %arg14[%get3A_486, %get3A_487] {strides = array<i32>} : memref<1024x16xf32, #tpu.memory_space<vmem>>, vector<1x16xf32>,
          %get3A_489 = vector.shape_cast %get3A_488 : vector<1x16xf32> to vector<16xf32>
          %mul3A_490 = vector.broadcast %squeeze3A_485 : f32 to vector<16xf32>
          %mul3A_491 = arith.mulf %get3A_489, %mul3A_490 : vector<16xf32>
          %swap3A_492 = arith.index_cast %add3A_483 : i32 to index
          %swap3A_493 = arith.constant 0 : index
          %swap3A_494 = tpu.vector_load %arg14[%swap3A_492, %swap3A_493] {strides = array<i32>} : memref<1024x16xf32, #tpu.memory_space<vmem>>, vector<1x16xf32>,
          %swap3A_495 = vector.shape_cast %swap3A_494 : vector<1x16xf32> to vector<16xf32>
          %swap3A_496 = vector.shape_cast %mul3A_491 : vector<16xf32> to vector<1x16xf32>
          tpu.vector_store %arg14[%swap3A_492, %swap3A_493], %swap3A_496 {strides = array<i32>} : memref<1024x16xf32, #tpu.memory_space<vmem>>, vector<1x16xf32>,
          %mul3A_497 = arith.constant 16 : i32
          %mul3A_498 = arith.muli %add3A_360, %mul3A_497 : i32
          %add3A_499 = arith.constant 8 : i32
          %add3A_500 = arith.addi %mul3A_498, %add3A_499 : i32
          %slice3A_501 = vector.extract_strided_slice %get3A_363 {offsets = [8], sizes = [1], strides = [1]} : vector<16xf32> to vector<1xf32>
          %squeeze3A_502 = vector.extract %slice3A_501[0] : f32 from vector<1xf32>
          %get3A_503 = arith.index_cast %add3A_500 : i32 to index
          %get3A_504 = arith.constant 0 : index
          %get3A_505 = tpu.vector_load %arg14[%get3A_503, %get3A_504] {strides = array<i32>} : memref<1024x16xf32, #tpu.memory_space<vmem>>, vector<1x16xf32>,
          %get3A_506 = vector.shape_cast %get3A_505 : vector<1x16xf32> to vector<16xf32>
          %mul3A_507 = vector.broadcast %squeeze3A_502 : f32 to vector<16xf32>
          %mul3A_508 = arith.mulf %get3A_506, %mul3A_507 : vector<16xf32>
          %swap3A_509 = arith.index_cast %add3A_500 : i32 to index
          %swap3A_510 = arith.constant 0 : index
          %swap3A_511 = tpu.vector_load %arg14[%swap3A_509, %swap3A_510] {strides = array<i32>} : memref<1024x16xf32, #tpu.memory_space<vmem>>, vector<1x16xf32>,
          %swap3A_512 = vector.shape_cast %swap3A_511 : vector<1x16xf32> to vector<16xf32>
          %swap3A_513 = vector.shape_cast %mul3A_508 : vector<16xf32> to vector<1x16xf32>
          tpu.vector_store %arg14[%swap3A_509, %swap3A_510], %swap3A_513 {strides = array<i32>} : memref<1024x16xf32, #tpu.memory_space<vmem>>, vector<1x16xf32>,
          %mul3A_514 = arith.constant 16 : i32
          %mul3A_515 = arith.muli %add3A_360, %mul3A_514 : i32
          %add3A_516 = arith.constant 9 : i32
          %add3A_517 = arith.addi %mul3A_515, %add3A_516 : i32
          %slice3A_518 = vector.extract_strided_slice %get3A_363 {offsets = [9], sizes = [1], strides = [1]} : vector<16xf32> to vector<1xf32>
          %squeeze3A_519 = vector.extract %slice3A_518[0] : f32 from vector<1xf32>
          %get3A_520 = arith.index_cast %add3A_517 : i32 to index
          %get3A_521 = arith.constant 0 : index
          %get3A_522 = tpu.vector_load %arg14[%get3A_520, %get3A_521] {strides = array<i32>} : memref<1024x16xf32, #tpu.memory_space<vmem>>, vector<1x16xf32>,
          %get3A_523 = vector.shape_cast %get3A_522 : vector<1x16xf32> to vector<16xf32>
          %mul3A_524 = vector.broadcast %squeeze3A_519 : f32 to vector<16xf32>
          %mul3A_525 = arith.mulf %get3A_523, %mul3A_524 : vector<16xf32>
          %swap3A_526 = arith.index_cast %add3A_517 : i32 to index
          %swap3A_527 = arith.constant 0 : index
          %swap3A_528 = tpu.vector_load %arg14[%swap3A_526, %swap3A_527] {strides = array<i32>} : memref<1024x16xf32, #tpu.memory_space<vmem>>, vector<1x16xf32>,
          %swap3A_529 = vector.shape_cast %swap3A_528 : vector<1x16xf32> to vector<16xf32>
          %swap3A_530 = vector.shape_cast %mul3A_525 : vector<16xf32> to vector<1x16xf32>
          tpu.vector_store %arg14[%swap3A_526, %swap3A_527], %swap3A_530 {strides = array<i32>} : memref<1024x16xf32, #tpu.memory_space<vmem>>, vector<1x16xf32>,
          %mul3A_531 = arith.constant 16 : i32
          %mul3A_532 = arith.muli %add3A_360, %mul3A_531 : i32
          %add3A_533 = arith.constant 10 : i32
          %add3A_534 = arith.addi %mul3A_532, %add3A_533 : i32
          %slice3A_535 = vector.extract_strided_slice %get3A_363 {offsets = [10], sizes = [1], strides = [1]} : vector<16xf32> to vector<1xf32>
          %squeeze3A_536 = vector.extract %slice3A_535[0] : f32 from vector<1xf32>
          %get3A_537 = arith.index_cast %add3A_534 : i32 to index
          %get3A_538 = arith.constant 0 : index
          %get3A_539 = tpu.vector_load %arg14[%get3A_537, %get3A_538] {strides = array<i32>} : memref<1024x16xf32, #tpu.memory_space<vmem>>, vector<1x16xf32>,
          %get3A_540 = vector.shape_cast %get3A_539 : vector<1x16xf32> to vector<16xf32>
          %mul3A_541 = vector.broadcast %squeeze3A_536 : f32 to vector<16xf32>
          %mul3A_542 = arith.mulf %get3A_540, %mul3A_541 : vector<16xf32>
          %swap3A_543 = arith.index_cast %add3A_534 : i32 to index
          %swap3A_544 = arith.constant 0 : index
          %swap3A_545 = tpu.vector_load %arg14[%swap3A_543, %swap3A_544] {strides = array<i32>} : memref<1024x16xf32, #tpu.memory_space<vmem>>, vector<1x16xf32>,
          %swap3A_546 = vector.shape_cast %swap3A_545 : vector<1x16xf32> to vector<16xf32>
          %swap3A_547 = vector.shape_cast %mul3A_542 : vector<16xf32> to vector<1x16xf32>
          tpu.vector_store %arg14[%swap3A_543, %swap3A_544], %swap3A_547 {strides = array<i32>} : memref<1024x16xf32, #tpu.memory_space<vmem>>, vector<1x16xf32>,
          %mul3A_548 = arith.constant 16 : i32
          %mul3A_549 = arith.muli %add3A_360, %mul3A_548 : i32
          %add3A_550 = arith.constant 11 : i32
          %add3A_551 = arith.addi %mul3A_549, %add3A_550 : i32
          %slice3A_552 = vector.extract_strided_slice %get3A_363 {offsets = [11], sizes = [1], strides = [1]} : vector<16xf32> to vector<1xf32>
          %squeeze3A_553 = vector.extract %slice3A_552[0] : f32 from vector<1xf32>
          %get3A_554 = arith.index_cast %add3A_551 : i32 to index
          %get3A_555 = arith.constant 0 : index
          %get3A_556 = tpu.vector_load %arg14[%get3A_554, %get3A_555] {strides = array<i32>} : memref<1024x16xf32, #tpu.memory_space<vmem>>, vector<1x16xf32>,
          %get3A_557 = vector.shape_cast %get3A_556 : vector<1x16xf32> to vector<16xf32>
          %mul3A_558 = vector.broadcast %squeeze3A_553 : f32 to vector<16xf32>
          %mul3A_559 = arith.mulf %get3A_557, %mul3A_558 : vector<16xf32>
          %swap3A_560 = arith.index_cast %add3A_551 : i32 to index
          %swap3A_561 = arith.constant 0 : index
          %swap3A_562 = tpu.vector_load %arg14[%swap3A_560, %swap3A_561] {strides = array<i32>} : memref<1024x16xf32, #tpu.memory_space<vmem>>, vector<1x16xf32>,
          %swap3A_563 = vector.shape_cast %swap3A_562 : vector<1x16xf32> to vector<16xf32>
          %swap3A_564 = vector.shape_cast %mul3A_559 : vector<16xf32> to vector<1x16xf32>
          tpu.vector_store %arg14[%swap3A_560, %swap3A_561], %swap3A_564 {strides = array<i32>} : memref<1024x16xf32, #tpu.memory_space<vmem>>, vector<1x16xf32>,
          %mul3A_565 = arith.constant 16 : i32
          %mul3A_566 = arith.muli %add3A_360, %mul3A_565 : i32
          %add3A_567 = arith.constant 12 : i32
          %add3A_568 = arith.addi %mul3A_566, %add3A_567 : i32
          %slice3A_569 = vector.extract_strided_slice %get3A_363 {offsets = [12], sizes = [1], strides = [1]} : vector<16xf32> to vector<1xf32>
          %squeeze3A_570 = vector.extract %slice3A_569[0] : f32 from vector<1xf32>
          %get3A_571 = arith.index_cast %add3A_568 : i32 to index
          %get3A_572 = arith.constant 0 : index
          %get3A_573 = tpu.vector_load %arg14[%get3A_571, %get3A_572] {strides = array<i32>} : memref<1024x16xf32, #tpu.memory_space<vmem>>, vector<1x16xf32>,
          %get3A_574 = vector.shape_cast %get3A_573 : vector<1x16xf32> to vector<16xf32>
          %mul3A_575 = vector.broadcast %squeeze3A_570 : f32 to vector<16xf32>
          %mul3A_576 = arith.mulf %get3A_574, %mul3A_575 : vector<16xf32>
          %swap3A_577 = arith.index_cast %add3A_568 : i32 to index
          %swap3A_578 = arith.constant 0 : index
          %swap3A_579 = tpu.vector_load %arg14[%swap3A_577, %swap3A_578] {strides = array<i32>} : memref<1024x16xf32, #tpu.memory_space<vmem>>, vector<1x16xf32>,
          %swap3A_580 = vector.shape_cast %swap3A_579 : vector<1x16xf32> to vector<16xf32>
          %swap3A_581 = vector.shape_cast %mul3A_576 : vector<16xf32> to vector<1x16xf32>
          tpu.vector_store %arg14[%swap3A_577, %swap3A_578], %swap3A_581 {strides = array<i32>} : memref<1024x16xf32, #tpu.memory_space<vmem>>, vector<1x16xf32>,
          %mul3A_582 = arith.constant 16 : i32
          %mul3A_583 = arith.muli %add3A_360, %mul3A_582 : i32
          %add3A_584 = arith.constant 13 : i32
          %add3A_585 = arith.addi %mul3A_583, %add3A_584 : i32
          %slice3A_586 = vector.extract_strided_slice %get3A_363 {offsets = [13], sizes = [1], strides = [1]} : vector<16xf32> to vector<1xf32>
          %squeeze3A_587 = vector.extract %slice3A_586[0] : f32 from vector<1xf32>
          %get3A_588 = arith.index_cast %add3A_585 : i32 to index
          %get3A_589 = arith.constant 0 : index
          %get3A_590 = tpu.vector_load %arg14[%get3A_588, %get3A_589] {strides = array<i32>} : memref<1024x16xf32, #tpu.memory_space<vmem>>, vector<1x16xf32>,
          %get3A_591 = vector.shape_cast %get3A_590 : vector<1x16xf32> to vector<16xf32>
          %mul3A_592 = vector.broadcast %squeeze3A_587 : f32 to vector<16xf32>
          %mul3A_593 = arith.mulf %get3A_591, %mul3A_592 : vector<16xf32>
          %swap3A_594 = arith.index_cast %add3A_585 : i32 to index
          %swap3A_595 = arith.constant 0 : index
          %swap3A_596 = tpu.vector_load %arg14[%swap3A_594, %swap3A_595] {strides = array<i32>} : memref<1024x16xf32, #tpu.memory_space<vmem>>, vector<1x16xf32>,
          %swap3A_597 = vector.shape_cast %swap3A_596 : vector<1x16xf32> to vector<16xf32>
          %swap3A_598 = vector.shape_cast %mul3A_593 : vector<16xf32> to vector<1x16xf32>
          tpu.vector_store %arg14[%swap3A_594, %swap3A_595], %swap3A_598 {strides = array<i32>} : memref<1024x16xf32, #tpu.memory_space<vmem>>, vector<1x16xf32>,
          %mul3A_599 = arith.constant 16 : i32
          %mul3A_600 = arith.muli %add3A_360, %mul3A_599 : i32
          %add3A_601 = arith.constant 14 : i32
          %add3A_602 = arith.addi %mul3A_600, %add3A_601 : i32
          %slice3A_603 = vector.extract_strided_slice %get3A_363 {offsets = [14], sizes = [1], strides = [1]} : vector<16xf32> to vector<1xf32>
          %squeeze3A_604 = vector.extract %slice3A_603[0] : f32 from vector<1xf32>
          %get3A_605 = arith.index_cast %add3A_602 : i32 to index
          %get3A_606 = arith.constant 0 : index
          %get3A_607 = tpu.vector_load %arg14[%get3A_605, %get3A_606] {strides = array<i32>} : memref<1024x16xf32, #tpu.memory_space<vmem>>, vector<1x16xf32>,
          %get3A_608 = vector.shape_cast %get3A_607 : vector<1x16xf32> to vector<16xf32>
          %mul3A_609 = vector.broadcast %squeeze3A_604 : f32 to vector<16xf32>
          %mul3A_610 = arith.mulf %get3A_608, %mul3A_609 : vector<16xf32>
          %swap3A_611 = arith.index_cast %add3A_602 : i32 to index
          %swap3A_612 = arith.constant 0 : index
          %swap3A_613 = tpu.vector_load %arg14[%swap3A_611, %swap3A_612] {strides = array<i32>} : memref<1024x16xf32, #tpu.memory_space<vmem>>, vector<1x16xf32>,
          %swap3A_614 = vector.shape_cast %swap3A_613 : vector<1x16xf32> to vector<16xf32>
          %swap3A_615 = vector.shape_cast %mul3A_610 : vector<16xf32> to vector<1x16xf32>
          tpu.vector_store %arg14[%swap3A_611, %swap3A_612], %swap3A_615 {strides = array<i32>} : memref<1024x16xf32, #tpu.memory_space<vmem>>, vector<1x16xf32>,
          %mul3A_616 = arith.constant 16 : i32
          %mul3A_617 = arith.muli %add3A_360, %mul3A_616 : i32
          %add3A_618 = arith.constant 15 : i32
          %add3A_619 = arith.addi %mul3A_617, %add3A_618 : i32
          %slice3A_620 = vector.extract_strided_slice %get3A_363 {offsets = [15], sizes = [1], strides = [1]} : vector<16xf32> to vector<1xf32>
          %squeeze3A_621 = vector.extract %slice3A_620[0] : f32 from vector<1xf32>
          %get3A_622 = arith.index_cast %add3A_619 : i32 to index
          %get3A_623 = arith.constant 0 : index
          %get3A_624 = tpu.vector_load %arg14[%get3A_622, %get3A_623] {strides = array<i32>} : memref<1024x16xf32, #tpu.memory_space<vmem>>, vector<1x16xf32>,
          %get3A_625 = vector.shape_cast %get3A_624 : vector<1x16xf32> to vector<16xf32>
          %mul3A_626 = vector.broadcast %squeeze3A_621 : f32 to vector<16xf32>
          %mul3A_627 = arith.mulf %get3A_625, %mul3A_626 : vector<16xf32>
          %swap3A_628 = arith.index_cast %add3A_619 : i32 to index
          %swap3A_629 = arith.constant 0 : index
          %swap3A_630 = tpu.vector_load %arg14[%swap3A_628, %swap3A_629] {strides = array<i32>} : memref<1024x16xf32, #tpu.memory_space<vmem>>, vector<1x16xf32>,
          %swap3A_631 = vector.shape_cast %swap3A_630 : vector<1x16xf32> to vector<16xf32>
          %swap3A_632 = vector.shape_cast %mul3A_627 : vector<16xf32> to vector<1x16xf32>
          tpu.vector_store %arg14[%swap3A_628, %swap3A_629], %swap3A_632 {strides = array<i32>} : memref<1024x16xf32, #tpu.memory_space<vmem>>, vector<1x16xf32>,
        }
        %scan3A_334 = arith.constant 8 : i32
        %mul3A_335 = arith.constant 128 : i32
        %mul3A_336 = arith.muli %scan3A_312, %mul3A_335 : i32
        %multiple_of3A_337 = tpu.assume_multiple %mul3A_336, 128 : i32
        %dma_start3A_338 = arith.constant 0 : i32
        %dma_start3A_339 = tpu.memref_slice %arg14[%multiple_of3A_337, %dma_start3A_338] : memref<1024x16xf32, #tpu.memory_space<vmem>> -> memref<128x16xf32, #tpu.memory_space<vmem>>
        %dma_start3A_340 = arith.constant 0 : i32
        %dma_start3A_341 = tpu.memref_slice %arg9[%scan3A_312, %dma_start3A_340] : memref<8x128xi32, #tpu.memory_space<vmem>> -> memref<1x128xi32, #tpu.memory_space<vmem>>
        %dma_start3A_342 = tpu.memref_squeeze %dma_start3A_341 : memref<1x128xi32, #tpu.memory_space<vmem>> -> memref<128xi32, #tpu.memory_space<vmem>>
        %dma_start3A_343 = arith.constant 0 : i32
        %dma_start3A_344 = arith.constant 0 : i32
        %dma_start3A_345 = tpu.memref_slice %arg16[%dma_start3A_343, %dma_start3A_344] : memref<50000x16xf32, #tpu.memory_space<vmem_shared>> -> memref<50000x16xf32, #tpu.memory_space<vmem_shared>>
        %dma_start3A_346 = tpu.memref_slice %arg18[%scan3A_312] : memref<8x!tpu.dma_semaphore, #tpu.memory_space<semaphore_mem>> -> memref<1x!tpu.dma_semaphore, #tpu.memory_space<semaphore_mem>>
        %dma_start3A_347 = tpu.memref_squeeze %dma_start3A_346 : memref<1x!tpu.dma_semaphore, #tpu.memory_space<semaphore_mem>> -> memref<!tpu.dma_semaphore, #tpu.memory_space<semaphore_mem>>
        tpu.enqueue_indirect_dma source(%dma_start3A_339 : memref<128x16xf32, #tpu.memory_space<vmem>>) target(%dma_start3A_345 : memref<50000x16xf32, #tpu.memory_space<vmem_shared>>) offsets(%dma_start3A_342 : memref<128xi32, #tpu.memory_space<vmem>>) semaphore(%dma_start3A_347 : memref<!tpu.dma_semaphore, #tpu.memory_space<semaphore_mem>>) {add = true}
        %eq3A_348 = arith.constant 1 : i32
        %eq3A_349 = arith.cmpi eq, %scan3A_312, %eq3A_348 : i32
        %convert_element_type3A_350 = arith.extui %eq3A_349 : i1 to i32
        %cond3A_351 = arith.constant 0 : i32
        %cond3A_352 = arith.cmpi ne, %convert_element_type3A_350, %cond3A_351 : i32
        scf.if %cond3A_352 {
          %dma_wait3A_357 = arith.constant 0 : i32
          %dma_wait3A_358 = tpu.memref_slice %arg3[%multiple_of3A_269, %dma_wait3A_357] : memref<6400x128xi32, #tpu.memory_space<hbm>> -> memref<8x128xi32, #tpu.memory_space<hbm>>
          %dma_wait3A_359 = arith.constant 0 : i32
          %dma_wait3A_360 = tpu.memref_slice %arg3[%multiple_of3A_269, %dma_wait3A_359] : memref<6400x128xi32, #tpu.memory_space<hbm>> -> memref<8x128xi32, #tpu.memory_space<hbm>>
          tpu.wait_dma2 semaphore(%arg19 : memref<!tpu.dma_semaphore, #tpu.memory_space<semaphore_mem>>) src(%dma_wait3A_360 : memref<8x128xi32, #tpu.memory_space<hbm>>) dst(%arg11 : memref<8x128xi32, #tpu.memory_space<vmem>>)
          %dma_wait3A_361 = arith.constant 0 : i32
          %dma_wait3A_362 = tpu.memref_slice %arg4[%multiple_of3A_269, %dma_wait3A_361] : memref<6400x128xi32, #tpu.memory_space<hbm>> -> memref<8x128xi32, #tpu.memory_space<hbm>>
          %dma_wait3A_363 = arith.constant 0 : i32
          %dma_wait3A_364 = tpu.memref_slice %arg4[%multiple_of3A_269, %dma_wait3A_363] : memref<6400x128xi32, #tpu.memory_space<hbm>> -> memref<8x128xi32, #tpu.memory_space<hbm>>
          tpu.wait_dma2 semaphore(%arg19 : memref<!tpu.dma_semaphore, #tpu.memory_space<semaphore_mem>>) src(%dma_wait3A_364 : memref<8x128xi32, #tpu.memory_space<hbm>>) dst(%arg12 : memref<8x128xi32, #tpu.memory_space<vmem>>)
          %dma_wait3A_365 = arith.constant 0 : i32
          %dma_wait3A_366 = tpu.memref_slice %arg5[%multiple_of3A_275, %dma_wait3A_365] : memref<51200x16xf32, #tpu.memory_space<hbm>> -> memref<64x16xf32, #tpu.memory_space<hbm>>
          %dma_wait3A_367 = arith.constant 0 : i32
          %dma_wait3A_368 = tpu.memref_slice %arg5[%multiple_of3A_275, %dma_wait3A_367] : memref<51200x16xf32, #tpu.memory_space<hbm>> -> memref<64x16xf32, #tpu.memory_space<hbm>>
          tpu.wait_dma2 semaphore(%arg19 : memref<!tpu.dma_semaphore, #tpu.memory_space<semaphore_mem>>) src(%dma_wait3A_368 : memref<64x16xf32, #tpu.memory_space<hbm>>) dst(%arg13 : memref<64x16xf32, #tpu.memory_space<vmem>>)
        } else {
        }
        %ge3A = arith.constant 1 : i32
        %ge3A_353 = arith.cmpi sge, %scan3A_312, %ge3A : i32
        %convert_element_type3A_354 = arith.extui %ge3A_353 : i1 to i32
        %cond3A_355 = arith.constant 0 : i32
        %cond3A_356 = arith.cmpi ne, %convert_element_type3A_354, %cond3A_355 : i32
        scf.if %cond3A_356 {
          %sub3A = arith.constant 1 : i32
          %sub3A_357 = arith.subi %scan3A_312, %sub3A : i32
          %mul3A_358 = arith.constant 128 : i32
          %mul3A_359 = arith.muli %sub3A_357, %mul3A_358 : i32
          %multiple_of3A_360 = tpu.assume_multiple %mul3A_359, 128 : i32
          %dma_start3A_361 = arith.constant 0 : i32
          %dma_start3A_362 = tpu.memref_slice %arg15[%multiple_of3A_360, %dma_start3A_361] : memref<1024x16xf32, #tpu.memory_space<vmem>> -> memref<128x16xf32, #tpu.memory_space<vmem>>
          %dma_start3A_363 = arith.constant 0 : i32
          %dma_start3A_364 = tpu.memref_slice %arg11[%sub3A_357, %dma_start3A_363] : memref<8x128xi32, #tpu.memory_space<vmem>> -> memref<1x128xi32, #tpu.memory_space<vmem>>
          %dma_start3A_365 = tpu.memref_squeeze %dma_start3A_364 : memref<1x128xi32, #tpu.memory_space<vmem>> -> memref<128xi32, #tpu.memory_space<vmem>>
          %dma_start3A_366 = arith.constant 0 : i32
          %dma_start3A_367 = arith.constant 0 : i32
          %dma_start3A_368 = tpu.memref_slice %arg2[%add3A_98, %dma_start3A_366, %dma_start3A_367] : memref<4x50000x16xf32, #tpu.memory_space<hbm>> -> memref<1x50000x16xf32, #tpu.memory_space<hbm>>
          %dma_start3A_369 = tpu.memref_squeeze %dma_start3A_368 : memref<1x50000x16xf32, #tpu.memory_space<hbm>> -> memref<50000x16xf32, #tpu.memory_space<hbm>>
          %dma_start3A_370 = arith.constant 0 : i32
          %dma_start3A_371 = arith.constant 0 : i32
          %dma_start3A_372 = tpu.memref_slice %dma_start3A_369[%dma_start3A_370, %dma_start3A_371] : memref<50000x16xf32, #tpu.memory_space<hbm>> -> memref<50000x16xf32, #tpu.memory_space<hbm>>
          %dma_start3A_373 = tpu.memref_slice %arg17[%sub3A_357] : memref<8x!tpu.dma_semaphore, #tpu.memory_space<semaphore_mem>> -> memref<1x!tpu.dma_semaphore, #tpu.memory_space<semaphore_mem>>
          %dma_start3A_374 = tpu.memref_squeeze %dma_start3A_373 : memref<1x!tpu.dma_semaphore, #tpu.memory_space<semaphore_mem>> -> memref<!tpu.dma_semaphore, #tpu.memory_space<semaphore_mem>>
          tpu.enqueue_indirect_dma source(%dma_start3A_372 : memref<50000x16xf32, #tpu.memory_space<hbm>>) target(%dma_start3A_362 : memref<128x16xf32, #tpu.memory_space<vmem>>) offsets(%dma_start3A_365 : memref<128xi32, #tpu.memory_space<vmem>>) semaphore(%dma_start3A_374 : memref<!tpu.dma_semaphore, #tpu.memory_space<semaphore_mem>>)
        } else {
        }
      }
      %scan3A_293 = arith.constant 8 : i32
      %multiple_of3A_294 = arith.constant 896 : i32
      %multiple_of3A_295 = tpu.assume_multiple %multiple_of3A_294, 128 : i32
      %dma_start3A_296 = arith.constant 7 : i32
      %dma_start3A_297 = arith.constant 7 : i32
      %dma_start3A_298 = arith.constant 0 : i32
      %dma_start3A_299 = tpu.memref_slice %arg15[%multiple_of3A_295, %dma_start3A_298] : memref<1024x16xf32, #tpu.memory_space<vmem>> -> memref<128x16xf32, #tpu.memory_space<vmem>>
      %dma_start3A_300 = arith.constant 0 : i32
      %dma_start3A_301 = tpu.memref_slice %arg11[%dma_start3A_296, %dma_start3A_300] : memref<8x128xi32, #tpu.memory_space<vmem>> -> memref<1x128xi32, #tpu.memory_space<vmem>>
      %dma_start3A_302 = tpu.memref_squeeze %dma_start3A_301 : memref<1x128xi32, #tpu.memory_space<vmem>> -> memref<128xi32, #tpu.memory_space<vmem>>
      %dma_start3A_303 = arith.constant 0 : i32
      %dma_start3A_304 = arith.constant 0 : i32
      %dma_start3A_305 = tpu.memref_slice %arg2[%add3A_98, %dma_start3A_303, %dma_start3A_304] : memref<4x50000x16xf32, #tpu.memory_space<hbm>> -> memref<1x50000x16xf32, #tpu.memory_space<hbm>>
      %dma_start3A_306 = tpu.memref_squeeze %dma_start3A_305 : memref<1x50000x16xf32, #tpu.memory_space<hbm>> -> memref<50000x16xf32, #tpu.memory_space<hbm>>
      %dma_start3A_307 = arith.constant 0 : i32
      %dma_start3A_308 = arith.constant 0 : i32
      %dma_start3A_309 = tpu.memref_slice %dma_start3A_306[%dma_start3A_307, %dma_start3A_308] : memref<50000x16xf32, #tpu.memory_space<hbm>> -> memref<50000x16xf32, #tpu.memory_space<hbm>>
      %dma_start3A_310 = tpu.memref_slice %arg17[%dma_start3A_297] : memref<8x!tpu.dma_semaphore, #tpu.memory_space<semaphore_mem>> -> memref<1x!tpu.dma_semaphore, #tpu.memory_space<semaphore_mem>>
      %dma_start3A_311 = tpu.memref_squeeze %dma_start3A_310 : memref<1x!tpu.dma_semaphore, #tpu.memory_space<semaphore_mem>> -> memref<!tpu.dma_semaphore, #tpu.memory_space<semaphore_mem>>
      tpu.enqueue_indirect_dma source(%dma_start3A_309 : memref<50000x16xf32, #tpu.memory_space<hbm>>) target(%dma_start3A_299 : memref<128x16xf32, #tpu.memory_space<vmem>>) offsets(%dma_start3A_302 : memref<128xi32, #tpu.memory_space<vmem>>) semaphore(%dma_start3A_311 : memref<!tpu.dma_semaphore, #tpu.memory_space<semaphore_mem>>)
    }
    %scan3A_165 = arith.constant 24 : i32
    %scan3A_166 = arith.constant 0 : i32
    %scan3A_167 = arith.constant 0 : i32
    %scan3A_168 = arith.constant 8 : i32
    %scan3A_169 = arith.addi %scan3A_167, %scan3A_168 : i32
    %scan3A_170 = arith.constant 1 : i32
    scf.for %scan3A_195 = %scan3A_167 to %scan3A_169 step %scan3A_170  : i32 {
      %mul3A_196 = arith.constant 128 : i32
      %mul3A_197 = arith.muli %scan3A_195, %mul3A_196 : i32
      %multiple_of3A_198 = tpu.assume_multiple %mul3A_197, 128 : i32
      %dma_wait3A = arith.constant 0 : i32
      %dma_wait3A_199 = tpu.memref_slice %arg14[%multiple_of3A_198, %dma_wait3A] : memref<1024x16xf32, #tpu.memory_space<vmem>> -> memref<128x16xf32, #tpu.memory_space<vmem>>
      %dma_wait3A_200 = arith.constant 0 : i32
      %dma_wait3A_201 = tpu.memref_slice %arg9[%scan3A_195, %dma_wait3A_200] : memref<8x128xi32, #tpu.memory_space<vmem>> -> memref<1x128xi32, #tpu.memory_space<vmem>>
      %dma_wait3A_202 = tpu.memref_squeeze %dma_wait3A_201 : memref<1x128xi32, #tpu.memory_space<vmem>> -> memref<128xi32, #tpu.memory_space<vmem>>
      %dma_wait3A_203 = arith.constant 0 : i32
      %dma_wait3A_204 = arith.constant 0 : i32
      %dma_wait3A_205 = tpu.memref_slice %arg16[%dma_wait3A_203, %dma_wait3A_204] : memref<50000x16xf32, #tpu.memory_space<vmem_shared>> -> memref<50000x16xf32, #tpu.memory_space<vmem_shared>>
      %dma_wait3A_206 = tpu.memref_slice %arg18[%scan3A_195] : memref<8x!tpu.dma_semaphore, #tpu.memory_space<semaphore_mem>> -> memref<1x!tpu.dma_semaphore, #tpu.memory_space<semaphore_mem>>
      %dma_wait3A_207 = tpu.memref_squeeze %dma_wait3A_206 : memref<1x!tpu.dma_semaphore, #tpu.memory_space<semaphore_mem>> -> memref<!tpu.dma_semaphore, #tpu.memory_space<semaphore_mem>>
      tpu.wait_indirect_dma semaphore(%dma_wait3A_207 : memref<!tpu.dma_semaphore, #tpu.memory_space<semaphore_mem>>) src(%dma_wait3A_199 : memref<128x16xf32, #tpu.memory_space<vmem>>) dst(%dma_wait3A_205 : memref<50000x16xf32, #tpu.memory_space<vmem_shared>>)
    }
    %scan3A_171 = arith.constant 8 : i32
    %scan3A_172 = arith.constant 0 : i32
    %scan3A_173 = arith.constant 0 : i32
    %scan3A_174 = arith.constant 8 : i32
    %scan3A_175 = arith.addi %scan3A_173, %scan3A_174 : i32
    %scan3A_176 = arith.constant 1 : i32
    scf.for %scan3A_195 = %scan3A_173 to %scan3A_175 step %scan3A_176  : i32 {
      %mul3A_196 = arith.constant 128 : i32
      %mul3A_197 = arith.muli %scan3A_195, %mul3A_196 : i32
      %multiple_of3A_198 = tpu.assume_multiple %mul3A_197, 128 : i32
      %dma_wait3A = arith.constant 0 : i32
      %dma_wait3A_199 = tpu.memref_slice %arg15[%multiple_of3A_198, %dma_wait3A] : memref<1024x16xf32, #tpu.memory_space<vmem>> -> memref<128x16xf32, #tpu.memory_space<vmem>>
      %dma_wait3A_200 = arith.constant 0 : i32
      %dma_wait3A_201 = tpu.memref_slice %arg11[%scan3A_195, %dma_wait3A_200] : memref<8x128xi32, #tpu.memory_space<vmem>> -> memref<1x128xi32, #tpu.memory_space<vmem>>
      %dma_wait3A_202 = tpu.memref_squeeze %dma_wait3A_201 : memref<1x128xi32, #tpu.memory_space<vmem>> -> memref<128xi32, #tpu.memory_space<vmem>>
      %dma_wait3A_203 = arith.constant 0 : i32
      %dma_wait3A_204 = arith.constant 0 : i32
      %dma_wait3A_205 = tpu.memref_slice %arg2[%add3A_98, %dma_wait3A_203, %dma_wait3A_204] : memref<4x50000x16xf32, #tpu.memory_space<hbm>> -> memref<1x50000x16xf32, #tpu.memory_space<hbm>>
      %dma_wait3A_206 = tpu.memref_squeeze %dma_wait3A_205 : memref<1x50000x16xf32, #tpu.memory_space<hbm>> -> memref<50000x16xf32, #tpu.memory_space<hbm>>
      %dma_wait3A_207 = arith.constant 0 : i32
      %dma_wait3A_208 = arith.constant 0 : i32
      %dma_wait3A_209 = tpu.memref_slice %dma_wait3A_206[%dma_wait3A_207, %dma_wait3A_208] : memref<50000x16xf32, #tpu.memory_space<hbm>> -> memref<50000x16xf32, #tpu.memory_space<hbm>>
      %dma_wait3A_210 = tpu.memref_slice %arg17[%scan3A_195] : memref<8x!tpu.dma_semaphore, #tpu.memory_space<semaphore_mem>> -> memref<1x!tpu.dma_semaphore, #tpu.memory_space<semaphore_mem>>
      %dma_wait3A_211 = tpu.memref_squeeze %dma_wait3A_210 : memref<1x!tpu.dma_semaphore, #tpu.memory_space<semaphore_mem>> -> memref<!tpu.dma_semaphore, #tpu.memory_space<semaphore_mem>>
      tpu.wait_indirect_dma semaphore(%dma_wait3A_211 : memref<!tpu.dma_semaphore, #tpu.memory_space<semaphore_mem>>) src(%dma_wait3A_209 : memref<50000x16xf32, #tpu.memory_space<hbm>>) dst(%dma_wait3A_199 : memref<128x16xf32, #tpu.memory_space<vmem>>)
      %scan3A_212 = arith.constant 0 : i32
      %scan3A_213 = arith.constant 0 : i32
      %scan3A_214 = arith.constant 8 : i32
      %scan3A_215 = arith.addi %scan3A_213, %scan3A_214 : i32
      %scan3A_216 = arith.constant 1 : i32
      scf.for %scan3A_231 = %scan3A_213 to %scan3A_215 step %scan3A_216  : i32 {
        %mul3A_232 = arith.constant 8 : i32
        %mul3A_233 = arith.muli %scan3A_195, %mul3A_232 : i32
        %add3A_234 = arith.addi %mul3A_233, %scan3A_231 : i32
        %get3A = arith.index_cast %add3A_234 : i32 to index
        %get3A_235 = arith.constant 0 : index
        %get3A_236 = tpu.vector_load %arg13[%get3A, %get3A_235] {strides = array<i32>} : memref<64x16xf32, #tpu.memory_space<vmem>>, vector<1x16xf32>,
        %get3A_237 = vector.shape_cast %get3A_236 : vector<1x16xf32> to vector<16xf32>
        %mul3A_238 = arith.constant 16 : i32
        %mul3A_239 = arith.muli %add3A_234, %mul3A_238 : i32
        %add3A_240 = arith.constant 0 : i32
        %add3A_241 = arith.addi %mul3A_239, %add3A_240 : i32
        %slice3A = vector.extract_strided_slice %get3A_237 {offsets = [0], sizes = [1], strides = [1]} : vector<16xf32> to vector<1xf32>
        %squeeze3A = vector.extract %slice3A[0] : f32 from vector<1xf32>
        %get3A_242 = arith.index_cast %add3A_241 : i32 to index
        %get3A_243 = arith.constant 0 : index
        %get3A_244 = tpu.vector_load %arg15[%get3A_242, %get3A_243] {strides = array<i32>} : memref<1024x16xf32, #tpu.memory_space<vmem>>, vector<1x16xf32>,
        %get3A_245 = vector.shape_cast %get3A_244 : vector<1x16xf32> to vector<16xf32>
        %mul3A_246 = vector.broadcast %squeeze3A : f32 to vector<16xf32>
        %mul3A_247 = arith.mulf %get3A_245, %mul3A_246 : vector<16xf32>
        %swap3A = arith.index_cast %add3A_241 : i32 to index
        %swap3A_248 = arith.constant 0 : index
        %swap3A_249 = tpu.vector_load %arg15[%swap3A, %swap3A_248] {strides = array<i32>} : memref<1024x16xf32, #tpu.memory_space<vmem>>, vector<1x16xf32>,
        %swap3A_250 = vector.shape_cast %swap3A_249 : vector<1x16xf32> to vector<16xf32>
        %swap3A_251 = vector.shape_cast %mul3A_247 : vector<16xf32> to vector<1x16xf32>
        tpu.vector_store %arg15[%swap3A, %swap3A_248], %swap3A_251 {strides = array<i32>} : memref<1024x16xf32, #tpu.memory_space<vmem>>, vector<1x16xf32>,
        %mul3A_252 = arith.constant 16 : i32
        %mul3A_253 = arith.muli %add3A_234, %mul3A_252 : i32
        %add3A_254 = arith.constant 1 : i32
        %add3A_255 = arith.addi %mul3A_253, %add3A_254 : i32
        %slice3A_256 = vector.extract_strided_slice %get3A_237 {offsets = [1], sizes = [1], strides = [1]} : vector<16xf32> to vector<1xf32>
        %squeeze3A_257 = vector.extract %slice3A_256[0] : f32 from vector<1xf32>
        %get3A_258 = arith.index_cast %add3A_255 : i32 to index
        %get3A_259 = arith.constant 0 : index
        %get3A_260 = tpu.vector_load %arg15[%get3A_258, %get3A_259] {strides = array<i32>} : memref<1024x16xf32, #tpu.memory_space<vmem>>, vector<1x16xf32>,
        %get3A_261 = vector.shape_cast %get3A_260 : vector<1x16xf32> to vector<16xf32>
        %mul3A_262 = vector.broadcast %squeeze3A_257 : f32 to vector<16xf32>
        %mul3A_263 = arith.mulf %get3A_261, %mul3A_262 : vector<16xf32>
        %swap3A_264 = arith.index_cast %add3A_255 : i32 to index
        %swap3A_265 = arith.constant 0 : index
        %swap3A_266 = tpu.vector_load %arg15[%swap3A_264, %swap3A_265] {strides = array<i32>} : memref<1024x16xf32, #tpu.memory_space<vmem>>, vector<1x16xf32>,
        %swap3A_267 = vector.shape_cast %swap3A_266 : vector<1x16xf32> to vector<16xf32>
        %swap3A_268 = vector.shape_cast %mul3A_263 : vector<16xf32> to vector<1x16xf32>
        tpu.vector_store %arg15[%swap3A_264, %swap3A_265], %swap3A_268 {strides = array<i32>} : memref<1024x16xf32, #tpu.memory_space<vmem>>, vector<1x16xf32>,
        %mul3A_269 = arith.constant 16 : i32
        %mul3A_270 = arith.muli %add3A_234, %mul3A_269 : i32
        %add3A_271 = arith.constant 2 : i32
        %add3A_272 = arith.addi %mul3A_270, %add3A_271 : i32
        %slice3A_273 = vector.extract_strided_slice %get3A_237 {offsets = [2], sizes = [1], strides = [1]} : vector<16xf32> to vector<1xf32>
        %squeeze3A_274 = vector.extract %slice3A_273[0] : f32 from vector<1xf32>
        %get3A_275 = arith.index_cast %add3A_272 : i32 to index
        %get3A_276 = arith.constant 0 : index
        %get3A_277 = tpu.vector_load %arg15[%get3A_275, %get3A_276] {strides = array<i32>} : memref<1024x16xf32, #tpu.memory_space<vmem>>, vector<1x16xf32>,
        %get3A_278 = vector.shape_cast %get3A_277 : vector<1x16xf32> to vector<16xf32>
        %mul3A_279 = vector.broadcast %squeeze3A_274 : f32 to vector<16xf32>
        %mul3A_280 = arith.mulf %get3A_278, %mul3A_279 : vector<16xf32>
        %swap3A_281 = arith.index_cast %add3A_272 : i32 to index
        %swap3A_282 = arith.constant 0 : index
        %swap3A_283 = tpu.vector_load %arg15[%swap3A_281, %swap3A_282] {strides = array<i32>} : memref<1024x16xf32, #tpu.memory_space<vmem>>, vector<1x16xf32>,
        %swap3A_284 = vector.shape_cast %swap3A_283 : vector<1x16xf32> to vector<16xf32>
        %swap3A_285 = vector.shape_cast %mul3A_280 : vector<16xf32> to vector<1x16xf32>
        tpu.vector_store %arg15[%swap3A_281, %swap3A_282], %swap3A_285 {strides = array<i32>} : memref<1024x16xf32, #tpu.memory_space<vmem>>, vector<1x16xf32>,
        %mul3A_286 = arith.constant 16 : i32
        %mul3A_287 = arith.muli %add3A_234, %mul3A_286 : i32
        %add3A_288 = arith.constant 3 : i32
        %add3A_289 = arith.addi %mul3A_287, %add3A_288 : i32
        %slice3A_290 = vector.extract_strided_slice %get3A_237 {offsets = [3], sizes = [1], strides = [1]} : vector<16xf32> to vector<1xf32>
        %squeeze3A_291 = vector.extract %slice3A_290[0] : f32 from vector<1xf32>
        %get3A_292 = arith.index_cast %add3A_289 : i32 to index
        %get3A_293 = arith.constant 0 : index
        %get3A_294 = tpu.vector_load %arg15[%get3A_292, %get3A_293] {strides = array<i32>} : memref<1024x16xf32, #tpu.memory_space<vmem>>, vector<1x16xf32>,
        %get3A_295 = vector.shape_cast %get3A_294 : vector<1x16xf32> to vector<16xf32>
        %mul3A_296 = vector.broadcast %squeeze3A_291 : f32 to vector<16xf32>
        %mul3A_297 = arith.mulf %get3A_295, %mul3A_296 : vector<16xf32>
        %swap3A_298 = arith.index_cast %add3A_289 : i32 to index
        %swap3A_299 = arith.constant 0 : index
        %swap3A_300 = tpu.vector_load %arg15[%swap3A_298, %swap3A_299] {strides = array<i32>} : memref<1024x16xf32, #tpu.memory_space<vmem>>, vector<1x16xf32>,
        %swap3A_301 = vector.shape_cast %swap3A_300 : vector<1x16xf32> to vector<16xf32>
        %swap3A_302 = vector.shape_cast %mul3A_297 : vector<16xf32> to vector<1x16xf32>
        tpu.vector_store %arg15[%swap3A_298, %swap3A_299], %swap3A_302 {strides = array<i32>} : memref<1024x16xf32, #tpu.memory_space<vmem>>, vector<1x16xf32>,
        %mul3A_303 = arith.constant 16 : i32
        %mul3A_304 = arith.muli %add3A_234, %mul3A_303 : i32
        %add3A_305 = arith.constant 4 : i32
        %add3A_306 = arith.addi %mul3A_304, %add3A_305 : i32
        %slice3A_307 = vector.extract_strided_slice %get3A_237 {offsets = [4], sizes = [1], strides = [1]} : vector<16xf32> to vector<1xf32>
        %squeeze3A_308 = vector.extract %slice3A_307[0] : f32 from vector<1xf32>
        %get3A_309 = arith.index_cast %add3A_306 : i32 to index
        %get3A_310 = arith.constant 0 : index
        %get3A_311 = tpu.vector_load %arg15[%get3A_309, %get3A_310] {strides = array<i32>} : memref<1024x16xf32, #tpu.memory_space<vmem>>, vector<1x16xf32>,
        %get3A_312 = vector.shape_cast %get3A_311 : vector<1x16xf32> to vector<16xf32>
        %mul3A_313 = vector.broadcast %squeeze3A_308 : f32 to vector<16xf32>
        %mul3A_314 = arith.mulf %get3A_312, %mul3A_313 : vector<16xf32>
        %swap3A_315 = arith.index_cast %add3A_306 : i32 to index
        %swap3A_316 = arith.constant 0 : index
        %swap3A_317 = tpu.vector_load %arg15[%swap3A_315, %swap3A_316] {strides = array<i32>} : memref<1024x16xf32, #tpu.memory_space<vmem>>, vector<1x16xf32>,
        %swap3A_318 = vector.shape_cast %swap3A_317 : vector<1x16xf32> to vector<16xf32>
        %swap3A_319 = vector.shape_cast %mul3A_314 : vector<16xf32> to vector<1x16xf32>
        tpu.vector_store %arg15[%swap3A_315, %swap3A_316], %swap3A_319 {strides = array<i32>} : memref<1024x16xf32, #tpu.memory_space<vmem>>, vector<1x16xf32>,
        %mul3A_320 = arith.constant 16 : i32
        %mul3A_321 = arith.muli %add3A_234, %mul3A_320 : i32
        %add3A_322 = arith.constant 5 : i32
        %add3A_323 = arith.addi %mul3A_321, %add3A_322 : i32
        %slice3A_324 = vector.extract_strided_slice %get3A_237 {offsets = [5], sizes = [1], strides = [1]} : vector<16xf32> to vector<1xf32>
        %squeeze3A_325 = vector.extract %slice3A_324[0] : f32 from vector<1xf32>
        %get3A_326 = arith.index_cast %add3A_323 : i32 to index
        %get3A_327 = arith.constant 0 : index
        %get3A_328 = tpu.vector_load %arg15[%get3A_326, %get3A_327] {strides = array<i32>} : memref<1024x16xf32, #tpu.memory_space<vmem>>, vector<1x16xf32>,
        %get3A_329 = vector.shape_cast %get3A_328 : vector<1x16xf32> to vector<16xf32>
        %mul3A_330 = vector.broadcast %squeeze3A_325 : f32 to vector<16xf32>
        %mul3A_331 = arith.mulf %get3A_329, %mul3A_330 : vector<16xf32>
        %swap3A_332 = arith.index_cast %add3A_323 : i32 to index
        %swap3A_333 = arith.constant 0 : index
        %swap3A_334 = tpu.vector_load %arg15[%swap3A_332, %swap3A_333] {strides = array<i32>} : memref<1024x16xf32, #tpu.memory_space<vmem>>, vector<1x16xf32>,
        %swap3A_335 = vector.shape_cast %swap3A_334 : vector<1x16xf32> to vector<16xf32>
        %swap3A_336 = vector.shape_cast %mul3A_331 : vector<16xf32> to vector<1x16xf32>
        tpu.vector_store %arg15[%swap3A_332, %swap3A_333], %swap3A_336 {strides = array<i32>} : memref<1024x16xf32, #tpu.memory_space<vmem>>, vector<1x16xf32>,
        %mul3A_337 = arith.constant 16 : i32
        %mul3A_338 = arith.muli %add3A_234, %mul3A_337 : i32
        %add3A_339 = arith.constant 6 : i32
        %add3A_340 = arith.addi %mul3A_338, %add3A_339 : i32
        %slice3A_341 = vector.extract_strided_slice %get3A_237 {offsets = [6], sizes = [1], strides = [1]} : vector<16xf32> to vector<1xf32>
        %squeeze3A_342 = vector.extract %slice3A_341[0] : f32 from vector<1xf32>
        %get3A_343 = arith.index_cast %add3A_340 : i32 to index
        %get3A_344 = arith.constant 0 : index
        %get3A_345 = tpu.vector_load %arg15[%get3A_343, %get3A_344] {strides = array<i32>} : memref<1024x16xf32, #tpu.memory_space<vmem>>, vector<1x16xf32>,
        %get3A_346 = vector.shape_cast %get3A_345 : vector<1x16xf32> to vector<16xf32>
        %mul3A_347 = vector.broadcast %squeeze3A_342 : f32 to vector<16xf32>
        %mul3A_348 = arith.mulf %get3A_346, %mul3A_347 : vector<16xf32>
        %swap3A_349 = arith.index_cast %add3A_340 : i32 to index
        %swap3A_350 = arith.constant 0 : index
        %swap3A_351 = tpu.vector_load %arg15[%swap3A_349, %swap3A_350] {strides = array<i32>} : memref<1024x16xf32, #tpu.memory_space<vmem>>, vector<1x16xf32>,
        %swap3A_352 = vector.shape_cast %swap3A_351 : vector<1x16xf32> to vector<16xf32>
        %swap3A_353 = vector.shape_cast %mul3A_348 : vector<16xf32> to vector<1x16xf32>
        tpu.vector_store %arg15[%swap3A_349, %swap3A_350], %swap3A_353 {strides = array<i32>} : memref<1024x16xf32, #tpu.memory_space<vmem>>, vector<1x16xf32>,
        %mul3A_354 = arith.constant 16 : i32
        %mul3A_355 = arith.muli %add3A_234, %mul3A_354 : i32
        %add3A_356 = arith.constant 7 : i32
        %add3A_357 = arith.addi %mul3A_355, %add3A_356 : i32
        %slice3A_358 = vector.extract_strided_slice %get3A_237 {offsets = [7], sizes = [1], strides = [1]} : vector<16xf32> to vector<1xf32>
        %squeeze3A_359 = vector.extract %slice3A_358[0] : f32 from vector<1xf32>
        %get3A_360 = arith.index_cast %add3A_357 : i32 to index
        %get3A_361 = arith.constant 0 : index
        %get3A_362 = tpu.vector_load %arg15[%get3A_360, %get3A_361] {strides = array<i32>} : memref<1024x16xf32, #tpu.memory_space<vmem>>, vector<1x16xf32>,
        %get3A_363 = vector.shape_cast %get3A_362 : vector<1x16xf32> to vector<16xf32>
        %mul3A_364 = vector.broadcast %squeeze3A_359 : f32 to vector<16xf32>
        %mul3A_365 = arith.mulf %get3A_363, %mul3A_364 : vector<16xf32>
        %swap3A_366 = arith.index_cast %add3A_357 : i32 to index
        %swap3A_367 = arith.constant 0 : index
        %swap3A_368 = tpu.vector_load %arg15[%swap3A_366, %swap3A_367] {strides = array<i32>} : memref<1024x16xf32, #tpu.memory_space<vmem>>, vector<1x16xf32>,
        %swap3A_369 = vector.shape_cast %swap3A_368 : vector<1x16xf32> to vector<16xf32>
        %swap3A_370 = vector.shape_cast %mul3A_365 : vector<16xf32> to vector<1x16xf32>
        tpu.vector_store %arg15[%swap3A_366, %swap3A_367], %swap3A_370 {strides = array<i32>} : memref<1024x16xf32, #tpu.memory_space<vmem>>, vector<1x16xf32>,
        %mul3A_371 = arith.constant 16 : i32
        %mul3A_372 = arith.muli %add3A_234, %mul3A_371 : i32
        %add3A_373 = arith.constant 8 : i32
        %add3A_374 = arith.addi %mul3A_372, %add3A_373 : i32
        %slice3A_375 = vector.extract_strided_slice %get3A_237 {offsets = [8], sizes = [1], strides = [1]} : vector<16xf32> to vector<1xf32>
        %squeeze3A_376 = vector.extract %slice3A_375[0] : f32 from vector<1xf32>
        %get3A_377 = arith.index_cast %add3A_374 : i32 to index
        %get3A_378 = arith.constant 0 : index
        %get3A_379 = tpu.vector_load %arg15[%get3A_377, %get3A_378] {strides = array<i32>} : memref<1024x16xf32, #tpu.memory_space<vmem>>, vector<1x16xf32>,
        %get3A_380 = vector.shape_cast %get3A_379 : vector<1x16xf32> to vector<16xf32>
        %mul3A_381 = vector.broadcast %squeeze3A_376 : f32 to vector<16xf32>
        %mul3A_382 = arith.mulf %get3A_380, %mul3A_381 : vector<16xf32>
        %swap3A_383 = arith.index_cast %add3A_374 : i32 to index
        %swap3A_384 = arith.constant 0 : index
        %swap3A_385 = tpu.vector_load %arg15[%swap3A_383, %swap3A_384] {strides = array<i32>} : memref<1024x16xf32, #tpu.memory_space<vmem>>, vector<1x16xf32>,
        %swap3A_386 = vector.shape_cast %swap3A_385 : vector<1x16xf32> to vector<16xf32>
        %swap3A_387 = vector.shape_cast %mul3A_382 : vector<16xf32> to vector<1x16xf32>
        tpu.vector_store %arg15[%swap3A_383, %swap3A_384], %swap3A_387 {strides = array<i32>} : memref<1024x16xf32, #tpu.memory_space<vmem>>, vector<1x16xf32>,
        %mul3A_388 = arith.constant 16 : i32
        %mul3A_389 = arith.muli %add3A_234, %mul3A_388 : i32
        %add3A_390 = arith.constant 9 : i32
        %add3A_391 = arith.addi %mul3A_389, %add3A_390 : i32
        %slice3A_392 = vector.extract_strided_slice %get3A_237 {offsets = [9], sizes = [1], strides = [1]} : vector<16xf32> to vector<1xf32>
        %squeeze3A_393 = vector.extract %slice3A_392[0] : f32 from vector<1xf32>
        %get3A_394 = arith.index_cast %add3A_391 : i32 to index
        %get3A_395 = arith.constant 0 : index
        %get3A_396 = tpu.vector_load %arg15[%get3A_394, %get3A_395] {strides = array<i32>} : memref<1024x16xf32, #tpu.memory_space<vmem>>, vector<1x16xf32>,
        %get3A_397 = vector.shape_cast %get3A_396 : vector<1x16xf32> to vector<16xf32>
        %mul3A_398 = vector.broadcast %squeeze3A_393 : f32 to vector<16xf32>
        %mul3A_399 = arith.mulf %get3A_397, %mul3A_398 : vector<16xf32>
        %swap3A_400 = arith.index_cast %add3A_391 : i32 to index
        %swap3A_401 = arith.constant 0 : index
        %swap3A_402 = tpu.vector_load %arg15[%swap3A_400, %swap3A_401] {strides = array<i32>} : memref<1024x16xf32, #tpu.memory_space<vmem>>, vector<1x16xf32>,
        %swap3A_403 = vector.shape_cast %swap3A_402 : vector<1x16xf32> to vector<16xf32>
        %swap3A_404 = vector.shape_cast %mul3A_399 : vector<16xf32> to vector<1x16xf32>
        tpu.vector_store %arg15[%swap3A_400, %swap3A_401], %swap3A_404 {strides = array<i32>} : memref<1024x16xf32, #tpu.memory_space<vmem>>, vector<1x16xf32>,
        %mul3A_405 = arith.constant 16 : i32
        %mul3A_406 = arith.muli %add3A_234, %mul3A_405 : i32
        %add3A_407 = arith.constant 10 : i32
        %add3A_408 = arith.addi %mul3A_406, %add3A_407 : i32
        %slice3A_409 = vector.extract_strided_slice %get3A_237 {offsets = [10], sizes = [1], strides = [1]} : vector<16xf32> to vector<1xf32>
        %squeeze3A_410 = vector.extract %slice3A_409[0] : f32 from vector<1xf32>
        %get3A_411 = arith.index_cast %add3A_408 : i32 to index
        %get3A_412 = arith.constant 0 : index
        %get3A_413 = tpu.vector_load %arg15[%get3A_411, %get3A_412] {strides = array<i32>} : memref<1024x16xf32, #tpu.memory_space<vmem>>, vector<1x16xf32>,
        %get3A_414 = vector.shape_cast %get3A_413 : vector<1x16xf32> to vector<16xf32>
        %mul3A_415 = vector.broadcast %squeeze3A_410 : f32 to vector<16xf32>
        %mul3A_416 = arith.mulf %get3A_414, %mul3A_415 : vector<16xf32>
        %swap3A_417 = arith.index_cast %add3A_408 : i32 to index
        %swap3A_418 = arith.constant 0 : index
        %swap3A_419 = tpu.vector_load %arg15[%swap3A_417, %swap3A_418] {strides = array<i32>} : memref<1024x16xf32, #tpu.memory_space<vmem>>, vector<1x16xf32>,
        %swap3A_420 = vector.shape_cast %swap3A_419 : vector<1x16xf32> to vector<16xf32>
        %swap3A_421 = vector.shape_cast %mul3A_416 : vector<16xf32> to vector<1x16xf32>
        tpu.vector_store %arg15[%swap3A_417, %swap3A_418], %swap3A_421 {strides = array<i32>} : memref<1024x16xf32, #tpu.memory_space<vmem>>, vector<1x16xf32>,
        %mul3A_422 = arith.constant 16 : i32
        %mul3A_423 = arith.muli %add3A_234, %mul3A_422 : i32
        %add3A_424 = arith.constant 11 : i32
        %add3A_425 = arith.addi %mul3A_423, %add3A_424 : i32
        %slice3A_426 = vector.extract_strided_slice %get3A_237 {offsets = [11], sizes = [1], strides = [1]} : vector<16xf32> to vector<1xf32>
        %squeeze3A_427 = vector.extract %slice3A_426[0] : f32 from vector<1xf32>
        %get3A_428 = arith.index_cast %add3A_425 : i32 to index
        %get3A_429 = arith.constant 0 : index
        %get3A_430 = tpu.vector_load %arg15[%get3A_428, %get3A_429] {strides = array<i32>} : memref<1024x16xf32, #tpu.memory_space<vmem>>, vector<1x16xf32>,
        %get3A_431 = vector.shape_cast %get3A_430 : vector<1x16xf32> to vector<16xf32>
        %mul3A_432 = vector.broadcast %squeeze3A_427 : f32 to vector<16xf32>
        %mul3A_433 = arith.mulf %get3A_431, %mul3A_432 : vector<16xf32>
        %swap3A_434 = arith.index_cast %add3A_425 : i32 to index
        %swap3A_435 = arith.constant 0 : index
        %swap3A_436 = tpu.vector_load %arg15[%swap3A_434, %swap3A_435] {strides = array<i32>} : memref<1024x16xf32, #tpu.memory_space<vmem>>, vector<1x16xf32>,
        %swap3A_437 = vector.shape_cast %swap3A_436 : vector<1x16xf32> to vector<16xf32>
        %swap3A_438 = vector.shape_cast %mul3A_433 : vector<16xf32> to vector<1x16xf32>
        tpu.vector_store %arg15[%swap3A_434, %swap3A_435], %swap3A_438 {strides = array<i32>} : memref<1024x16xf32, #tpu.memory_space<vmem>>, vector<1x16xf32>,
        %mul3A_439 = arith.constant 16 : i32
        %mul3A_440 = arith.muli %add3A_234, %mul3A_439 : i32
        %add3A_441 = arith.constant 12 : i32
        %add3A_442 = arith.addi %mul3A_440, %add3A_441 : i32
        %slice3A_443 = vector.extract_strided_slice %get3A_237 {offsets = [12], sizes = [1], strides = [1]} : vector<16xf32> to vector<1xf32>
        %squeeze3A_444 = vector.extract %slice3A_443[0] : f32 from vector<1xf32>
        %get3A_445 = arith.index_cast %add3A_442 : i32 to index
        %get3A_446 = arith.constant 0 : index
        %get3A_447 = tpu.vector_load %arg15[%get3A_445, %get3A_446] {strides = array<i32>} : memref<1024x16xf32, #tpu.memory_space<vmem>>, vector<1x16xf32>,
        %get3A_448 = vector.shape_cast %get3A_447 : vector<1x16xf32> to vector<16xf32>
        %mul3A_449 = vector.broadcast %squeeze3A_444 : f32 to vector<16xf32>
        %mul3A_450 = arith.mulf %get3A_448, %mul3A_449 : vector<16xf32>
        %swap3A_451 = arith.index_cast %add3A_442 : i32 to index
        %swap3A_452 = arith.constant 0 : index
        %swap3A_453 = tpu.vector_load %arg15[%swap3A_451, %swap3A_452] {strides = array<i32>} : memref<1024x16xf32, #tpu.memory_space<vmem>>, vector<1x16xf32>,
        %swap3A_454 = vector.shape_cast %swap3A_453 : vector<1x16xf32> to vector<16xf32>
        %swap3A_455 = vector.shape_cast %mul3A_450 : vector<16xf32> to vector<1x16xf32>
        tpu.vector_store %arg15[%swap3A_451, %swap3A_452], %swap3A_455 {strides = array<i32>} : memref<1024x16xf32, #tpu.memory_space<vmem>>, vector<1x16xf32>,
        %mul3A_456 = arith.constant 16 : i32
        %mul3A_457 = arith.muli %add3A_234, %mul3A_456 : i32
        %add3A_458 = arith.constant 13 : i32
        %add3A_459 = arith.addi %mul3A_457, %add3A_458 : i32
        %slice3A_460 = vector.extract_strided_slice %get3A_237 {offsets = [13], sizes = [1], strides = [1]} : vector<16xf32> to vector<1xf32>
        %squeeze3A_461 = vector.extract %slice3A_460[0] : f32 from vector<1xf32>
        %get3A_462 = arith.index_cast %add3A_459 : i32 to index
        %get3A_463 = arith.constant 0 : index
        %get3A_464 = tpu.vector_load %arg15[%get3A_462, %get3A_463] {strides = array<i32>} : memref<1024x16xf32, #tpu.memory_space<vmem>>, vector<1x16xf32>,
        %get3A_465 = vector.shape_cast %get3A_464 : vector<1x16xf32> to vector<16xf32>
        %mul3A_466 = vector.broadcast %squeeze3A_461 : f32 to vector<16xf32>
        %mul3A_467 = arith.mulf %get3A_465, %mul3A_466 : vector<16xf32>
        %swap3A_468 = arith.index_cast %add3A_459 : i32 to index
        %swap3A_469 = arith.constant 0 : index
        %swap3A_470 = tpu.vector_load %arg15[%swap3A_468, %swap3A_469] {strides = array<i32>} : memref<1024x16xf32, #tpu.memory_space<vmem>>, vector<1x16xf32>,
        %swap3A_471 = vector.shape_cast %swap3A_470 : vector<1x16xf32> to vector<16xf32>
        %swap3A_472 = vector.shape_cast %mul3A_467 : vector<16xf32> to vector<1x16xf32>
        tpu.vector_store %arg15[%swap3A_468, %swap3A_469], %swap3A_472 {strides = array<i32>} : memref<1024x16xf32, #tpu.memory_space<vmem>>, vector<1x16xf32>,
        %mul3A_473 = arith.constant 16 : i32
        %mul3A_474 = arith.muli %add3A_234, %mul3A_473 : i32
        %add3A_475 = arith.constant 14 : i32
        %add3A_476 = arith.addi %mul3A_474, %add3A_475 : i32
        %slice3A_477 = vector.extract_strided_slice %get3A_237 {offsets = [14], sizes = [1], strides = [1]} : vector<16xf32> to vector<1xf32>
        %squeeze3A_478 = vector.extract %slice3A_477[0] : f32 from vector<1xf32>
        %get3A_479 = arith.index_cast %add3A_476 : i32 to index
        %get3A_480 = arith.constant 0 : index
        %get3A_481 = tpu.vector_load %arg15[%get3A_479, %get3A_480] {strides = array<i32>} : memref<1024x16xf32, #tpu.memory_space<vmem>>, vector<1x16xf32>,
        %get3A_482 = vector.shape_cast %get3A_481 : vector<1x16xf32> to vector<16xf32>
        %mul3A_483 = vector.broadcast %squeeze3A_478 : f32 to vector<16xf32>
        %mul3A_484 = arith.mulf %get3A_482, %mul3A_483 : vector<16xf32>
        %swap3A_485 = arith.index_cast %add3A_476 : i32 to index
        %swap3A_486 = arith.constant 0 : index
        %swap3A_487 = tpu.vector_load %arg15[%swap3A_485, %swap3A_486] {strides = array<i32>} : memref<1024x16xf32, #tpu.memory_space<vmem>>, vector<1x16xf32>,
        %swap3A_488 = vector.shape_cast %swap3A_487 : vector<1x16xf32> to vector<16xf32>
        %swap3A_489 = vector.shape_cast %mul3A_484 : vector<16xf32> to vector<1x16xf32>
        tpu.vector_store %arg15[%swap3A_485, %swap3A_486], %swap3A_489 {strides = array<i32>} : memref<1024x16xf32, #tpu.memory_space<vmem>>, vector<1x16xf32>,
        %mul3A_490 = arith.constant 16 : i32
        %mul3A_491 = arith.muli %add3A_234, %mul3A_490 : i32
        %add3A_492 = arith.constant 15 : i32
        %add3A_493 = arith.addi %mul3A_491, %add3A_492 : i32
        %slice3A_494 = vector.extract_strided_slice %get3A_237 {offsets = [15], sizes = [1], strides = [1]} : vector<16xf32> to vector<1xf32>
        %squeeze3A_495 = vector.extract %slice3A_494[0] : f32 from vector<1xf32>
        %get3A_496 = arith.index_cast %add3A_493 : i32 to index
        %get3A_497 = arith.constant 0 : index
        %get3A_498 = tpu.vector_load %arg15[%get3A_496, %get3A_497] {strides = array<i32>} : memref<1024x16xf32, #tpu.memory_space<vmem>>, vector<1x16xf32>,
        %get3A_499 = vector.shape_cast %get3A_498 : vector<1x16xf32> to vector<16xf32>
        %mul3A_500 = vector.broadcast %squeeze3A_495 : f32 to vector<16xf32>
        %mul3A_501 = arith.mulf %get3A_499, %mul3A_500 : vector<16xf32>
        %swap3A_502 = arith.index_cast %add3A_493 : i32 to index
        %swap3A_503 = arith.constant 0 : index
        %swap3A_504 = tpu.vector_load %arg15[%swap3A_502, %swap3A_503] {strides = array<i32>} : memref<1024x16xf32, #tpu.memory_space<vmem>>, vector<1x16xf32>,
        %swap3A_505 = vector.shape_cast %swap3A_504 : vector<1x16xf32> to vector<16xf32>
        %swap3A_506 = vector.shape_cast %mul3A_501 : vector<16xf32> to vector<1x16xf32>
        tpu.vector_store %arg15[%swap3A_502, %swap3A_503], %swap3A_506 {strides = array<i32>} : memref<1024x16xf32, #tpu.memory_space<vmem>>, vector<1x16xf32>,
      }
      %scan3A_217 = arith.constant 8 : i32
      %mul3A_218 = arith.constant 128 : i32
      %mul3A_219 = arith.muli %scan3A_195, %mul3A_218 : i32
      %multiple_of3A_220 = tpu.assume_multiple %mul3A_219, 128 : i32
      %dma_start3A_221 = arith.constant 0 : i32
      %dma_start3A_222 = tpu.memref_slice %arg15[%multiple_of3A_220, %dma_start3A_221] : memref<1024x16xf32, #tpu.memory_space<vmem>> -> memref<128x16xf32, #tpu.memory_space<vmem>>
      %dma_start3A_223 = arith.constant 0 : i32
      %dma_start3A_224 = tpu.memref_slice %arg12[%scan3A_195, %dma_start3A_223] : memref<8x128xi32, #tpu.memory_space<vmem>> -> memref<1x128xi32, #tpu.memory_space<vmem>>
      %dma_start3A_225 = tpu.memref_squeeze %dma_start3A_224 : memref<1x128xi32, #tpu.memory_space<vmem>> -> memref<128xi32, #tpu.memory_space<vmem>>
      %dma_start3A_226 = arith.constant 0 : i32
      %dma_start3A_227 = arith.constant 0 : i32
      %dma_start3A_228 = tpu.memref_slice %arg16[%dma_start3A_226, %dma_start3A_227] : memref<50000x16xf32, #tpu.memory_space<vmem_shared>> -> memref<50000x16xf32, #tpu.memory_space<vmem_shared>>
      %dma_start3A_229 = tpu.memref_slice %arg18[%scan3A_195] : memref<8x!tpu.dma_semaphore, #tpu.memory_space<semaphore_mem>> -> memref<1x!tpu.dma_semaphore, #tpu.memory_space<semaphore_mem>>
      %dma_start3A_230 = tpu.memref_squeeze %dma_start3A_229 : memref<1x!tpu.dma_semaphore, #tpu.memory_space<semaphore_mem>> -> memref<!tpu.dma_semaphore, #tpu.memory_space<semaphore_mem>>
      tpu.enqueue_indirect_dma source(%dma_start3A_222 : memref<128x16xf32, #tpu.memory_space<vmem>>) target(%dma_start3A_228 : memref<50000x16xf32, #tpu.memory_space<vmem_shared>>) offsets(%dma_start3A_225 : memref<128xi32, #tpu.memory_space<vmem>>) semaphore(%dma_start3A_230 : memref<!tpu.dma_semaphore, #tpu.memory_space<semaphore_mem>>) {add = true}
    }
    %scan3A_177 = arith.constant 8 : i32
    %scan3A_178 = arith.constant 0 : i32
    %scan3A_179 = arith.constant 0 : i32
    %scan3A_180 = arith.constant 8 : i32
    %scan3A_181 = arith.addi %scan3A_179, %scan3A_180 : i32
    %scan3A_182 = arith.constant 1 : i32
    scf.for %scan3A_195 = %scan3A_179 to %scan3A_181 step %scan3A_182  : i32 {
      %mul3A_196 = arith.constant 128 : i32
      %mul3A_197 = arith.muli %scan3A_195, %mul3A_196 : i32
      %multiple_of3A_198 = tpu.assume_multiple %mul3A_197, 128 : i32
      %dma_wait3A = arith.constant 0 : i32
      %dma_wait3A_199 = tpu.memref_slice %arg15[%multiple_of3A_198, %dma_wait3A] : memref<1024x16xf32, #tpu.memory_space<vmem>> -> memref<128x16xf32, #tpu.memory_space<vmem>>
      %dma_wait3A_200 = arith.constant 0 : i32
      %dma_wait3A_201 = tpu.memref_slice %arg12[%scan3A_195, %dma_wait3A_200] : memref<8x128xi32, #tpu.memory_space<vmem>> -> memref<1x128xi32, #tpu.memory_space<vmem>>
      %dma_wait3A_202 = tpu.memref_squeeze %dma_wait3A_201 : memref<1x128xi32, #tpu.memory_space<vmem>> -> memref<128xi32, #tpu.memory_space<vmem>>
      %dma_wait3A_203 = arith.constant 0 : i32
      %dma_wait3A_204 = arith.constant 0 : i32
      %dma_wait3A_205 = tpu.memref_slice %arg16[%dma_wait3A_203, %dma_wait3A_204] : memref<50000x16xf32, #tpu.memory_space<vmem_shared>> -> memref<50000x16xf32, #tpu.memory_space<vmem_shared>>
      %dma_wait3A_206 = tpu.memref_slice %arg18[%scan3A_195] : memref<8x!tpu.dma_semaphore, #tpu.memory_space<semaphore_mem>> -> memref<1x!tpu.dma_semaphore, #tpu.memory_space<semaphore_mem>>
      %dma_wait3A_207 = tpu.memref_squeeze %dma_wait3A_206 : memref<1x!tpu.dma_semaphore, #tpu.memory_space<semaphore_mem>> -> memref<!tpu.dma_semaphore, #tpu.memory_space<semaphore_mem>>
      tpu.wait_indirect_dma semaphore(%dma_wait3A_207 : memref<!tpu.dma_semaphore, #tpu.memory_space<semaphore_mem>>) src(%dma_wait3A_199 : memref<128x16xf32, #tpu.memory_space<vmem>>) dst(%dma_wait3A_205 : memref<50000x16xf32, #tpu.memory_space<vmem_shared>>)
    }
    %scan3A_183 = arith.constant 8 : i32
    %barrier3A_184 = arith.constant 0 : index
    tpu.barrier barrier_id(%barrier3A_184)
    %lt3A_185 = arith.constant 15 : i32
    %lt3A_186 = arith.cmpi slt, %arg1, %lt3A_185 : i32
    %convert_element_type3A_187 = arith.extui %lt3A_186 : i1 to i32
    %cond3A_188 = arith.constant 0 : i32
    %cond3A_189 = arith.cmpi ne, %convert_element_type3A_187, %cond3A_188 : i32
    scf.if %cond3A_189 {
      %mul3A_195 = arith.constant 3128 : i32
      %mul3A_196 = arith.muli %arg1, %mul3A_195 : i32
      %multiple_of3A_197 = tpu.assume_multiple %mul3A_196, 8 : i32
      "tpu.region"() ({
        %run_scoped3A = tpu.sem_alloc : memref<!tpu.dma_semaphore, #tpu.memory_space<semaphore_mem>>
        %dma_start3A_198 = arith.constant 0 : i32
        %dma_start3A_199 = arith.constant 0 : i32
        %dma_start3A_200 = tpu.memref_slice %arg7[%add3A_98, %dma_start3A_198, %dma_start3A_199] : memref<4x50000x16xf32, #tpu.memory_space<hbm>> -> memref<1x50000x16xf32, #tpu.memory_space<hbm>>
        %dma_start3A_201 = tpu.memref_squeeze %dma_start3A_200 : memref<1x50000x16xf32, #tpu.memory_space<hbm>> -> memref<50000x16xf32, #tpu.memory_space<hbm>>
        %dma_start3A_202 = arith.constant 0 : i32
        %dma_start3A_203 = tpu.memref_slice %dma_start3A_201[%multiple_of3A_197, %dma_start3A_202] : memref<50000x16xf32, #tpu.memory_space<hbm>> -> memref<3128x16xf32, #tpu.memory_space<hbm>>
        %dma_start3A_204 = arith.constant 0 : i32
        %dma_start3A_205 = tpu.memref_slice %arg16[%multiple_of3A_197, %dma_start3A_204] : memref<50000x16xf32, #tpu.memory_space<vmem_shared>> -> memref<3128x16xf32, #tpu.memory_space<vmem_shared>>
        tpu.enqueue_dma source(%dma_start3A_205 : memref<3128x16xf32, #tpu.memory_space<vmem_shared>>) target(%dma_start3A_203 : memref<3128x16xf32, #tpu.memory_space<hbm>>) target_semaphore(%run_scoped3A : memref<!tpu.dma_semaphore, #tpu.memory_space<semaphore_mem>>)
        %dma_wait3A = arith.constant 0 : i32
        %dma_wait3A_206 = arith.constant 0 : i32
        %dma_wait3A_207 = tpu.memref_slice %arg7[%add3A_98, %dma_wait3A, %dma_wait3A_206] : memref<4x50000x16xf32, #tpu.memory_space<hbm>> -> memref<1x50000x16xf32, #tpu.memory_space<hbm>>
        %dma_wait3A_208 = tpu.memref_squeeze %dma_wait3A_207 : memref<1x50000x16xf32, #tpu.memory_space<hbm>> -> memref<50000x16xf32, #tpu.memory_space<hbm>>
        %dma_wait3A_209 = arith.constant 0 : i32
        %dma_wait3A_210 = tpu.memref_slice %dma_wait3A_208[%multiple_of3A_197, %dma_wait3A_209] : memref<50000x16xf32, #tpu.memory_space<hbm>> -> memref<3128x16xf32, #tpu.memory_space<hbm>>
        %dma_wait3A_211 = arith.constant 0 : i32
        %dma_wait3A_212 = tpu.memref_slice %arg16[%multiple_of3A_197, %dma_wait3A_211] : memref<50000x16xf32, #tpu.memory_space<vmem_shared>> -> memref<3128x16xf32, #tpu.memory_space<vmem_shared>>
        tpu.wait_dma2 semaphore(%run_scoped3A : memref<!tpu.dma_semaphore, #tpu.memory_space<semaphore_mem>>) src(%dma_wait3A_212 : memref<3128x16xf32, #tpu.memory_space<vmem_shared>>) dst(%dma_wait3A_210 : memref<3128x16xf32, #tpu.memory_space<hbm>>)
        tpu.yield
      }) : () -> ()
    } else {
    }
    %eq3A_190 = arith.constant 15 : i32
    %eq3A_191 = arith.cmpi eq, %arg1, %eq3A_190 : i32
    %convert_element_type3A_192 = arith.extui %eq3A_191 : i1 to i32
    %cond3A_193 = arith.constant 0 : i32
    %cond3A_194 = arith.cmpi ne, %convert_element_type3A_192, %cond3A_193 : i32
    scf.if %cond3A_194 {
      "tpu.region"() ({
        %run_scoped3A = tpu.sem_alloc : memref<!tpu.dma_semaphore, #tpu.memory_space<semaphore_mem>>
        %dma_start3A_195 = arith.constant 0 : i32
        %dma_start3A_196 = arith.constant 0 : i32
        %dma_start3A_197 = tpu.memref_slice %arg7[%add3A_98, %dma_start3A_195, %dma_start3A_196] : memref<4x50000x16xf32, #tpu.memory_space<hbm>> -> memref<1x50000x16xf32, #tpu.memory_space<hbm>>
        %dma_start3A_198 = tpu.memref_squeeze %dma_start3A_197 : memref<1x50000x16xf32, #tpu.memory_space<hbm>> -> memref<50000x16xf32, #tpu.memory_space<hbm>>
        %dma_start3A_199 = arith.constant 46920 : i32
        %dma_start3A_200 = arith.constant 0 : i32
        %dma_start3A_201 = tpu.memref_slice %dma_start3A_198[%dma_start3A_199, %dma_start3A_200] : memref<50000x16xf32, #tpu.memory_space<hbm>> -> memref<3080x16xf32, #tpu.memory_space<hbm>>
        %dma_start3A_202 = arith.constant 46920 : i32
        %dma_start3A_203 = arith.constant 0 : i32
        %dma_start3A_204 = tpu.memref_slice %arg16[%dma_start3A_202, %dma_start3A_203] : memref<50000x16xf32, #tpu.memory_space<vmem_shared>> -> memref<3080x16xf32, #tpu.memory_space<vmem_shared>>
        tpu.enqueue_dma source(%dma_start3A_204 : memref<3080x16xf32, #tpu.memory_space<vmem_shared>>) target(%dma_start3A_201 : memref<3080x16xf32, #tpu.memory_space<hbm>>) target_semaphore(%run_scoped3A : memref<!tpu.dma_semaphore, #tpu.memory_space<semaphore_mem>>)
        %dma_wait3A = arith.constant 0 : i32
        %dma_wait3A_205 = arith.constant 0 : i32
        %dma_wait3A_206 = tpu.memref_slice %arg7[%add3A_98, %dma_wait3A, %dma_wait3A_205] : memref<4x50000x16xf32, #tpu.memory_space<hbm>> -> memref<1x50000x16xf32, #tpu.memory_space<hbm>>
        %dma_wait3A_207 = tpu.memref_squeeze %dma_wait3A_206 : memref<1x50000x16xf32, #tpu.memory_space<hbm>> -> memref<50000x16xf32, #tpu.memory_space<hbm>>
        %dma_wait3A_208 = arith.constant 46920 : i32
        %dma_wait3A_209 = arith.constant 0 : i32
        %dma_wait3A_210 = tpu.memref_slice %dma_wait3A_207[%dma_wait3A_208, %dma_wait3A_209] : memref<50000x16xf32, #tpu.memory_space<hbm>> -> memref<3080x16xf32, #tpu.memory_space<hbm>>
        %dma_wait3A_211 = arith.constant 46920 : i32
        %dma_wait3A_212 = arith.constant 0 : i32
        %dma_wait3A_213 = tpu.memref_slice %arg16[%dma_wait3A_211, %dma_wait3A_212] : memref<50000x16xf32, #tpu.memory_space<vmem_shared>> -> memref<3080x16xf32, #tpu.memory_space<vmem_shared>>
        tpu.wait_dma2 semaphore(%run_scoped3A : memref<!tpu.dma_semaphore, #tpu.memory_space<semaphore_mem>>) src(%dma_wait3A_213 : memref<3080x16xf32, #tpu.memory_space<vmem_shared>>) dst(%dma_wait3A_210 : memref<3080x16xf32, #tpu.memory_space<hbm>>)
        tpu.yield
      }) : () -> ()
    } else {
    }
    return
  }
}

</mosaic_0001>

<sc_bundles>
// kernel: _spmm_sc.3.cloned.1.call-start
scs
__scs_entry_jumppad:
0x0: {  	(pc) =	sbr.rel $0x88, $3  }
0x1: {  	(tag) =	ssettag $0x0;
	lr =	simm.s32 $0x1  }
0x2: {  	[smem:$0x3F9D] =	sst lr;
	_ =	strace $0xD0000000  }
0x3: {  	_ = 	snop  }
0x4: {  	_ = 	snop  }
0x5: {  	_ = 	snop  }
0x6: {  	_ = 	snop  }
0x7: {  	_ = 	snop  }
__scs_overlays_trampoline_lowered:
0x8: {  	[smem:$0x3FAC] =	sst s0  }
0x9: {  	[smem:$0x3FAD] =	sst s1  }
0xa: {  	[smem:$0x3FAE] =	sst s2  }
0xb: {  	[smem:$0x3FAF] =	sst s3  }
0xc: {  	[smem:$0x3FB0] =	sst s4  }
0xd: {  	[smem:$0x3FB1] =	sst s5  }
0xe: {  	[smem:$0x3FB2] =	sst s6  }
0xf: {  	[smem:$0x3FB3] =	sst s7  }
0x10: {  	[smem:$0x3FB4] =	sst s8  }
0x11: {  	[smem:$0x3FB5] =	sst s9;
	s0 =	simm.s32 @!p0 $0x0  }
0x12: {  	s1 =	sld [smem:$0x3F9B];
	s0 =	simm.s32 @p0 $0x1  }
0x13: {  	[smem:$0x3FB6] =	sst s0;
	s0 =	simm.s32 @!p1 $0x0  }
0x14: {  	s2 =	sld [smem:$0x3F9A];
	s0 =	simm.s32 @p1 $0x1  }
0x15: {  	[smem:$0x3FB7] =	sst s0;
	s0 =	simm.s32 @!p2 $0x0  }
0x16: {  	s3 =	sld [smem:$0x3FDB];
	s0 =	simm.s32 @p2 $0x1  }
0x17: {  	s4 =	simm.s32 $0x1BF5;
	[smem:$0x3FB9] =	sst s0  }
0x18: {  	s0 =	sld [smem:$0x3F9C];
	_ =	swait.ge [sflag:s4], $0x0  }
0x19: {  	s7 =	sld [smem:$0x3F9D]  }
0x1a: {  	s8 =	sadd.s32 $0xFFFFE003, lr  }
0x1b: {  	s9 =	sadd.s32 $0xFFFFFEF7, lr;
	s5 =	simm.s32 $0xFFFFFFFF;
	p2 =	slt.u32 s8, $0xFFFFF086  }
0x1c: {  	p1 =	slt.u32 s9, $0xF7A;
	s5 =	simm.s32 @!p2 $0x0  }
0x1d: {  	s5 =	simm.s32 @p1 $0x1;
	p0 =	seq.s32 s7, s2  }
0x1e: {  	s7 =	smul.u32 @!p0 $0xF7A, s2;
	p2 =	seq.s32 @!p0 s5, $0x0  }
0x1f: {  	s9 =	smul.u32 $0xF7A, s1;
	s8 =	simm.s32 @!p0 $0x1BF5;
	p2 =	por !p2, p0  }
0x20: {  	[sflag:s8] =	ssyncset.s32 @!p0 $0xFFFFF086;
	s6 =	sadd.s32 @!p0 s3, s7;
	s7 =	simm.s32 @!p0 $0x108  }
0x21: {  	s3 =	sadd.s32 s3, s9;
	s6 =	sadd.s32 @!p0 $0x88, s6;
	s7 =	simm.s32 @p2 $0x1082  }
0x22: {  	[simem:s7], [sflag:s8] =	dma.local @!p0 [hbm:s6], $0xF7A  }
0x23: {  	s9 =	sor.u32 $0xD0000000, s2;
	s6 =	simm.s32 $0x108;
	_ =	swait.ge @!p0 [sflag:s8], $0x0  }
0x24: {  	s3 =	sadd.s32 $0x88, s3;
	s6 =	simm.s32 @!p1 $0x1082;
	[sflag:s4] =	ssyncset.s32 $0xFFFFF086  }
0x25: {  	[simem:s6], [sflag:s4] =	dma.local [hbm:s3], $0xF7A  }
0x26: {  	[smem:$0x3F9D] =	sst s1;
	(tag) =	ssettag s2;
	_ =	strace s9  }
0x27: {  	s1 =	sld [smem:$0x3FAD]  }
0x28: {  	s2 =	sld [smem:$0x3FAE]  }
0x29: {  	s4 =	sld [smem:$0x3FB0]  }
0x2a: {  	p0 =	seq.s32 s5, $0x0;
	s5 =	sld [smem:$0x3FB1]  }
0x2b: {  	s6 =	sld [smem:$0x3FB2]  }
0x2c: {  	s7 =	sld [smem:$0x3FB3]  }
0x2d: {  	s3 =	simm.s32 $0x108;
	s8 =	sld [smem:$0x3FB4]  }
0x2e: {  	s3 =	simm.s32 @!p0 $0x1082;
	s9 =	sld [smem:$0x3FB5]  }
0x2f: {  	lr =	sadd.s32 s0, s3;
	s0 =	sld [smem:$0x3FAC]  }
0x30: {  	s3 =	sld [smem:$0x3FAF]  }
0x31: {  	[smem:$0x3FB8] =	sst s10  }
0x32: {  	s10 =	sld [smem:$0x3FB6];
	_ =	sdelay $0x3  }
0x33: {  	p0 =	seq.s32 s10, $0x1;
	s10 =	sld [smem:$0x3FB8];
	_ =	sdelay $0x3  }
0x34: {  	[smem:$0x3FB8] =	sst s10  }
0x35: {  	s10 =	sld [smem:$0x3FB7];
	_ =	sdelay $0x3  }
0x36: {  	p1 =	seq.s32 s10, $0x1;
	s10 =	sld [smem:$0x3FB8];
	_ =	sdelay $0x3  }
0x37: {  	[smem:$0x3FB8] =	sst s10  }
0x38: {  	s10 =	sld [smem:$0x3FB9]  }
0x39: {  	_ = 	snop;
	(pc) =	sbr.ind lr, $3  }
0x3a: {  	_ = 	snop  }
0x3b: {  	_ = 	snop  }
0x3c: {  	p2 =	seq.s32 s10, $0x1;
	s10 =	sld [smem:$0x3FB8]  }
0x3d: {  	_ =	shalt  }
0x3e: {  	_ =	shalt  }
0x3f: {  	_ =	shalt  }
0x40: {  	_ =	shalt  }
0x41: {  	_ =	shalt  }
0x42: {  	_ =	shalt  }
0x43: {  	_ =	shalt  }
0x44: {  	_ =	shalt  }
0x45: {  	_ =	shalt  }
0x46: {  	_ =	shalt  }
0x47: {  	_ =	shalt  }
0x48: {  	_ =	shalt  }
0x49: {  	_ =	shalt  }
0x4a: {  	_ =	shalt  }
0x4b: {  	_ =	shalt  }
0x4c: {  	_ =	shalt  }
0x4d: {  	_ =	shalt  }
0x4e: {  	_ =	shalt  }
0x4f: {  	_ =	shalt  }
0x50: {  	_ =	shalt  }
0x51: {  	_ =	shalt  }
0x52: {  	_ =	shalt  }
0x53: {  	_ =	shalt  }
0x54: {  	_ =	shalt  }
0x55: {  	_ =	shalt  }
0x56: {  	_ =	shalt  }
0x57: {  	_ =	shalt  }
0x58: {  	_ =	shalt  }
0x59: {  	_ =	shalt  }
0x5a: {  	_ =	shalt  }
0x5b: {  	_ =	shalt  }
0x5c: {  	_ =	shalt  }
0x5d: {  	_ =	shalt  }
0x5e: {  	_ =	shalt  }
0x5f: {  	_ =	shalt  }
0x60: {  	_ =	shalt  }
0x61: {  	_ =	shalt  }
0x62: {  	_ =	shalt  }
0x63: {  	_ =	shalt  }
0x64: {  	_ =	shalt  }
0x65: {  	_ =	shalt  }
0x66: {  	_ =	shalt  }
0x67: {  	_ =	shalt  }
0x68: {  	_ =	shalt  }
0x69: {  	_ =	shalt  }
0x6a: {  	_ =	shalt  }
0x6b: {  	_ =	shalt  }
0x6c: {  	_ =	shalt  }
0x6d: {  	_ =	shalt  }
0x6e: {  	_ =	shalt  }
0x6f: {  	_ =	shalt  }
0x70: {  	_ =	shalt  }
0x71: {  	_ =	shalt  }
0x72: {  	_ =	shalt  }
0x73: {  	_ =	shalt  }
0x74: {  	_ =	shalt  }
0x75: {  	_ =	shalt  }
0x76: {  	_ =	shalt  }
0x77: {  	_ =	shalt  }
0x78: {  	_ =	shalt  }
0x79: {  	_ =	shalt  }
0x7a: {  	_ =	shalt  }
0x7b: {  	_ =	shalt  }
0x7c: {  	_ =	shalt  }
0x7d: {  	_ =	shalt  }
0x7e: {  	_ =	shalt  }
0x7f: {  	_ =	shalt  }
0x80: {  	_ =	shalt  }
0x81: {  	_ =	shalt  }
0x82: {  	_ =	shalt  }
0x83: {  	_ =	shalt  }
0x84: {  	_ =	shalt  }
0x85: {  	_ =	shalt  }
0x86: {  	_ =	shalt  }
0x87: {  	_ =	shalt  }
.Lfunc_end0:
.L_simem_size_0:
called_computation_lowered:
.L_overlay_start_0:
0x88: {  	s2 =	sld [smem:$0x3FD9]  }
0x89: {  	s3 =	sld [smem:$0x3FFE];
	_ =	sdelay $0x1  }
0x8a: {  	s1 =	srdreg.scid  }
0x8b: {  	s0 =	sand.u32 $0x1, s1  }
0x8c: {  	s17 =	sshll.u32 s0, $0xA;
	s2 =	sadd.s32 s3, s2  }
0x8d: {  	s2 =	sadd.s32 s2, s17  }
0x8e: {  	[smem:$0x3FC4] =	sst s2  }
0x8f: {  	_ = 	snop  }
0x90: {  	s2 =	sld [smem:$0x3FC8]  }
0x91: {  	s18 =	sld [smem:$0x3FC7]  }
0x92: {  	s4 =	sld [smem:$0x3FD0];
	(tm) =	ssettm $0x1  }
0x93: {  	s5 =	sld [smem:$0x3FFB];
	_ =	sdelay $0x3  }
0x94: {  	_ =	strace s5  }
0x95: {  	s5 =	sld [smem:$0x3FFC];
	_ =	sdelay $0x3  }
0x96: {  	_ =	strace s5  }
0x97: {  	s5 =	sld [smem:$0x3FFD];
	_ =	sdelay $0x3  }
0x98: {  	_ =	strace s5  }
0x99: {  	_ =	strace $0x8FFFFFFF  }
0x9a: {  	s19 =	sld [smem:$0x3FDB];
	_ =	sdelay $0x1  }
0x9b: {  	s6 =	simm.s32 $_scs_section_size  }
0x9c: {  	s7 =	simm.s32 $_size__tile_overlayer_lowered;
	s8 =	simm.s32 $_tile_overlayer_lowered  }
0x9d: {  	s22 =	simm.s32 $0x1BFF;
	s21 =	sshll.u32 s8, $0x1;
	s5 =	sadd.s32 s6, s19  }
0x9e: {  	s9 =	simm.s32 $0x0;
	s20 =	sshll.u32 s7, $0x1;
	s7 =	sadd.s32 s21, s5  }
0x9f: {  	[timem:s9], [sflag:s22] =	dma.local [hbm:s7], s20  }
0xa0: {  	_ =	swait.ge [sflag:s22], s20  }
0xa1: {  	s6 =	ssub.s32 $0x0, s20;
	[sflag:s22] =	ssyncset.done $0x0  }
0xa2: {  	[sflag:s22] =	ssyncadd.s32 s6;
	_ =	sdelay $0x1  }
0xa3: {  	s23 =	simm.s32 $0x1B8B  }
0xa4: {  	_ =	swait.ge [sflag:s23], $0x1  }
0xa5: {  	[sflag:s23] =	ssyncset.done $0x0  }
0xa6: {  	s25 =	simm.s32 $0x1B8E;
	s24 =	sld [smem:$0x3FFE];
	[sflag:s23] =	ssyncadd.s32 $0xFFFFFFFF  }
0xa7: {  	s26 =	simm.s32 $execute0_lowered;
	[smem:$0x3FD2] =	sst s25  }
0xa8: {  	s7 =	sshll.u32 s26, $0x1;
	_ =	strace $0x80000046;
	[dreg:$0x1] =	wrdreg $0xFFFFFFFF  }
0xa9: {  	s28 =	simm.s32 $_size_execute0_lowered;
	s5 =	sadd.s32 s5, s7;
	[dreg:$0x0] =	wrdreg $0x0  }
0xaa: {  	s7 =	sshll.u32 s28, $0x1;
	[dreg:$0x2] =	wrdreg s5  }
0xab: {  	[dreg:$0x3] =	wrdreg s7  }
0xac: {  	[dreg:$0x4] =	wrdreg $0xC0  }
0xad: {  	_ =	task [dreg:s9], $0x5FFFF  }
0xae: {  	[dreg:$0x1] =	wrdreg $0xFFFFFFFF  }
0xaf: {  	[dreg:$0x0] =	wrdreg $0x60  }
0xb0: {  	[dreg:$0x2] =	wrdreg s4  }
0xb1: {  	[dreg:$0x3] =	wrdreg s2  }
0xb2: {  	[dreg:$0x4] =	wrdreg s18  }
0xb3: {  	[dreg:$0x5] =	wrdreg s24  }
0xb4: {  	[dreg:$0x6] =	wrdreg $0x98000  }
0xb5: {  	[dreg:$0x7] =	wrdreg $0x9  }
0xb6: {  	_ =	task.clear_ibuf [dreg:s9], $0x8FFFF;
	_ =	strace $0x90000046  }
0xb7: {  	s29 =	simm.s32 $0x9;
	_ =	strace $0x80000048  }
0xb8: {  	_ =	swait.ge [sflag:s29], $0x1  }
0xb9: {  	[sflag:s29] =	ssyncadd.s32 $0xFFFFFFFF  }
0xba: {  	_ =	strace $0x90000048  }
0xbb: {  	_ =	sfence  }
0xbc: {  	s30 =	sld [smem:$0x0];
	_ =	sdelay $0x2  }
0xbd: {  	s31 =	sshll.u32 s1, $0xD;
	s1 =	sshrl.u32 s1, $0x2  }
0xbe: {  	s3 =	sand.u32 $0x4000, s31;
	s1 =	sadd.s32 s1, s30  }
0xbf: {  	s0 =	sor.u32 s3, s0;
	s1 =	sshll.u32 s1, $0x11  }
0xc0: {  	s0 =	sor.u32 s1, s0  }
0xc1: {  	s0 =	sadd.s32 $0x8F2B, s0  }
0xc2: {  	[sflag:s0] =	ssyncadd.remote.s32 $0x1  }
0xc3: {  	_ =	sfence.sel $0xFFFF  }
0xc4: {  	[dreg:$0x0] =	wrdreg $0xFFFFFFFF;
	(pc) =	sbr.abs _section_cstart, $3  }
0xc5: {  	[dreg:$0x1] =	wrdreg $0xFFFFFFFF  }
0xc6: {  	_ =	task.clear_ibuf [dreg:s9], $0x2FFFF;
	_ =	strace $0x9FFFFFFF  }
0xc7: {  	(tm) =	ssettm $0x7FFFFFFF  }
tec
execute0_lowered:
.L_overlay_start_1:
0x0: {  	(tag) =	ssettag $0x1  }
0x1: {  	s0 =	rddreg [dreg:$0x0]  }
0x2: {  	s1 =	rddreg [dreg:$0x1]  }
0x3: {  	s3 =	rddreg [dreg:$0x2]  }
0x4: {  	s2 =	rddreg [dreg:$0x3]  }
0x5: {  	s4 =	rddreg [dreg:$0x4];
	s12 =	stileid.u32;
	s7 =	simm.s32 $0x0  }
0x6: {  	s6 =	srdreg.scid;
	s28 =	simm.s32 $0x80;
	s29 =	simm.s32 $0x1000  }
0x7: {  	s30 =	simm.s32 $0x1400;
	s13 =	simm.s32 $0xD;
	s5 =	smul.u32 $0xC380, s12  }
0x8: {  	[smem:$0x7FF] =	sst s7;
	s6 =	sand.u32 $0x1, s6;
	s7 =	sadd.s32 $0x600, s2  }
0x9: {  	s11 =	sadd.s32 $0x31E00, s2;
	s14 =	smul.u32 $0x1900, s12;
	s16 =	sadd.s32 $0xB7480, s4  }
0xa: {  	s21 =	smul.u32 $0xC800, s12;
	p0 =	seq.s32 s12, $0xF;
	s12 =	simm.s32 $0xC  }
0xb: {  	_ =	strace $0x80000047;
	s8 =	ssub.s32 $0x2, s6;
	[dreg:$0x9] =	wrdreg s16  }
0xc: {  	s18 =	smul.u32 $0x30D40, s6;
	s16 =	simm.s32 $0xF;
	s9 =	sshrl.u32 s5, $0x3  }
0xd: {  	s10 =	sshrl.u32 s8, $0x1;
	s5 =	sadd.s32 s5, s4;
	[dreg:$0x6] =	wrdreg s9  }
0xe: {  	s17 =	sadd.s32 s1, s14;
	s19 =	sadd.s32 s3, s14;
	[dreg:$0x7] =	wrdreg s5  }
0xf: {  	s20 =	sor.u32 $0x80, s14;
	s22 =	sadd.s32 s7, s14;
	[dreg:$0xb] =	wrdreg s17  }
0x10: {  	s14 =	simm.s32 $0xE;
	s9 =	sadd.s32 s9, s2;
	[dreg:$0xc] =	wrdreg s19  }
0x11: {  	s8 =	ssub.s32 s8, s10;
	s2 =	sadd.s32 $0x30490, s2;
	[dreg:$0xd] =	wrdreg s22  }
0x12: {  	s23 =	sadd.s32 s1, s20;
	s24 =	sadd.s32 s3, s20;
	[dreg:$0xa] =	wrdreg s2  }
0x13: {  	s5 =	sadd.s32 s7, s20;
	s19 =	sadd.s32 $0x800, s21;
	[dreg:$0xe] =	wrdreg s23  }
0x14: {  	s20 =	sadd.s32 $0xC00, s21;
	s25 =	sadd.s32 s11, s18;
	[dreg:$0xf] =	wrdreg s24  }
0x15: {  	s10 =	simm.s32 $0x9000;
	s17 =	simm.s32 $0x10;
	[dreg:$0x10] =	wrdreg s5  }
0x16: {  	s15 =	sadd.s32 $0x19600, s9;
	[dreg:$0x11] =	wrdreg s25;
	s2 =	sadd.s32 $0x186A0, s18  }
0x17: {  	s31 =	smax.u32 s8, $0x1;
	s8 =	simm.s32 $0xF80;
	s24 =	simm.s32 $0x9  }
0x18: {  	s9 =	simm.s32 $0xA;
	s5 =	simm.s32 $0x0;
	[dreg:$0x8] =	wrdreg s15  }
0x19: {  	s15 =	sadd.s32 s0, s18;
	s26 =	sadd.s32 s11, s2;
	[dreg:$0x13] =	wrdreg s31  }
0x1a: {  	s22 =	sadd.s32 s0, s2;
	s11 =	simm.s32 $0xB;
	[dreg:$0x12] =	wrdreg s26  }
.LBB2_1:
0x1b: {  	[dreg:$0x14] =	wrdreg s5  }
0x1c: {  	s0 =	rddreg [dreg:$0x9]  }
0x1d: {  	s2 =	rddreg [dreg:$0xa];
	s5 =	sshrl.u32 @p0 s0, $0x3  }
0x1e: {  	s0 =	simm.s32 @p0 $0x1FD2;
	[dreg:$0x15] =	wrdreg s5  }
0x1f: {  	[spmem:s5], [sflag:s0] =	dma.local @p0 [hbm:s2], $0x1810  }
0x20: {  	s0 =	simm.s32 @p0 $0x12  }
0x21: {  	s2 =	stileid.u32;
	_ =	swait.ge @p0 [sflag:s0], $0x1810  }
0x22: {  	s2 =	sshll.u32 @!p0 s2, $0x6;
	[sflag:s0] =	ssyncset.done @p0 $0x0  }
0x23: {  	s2 =	sor.u32 @!p0 $0x1C12, s2;
	[sflag:s0] =	ssyncadd.s32 @p0 $0xFFFFE7F0;
	s0 =	rddreg [dreg:$0x7]  }
0x24: {  	[dreg:$0x16] =	wrdreg s2  }
0x25: {  	s5 =	sshrl.u32 @!p0 s0, $0x3;
	s0 =	rddreg [dreg:$0x8]  }
0x26: {  	[dreg:$0x17] =	wrdreg s5  }
0x27: {  	[spmem:s5], [sflag:s2] =	dma.local @!p0 [hbm:s0], $0x1870  }
0x28: {  	s0 =	simm.s32 @!p0 $0x12  }
0x29: {  	_ =	swait.ge @!p0 [sflag:s0], $0x1870  }
0x2a: {  	[sflag:s0] =	ssyncset.done @!p0 $0x0  }
0x2b: {  	[sflag:s0] =	ssyncadd.s32 @!p0 $0xFFFFE790  }
0x2c: {  	[bflag:$0x0] =	sbarrier.arrive $0xFFFF  }
0x2d: {  	s18 =	simm.s32 $0x12;
	s0 =	simm.s32 $0x0;
	s6 =	rddreg [dreg:$0xb]  }
0x2e: {  	[tilespmem:s0], [sflag:$0x12] =	stream.linear.gather [hbm4b:s6+s0], $0x400, $0x38;
	[tilespmem:$0x15B50] =	vst v63  }
0x2f: {  	_ =	swait.ge [sflag:s18], $0x400  }
0x30: {  	[sflag:s18] =	ssyncset.done $0x0  }
0x31: {  	s6 =	simm.s32 $0x400;
	s21 =	rddreg [dreg:$0xc];
	[sflag:s18] =	ssyncadd.s32 $0xFFFFFC00  }
0x32: {  	[tilespmem:s6], [sflag:$0x12] =	stream.linear.gather [hbm4b:s21+s0], $0x400, $0x38;
	[tilespmem:$0x15B50] =	vst v63  }
0x33: {  	_ =	swait.ge [sflag:s18], $0x400  }
0x34: {  	[sflag:s18] =	ssyncset.done $0x0  }
0x35: {  	s25 =	simm.s32 $0x800;
	s23 =	rddreg [dreg:$0xd];
	[sflag:s18] =	ssyncadd.s32 $0xFFFFFC00  }
0x36: {  	[tilespmem:s25], [sflag:$0x12] =	stream.linear.gather [hbm4b:s23+s0], $0x400, $0x38;
	[tilespmem:$0x15B50] =	vst v63  }
0x37: {  	_ =	swait.ge [sflag:s18], $0x400  }
0x38: {  	[sflag:s18] =	ssyncset.done $0x0  }
0x39: {  	s26 =	simm.s32 $0x1800;
	[sflag:s18] =	ssyncadd.s32 $0xFFFFFC00  }
0x3a: {  	[tilespmem:s26], [sflag:$0x1] =	stream.indirect.gather [hbm4b:s15+s28], $0x10, s0, s28, $0xb8;
	[tilespmem:$0x15B50] =	vst v63  }
0x3b: {  	s31 =	simm.s32 $0x2000  }
0x3c: {  	[tilespmem:s31], [sflag:$0x2] =	stream.indirect.gather [hbm4b:s15+s28], $0x10, s28, s28, $0xb8;
	[tilespmem:$0x15B50] =	vst v63  }
0x3d: {  	s5 =	simm.s32 $0x100;
	s6 =	simm.s32 $0x2800  }
0x3e: {  	[tilespmem:s6], [sflag:$0x3] =	stream.indirect.gather [hbm4b:s15+s28], $0x10, s5, s28, $0xb8;
	[tilespmem:$0x15B50] =	vst v63  }
0x3f: {  	s21 =	simm.s32 $0x3000;
	s18 =	simm.s32 $0x180  }
0x40: {  	[tilespmem:s21], [sflag:$0x4] =	stream.indirect.gather [hbm4b:s15+s28], $0x10, s18, s28, $0xb8;
	[tilespmem:$0x15B50] =	vst v63  }
0x41: {  	s23 =	simm.s32 $0x200;
	s25 =	simm.s32 $0x3800  }
0x42: {  	[tilespmem:s25], [sflag:$0x5] =	stream.indirect.gather [hbm4b:s15+s28], $0x10, s23, s28, $0xb8;
	[tilespmem:$0x15B50] =	vst v63  }
0x43: {  	s26 =	simm.s32 $0x280;
	s31 =	simm.s32 $0x4000  }
0x44: {  	[tilespmem:s31], [sflag:$0x6] =	stream.indirect.gather [hbm4b:s15+s28], $0x10, s26, s28, $0xb8;
	[tilespmem:$0x15B50] =	vst v63  }
0x45: {  	s5 =	simm.s32 $0x300;
	s6 =	simm.s32 $0x4800  }
0x46: {  	[tilespmem:s6], [sflag:$0x7] =	stream.indirect.gather [hbm4b:s15+s28], $0x10, s5, s28, $0xb8;
	[tilespmem:$0x15B50] =	vst v63  }
0x47: {  	s18 =	simm.s32 $0x380;
	s21 =	simm.s32 $0x5000;
	s23 =	rddreg [dreg:$0xe]  }
0x48: {  	[tilespmem:s21], [sflag:$0x8] =	stream.indirect.gather [hbm4b:s15+s28], $0x10, s18, s28, $0xb8;
	[tilespmem:$0x15B50] =	vst v63  }
0x49: {  	s25 =	simm.s32 $0xC00;
	s26 =	rddreg [dreg:$0xf]  }
0x4a: {  	[tilespmem:s25], [sflag:$0x11] =	stream.linear.gather [hbm4b:s23+s0], $0x400, $0x38;
	[tilespmem:$0x15B50] =	vst v63  }
0x4b: {  	s31 =	rddreg [dreg:$0x10]  }
0x4c: {  	[tilespmem:s29], [sflag:$0x11] =	stream.linear.gather [hbm4b:s26+s0], $0x400, $0x38;
	[tilespmem:$0x15B50] =	vst v63  }
0x4d: {  	s5 =	simm.s32 $0x1880;
	s6 =	simm.s32 $0x800;
	s21 =	simm.s32 $0x0  }
0x4e: {  	[tilespmem:s30], [sflag:$0x11] =	stream.linear.gather [hbm4b:s31+s0], $0x400, $0x38;
	[tilespmem:$0x15B50] =	vst v63  }
.LBB2_2:
0x4f: {  	v0 =	vmov s6  }
0x50: {  	s18 =	sadd.s32 $0x1, s21  }
0x51: {  	_ =	swait.ge [sflag:s18], $0x800  }
0x52: {  	[sflag:s18] =	ssyncset.done $0x0  }
0x53: {  	s0 =	simm.s32 $0x0;
	[sflag:s18] =	ssyncadd.s32 $0xFFFFF800  }
0x54: {  	v1 =	vld.idx.msk [tilespmem:v0+s0+$0x0 ss:$0x1], $0xffff;
	_ =	sdelay $0x1  }
0x55: {  	v2 =	vld [tilespmem:s5+$0xFFFFFF80]  }
0x56: {  	v3 =	vld [tilespmem:s5+$0xFFFFFF90]  }
0x57: {  	v4 =	vld [tilespmem:s5+$0xFFFFFFA0]  }
0x58: {  	v5 =	vld [tilespmem:s5+$0xFFFFFFB0];
	v6 =	vbroadcast v1, $0x0  }
0x59: {  	v9 =	vld [tilespmem:s5+$0xFFFFFFD0];
	v7 =	vbroadcast v1, $0x1  }
0x5a: {  	v8 =	vld [tilespmem:s5+$0xFFFFFFC0];
	v10 =	vbroadcast v1, $0x2;
	v2 =	vmul.f32 v6, v2  }
0x5b: {  	v49 =	vld [tilespmem:s5+$0xFFFFFFE0];
	v48 =	vbroadcast v1, $0x3;
	v3 =	vmul.f32 v3, v7  }
0x5c: {  	v51 =	vld [tilespmem:s5+$0x10];
	v50 =	vbroadcast v1, $0x5;
	v4 =	vmul.f32 v4, v10;
	[tilespmem:s5+$0xFFFFFF80] =	vst v2  }
0x5d: {  	v11 =	vld [tilespmem:s5+$0xFFFFFFF0];
	v5 =	vmul.f32 v5, v48;
	v2 =	vbroadcast v1, $0x4;
	[tilespmem:s5+$0xFFFFFF90] =	vst v3  }
0x5e: {  	v12 =	vbroadcast v1, $0x6;
	v6 =	vmul.f32 v9, v50;
	v3 =	vld [tilespmem:s5+$0x0];
	[tilespmem:s5+$0xFFFFFFA0] =	vst v4  }
0x5f: {  	v57 =	vld [tilespmem:s5+$0x50];
	v55 =	vbroadcast v1, $0x9;
	[tilespmem:s5+$0xFFFFFFB0] =	vst v5;
	v2 =	vmul.f32 v8, v2  }
0x60: {  	v53 =	vld [tilespmem:s5+$0x20];
	v52 =	vbroadcast v1, $0x7;
	v7 =	vmul.f32 v49, v12;
	[tilespmem:s5+$0xFFFFFFD0] =	vst v6  }
0x61: {  	v54 =	vld [tilespmem:s5+$0x30];
	v59 =	vmul.f32 v51, v55;
	[tilespmem:s5+$0xFFFFFFC0] =	vst v2;
	v2 =	vbroadcast v1, $0x8  }
0x62: {  	v56 =	vld [tilespmem:s5+$0x40];
	v62 =	vbroadcast v1, $0xD;
	v4 =	vmul.f32 v11, v52;
	[tilespmem:s5+$0xFFFFFFE0] =	vst v7  }
0x63: {  	v60 =	vld [tilespmem:s5+$0x60];
	v58 =	vbroadcast v1, $0xA;
	[tilespmem:s5+$0x10] =	vst v59;
	v2 =	vmul.f32 v3, v2  }
0x64: {  	v61 =	vld [tilespmem:s5+$0x70];
	v5 =	vmul.f32 v57, v62;
	[tilespmem:s5+$0xFFFFFFF0] =	vst v4;
	v3 =	vbroadcast v1, $0xB  }
0x65: {  	v8 =	vmul.f32 v53, v58;
	[tilespmem:s5+$0x0] =	vst v2;
	v2 =	vbroadcast v1, $0xC  }
0x66: {  	v63 =	vbroadcast v1, $0xE;
	[tilespmem:s5+$0x50] =	vst v5;
	v3 =	vmul.f32 v54, v3  }
0x67: {  	[tilespmem:s5+$0x20] =	vst v8;
	v1 =	vbroadcast v1, $0xF;
	v2 =	vmul.f32 v56, v2  }
0x68: {  	[tilespmem:s5+$0x30] =	vst v3;
	v3 =	vmul.f32 v60, v63  }
0x69: {  	v1 =	vmul.f32 v61, v1;
	[tilespmem:s5+$0x40] =	vst v2  }
0x6a: {  	[tilespmem:s5+$0x60] =	vst v3  }
0x6b: {  	s25 =	simm.s32 $0x80;
	s23 =	smov.u32 s5;
	s0 =	simm.s32 $0x10;
	[tilespmem:s5+$0x70] =	vst v1  }
.LBB2_3:
0x6c: {  	p1 =	sne.s32 s25, $0x1C0;
	v1 =	vld.idx.msk [tilespmem:v0+s0+$0x0 ss:$0x1], $0xffff;
	s23 =	sadd.s32 $0x100, s23  }
0x6d: {  	v2 =	vld [tilespmem:s23+$0xFFFFFFB0]  }
0x6e: {  	v3 =	vld [tilespmem:s23+$0xFFFFFF90]  }
0x6f: {  	v4 =	vld [tilespmem:s23+$0xFFFFFF80]  }
0x70: {  	v5 =	vld [tilespmem:s23+$0xFFFFFFA0]  }
0x71: {  	v6 =	vld [tilespmem:s23+$0xFFFFFFF0]  }
0x72: {  	v7 =	vbroadcast v1, $0x0;
	v8 =	vbroadcast v1, $0x1;
	v9 =	vld [tilespmem:s23+$0xFFFFFFD0]  }
0x73: {  	v10 =	vbroadcast v1, $0x2;
	v11 =	vbroadcast v1, $0x3;
	v12 =	vld [tilespmem:s23+$0xFFFFFFC0]  }
0x74: {  	v3 =	vmul.f32 v3, v8;
	v4 =	vmul.f32 v7, v4;
	v7 =	vld [tilespmem:s23+$0xFFFFFFE0]  }
0x75: {  	v2 =	vmul.f32 v2, v11;
	v5 =	vmul.f32 v5, v10;
	v8 =	vld [tilespmem:s23+$0x30]  }
0x76: {  	v10 =	vbroadcast v1, $0x5;
	[tilespmem:s23+$0xFFFFFF80] =	vst v4;
	v4 =	vbroadcast v1, $0x4;
	v11 =	vld [tilespmem:s23+$0x10]  }
0x77: {  	v13 =	vbroadcast v1, $0x7;
	[tilespmem:s23+$0xFFFFFF90] =	vst v3;
	v3 =	vbroadcast v1, $0x6;
	v14 =	vld [tilespmem:s23+$0x0]  }
0x78: {  	[tilespmem:s23+$0xFFFFFFA0] =	vst v5;
	v4 =	vmul.f32 v12, v4;
	v5 =	vmul.f32 v9, v10;
	v9 =	vld [tilespmem:s23+$0x20]  }
0x79: {  	[tilespmem:s23+$0xFFFFFFB0] =	vst v2;
	v2 =	vmul.f32 v7, v3;
	v3 =	vmul.f32 v6, v13;
	v6 =	vld [tilespmem:s23+$0x70]  }
0x7a: {  	v7 =	vbroadcast v1, $0x9;
	[tilespmem:s23+$0xFFFFFFC0] =	vst v4;
	v4 =	vbroadcast v1, $0x8;
	v10 =	vld [tilespmem:s23+$0x50]  }
0x7b: {  	v12 =	vbroadcast v1, $0xB;
	[tilespmem:s23+$0xFFFFFFD0] =	vst v5;
	v5 =	vbroadcast v1, $0xA;
	v13 =	vld [tilespmem:s23+$0x40]  }
0x7c: {  	[tilespmem:s23+$0xFFFFFFE0] =	vst v2;
	v2 =	vmul.f32 v14, v4;
	v4 =	vmul.f32 v11, v7;
	v7 =	vld [tilespmem:s23+$0x60]  }
0x7d: {  	[tilespmem:s23+$0xFFFFFFF0] =	vst v3;
	v3 =	vmul.f32 v9, v5;
	v5 =	vmul.f32 v8, v12  }
0x7e: {  	v8 =	vbroadcast v1, $0xD;
	[tilespmem:s23+$0x0] =	vst v2;
	v2 =	vbroadcast v1, $0xC  }
0x7f: {  	[tilespmem:s23+$0x10] =	vst v4;
	v4 =	vbroadcast v1, $0xE;
	v1 =	vbroadcast v1, $0xF  }
0x80: {  	[tilespmem:s23+$0x20] =	vst v3;
	v2 =	vmul.f32 v13, v2;
	v3 =	vmul.f32 v10, v8  }
.Ltmp0:
0x81: {  	[tilespmem:s23+$0x30] =	vst v5;
	v4 =	vmul.f32 v7, v4;
	v1 =	vmul.f32 v6, v1;
	(pc) =	sbr.rel @p1 .LBB2_3-.Ltmp0, $4  }
0x82: {  	[tilespmem:s23+$0x40] =	vst v2  }
0x83: {  	[tilespmem:s23+$0x50] =	vst v3  }
0x84: {  	[tilespmem:s23+$0x60] =	vst v4  }
0x85: {  	s0 =	sshra.s32 s25, $0x2;
	s25 =	sadd.s32 $0x40, s25;
	[tilespmem:s23+$0x70] =	vst v1  }
0x86: {  	_ =	sdelay $0x3  }
0x87: {  	v0 =	vld.idx.msk [tilespmem:v0+s0+$0x0 ss:$0x1], $0xffff;
	_ =	sdelay $0x3  }
0x88: {  	s26 =	sadd.s32 $0x100, s23  }
0x89: {  	v1 =	vld [tilespmem:s26+$0xFFFFFF80];
	v5 =	vbroadcast v0, $0x0  }
0x8a: {  	v2 =	vld [tilespmem:s26+$0xFFFFFF90];
	v6 =	vbroadcast v0, $0x1;
	v9 =	vbroadcast v0, $0x2  }
0x8b: {  	v3 =	vld [tilespmem:s26+$0xFFFFFFA0];
	v42 =	vbroadcast v0, $0x3;
	v44 =	vbroadcast v0, $0x4  }
0x8c: {  	v4 =	vld [tilespmem:s26+$0xFFFFFFB0];
	v45 =	vbroadcast v0, $0x5;
	v11 =	vbroadcast v0, $0x6  }
0x8d: {  	v8 =	vld [tilespmem:s26+$0xFFFFFFD0];
	v48 =	vbroadcast v0, $0x7;
	v51 =	vbroadcast v0, $0x8  }
0x8e: {  	v43 =	vld [tilespmem:s26+$0xFFFFFFE0];
	v52 =	vbroadcast v0, $0x9;
	v1 =	vmul.f32 v5, v1  }
0x8f: {  	v47 =	vld [tilespmem:s26+$0x10];
	v55 =	vbroadcast v0, $0xA;
	v2 =	vmul.f32 v2, v6  }
0x90: {  	v58 =	vld [tilespmem:s26+$0x60];
	v56 =	vbroadcast v0, $0xB;
	v3 =	vmul.f32 v3, v9;
	[tilespmem:s26+$0xFFFFFF80] =	vst v1  }
0x91: {  	v59 =	vld [tilespmem:s26+$0x70];
	v60 =	vbroadcast v0, $0xC;
	v4 =	vmul.f32 v4, v42;
	[tilespmem:s26+$0xFFFFFF90] =	vst v2  }
0x92: {  	v7 =	vld [tilespmem:s26+$0xFFFFFFC0];
	v61 =	vbroadcast v0, $0xD;
	v5 =	vmul.f32 v8, v45;
	[tilespmem:s26+$0xFFFFFFA0] =	vst v3  }
0x93: {  	v10 =	vld [tilespmem:s26+$0xFFFFFFF0];
	v62 =	vbroadcast v0, $0xE;
	v6 =	vmul.f32 v43, v11;
	[tilespmem:s26+$0xFFFFFFB0] =	vst v4  }
0x94: {  	v49 =	vld [tilespmem:s26+$0x20];
	v0 =	vbroadcast v0, $0xF;
	v57 =	vmul.f32 v47, v52;
	[tilespmem:s26+$0xFFFFFFD0] =	vst v5  }
0x95: {  	v50 =	vld [tilespmem:s26+$0x30];
	v63 =	vmul.f32 v58, v62;
	[tilespmem:s26+$0xFFFFFFE0] =	vst v6  }
0x96: {  	v46 =	vld [tilespmem:s26+$0x0];
	v0 =	vmul.f32 v59, v0;
	[tilespmem:s26+$0x10] =	vst v57  }
0x97: {  	v54 =	vld [tilespmem:s26+$0x50];
	v1 =	vmul.f32 v7, v44;
	[tilespmem:s26+$0x60] =	vst v63  }
0x98: {  	v53 =	vld [tilespmem:s26+$0x40];
	v3 =	vmul.f32 v10, v48;
	[tilespmem:s26+$0x70] =	vst v0  }
0x99: {  	v7 =	vmul.f32 v49, v55;
	[tilespmem:s26+$0xFFFFFFC0] =	vst v1  }
0x9a: {  	v2 =	vmul.f32 v50, v56;
	[tilespmem:s26+$0xFFFFFFF0] =	vst v3  }
0x9b: {  	v1 =	vmul.f32 v46, v51;
	[tilespmem:s26+$0x20] =	vst v7  }
0x9c: {  	s2 =	sshll.u32 s21, $0xB;
	p1 =	seq.s32 s21, $0x0;
	v4 =	vmul.f32 v54, v61;
	[tilespmem:s26+$0x30] =	vst v2  }
0x9d: {  	s31 =	sshll.u32 s21, $0x7;
	s2 =	sand.u32 $0x3FFFF800, s2;
	p2 =	sne.s32 @!p1 s21, $0x1;
	[tilespmem:s26+$0x0] =	vst v1;
	v1 =	vmul.f32 v53, v60  }
0x9e: {  	s23 =	sand.u32 $0x3FFFFF80, s31;
	s31 =	sadd.s32 $0x9, s21;
	p2 =	por p2, p1;
	[tilespmem:s26+$0x50] =	vst v4  }
0x9f: {  	s25 =	sadd.s32 $0x1800, s2;
	s0 =	simm.s32 @!p2 $0x11;
	[tilespmem:s26+$0x40] =	vst v1;
	s26 =	sadd.s32 $0x400, s23  }
0xa0: {  	[spmem:s4] =	stream.indirect.scatter.add.f32 [tilespmem:s25], [sflag:s31], $0x10, s26, s28, $0xb8;
	[tilespmem:$0x15B50] =	vst v63  }
0xa1: {  	_ =	swait.ge @!p2 [sflag:s0], $0x400  }
0xa2: {  	[sflag:s0] =	ssyncset.done @!p2 $0x0  }
0xa3: {  	[sflag:s0] =	ssyncadd.s32 @!p2 $0xFFFFFC00  }
0xa4: {  	_ =	swait.ge @!p2 [sflag:s0], $0x400  }
0xa5: {  	[sflag:s0] =	ssyncset.done @!p2 $0x0  }
0xa6: {  	[sflag:s0] =	ssyncadd.s32 @!p2 $0xFFFFFC00  }
0xa7: {  	_ =	swait.ge @!p2 [sflag:s0], $0x400  }
0xa8: {  	s2 =	sadd.s32 @!p1 $0xFFFFFFFF, s21;
	[sflag:s0] =	ssyncset.done @!p2 $0x0  }
0xa9: {  	[sflag:s0] =	ssyncadd.s32 @!p2 $0xFFFFFC00;
	s0 =	sshll.u32 @!p1 s2, $0xB;
	s2 =	sshll.u32 @!p1 s2, $0x7  }
0xaa: {  	s0 =	sand.u32 @!p1 $0x3FFFF800, s0;
	s2 =	sand.u32 @!p1 $0x3FFFFF80, s2  }
0xab: {  	s23 =	simm.s32 @!p1 $0x80;
	s0 =	sadd.s32 @!p1 $0x5800, s0;
	s2 =	sadd.s32 @!p1 $0xC00, s2  }
0xac: {  	[tilespmem:s0], [sflag:s21] =	stream.indirect.gather @!p1 [hbm4b:s15+s23], $0x10, s2, s23, $0xb8;
	[tilespmem:$0x15B50] =	vst v63  }
0xad: {  	p1 =	sne.s32 s18, $0x8  }
.Ltmp1:
0xae: {  	_ = 	snop;
	(pc) =	sbr.rel @p1 .LBB2_2-.Ltmp1, $2  }
0xaf: {  	_ =	sdelay $0x2  }
0xb0: {  	s6 =	sadd.s32 $0x80, s6;
	s5 =	sadd.s32 $0x800, s5;
	s21 =	smov.u32 s18  }
0xb1: {  	[tilespmem:s10], [sflag:$0x8] =	stream.indirect.gather [hbm4b:s15+s28], $0x10, s8, s28, $0xb8;
	[tilespmem:$0x15B50] =	vst v63  }
0xb2: {  	s23 =	simm.s32 $0x0;
	s6 =	simm.s32 $0x0  }
.LBB2_6:
0xb3: {  	_ =	swait.ge [sflag:s24], $0x800  }
0xb4: {  	[sflag:s24] =	ssyncset.done $0x0  }
0xb5: {  	[sflag:s24] =	ssyncadd.s32 $0xFFFFF800  }
0xb6: {  	_ =	swait.ge [sflag:s9], $0x800  }
0xb7: {  	[sflag:s9] =	ssyncset.done $0x0  }
0xb8: {  	[sflag:s9] =	ssyncadd.s32 $0xFFFFF800  }
0xb9: {  	_ =	swait.ge [sflag:s11], $0x800  }
0xba: {  	[sflag:s11] =	ssyncset.done $0x0  }
0xbb: {  	[sflag:s11] =	ssyncadd.s32 $0xFFFFF800  }
0xbc: {  	_ =	swait.ge [sflag:s12], $0x800  }
0xbd: {  	[sflag:s12] =	ssyncset.done $0x0  }
0xbe: {  	[sflag:s12] =	ssyncadd.s32 $0xFFFFF800  }
0xbf: {  	_ =	swait.ge [sflag:s13], $0x800  }
0xc0: {  	[sflag:s13] =	ssyncset.done $0x0  }
0xc1: {  	[sflag:s13] =	ssyncadd.s32 $0xFFFFF800  }
0xc2: {  	_ =	swait.ge [sflag:s14], $0x800  }
0xc3: {  	[sflag:s14] =	ssyncset.done $0x0  }
0xc4: {  	[sflag:s14] =	ssyncadd.s32 $0xFFFFF800  }
0xc5: {  	_ =	swait.ge [sflag:s16], $0x800  }
0xc6: {  	[sflag:s16] =	ssyncset.done $0x0  }
0xc7: {  	s5 =	sshll.u32 s6, $0xB;
	[sflag:s16] =	ssyncadd.s32 $0xFFFFF800  }
0xc8: {  	s0 =	sadd.s32 s5, s19;
	_ =	swait.ge [sflag:s17], $0x800  }
0xc9: {  	s0 =	sshrl.u32 s0, $0x3;
	[sflag:s17] =	ssyncset.done $0x0  }
0xca: {  	s18 =	simm.s32 $0x400;
	s2 =	sadd.s32 s1, s0;
	[sflag:s17] =	ssyncadd.s32 $0xFFFFF800  }
0xcb: {  	[tilespmem:s23], [sflag:$0x11] =	stream.linear.gather [hbm4b:s2+s23], $0x400, $0x38;
	[tilespmem:$0x15B50] =	vst v63  }
0xcc: {  	s26 =	simm.s32 $0x800;
	s21 =	simm.s32 $0x1400;
	s25 =	sadd.s32 s3, s0  }
0xcd: {  	[tilespmem:s18], [sflag:$0x11] =	stream.linear.gather [hbm4b:s25+s23], $0x400, $0x38;
	[tilespmem:$0x15B50] =	vst v63  }
0xce: {  	s31 =	simm.s32 $0x5880;
	s0 =	sadd.s32 s7, s0;
	s18 =	simm.s32 $0x0  }
0xcf: {  	[tilespmem:s26], [sflag:$0x11] =	stream.linear.gather [hbm4b:s0+s23], $0x400, $0x38;
	[tilespmem:$0x15B50] =	vst v63  }
.LBB2_7:
0xd0: {  	v0 =	vmov s21  }
0xd1: {  	s26 =	sadd.s32 $0x1, s18  }
0xd2: {  	_ =	swait.ge [sflag:s26], $0x800  }
0xd3: {  	[sflag:s26] =	ssyncset.done $0x0  }
0xd4: {  	s0 =	simm.s32 $0x0;
	[sflag:s26] =	ssyncadd.s32 $0xFFFFF800  }
0xd5: {  	v1 =	vld.idx.msk [tilespmem:v0+s0+$0x0 ss:$0x1], $0xffff;
	_ =	sdelay $0x1  }
0xd6: {  	v2 =	vld [tilespmem:s31+$0xFFFFFF80]  }
0xd7: {  	v3 =	vld [tilespmem:s31+$0xFFFFFF90]  }
0xd8: {  	v4 =	vld [tilespmem:s31+$0xFFFFFFA0]  }
0xd9: {  	v5 =	vld [tilespmem:s31+$0xFFFFFFB0];
	v6 =	vbroadcast v1, $0x0  }
0xda: {  	v9 =	vld [tilespmem:s31+$0xFFFFFFD0];
	v7 =	vbroadcast v1, $0x1  }
0xdb: {  	v8 =	vld [tilespmem:s31+$0xFFFFFFC0];
	v10 =	vbroadcast v1, $0x2;
	v2 =	vmul.f32 v6, v2  }
0xdc: {  	v49 =	vld [tilespmem:s31+$0xFFFFFFE0];
	v48 =	vbroadcast v1, $0x3;
	v3 =	vmul.f32 v3, v7  }
0xdd: {  	v51 =	vld [tilespmem:s31+$0x10];
	v50 =	vbroadcast v1, $0x5;
	v4 =	vmul.f32 v4, v10;
	[tilespmem:s31+$0xFFFFFF80] =	vst v2  }
0xde: {  	v11 =	vld [tilespmem:s31+$0xFFFFFFF0];
	v5 =	vmul.f32 v5, v48;
	v2 =	vbroadcast v1, $0x4;
	[tilespmem:s31+$0xFFFFFF90] =	vst v3  }
0xdf: {  	v12 =	vbroadcast v1, $0x6;
	v6 =	vmul.f32 v9, v50;
	v3 =	vld [tilespmem:s31+$0x0];
	[tilespmem:s31+$0xFFFFFFA0] =	vst v4  }
0xe0: {  	v57 =	vld [tilespmem:s31+$0x50];
	v55 =	vbroadcast v1, $0x9;
	[tilespmem:s31+$0xFFFFFFB0] =	vst v5;
	v2 =	vmul.f32 v8, v2  }
0xe1: {  	v53 =	vld [tilespmem:s31+$0x20];
	v52 =	vbroadcast v1, $0x7;
	v7 =	vmul.f32 v49, v12;
	[tilespmem:s31+$0xFFFFFFD0] =	vst v6  }
0xe2: {  	v54 =	vld [tilespmem:s31+$0x30];
	v59 =	vmul.f32 v51, v55;
	[tilespmem:s31+$0xFFFFFFC0] =	vst v2;
	v2 =	vbroadcast v1, $0x8  }
0xe3: {  	v56 =	vld [tilespmem:s31+$0x40];
	v62 =	vbroadcast v1, $0xD;
	v4 =	vmul.f32 v11, v52;
	[tilespmem:s31+$0xFFFFFFE0] =	vst v7  }
0xe4: {  	v60 =	vld [tilespmem:s31+$0x60];
	v58 =	vbroadcast v1, $0xA;
	[tilespmem:s31+$0x10] =	vst v59;
	v2 =	vmul.f32 v3, v2  }
0xe5: {  	v61 =	vld [tilespmem:s31+$0x70];
	v5 =	vmul.f32 v57, v62;
	[tilespmem:s31+$0xFFFFFFF0] =	vst v4;
	v3 =	vbroadcast v1, $0xB  }
0xe6: {  	v8 =	vmul.f32 v53, v58;
	[tilespmem:s31+$0x0] =	vst v2;
	v2 =	vbroadcast v1, $0xC  }
0xe7: {  	v63 =	vbroadcast v1, $0xE;
	[tilespmem:s31+$0x50] =	vst v5;
	v3 =	vmul.f32 v54, v3  }
0xe8: {  	[tilespmem:s31+$0x20] =	vst v8;
	v1 =	vbroadcast v1, $0xF;
	v2 =	vmul.f32 v56, v2  }
0xe9: {  	[tilespmem:s31+$0x30] =	vst v3;
	v3 =	vmul.f32 v60, v63  }
0xea: {  	v1 =	vmul.f32 v61, v1;
	[tilespmem:s31+$0x40] =	vst v2  }
0xeb: {  	[tilespmem:s31+$0x60] =	vst v3  }
0xec: {  	s2 =	simm.s32 $0x10;
	s25 =	smov.u32 s31;
	s0 =	simm.s32 $0x80;
	[tilespmem:s31+$0x70] =	vst v1  }
.LBB2_8:
0xed: {  	p1 =	sne.s32 s0, $0x1C0;
	v1 =	vld.idx.msk [tilespmem:v0+s2+$0x0 ss:$0x1], $0xffff;
	s25 =	sadd.s32 $0x100, s25  }
0xee: {  	v2 =	vld [tilespmem:s25+$0xFFFFFFB0]  }
0xef: {  	v3 =	vld [tilespmem:s25+$0xFFFFFF90]  }
0xf0: {  	v4 =	vld [tilespmem:s25+$0xFFFFFF80]  }
0xf1: {  	v5 =	vld [tilespmem:s25+$0xFFFFFFA0]  }
0xf2: {  	v6 =	vld [tilespmem:s25+$0xFFFFFFF0]  }
0xf3: {  	v7 =	vbroadcast v1, $0x0;
	v8 =	vbroadcast v1, $0x1;
	v9 =	vld [tilespmem:s25+$0xFFFFFFD0]  }
0xf4: {  	v10 =	vbroadcast v1, $0x2;
	v11 =	vbroadcast v1, $0x3;
	v12 =	vld [tilespmem:s25+$0xFFFFFFC0]  }
0xf5: {  	v3 =	vmul.f32 v3, v8;
	v4 =	vmul.f32 v7, v4;
	v7 =	vld [tilespmem:s25+$0xFFFFFFE0]  }
0xf6: {  	v2 =	vmul.f32 v2, v11;
	v5 =	vmul.f32 v5, v10;
	v8 =	vld [tilespmem:s25+$0x30]  }
0xf7: {  	v10 =	vbroadcast v1, $0x5;
	[tilespmem:s25+$0xFFFFFF80] =	vst v4;
	v4 =	vbroadcast v1, $0x4;
	v11 =	vld [tilespmem:s25+$0x10]  }
0xf8: {  	v13 =	vbroadcast v1, $0x7;
	[tilespmem:s25+$0xFFFFFF90] =	vst v3;
	v3 =	vbroadcast v1, $0x6;
	v14 =	vld [tilespmem:s25+$0x0]  }
0xf9: {  	[tilespmem:s25+$0xFFFFFFA0] =	vst v5;
	v4 =	vmul.f32 v12, v4;
	v5 =	vmul.f32 v9, v10;
	v9 =	vld [tilespmem:s25+$0x20]  }
0xfa: {  	[tilespmem:s25+$0xFFFFFFB0] =	vst v2;
	v2 =	vmul.f32 v7, v3;
	v3 =	vmul.f32 v6, v13;
	v6 =	vld [tilespmem:s25+$0x70]  }
0xfb: {  	v7 =	vbroadcast v1, $0x9;
	[tilespmem:s25+$0xFFFFFFC0] =	vst v4;
	v4 =	vbroadcast v1, $0x8;
	v10 =	vld [tilespmem:s25+$0x50]  }
0xfc: {  	v12 =	vbroadcast v1, $0xB;
	[tilespmem:s25+$0xFFFFFFD0] =	vst v5;
	v5 =	vbroadcast v1, $0xA;
	v13 =	vld [tilespmem:s25+$0x40]  }
0xfd: {  	[tilespmem:s25+$0xFFFFFFE0] =	vst v2;
	v2 =	vmul.f32 v14, v4;
	v4 =	vmul.f32 v11, v7;
	v7 =	vld [tilespmem:s25+$0x60]  }
0xfe: {  	[tilespmem:s25+$0xFFFFFFF0] =	vst v3;
	v3 =	vmul.f32 v9, v5;
	v5 =	vmul.f32 v8, v12  }
0xff: {  	v8 =	vbroadcast v1, $0xD;
	[tilespmem:s25+$0x0] =	vst v2;
	v2 =	vbroadcast v1, $0xC  }
0x100: {  	[tilespmem:s25+$0x10] =	vst v4;
	v4 =	vbroadcast v1, $0xE;
	v1 =	vbroadcast v1, $0xF  }
0x101: {  	[tilespmem:s25+$0x20] =	vst v3;
	v2 =	vmul.f32 v13, v2;
	v3 =	vmul.f32 v10, v8  }
.Ltmp2:
0x102: {  	[tilespmem:s25+$0x30] =	vst v5;
	v4 =	vmul.f32 v7, v4;
	v1 =	vmul.f32 v6, v1;
	(pc) =	sbr.rel @p1 .LBB2_8-.Ltmp2, $4  }
0x103: {  	[tilespmem:s25+$0x40] =	vst v2  }
0x104: {  	[tilespmem:s25+$0x50] =	vst v3  }
0x105: {  	[tilespmem:s25+$0x60] =	vst v4  }
0x106: {  	s2 =	sshra.s32 s0, $0x2;
	s0 =	sadd.s32 $0x40, s0;
	[tilespmem:s25+$0x70] =	vst v1  }
0x107: {  	_ =	sdelay $0x3  }
0x108: {  	v0 =	vld.idx.msk [tilespmem:v0+s2+$0x0 ss:$0x1], $0xffff;
	_ =	sdelay $0x3  }
0x109: {  	s0 =	sadd.s32 $0x100, s25  }
0x10a: {  	v1 =	vld [tilespmem:s0+$0xFFFFFF80];
	v5 =	vbroadcast v0, $0x0  }
0x10b: {  	v2 =	vld [tilespmem:s0+$0xFFFFFF90];
	v6 =	vbroadcast v0, $0x1;
	v9 =	vbroadcast v0, $0x2  }
0x10c: {  	v3 =	vld [tilespmem:s0+$0xFFFFFFA0];
	v42 =	vbroadcast v0, $0x3;
	v44 =	vbroadcast v0, $0x4  }
0x10d: {  	v4 =	vld [tilespmem:s0+$0xFFFFFFB0];
	v45 =	vbroadcast v0, $0x5;
	v11 =	vbroadcast v0, $0x6  }
0x10e: {  	v8 =	vld [tilespmem:s0+$0xFFFFFFD0];
	v48 =	vbroadcast v0, $0x7;
	v51 =	vbroadcast v0, $0x8  }
0x10f: {  	v43 =	vld [tilespmem:s0+$0xFFFFFFE0];
	v52 =	vbroadcast v0, $0x9;
	v1 =	vmul.f32 v5, v1  }
0x110: {  	v47 =	vld [tilespmem:s0+$0x10];
	v55 =	vbroadcast v0, $0xA;
	v2 =	vmul.f32 v2, v6  }
0x111: {  	v58 =	vld [tilespmem:s0+$0x60];
	v56 =	vbroadcast v0, $0xB;
	v3 =	vmul.f32 v3, v9;
	[tilespmem:s0+$0xFFFFFF80] =	vst v1  }
0x112: {  	v59 =	vld [tilespmem:s0+$0x70];
	v60 =	vbroadcast v0, $0xC;
	v4 =	vmul.f32 v4, v42;
	[tilespmem:s0+$0xFFFFFF90] =	vst v2  }
0x113: {  	v7 =	vld [tilespmem:s0+$0xFFFFFFC0];
	v61 =	vbroadcast v0, $0xD;
	v5 =	vmul.f32 v8, v45;
	[tilespmem:s0+$0xFFFFFFA0] =	vst v3  }
0x114: {  	v10 =	vld [tilespmem:s0+$0xFFFFFFF0];
	v62 =	vbroadcast v0, $0xE;
	v6 =	vmul.f32 v43, v11;
	[tilespmem:s0+$0xFFFFFFB0] =	vst v4  }
0x115: {  	v49 =	vld [tilespmem:s0+$0x20];
	v0 =	vbroadcast v0, $0xF;
	v57 =	vmul.f32 v47, v52;
	[tilespmem:s0+$0xFFFFFFD0] =	vst v5  }
0x116: {  	v50 =	vld [tilespmem:s0+$0x30];
	v63 =	vmul.f32 v58, v62;
	[tilespmem:s0+$0xFFFFFFE0] =	vst v6  }
0x117: {  	v46 =	vld [tilespmem:s0+$0x0];
	v0 =	vmul.f32 v59, v0;
	[tilespmem:s0+$0x10] =	vst v57  }
0x118: {  	v54 =	vld [tilespmem:s0+$0x50];
	v1 =	vmul.f32 v7, v44;
	[tilespmem:s0+$0x60] =	vst v63  }
0x119: {  	v53 =	vld [tilespmem:s0+$0x40];
	v3 =	vmul.f32 v10, v48;
	[tilespmem:s0+$0x70] =	vst v0  }
0x11a: {  	v7 =	vmul.f32 v49, v55;
	[tilespmem:s0+$0xFFFFFFC0] =	vst v1  }
0x11b: {  	v2 =	vmul.f32 v50, v56;
	[tilespmem:s0+$0xFFFFFFF0] =	vst v3  }
0x11c: {  	v1 =	vmul.f32 v46, v51;
	[tilespmem:s0+$0x20] =	vst v7  }
0x11d: {  	p1 =	seq.s32 s18, $0x0;
	v4 =	vmul.f32 v54, v61;
	[tilespmem:s0+$0x30] =	vst v2  }
0x11e: {  	s2 =	sshll.u32 s18, $0xB;
	s25 =	sshll.u32 s18, $0x7;
	p2 =	sne.s32 @!p1 s18, $0x1;
	[tilespmem:s0+$0x0] =	vst v1;
	v1 =	vmul.f32 v53, v60  }
0x11f: {  	s2 =	sand.u32 $0x3FFFF800, s2;
	s25 =	sand.u32 $0x3FFFFF80, s25;
	p2 =	por p2, p1;
	[tilespmem:s0+$0x50] =	vst v4  }
0x120: {  	[tilespmem:s0+$0x40] =	vst v1;
	s0 =	sadd.s32 $0x5800, s2;
	s2 =	sadd.s32 $0x1000, s25;
	s25 =	sadd.s32 $0x9, s18  }
0x121: {  	[spmem:s4] =	stream.indirect.scatter.add.f32 [tilespmem:s0], [sflag:s25], $0x10, s2, s28, $0xb8;
	[tilespmem:$0x15B50] =	vst v63  }
0x122: {  	s0 =	simm.s32 @!p2 $0x11  }
0x123: {  	_ =	swait.ge @!p2 [sflag:s0], $0x400  }
0x124: {  	[sflag:s0] =	ssyncset.done @!p2 $0x0  }
0x125: {  	[sflag:s0] =	ssyncadd.s32 @!p2 $0xFFFFFC00  }
0x126: {  	_ =	swait.ge @!p2 [sflag:s0], $0x400  }
0x127: {  	[sflag:s0] =	ssyncset.done @!p2 $0x0  }
0x128: {  	[sflag:s0] =	ssyncadd.s32 @!p2 $0xFFFFFC00  }
0x129: {  	s2 =	sadd.s32 @!p1 $0xFFFFFFFF, s18;
	_ =	swait.ge @!p2 [sflag:s0], $0x400  }
0x12a: {  	s25 =	sshll.u32 @!p1 s2, $0xB;
	[sflag:s0] =	ssyncset.done @!p2 $0x0  }
0x12b: {  	s2 =	sshll.u32 @!p1 s2, $0x7;
	[sflag:s0] =	ssyncadd.s32 @!p2 $0xFFFFFC00;
	s0 =	sand.u32 @!p1 $0x3FFFF800, s25  }
0x12c: {  	s2 =	sand.u32 @!p1 $0x3FFFFF80, s2;
	s25 =	simm.s32 @!p1 $0x80;
	s0 =	sadd.s32 @!p1 $0x1800, s0  }
0x12d: {  	[tilespmem:s0], [sflag:s18] =	stream.indirect.gather @!p1 [hbm4b:s15+s25], $0x10, s2, s25, $0xb8;
	[tilespmem:$0x15B50] =	vst v63  }
0x12e: {  	p1 =	sne.s32 s26, $0x8  }
.Ltmp3:
0x12f: {  	_ = 	snop;
	(pc) =	sbr.rel @p1 .LBB2_7-.Ltmp3, $2  }
0x130: {  	_ =	sdelay $0x2  }
0x131: {  	s21 =	sadd.s32 $0x80, s21;
	s31 =	sadd.s32 $0x800, s31;
	s18 =	smov.u32 s26  }
0x132: {  	s0 =	simm.s32 $0x380;
	s2 =	simm.s32 $0x5000  }
0x133: {  	[tilespmem:s2], [sflag:$0x8] =	stream.indirect.gather [hbm4b:s15+s28], $0x10, s0, s28, $0xb8;
	[tilespmem:$0x15B50] =	vst v63  }
0x134: {  	_ =	swait.ge [sflag:s24], $0x800  }
0x135: {  	[sflag:s24] =	ssyncset.done $0x0  }
0x136: {  	[sflag:s24] =	ssyncadd.s32 $0xFFFFF800  }
0x137: {  	_ =	swait.ge [sflag:s9], $0x800  }
0x138: {  	[sflag:s9] =	ssyncset.done $0x0  }
0x139: {  	[sflag:s9] =	ssyncadd.s32 $0xFFFFF800  }
0x13a: {  	_ =	swait.ge [sflag:s11], $0x800  }
0x13b: {  	[sflag:s11] =	ssyncset.done $0x0  }
0x13c: {  	[sflag:s11] =	ssyncadd.s32 $0xFFFFF800  }
0x13d: {  	_ =	swait.ge [sflag:s12], $0x800  }
0x13e: {  	[sflag:s12] =	ssyncset.done $0x0  }
0x13f: {  	[sflag:s12] =	ssyncadd.s32 $0xFFFFF800  }
0x140: {  	_ =	swait.ge [sflag:s13], $0x800  }
0x141: {  	[sflag:s13] =	ssyncset.done $0x0  }
0x142: {  	[sflag:s13] =	ssyncadd.s32 $0xFFFFF800  }
0x143: {  	_ =	swait.ge [sflag:s14], $0x800  }
0x144: {  	[sflag:s14] =	ssyncset.done $0x0  }
0x145: {  	[sflag:s14] =	ssyncadd.s32 $0xFFFFF800  }
0x146: {  	_ =	swait.ge [sflag:s16], $0x800  }
0x147: {  	[sflag:s16] =	ssyncset.done $0x0  }
0x148: {  	[sflag:s16] =	ssyncadd.s32 $0xFFFFF800  }
0x149: {  	s25 =	sadd.s32 s5, s20;
	_ =	swait.ge [sflag:s17], $0x800  }
0x14a: {  	s5 =	simm.s32 $0x0;
	s0 =	sshrl.u32 s25, $0x3;
	[sflag:s17] =	ssyncset.done $0x0  }
0x14b: {  	s18 =	simm.s32 $0xC00;
	s26 =	sadd.s32 s1, s0;
	[sflag:s17] =	ssyncadd.s32 $0xFFFFF800  }
0x14c: {  	[tilespmem:s18], [sflag:$0x11] =	stream.linear.gather [hbm4b:s26+s5], $0x400, $0x38;
	[tilespmem:$0x15B50] =	vst v63  }
0x14d: {  	s31 =	sadd.s32 s3, s0  }
0x14e: {  	[tilespmem:s29], [sflag:$0x11] =	stream.linear.gather [hbm4b:s31+s5], $0x400, $0x38;
	[tilespmem:$0x15B50] =	vst v63  }
0x14f: {  	s21 =	simm.s32 $0x800;
	s25 =	simm.s32 $0x1880;
	s0 =	sadd.s32 s7, s0  }
0x150: {  	[tilespmem:s30], [sflag:$0x11] =	stream.linear.gather [hbm4b:s0+s5], $0x400, $0x38;
	[tilespmem:$0x15B50] =	vst v63  }
.LBB2_11:
0x151: {  	v0 =	vmov s21  }
0x152: {  	s18 =	sadd.s32 $0x1, s5  }
0x153: {  	_ =	swait.ge [sflag:s18], $0x800  }
0x154: {  	[sflag:s18] =	ssyncset.done $0x0  }
0x155: {  	s0 =	simm.s32 $0x0;
	[sflag:s18] =	ssyncadd.s32 $0xFFFFF800  }
0x156: {  	v1 =	vld.idx.msk [tilespmem:v0+s0+$0x0 ss:$0x1], $0xffff;
	_ =	sdelay $0x1  }
0x157: {  	v2 =	vld [tilespmem:s25+$0xFFFFFF80]  }
0x158: {  	v3 =	vld [tilespmem:s25+$0xFFFFFF90]  }
0x159: {  	v4 =	vld [tilespmem:s25+$0xFFFFFFA0]  }
0x15a: {  	v5 =	vld [tilespmem:s25+$0xFFFFFFB0];
	v6 =	vbroadcast v1, $0x0  }
0x15b: {  	v9 =	vld [tilespmem:s25+$0xFFFFFFD0];
	v7 =	vbroadcast v1, $0x1  }
0x15c: {  	v8 =	vld [tilespmem:s25+$0xFFFFFFC0];
	v10 =	vbroadcast v1, $0x2;
	v2 =	vmul.f32 v6, v2  }
0x15d: {  	v49 =	vld [tilespmem:s25+$0xFFFFFFE0];
	v48 =	vbroadcast v1, $0x3;
	v3 =	vmul.f32 v3, v7  }
0x15e: {  	v51 =	vld [tilespmem:s25+$0x10];
	v50 =	vbroadcast v1, $0x5;
	v4 =	vmul.f32 v4, v10;
	[tilespmem:s25+$0xFFFFFF80] =	vst v2  }
0x15f: {  	v11 =	vld [tilespmem:s25+$0xFFFFFFF0];
	v5 =	vmul.f32 v5, v48;
	v2 =	vbroadcast v1, $0x4;
	[tilespmem:s25+$0xFFFFFF90] =	vst v3  }
0x160: {  	v12 =	vbroadcast v1, $0x6;
	v6 =	vmul.f32 v9, v50;
	v3 =	vld [tilespmem:s25+$0x0];
	[tilespmem:s25+$0xFFFFFFA0] =	vst v4  }
0x161: {  	v57 =	vld [tilespmem:s25+$0x50];
	v55 =	vbroadcast v1, $0x9;
	[tilespmem:s25+$0xFFFFFFB0] =	vst v5;
	v2 =	vmul.f32 v8, v2  }
0x162: {  	v53 =	vld [tilespmem:s25+$0x20];
	v52 =	vbroadcast v1, $0x7;
	v7 =	vmul.f32 v49, v12;
	[tilespmem:s25+$0xFFFFFFD0] =	vst v6  }
0x163: {  	v54 =	vld [tilespmem:s25+$0x30];
	v59 =	vmul.f32 v51, v55;
	[tilespmem:s25+$0xFFFFFFC0] =	vst v2;
	v2 =	vbroadcast v1, $0x8  }
0x164: {  	v56 =	vld [tilespmem:s25+$0x40];
	v62 =	vbroadcast v1, $0xD;
	v4 =	vmul.f32 v11, v52;
	[tilespmem:s25+$0xFFFFFFE0] =	vst v7  }
0x165: {  	v60 =	vld [tilespmem:s25+$0x60];
	v58 =	vbroadcast v1, $0xA;
	[tilespmem:s25+$0x10] =	vst v59;
	v2 =	vmul.f32 v3, v2  }
0x166: {  	v61 =	vld [tilespmem:s25+$0x70];
	v5 =	vmul.f32 v57, v62;
	[tilespmem:s25+$0xFFFFFFF0] =	vst v4;
	v3 =	vbroadcast v1, $0xB  }
0x167: {  	v8 =	vmul.f32 v53, v58;
	[tilespmem:s25+$0x0] =	vst v2;
	v2 =	vbroadcast v1, $0xC  }
0x168: {  	v63 =	vbroadcast v1, $0xE;
	[tilespmem:s25+$0x50] =	vst v5;
	v3 =	vmul.f32 v54, v3  }
0x169: {  	[tilespmem:s25+$0x20] =	vst v8;
	v1 =	vbroadcast v1, $0xF;
	v2 =	vmul.f32 v56, v2  }
0x16a: {  	[tilespmem:s25+$0x30] =	vst v3;
	v3 =	vmul.f32 v60, v63  }
0x16b: {  	v1 =	vmul.f32 v61, v1;
	[tilespmem:s25+$0x40] =	vst v2  }
0x16c: {  	[tilespmem:s25+$0x60] =	vst v3  }
0x16d: {  	s2 =	simm.s32 $0x10;
	s26 =	smov.u32 s25;
	s0 =	simm.s32 $0x80;
	[tilespmem:s25+$0x70] =	vst v1  }
.LBB2_12:
0x16e: {  	p1 =	sne.s32 s0, $0x1C0;
	v1 =	vld.idx.msk [tilespmem:v0+s2+$0x0 ss:$0x1], $0xffff;
	s26 =	sadd.s32 $0x100, s26  }
0x16f: {  	v2 =	vld [tilespmem:s26+$0xFFFFFFB0]  }
0x170: {  	v3 =	vld [tilespmem:s26+$0xFFFFFF90]  }
0x171: {  	v4 =	vld [tilespmem:s26+$0xFFFFFF80]  }
0x172: {  	v5 =	vld [tilespmem:s26+$0xFFFFFFA0]  }
0x173: {  	v6 =	vld [tilespmem:s26+$0xFFFFFFF0]  }
0x174: {  	v7 =	vbroadcast v1, $0x0;
	v8 =	vbroadcast v1, $0x1;
	v9 =	vld [tilespmem:s26+$0xFFFFFFD0]  }
0x175: {  	v10 =	vbroadcast v1, $0x2;
	v11 =	vbroadcast v1, $0x3;
	v12 =	vld [tilespmem:s26+$0xFFFFFFC0]  }
0x176: {  	v3 =	vmul.f32 v3, v8;
	v4 =	vmul.f32 v7, v4;
	v7 =	vld [tilespmem:s26+$0xFFFFFFE0]  }
0x177: {  	v2 =	vmul.f32 v2, v11;
	v5 =	vmul.f32 v5, v10;
	v8 =	vld [tilespmem:s26+$0x30]  }
0x178: {  	v10 =	vbroadcast v1, $0x5;
	[tilespmem:s26+$0xFFFFFF80] =	vst v4;
	v4 =	vbroadcast v1, $0x4;
	v11 =	vld [tilespmem:s26+$0x10]  }
0x179: {  	v13 =	vbroadcast v1, $0x7;
	[tilespmem:s26+$0xFFFFFF90] =	vst v3;
	v3 =	vbroadcast v1, $0x6;
	v14 =	vld [tilespmem:s26+$0x0]  }
0x17a: {  	[tilespmem:s26+$0xFFFFFFA0] =	vst v5;
	v4 =	vmul.f32 v12, v4;
	v5 =	vmul.f32 v9, v10;
	v9 =	vld [tilespmem:s26+$0x20]  }
0x17b: {  	[tilespmem:s26+$0xFFFFFFB0] =	vst v2;
	v2 =	vmul.f32 v7, v3;
	v3 =	vmul.f32 v6, v13;
	v6 =	vld [tilespmem:s26+$0x70]  }
0x17c: {  	v7 =	vbroadcast v1, $0x9;
	[tilespmem:s26+$0xFFFFFFC0] =	vst v4;
	v4 =	vbroadcast v1, $0x8;
	v10 =	vld [tilespmem:s26+$0x50]  }
0x17d: {  	v12 =	vbroadcast v1, $0xB;
	[tilespmem:s26+$0xFFFFFFD0] =	vst v5;
	v5 =	vbroadcast v1, $0xA;
	v13 =	vld [tilespmem:s26+$0x40]  }
0x17e: {  	[tilespmem:s26+$0xFFFFFFE0] =	vst v2;
	v2 =	vmul.f32 v14, v4;
	v4 =	vmul.f32 v11, v7;
	v7 =	vld [tilespmem:s26+$0x60]  }
0x17f: {  	[tilespmem:s26+$0xFFFFFFF0] =	vst v3;
	v3 =	vmul.f32 v9, v5;
	v5 =	vmul.f32 v8, v12  }
0x180: {  	v8 =	vbroadcast v1, $0xD;
	[tilespmem:s26+$0x0] =	vst v2;
	v2 =	vbroadcast v1, $0xC  }
0x181: {  	[tilespmem:s26+$0x10] =	vst v4;
	v4 =	vbroadcast v1, $0xE;
	v1 =	vbroadcast v1, $0xF  }
0x182: {  	[tilespmem:s26+$0x20] =	vst v3;
	v2 =	vmul.f32 v13, v2;
	v3 =	vmul.f32 v10, v8  }
.Ltmp4:
0x183: {  	[tilespmem:s26+$0x30] =	vst v5;
	v4 =	vmul.f32 v7, v4;
	v1 =	vmul.f32 v6, v1;
	(pc) =	sbr.rel @p1 .LBB2_12-.Ltmp4, $4  }
0x184: {  	[tilespmem:s26+$0x40] =	vst v2  }
0x185: {  	[tilespmem:s26+$0x50] =	vst v3  }
0x186: {  	[tilespmem:s26+$0x60] =	vst v4  }
0x187: {  	s2 =	sshra.s32 s0, $0x2;
	s0 =	sadd.s32 $0x40, s0;
	[tilespmem:s26+$0x70] =	vst v1  }
0x188: {  	_ =	sdelay $0x3  }
0x189: {  	v0 =	vld.idx.msk [tilespmem:v0+s2+$0x0 ss:$0x1], $0xffff;
	_ =	sdelay $0x3  }
0x18a: {  	s0 =	sadd.s32 $0x100, s26  }
0x18b: {  	v1 =	vld [tilespmem:s0+$0xFFFFFF80];
	v5 =	vbroadcast v0, $0x0  }
0x18c: {  	v2 =	vld [tilespmem:s0+$0xFFFFFF90];
	v6 =	vbroadcast v0, $0x1;
	v9 =	vbroadcast v0, $0x2  }
0x18d: {  	v3 =	vld [tilespmem:s0+$0xFFFFFFA0];
	v42 =	vbroadcast v0, $0x3;
	v44 =	vbroadcast v0, $0x4  }
0x18e: {  	v4 =	vld [tilespmem:s0+$0xFFFFFFB0];
	v45 =	vbroadcast v0, $0x5;
	v11 =	vbroadcast v0, $0x6  }
0x18f: {  	v8 =	vld [tilespmem:s0+$0xFFFFFFD0];
	v48 =	vbroadcast v0, $0x7;
	v51 =	vbroadcast v0, $0x8  }
0x190: {  	v43 =	vld [tilespmem:s0+$0xFFFFFFE0];
	v52 =	vbroadcast v0, $0x9;
	v1 =	vmul.f32 v5, v1  }
0x191: {  	v47 =	vld [tilespmem:s0+$0x10];
	v55 =	vbroadcast v0, $0xA;
	v2 =	vmul.f32 v2, v6  }
0x192: {  	v58 =	vld [tilespmem:s0+$0x60];
	v56 =	vbroadcast v0, $0xB;
	v3 =	vmul.f32 v3, v9;
	[tilespmem:s0+$0xFFFFFF80] =	vst v1  }
0x193: {  	v59 =	vld [tilespmem:s0+$0x70];
	v60 =	vbroadcast v0, $0xC;
	v4 =	vmul.f32 v4, v42;
	[tilespmem:s0+$0xFFFFFF90] =	vst v2  }
0x194: {  	v7 =	vld [tilespmem:s0+$0xFFFFFFC0];
	v61 =	vbroadcast v0, $0xD;
	v5 =	vmul.f32 v8, v45;
	[tilespmem:s0+$0xFFFFFFA0] =	vst v3  }
0x195: {  	v10 =	vld [tilespmem:s0+$0xFFFFFFF0];
	v62 =	vbroadcast v0, $0xE;
	v6 =	vmul.f32 v43, v11;
	[tilespmem:s0+$0xFFFFFFB0] =	vst v4  }
0x196: {  	v49 =	vld [tilespmem:s0+$0x20];
	v0 =	vbroadcast v0, $0xF;
	v57 =	vmul.f32 v47, v52;
	[tilespmem:s0+$0xFFFFFFD0] =	vst v5  }
0x197: {  	v50 =	vld [tilespmem:s0+$0x30];
	v63 =	vmul.f32 v58, v62;
	[tilespmem:s0+$0xFFFFFFE0] =	vst v6  }
0x198: {  	v46 =	vld [tilespmem:s0+$0x0];
	v0 =	vmul.f32 v59, v0;
	[tilespmem:s0+$0x10] =	vst v57  }
0x199: {  	v54 =	vld [tilespmem:s0+$0x50];
	v1 =	vmul.f32 v7, v44;
	[tilespmem:s0+$0x60] =	vst v63  }
0x19a: {  	v53 =	vld [tilespmem:s0+$0x40];
	v3 =	vmul.f32 v10, v48;
	[tilespmem:s0+$0x70] =	vst v0  }
0x19b: {  	v7 =	vmul.f32 v49, v55;
	[tilespmem:s0+$0xFFFFFFC0] =	vst v1  }
0x19c: {  	v2 =	vmul.f32 v50, v56;
	[tilespmem:s0+$0xFFFFFFF0] =	vst v3  }
0x19d: {  	v1 =	vmul.f32 v46, v51;
	[tilespmem:s0+$0x20] =	vst v7  }
0x19e: {  	s26 =	sshll.u32 s5, $0xB;
	p1 =	seq.s32 s5, $0x0;
	v4 =	vmul.f32 v54, v61;
	[tilespmem:s0+$0x30] =	vst v2  }
0x19f: {  	s31 =	sshll.u32 s5, $0x7;
	s2 =	sand.u32 $0x3FFFF800, s26;
	p2 =	sne.s32 @!p1 s5, $0x1;
	[tilespmem:s0+$0x0] =	vst v1;
	v1 =	vmul.f32 v53, v60  }
0x1a0: {  	s26 =	sand.u32 $0x3FFFFF80, s31;
	s31 =	sadd.s32 $0x9, s5;
	p2 =	por p2, p1;
	[tilespmem:s0+$0x50] =	vst v4  }
0x1a1: {  	s2 =	sadd.s32 $0x1800, s2;
	s26 =	sadd.s32 $0x400, s26;
	[tilespmem:s0+$0x40] =	vst v1;
	s0 =	simm.s32 @!p2 $0x11  }
0x1a2: {  	[spmem:s4] =	stream.indirect.scatter.add.f32 [tilespmem:s2], [sflag:s31], $0x10, s26, s28, $0xb8;
	[tilespmem:$0x15B50] =	vst v63  }
0x1a3: {  	_ =	swait.ge @!p2 [sflag:s0], $0x400  }
0x1a4: {  	[sflag:s0] =	ssyncset.done @!p2 $0x0  }
0x1a5: {  	[sflag:s0] =	ssyncadd.s32 @!p2 $0xFFFFFC00  }
0x1a6: {  	_ =	swait.ge @!p2 [sflag:s0], $0x400  }
0x1a7: {  	[sflag:s0] =	ssyncset.done @!p2 $0x0  }
0x1a8: {  	[sflag:s0] =	ssyncadd.s32 @!p2 $0xFFFFFC00  }
0x1a9: {  	_ =	swait.ge @!p2 [sflag:s0], $0x400  }
0x1aa: {  	s2 =	sadd.s32 @!p1 $0xFFFFFFFF, s5;
	[sflag:s0] =	ssyncset.done @!p2 $0x0  }
0x1ab: {  	[sflag:s0] =	ssyncadd.s32 @!p2 $0xFFFFFC00;
	s0 =	sshll.u32 @!p1 s2, $0xB;
	s2 =	sshll.u32 @!p1 s2, $0x7  }
0x1ac: {  	s0 =	sand.u32 @!p1 $0x3FFFF800, s0;
	s2 =	sand.u32 @!p1 $0x3FFFFF80, s2  }
0x1ad: {  	s26 =	simm.s32 @!p1 $0x80;
	s0 =	sadd.s32 @!p1 $0x5800, s0;
	s2 =	sadd.s32 @!p1 $0xC00, s2  }
0x1ae: {  	[tilespmem:s0], [sflag:s5] =	stream.indirect.gather @!p1 [hbm4b:s15+s26], $0x10, s2, s26, $0xb8;
	[tilespmem:$0x15B50] =	vst v63  }
0x1af: {  	p1 =	sne.s32 s18, $0x8  }
.Ltmp5:
0x1b0: {  	_ = 	snop;
	(pc) =	sbr.rel @p1 .LBB2_11-.Ltmp5, $2  }
0x1b1: {  	_ =	sdelay $0x2  }
0x1b2: {  	s21 =	sadd.s32 $0x80, s21;
	s25 =	sadd.s32 $0x800, s25;
	s5 =	smov.u32 s18  }
0x1b3: {  	s6 =	sadd.s32 $0x1, s6  }
0x1b4: {  	p1 =	sne.s32 s6, $0x18  }
.Ltmp6:
0x1b5: {  	_ = 	snop;
	(pc) =	sbr.rel @p1 .LBB2_6-.Ltmp6, $2  }
0x1b6: {  	_ =	sdelay $0x2  }
0x1b7: {  	[tilespmem:s10], [sflag:$0x8] =	stream.indirect.gather [hbm4b:s15+s28], $0x10, s8, s28, $0xb8;
	[tilespmem:$0x15B50] =	vst v63  }
0x1b8: {  	_ =	swait.ge [sflag:s24], $0x800  }
0x1b9: {  	[sflag:s24] =	ssyncset.done $0x0  }
0x1ba: {  	[sflag:s24] =	ssyncadd.s32 $0xFFFFF800  }
0x1bb: {  	_ =	swait.ge [sflag:s9], $0x800  }
0x1bc: {  	[sflag:s9] =	ssyncset.done $0x0  }
0x1bd: {  	[sflag:s9] =	ssyncadd.s32 $0xFFFFF800  }
0x1be: {  	_ =	swait.ge [sflag:s11], $0x800  }
0x1bf: {  	[sflag:s11] =	ssyncset.done $0x0  }
0x1c0: {  	[sflag:s11] =	ssyncadd.s32 $0xFFFFF800  }
0x1c1: {  	_ =	swait.ge [sflag:s12], $0x800  }
0x1c2: {  	[sflag:s12] =	ssyncset.done $0x0  }
0x1c3: {  	[sflag:s12] =	ssyncadd.s32 $0xFFFFF800  }
0x1c4: {  	_ =	swait.ge [sflag:s13], $0x800  }
0x1c5: {  	[sflag:s13] =	ssyncset.done $0x0  }
0x1c6: {  	[sflag:s13] =	ssyncadd.s32 $0xFFFFF800  }
0x1c7: {  	_ =	swait.ge [sflag:s14], $0x800  }
0x1c8: {  	[sflag:s14] =	ssyncset.done $0x0  }
0x1c9: {  	[sflag:s14] =	ssyncadd.s32 $0xFFFFF800  }
0x1ca: {  	_ =	swait.ge [sflag:s16], $0x800  }
0x1cb: {  	[sflag:s16] =	ssyncset.done $0x0  }
0x1cc: {  	[sflag:s16] =	ssyncadd.s32 $0xFFFFF800  }
0x1cd: {  	_ =	swait.ge [sflag:s17], $0x800  }
0x1ce: {  	s18 =	simm.s32 $0x0;
	[sflag:s17] =	ssyncset.done $0x0  }
0x1cf: {  	s5 =	simm.s32 $0x1400;
	s6 =	simm.s32 $0x5880;
	[sflag:s17] =	ssyncadd.s32 $0xFFFFF800  }
.LBB2_16:
0x1d0: {  	v0 =	vmov s5  }
0x1d1: {  	s21 =	sadd.s32 $0x1, s18  }
0x1d2: {  	_ =	swait.ge [sflag:s21], $0x800  }
0x1d3: {  	[sflag:s21] =	ssyncset.done $0x0  }
0x1d4: {  	s0 =	simm.s32 $0x0;
	[sflag:s21] =	ssyncadd.s32 $0xFFFFF800  }
0x1d5: {  	v1 =	vld.idx.msk [tilespmem:v0+s0+$0x0 ss:$0x1], $0xffff;
	_ =	sdelay $0x1  }
0x1d6: {  	v2 =	vld [tilespmem:s6+$0xFFFFFF80]  }
0x1d7: {  	v3 =	vld [tilespmem:s6+$0xFFFFFF90]  }
0x1d8: {  	v4 =	vld [tilespmem:s6+$0xFFFFFFA0]  }
0x1d9: {  	v5 =	vld [tilespmem:s6+$0xFFFFFFB0];
	v6 =	vbroadcast v1, $0x0  }
0x1da: {  	v9 =	vld [tilespmem:s6+$0xFFFFFFD0];
	v7 =	vbroadcast v1, $0x1  }
0x1db: {  	v8 =	vld [tilespmem:s6+$0xFFFFFFC0];
	v10 =	vbroadcast v1, $0x2;
	v2 =	vmul.f32 v6, v2  }
0x1dc: {  	v49 =	vld [tilespmem:s6+$0xFFFFFFE0];
	v48 =	vbroadcast v1, $0x3;
	v3 =	vmul.f32 v3, v7  }
0x1dd: {  	v51 =	vld [tilespmem:s6+$0x10];
	v50 =	vbroadcast v1, $0x5;
	v4 =	vmul.f32 v4, v10;
	[tilespmem:s6+$0xFFFFFF80] =	vst v2  }
0x1de: {  	v11 =	vld [tilespmem:s6+$0xFFFFFFF0];
	v5 =	vmul.f32 v5, v48;
	v2 =	vbroadcast v1, $0x4;
	[tilespmem:s6+$0xFFFFFF90] =	vst v3  }
0x1df: {  	v12 =	vbroadcast v1, $0x6;
	v6 =	vmul.f32 v9, v50;
	v3 =	vld [tilespmem:s6+$0x0];
	[tilespmem:s6+$0xFFFFFFA0] =	vst v4  }
0x1e0: {  	v57 =	vld [tilespmem:s6+$0x50];
	v55 =	vbroadcast v1, $0x9;
	[tilespmem:s6+$0xFFFFFFB0] =	vst v5;
	v2 =	vmul.f32 v8, v2  }
0x1e1: {  	v53 =	vld [tilespmem:s6+$0x20];
	v52 =	vbroadcast v1, $0x7;
	v7 =	vmul.f32 v49, v12;
	[tilespmem:s6+$0xFFFFFFD0] =	vst v6  }
0x1e2: {  	v54 =	vld [tilespmem:s6+$0x30];
	v59 =	vmul.f32 v51, v55;
	[tilespmem:s6+$0xFFFFFFC0] =	vst v2;
	v2 =	vbroadcast v1, $0x8  }
0x1e3: {  	v56 =	vld [tilespmem:s6+$0x40];
	v62 =	vbroadcast v1, $0xD;
	v4 =	vmul.f32 v11, v52;
	[tilespmem:s6+$0xFFFFFFE0] =	vst v7  }
0x1e4: {  	v60 =	vld [tilespmem:s6+$0x60];
	v58 =	vbroadcast v1, $0xA;
	[tilespmem:s6+$0x10] =	vst v59;
	v2 =	vmul.f32 v3, v2  }
0x1e5: {  	v61 =	vld [tilespmem:s6+$0x70];
	v5 =	vmul.f32 v57, v62;
	[tilespmem:s6+$0xFFFFFFF0] =	vst v4;
	v3 =	vbroadcast v1, $0xB  }
0x1e6: {  	v8 =	vmul.f32 v53, v58;
	[tilespmem:s6+$0x0] =	vst v2;
	v2 =	vbroadcast v1, $0xC  }
0x1e7: {  	v63 =	vbroadcast v1, $0xE;
	[tilespmem:s6+$0x50] =	vst v5;
	v3 =	vmul.f32 v54, v3  }
0x1e8: {  	[tilespmem:s6+$0x20] =	vst v8;
	v1 =	vbroadcast v1, $0xF;
	v2 =	vmul.f32 v56, v2  }
0x1e9: {  	[tilespmem:s6+$0x30] =	vst v3;
	v3 =	vmul.f32 v60, v63  }
0x1ea: {  	v1 =	vmul.f32 v61, v1;
	[tilespmem:s6+$0x40] =	vst v2  }
0x1eb: {  	[tilespmem:s6+$0x60] =	vst v3  }
0x1ec: {  	s2 =	simm.s32 $0x10;
	s23 =	smov.u32 s6;
	s0 =	simm.s32 $0x80;
	[tilespmem:s6+$0x70] =	vst v1  }
.LBB2_17:
0x1ed: {  	p1 =	sne.s32 s0, $0x1C0;
	v1 =	vld.idx.msk [tilespmem:v0+s2+$0x0 ss:$0x1], $0xffff;
	s23 =	sadd.s32 $0x100, s23  }
0x1ee: {  	v2 =	vld [tilespmem:s23+$0xFFFFFFB0]  }
0x1ef: {  	v3 =	vld [tilespmem:s23+$0xFFFFFF90]  }
0x1f0: {  	v4 =	vld [tilespmem:s23+$0xFFFFFF80]  }
0x1f1: {  	v5 =	vld [tilespmem:s23+$0xFFFFFFA0]  }
0x1f2: {  	v6 =	vld [tilespmem:s23+$0xFFFFFFF0]  }
0x1f3: {  	v7 =	vbroadcast v1, $0x0;
	v8 =	vbroadcast v1, $0x1;
	v9 =	vld [tilespmem:s23+$0xFFFFFFD0]  }
0x1f4: {  	v10 =	vbroadcast v1, $0x2;
	v11 =	vbroadcast v1, $0x3;
	v12 =	vld [tilespmem:s23+$0xFFFFFFC0]  }
0x1f5: {  	v3 =	vmul.f32 v3, v8;
	v4 =	vmul.f32 v7, v4;
	v7 =	vld [tilespmem:s23+$0xFFFFFFE0]  }
0x1f6: {  	v2 =	vmul.f32 v2, v11;
	v5 =	vmul.f32 v5, v10;
	v8 =	vld [tilespmem:s23+$0x30]  }
0x1f7: {  	v10 =	vbroadcast v1, $0x5;
	[tilespmem:s23+$0xFFFFFF80] =	vst v4;
	v4 =	vbroadcast v1, $0x4;
	v11 =	vld [tilespmem:s23+$0x10]  }
0x1f8: {  	v13 =	vbroadcast v1, $0x7;
	[tilespmem:s23+$0xFFFFFF90] =	vst v3;
	v3 =	vbroadcast v1, $0x6;
	v14 =	vld [tilespmem:s23+$0x0]  }
0x1f9: {  	[tilespmem:s23+$0xFFFFFFA0] =	vst v5;
	v4 =	vmul.f32 v12, v4;
	v5 =	vmul.f32 v9, v10;
	v9 =	vld [tilespmem:s23+$0x20]  }
0x1fa: {  	[tilespmem:s23+$0xFFFFFFB0] =	vst v2;
	v2 =	vmul.f32 v7, v3;
	v3 =	vmul.f32 v6, v13;
	v6 =	vld [tilespmem:s23+$0x70]  }
0x1fb: {  	v7 =	vbroadcast v1, $0x9;
	[tilespmem:s23+$0xFFFFFFC0] =	vst v4;
	v4 =	vbroadcast v1, $0x8;
	v10 =	vld [tilespmem:s23+$0x50]  }
0x1fc: {  	v12 =	vbroadcast v1, $0xB;
	[tilespmem:s23+$0xFFFFFFD0] =	vst v5;
	v5 =	vbroadcast v1, $0xA;
	v13 =	vld [tilespmem:s23+$0x40]  }
0x1fd: {  	[tilespmem:s23+$0xFFFFFFE0] =	vst v2;
	v2 =	vmul.f32 v14, v4;
	v4 =	vmul.f32 v11, v7;
	v7 =	vld [tilespmem:s23+$0x60]  }
0x1fe: {  	[tilespmem:s23+$0xFFFFFFF0] =	vst v3;
	v3 =	vmul.f32 v9, v5;
	v5 =	vmul.f32 v8, v12  }
0x1ff: {  	v8 =	vbroadcast v1, $0xD;
	[tilespmem:s23+$0x0] =	vst v2;
	v2 =	vbroadcast v1, $0xC  }
0x200: {  	[tilespmem:s23+$0x10] =	vst v4;
	v4 =	vbroadcast v1, $0xE;
	v1 =	vbroadcast v1, $0xF  }
0x201: {  	[tilespmem:s23+$0x20] =	vst v3;
	v2 =	vmul.f32 v13, v2;
	v3 =	vmul.f32 v10, v8  }
.Ltmp7:
0x202: {  	[tilespmem:s23+$0x30] =	vst v5;
	v4 =	vmul.f32 v7, v4;
	v1 =	vmul.f32 v6, v1;
	(pc) =	sbr.rel @p1 .LBB2_17-.Ltmp7, $4  }
0x203: {  	[tilespmem:s23+$0x40] =	vst v2  }
0x204: {  	[tilespmem:s23+$0x50] =	vst v3  }
0x205: {  	[tilespmem:s23+$0x60] =	vst v4  }
0x206: {  	s2 =	sshra.s32 s0, $0x2;
	s0 =	sadd.s32 $0x40, s0;
	[tilespmem:s23+$0x70] =	vst v1  }
0x207: {  	_ =	sdelay $0x3  }
0x208: {  	v0 =	vld.idx.msk [tilespmem:v0+s2+$0x0 ss:$0x1], $0xffff;
	_ =	sdelay $0x3  }
0x209: {  	s0 =	sadd.s32 $0x100, s23  }
0x20a: {  	v1 =	vld [tilespmem:s0+$0xFFFFFF80];
	v5 =	vbroadcast v0, $0x0  }
0x20b: {  	v2 =	vld [tilespmem:s0+$0xFFFFFF90];
	v6 =	vbroadcast v0, $0x1;
	v9 =	vbroadcast v0, $0x2  }
0x20c: {  	v3 =	vld [tilespmem:s0+$0xFFFFFFA0];
	v42 =	vbroadcast v0, $0x3;
	v44 =	vbroadcast v0, $0x4  }
0x20d: {  	v4 =	vld [tilespmem:s0+$0xFFFFFFB0];
	v45 =	vbroadcast v0, $0x5;
	v11 =	vbroadcast v0, $0x6  }
0x20e: {  	v8 =	vld [tilespmem:s0+$0xFFFFFFD0];
	v48 =	vbroadcast v0, $0x7;
	v51 =	vbroadcast v0, $0x8  }
0x20f: {  	v43 =	vld [tilespmem:s0+$0xFFFFFFE0];
	v52 =	vbroadcast v0, $0x9;
	v1 =	vmul.f32 v5, v1  }
0x210: {  	v47 =	vld [tilespmem:s0+$0x10];
	v55 =	vbroadcast v0, $0xA;
	v2 =	vmul.f32 v2, v6  }
0x211: {  	v58 =	vld [tilespmem:s0+$0x60];
	v56 =	vbroadcast v0, $0xB;
	v3 =	vmul.f32 v3, v9;
	[tilespmem:s0+$0xFFFFFF80] =	vst v1  }
0x212: {  	v59 =	vld [tilespmem:s0+$0x70];
	v60 =	vbroadcast v0, $0xC;
	v4 =	vmul.f32 v4, v42;
	[tilespmem:s0+$0xFFFFFF90] =	vst v2  }
0x213: {  	v7 =	vld [tilespmem:s0+$0xFFFFFFC0];
	v61 =	vbroadcast v0, $0xD;
	v5 =	vmul.f32 v8, v45;
	[tilespmem:s0+$0xFFFFFFA0] =	vst v3  }
0x214: {  	v10 =	vld [tilespmem:s0+$0xFFFFFFF0];
	v62 =	vbroadcast v0, $0xE;
	v6 =	vmul.f32 v43, v11;
	[tilespmem:s0+$0xFFFFFFB0] =	vst v4  }
0x215: {  	v49 =	vld [tilespmem:s0+$0x20];
	v0 =	vbroadcast v0, $0xF;
	v57 =	vmul.f32 v47, v52;
	[tilespmem:s0+$0xFFFFFFD0] =	vst v5  }
0x216: {  	v50 =	vld [tilespmem:s0+$0x30];
	v63 =	vmul.f32 v58, v62;
	[tilespmem:s0+$0xFFFFFFE0] =	vst v6  }
0x217: {  	v46 =	vld [tilespmem:s0+$0x0];
	v0 =	vmul.f32 v59, v0;
	[tilespmem:s0+$0x10] =	vst v57  }
0x218: {  	v54 =	vld [tilespmem:s0+$0x50];
	v1 =	vmul.f32 v7, v44;
	[tilespmem:s0+$0x60] =	vst v63  }
0x219: {  	v53 =	vld [tilespmem:s0+$0x40];
	v3 =	vmul.f32 v10, v48;
	[tilespmem:s0+$0x70] =	vst v0  }
0x21a: {  	v7 =	vmul.f32 v49, v55;
	[tilespmem:s0+$0xFFFFFFC0] =	vst v1  }
0x21b: {  	v2 =	vmul.f32 v50, v56;
	[tilespmem:s0+$0xFFFFFFF0] =	vst v3  }
0x21c: {  	p1 =	sne.s32 s21, $0x8;
	v1 =	vmul.f32 v46, v51;
	[tilespmem:s0+$0x20] =	vst v7  }
.Ltmp8:
0x21d: {  	s26 =	sshll.u32 s18, $0xB;
	v4 =	vmul.f32 v54, v61;
	[tilespmem:s0+$0x30] =	vst v2;
	(pc) =	sbr.rel @p1 .LBB2_16-.Ltmp8, $4  }
0x21e: {  	s31 =	sshll.u32 s18, $0x7;
	s5 =	sadd.s32 $0x80, s5;
	s2 =	sand.u32 $0x3FFFF800, s26;
	[tilespmem:s0+$0x0] =	vst v1;
	v1 =	vmul.f32 v53, v60  }
0x21f: {  	s6 =	sadd.s32 $0x800, s6;
	s23 =	sand.u32 $0x3FFFFF80, s31;
	s31 =	sadd.s32 $0x9, s18;
	[tilespmem:s0+$0x50] =	vst v4  }
0x220: {  	s18 =	smov.u32 s21;
	s25 =	sadd.s32 $0x5800, s2;
	s26 =	sadd.s32 $0x1000, s23;
	[tilespmem:s0+$0x40] =	vst v1  }
0x221: {  	[spmem:s4] =	stream.indirect.scatter.add.f32 [tilespmem:s25], [sflag:s31], $0x10, s26, s28, $0xb8;
	[tilespmem:$0x15B50] =	vst v63  }
0x222: {  	_ =	swait.ge [sflag:s24], $0x800  }
0x223: {  	[sflag:s24] =	ssyncset.done $0x0  }
0x224: {  	[sflag:s24] =	ssyncadd.s32 $0xFFFFF800  }
0x225: {  	_ =	swait.ge [sflag:s9], $0x800  }
0x226: {  	[sflag:s9] =	ssyncset.done $0x0  }
0x227: {  	[sflag:s9] =	ssyncadd.s32 $0xFFFFF800  }
0x228: {  	_ =	swait.ge [sflag:s11], $0x800  }
0x229: {  	[sflag:s11] =	ssyncset.done $0x0  }
0x22a: {  	[sflag:s11] =	ssyncadd.s32 $0xFFFFF800  }
0x22b: {  	_ =	swait.ge [sflag:s12], $0x800  }
0x22c: {  	[sflag:s12] =	ssyncset.done $0x0  }
0x22d: {  	[sflag:s12] =	ssyncadd.s32 $0xFFFFF800  }
0x22e: {  	_ =	swait.ge [sflag:s13], $0x800  }
0x22f: {  	[sflag:s13] =	ssyncset.done $0x0  }
0x230: {  	[sflag:s13] =	ssyncadd.s32 $0xFFFFF800  }
0x231: {  	_ =	swait.ge [sflag:s14], $0x800  }
0x232: {  	[sflag:s14] =	ssyncset.done $0x0  }
0x233: {  	[sflag:s14] =	ssyncadd.s32 $0xFFFFF800  }
0x234: {  	_ =	swait.ge [sflag:s16], $0x800  }
0x235: {  	[sflag:s16] =	ssyncset.done $0x0  }
0x236: {  	[sflag:s16] =	ssyncadd.s32 $0xFFFFF800  }
0x237: {  	_ =	swait.ge [sflag:s17], $0x800  }
0x238: {  	[sflag:s17] =	ssyncset.done $0x0  }
0x239: {  	[sflag:s17] =	ssyncadd.s32 $0xFFFFF800  }
0x23a: {  	[bflag:$0x0] =	sbarrier.arrive $0xFFFF  }
0x23b: {  	s6 =	rddreg [dreg:$0x11]  }
0x23c: {  	s2 =	simm.s32 @p0 $0x1FD2;
	s18 =	rddreg [dreg:$0x15];
	s0 =	sadd.s32 @p0 $0x16E90, s6  }
0x23d: {  	[hbm:s0], [sflag:s2] =	dma.local @p0 [spmem:s18], $0x1810  }
0x23e: {  	s0 =	simm.s32 @p0 $0x12  }
0x23f: {  	_ =	swait.ge @p0 [sflag:s0], $0x1810  }
0x240: {  	[sflag:s0] =	ssyncset.done @p0 $0x0  }
0x241: {  	[sflag:s0] =	ssyncadd.s32 @p0 $0xFFFFE7F0  }
0x242: {  	[bflag:$0x0] =	sbarrier.arrive @p0 $0xFFFF  }
0x243: {  	s5 =	rddreg [dreg:$0xa]  }
0x244: {  	[spmem:s18], [sflag:s2] =	dma.local @p0 [hbm:s5], $0x1810  }
0x245: {  	_ =	swait.ge @p0 [sflag:s0], $0x1810  }
0x246: {  	[sflag:s0] =	ssyncset.done @p0 $0x0;
	s5 =	rddreg [dreg:$0x16]  }
0x247: {  	[sflag:s0] =	ssyncadd.s32 @p0 $0xFFFFE7F0;
	s0 =	rddreg [dreg:$0x6]  }
0x248: {  	s0 =	sadd.s32 @!p0 s0, s6;
	s6 =	rddreg [dreg:$0x17]  }
0x249: {  	[hbm:s0], [sflag:s5] =	dma.local @!p0 [spmem:s6], $0x1870  }
0x24a: {  	s0 =	simm.s32 @!p0 $0x12  }
0x24b: {  	_ =	swait.ge @!p0 [sflag:s0], $0x1870  }
0x24c: {  	[sflag:s0] =	ssyncset.done @!p0 $0x0  }
0x24d: {  	[sflag:s0] =	ssyncadd.s32 @!p0 $0xFFFFE790  }
0x24e: {  	[bflag:$0x0] =	sbarrier.arrive @!p0 $0xFFFF  }
0x24f: {  	s2 =	rddreg [dreg:$0x8]  }
0x250: {  	[spmem:s6], [sflag:s5] =	dma.local @!p0 [hbm:s2], $0x1870  }
0x251: {  	_ =	swait.ge @!p0 [sflag:s0], $0x1870  }
0x252: {  	[sflag:s0] =	ssyncset.done @!p0 $0x0  }
0x253: {  	[sflag:s0] =	ssyncadd.s32 @!p0 $0xFFFFE790  }
0x254: {  	[bflag:$0x0] =	sbarrier.arrive $0xFFFF  }
0x255: {  	s23 =	simm.s32 $0x12;
	s5 =	simm.s32 $0x0;
	s21 =	rddreg [dreg:$0xb]  }
0x256: {  	[tilespmem:s5], [sflag:$0x12] =	stream.linear.gather [hbm4b:s21+s5], $0x400, $0x38;
	[tilespmem:$0x15B50] =	vst v63  }
0x257: {  	_ =	swait.ge [sflag:s23], $0x400  }
0x258: {  	[sflag:s23] =	ssyncset.done $0x0  }
0x259: {  	s26 =	simm.s32 $0x400;
	s25 =	rddreg [dreg:$0xc];
	[sflag:s23] =	ssyncadd.s32 $0xFFFFFC00  }
0x25a: {  	[tilespmem:s26], [sflag:$0x12] =	stream.linear.gather [hbm4b:s25+s5], $0x400, $0x38;
	[tilespmem:$0x15B50] =	vst v63  }
0x25b: {  	_ =	swait.ge [sflag:s23], $0x400  }
0x25c: {  	[sflag:s23] =	ssyncset.done $0x0  }
0x25d: {  	s6 =	simm.s32 $0x800;
	s31 =	rddreg [dreg:$0xd];
	[sflag:s23] =	ssyncadd.s32 $0xFFFFFC00  }
0x25e: {  	[tilespmem:s6], [sflag:$0x12] =	stream.linear.gather [hbm4b:s31+s5], $0x400, $0x38;
	[tilespmem:$0x15B50] =	vst v63  }
0x25f: {  	_ =	swait.ge [sflag:s23], $0x400  }
0x260: {  	[sflag:s23] =	ssyncset.done $0x0  }
0x261: {  	s18 =	simm.s32 $0x1800;
	[sflag:s23] =	ssyncadd.s32 $0xFFFFFC00  }
0x262: {  	[tilespmem:s18], [sflag:$0x1] =	stream.indirect.gather [hbm4b:s22+s28], $0x10, s5, s28, $0xb8;
	[tilespmem:$0x15B50] =	vst v63  }
0x263: {  	s21 =	simm.s32 $0x2000  }
0x264: {  	[tilespmem:s21], [sflag:$0x2] =	stream.indirect.gather [hbm4b:s22+s28], $0x10, s28, s28, $0xb8;
	[tilespmem:$0x15B50] =	vst v63  }
0x265: {  	s25 =	simm.s32 $0x2800;
	s23 =	simm.s32 $0x100  }
0x266: {  	[tilespmem:s25], [sflag:$0x3] =	stream.indirect.gather [hbm4b:s22+s28], $0x10, s23, s28, $0xb8;
	[tilespmem:$0x15B50] =	vst v63  }
0x267: {  	s26 =	simm.s32 $0x180;
	s31 =	simm.s32 $0x3000  }
0x268: {  	[tilespmem:s31], [sflag:$0x4] =	stream.indirect.gather [hbm4b:s22+s28], $0x10, s26, s28, $0xb8;
	[tilespmem:$0x15B50] =	vst v63  }
0x269: {  	s18 =	simm.s32 $0x200;
	s21 =	simm.s32 $0x3800  }
0x26a: {  	[tilespmem:s21], [sflag:$0x5] =	stream.indirect.gather [hbm4b:s22+s28], $0x10, s18, s28, $0xb8;
	[tilespmem:$0x15B50] =	vst v63  }
0x26b: {  	s23 =	simm.s32 $0x280;
	s25 =	simm.s32 $0x4000  }
0x26c: {  	[tilespmem:s25], [sflag:$0x6] =	stream.indirect.gather [hbm4b:s22+s28], $0x10, s23, s28, $0xb8;
	[tilespmem:$0x15B50] =	vst v63  }
0x26d: {  	s26 =	simm.s32 $0x300;
	s31 =	simm.s32 $0x4800  }
0x26e: {  	[tilespmem:s31], [sflag:$0x7] =	stream.indirect.gather [hbm4b:s22+s28], $0x10, s26, s28, $0xb8;
	[tilespmem:$0x15B50] =	vst v63  }
0x26f: {  	s18 =	simm.s32 $0x380;
	s21 =	simm.s32 $0x5000  }
0x270: {  	[tilespmem:s21], [sflag:$0x8] =	stream.indirect.gather [hbm4b:s22+s28], $0x10, s18, s28, $0xb8;
	[tilespmem:$0x15B50] =	vst v63  }
0x271: {  	s23 =	rddreg [dreg:$0xe];
	s25 =	simm.s32 $0xC00  }
0x272: {  	[tilespmem:s25], [sflag:$0x11] =	stream.linear.gather [hbm4b:s23+s5], $0x400, $0x38;
	[tilespmem:$0x15B50] =	vst v63  }
0x273: {  	s26 =	rddreg [dreg:$0xf]  }
0x274: {  	[tilespmem:s29], [sflag:$0x11] =	stream.linear.gather [hbm4b:s26+s5], $0x400, $0x38;
	[tilespmem:$0x15B50] =	vst v63  }
0x275: {  	s31 =	rddreg [dreg:$0x10];
	s21 =	simm.s32 $0x1880  }
0x276: {  	[tilespmem:s30], [sflag:$0x11] =	stream.linear.gather [hbm4b:s31+s5], $0x400, $0x38;
	[tilespmem:$0x15B50] =	vst v63  }
.LBB2_20:
0x277: {  	v0 =	vmov s6  }
0x278: {  	s18 =	sadd.s32 $0x1, s5  }
0x279: {  	_ =	swait.ge [sflag:s18], $0x800  }
0x27a: {  	[sflag:s18] =	ssyncset.done $0x0  }
0x27b: {  	s0 =	simm.s32 $0x0;
	[sflag:s18] =	ssyncadd.s32 $0xFFFFF800  }
0x27c: {  	v1 =	vld.idx.msk [tilespmem:v0+s0+$0x0 ss:$0x1], $0xffff;
	_ =	sdelay $0x1  }
0x27d: {  	v2 =	vld [tilespmem:s21+$0xFFFFFF80]  }
0x27e: {  	v3 =	vld [tilespmem:s21+$0xFFFFFF90]  }
0x27f: {  	v4 =	vld [tilespmem:s21+$0xFFFFFFA0]  }
0x280: {  	v5 =	vld [tilespmem:s21+$0xFFFFFFB0];
	v6 =	vbroadcast v1, $0x0  }
0x281: {  	v9 =	vld [tilespmem:s21+$0xFFFFFFD0];
	v7 =	vbroadcast v1, $0x1  }
0x282: {  	v8 =	vld [tilespmem:s21+$0xFFFFFFC0];
	v10 =	vbroadcast v1, $0x2;
	v2 =	vmul.f32 v6, v2  }
0x283: {  	v49 =	vld [tilespmem:s21+$0xFFFFFFE0];
	v48 =	vbroadcast v1, $0x3;
	v3 =	vmul.f32 v3, v7  }
0x284: {  	v51 =	vld [tilespmem:s21+$0x10];
	v50 =	vbroadcast v1, $0x5;
	v4 =	vmul.f32 v4, v10;
	[tilespmem:s21+$0xFFFFFF80] =	vst v2  }
0x285: {  	v11 =	vld [tilespmem:s21+$0xFFFFFFF0];
	v5 =	vmul.f32 v5, v48;
	v2 =	vbroadcast v1, $0x4;
	[tilespmem:s21+$0xFFFFFF90] =	vst v3  }
0x286: {  	v12 =	vbroadcast v1, $0x6;
	v6 =	vmul.f32 v9, v50;
	v3 =	vld [tilespmem:s21+$0x0];
	[tilespmem:s21+$0xFFFFFFA0] =	vst v4  }
0x287: {  	v57 =	vld [tilespmem:s21+$0x50];
	v55 =	vbroadcast v1, $0x9;
	[tilespmem:s21+$0xFFFFFFB0] =	vst v5;
	v2 =	vmul.f32 v8, v2  }
0x288: {  	v53 =	vld [tilespmem:s21+$0x20];
	v52 =	vbroadcast v1, $0x7;
	v7 =	vmul.f32 v49, v12;
	[tilespmem:s21+$0xFFFFFFD0] =	vst v6  }
0x289: {  	v54 =	vld [tilespmem:s21+$0x30];
	v59 =	vmul.f32 v51, v55;
	[tilespmem:s21+$0xFFFFFFC0] =	vst v2;
	v2 =	vbroadcast v1, $0x8  }
0x28a: {  	v56 =	vld [tilespmem:s21+$0x40];
	v62 =	vbroadcast v1, $0xD;
	v4 =	vmul.f32 v11, v52;
	[tilespmem:s21+$0xFFFFFFE0] =	vst v7  }
0x28b: {  	v60 =	vld [tilespmem:s21+$0x60];
	v58 =	vbroadcast v1, $0xA;
	[tilespmem:s21+$0x10] =	vst v59;
	v2 =	vmul.f32 v3, v2  }
0x28c: {  	v61 =	vld [tilespmem:s21+$0x70];
	v5 =	vmul.f32 v57, v62;
	[tilespmem:s21+$0xFFFFFFF0] =	vst v4;
	v3 =	vbroadcast v1, $0xB  }
0x28d: {  	v8 =	vmul.f32 v53, v58;
	[tilespmem:s21+$0x0] =	vst v2;
	v2 =	vbroadcast v1, $0xC  }
0x28e: {  	v63 =	vbroadcast v1, $0xE;
	[tilespmem:s21+$0x50] =	vst v5;
	v3 =	vmul.f32 v54, v3  }
0x28f: {  	[tilespmem:s21+$0x20] =	vst v8;
	v1 =	vbroadcast v1, $0xF;
	v2 =	vmul.f32 v56, v2  }
0x290: {  	[tilespmem:s21+$0x30] =	vst v3;
	v3 =	vmul.f32 v60, v63  }
0x291: {  	v1 =	vmul.f32 v61, v1;
	[tilespmem:s21+$0x40] =	vst v2  }
0x292: {  	[tilespmem:s21+$0x60] =	vst v3  }
0x293: {  	s2 =	simm.s32 $0x10;
	s23 =	smov.u32 s21;
	s0 =	simm.s32 $0x80;
	[tilespmem:s21+$0x70] =	vst v1  }
.LBB2_21:
0x294: {  	p1 =	sne.s32 s0, $0x1C0;
	v1 =	vld.idx.msk [tilespmem:v0+s2+$0x0 ss:$0x1], $0xffff;
	s23 =	sadd.s32 $0x100, s23  }
0x295: {  	v2 =	vld [tilespmem:s23+$0xFFFFFFB0]  }
0x296: {  	v3 =	vld [tilespmem:s23+$0xFFFFFF90]  }
0x297: {  	v4 =	vld [tilespmem:s23+$0xFFFFFF80]  }
0x298: {  	v5 =	vld [tilespmem:s23+$0xFFFFFFA0]  }
0x299: {  	v6 =	vld [tilespmem:s23+$0xFFFFFFF0]  }
0x29a: {  	v7 =	vbroadcast v1, $0x0;
	v8 =	vbroadcast v1, $0x1;
	v9 =	vld [tilespmem:s23+$0xFFFFFFD0]  }
0x29b: {  	v10 =	vbroadcast v1, $0x2;
	v11 =	vbroadcast v1, $0x3;
	v12 =	vld [tilespmem:s23+$0xFFFFFFC0]  }
0x29c: {  	v3 =	vmul.f32 v3, v8;
	v4 =	vmul.f32 v7, v4;
	v7 =	vld [tilespmem:s23+$0xFFFFFFE0]  }
0x29d: {  	v2 =	vmul.f32 v2, v11;
	v5 =	vmul.f32 v5, v10;
	v8 =	vld [tilespmem:s23+$0x30]  }
0x29e: {  	v10 =	vbroadcast v1, $0x5;
	[tilespmem:s23+$0xFFFFFF80] =	vst v4;
	v4 =	vbroadcast v1, $0x4;
	v11 =	vld [tilespmem:s23+$0x10]  }
0x29f: {  	v13 =	vbroadcast v1, $0x7;
	[tilespmem:s23+$0xFFFFFF90] =	vst v3;
	v3 =	vbroadcast v1, $0x6;
	v14 =	vld [tilespmem:s23+$0x0]  }
0x2a0: {  	[tilespmem:s23+$0xFFFFFFA0] =	vst v5;
	v4 =	vmul.f32 v12, v4;
	v5 =	vmul.f32 v9, v10;
	v9 =	vld [tilespmem:s23+$0x20]  }
0x2a1: {  	[tilespmem:s23+$0xFFFFFFB0] =	vst v2;
	v2 =	vmul.f32 v7, v3;
	v3 =	vmul.f32 v6, v13;
	v6 =	vld [tilespmem:s23+$0x70]  }
0x2a2: {  	v7 =	vbroadcast v1, $0x9;
	[tilespmem:s23+$0xFFFFFFC0] =	vst v4;
	v4 =	vbroadcast v1, $0x8;
	v10 =	vld [tilespmem:s23+$0x50]  }
0x2a3: {  	v12 =	vbroadcast v1, $0xB;
	[tilespmem:s23+$0xFFFFFFD0] =	vst v5;
	v5 =	vbroadcast v1, $0xA;
	v13 =	vld [tilespmem:s23+$0x40]  }
0x2a4: {  	[tilespmem:s23+$0xFFFFFFE0] =	vst v2;
	v2 =	vmul.f32 v14, v4;
	v4 =	vmul.f32 v11, v7;
	v7 =	vld [tilespmem:s23+$0x60]  }
0x2a5: {  	[tilespmem:s23+$0xFFFFFFF0] =	vst v3;
	v3 =	vmul.f32 v9, v5;
	v5 =	vmul.f32 v8, v12  }
0x2a6: {  	v8 =	vbroadcast v1, $0xD;
	[tilespmem:s23+$0x0] =	vst v2;
	v2 =	vbroadcast v1, $0xC  }
0x2a7: {  	[tilespmem:s23+$0x10] =	vst v4;
	v4 =	vbroadcast v1, $0xE;
	v1 =	vbroadcast v1, $0xF  }
0x2a8: {  	[tilespmem:s23+$0x20] =	vst v3;
	v2 =	vmul.f32 v13, v2;
	v3 =	vmul.f32 v10, v8  }
.Ltmp9:
0x2a9: {  	[tilespmem:s23+$0x30] =	vst v5;
	v4 =	vmul.f32 v7, v4;
	v1 =	vmul.f32 v6, v1;
	(pc) =	sbr.rel @p1 .LBB2_21-.Ltmp9, $4  }
0x2aa: {  	[tilespmem:s23+$0x40] =	vst v2  }
0x2ab: {  	[tilespmem:s23+$0x50] =	vst v3  }
0x2ac: {  	[tilespmem:s23+$0x60] =	vst v4  }
0x2ad: {  	s2 =	sshra.s32 s0, $0x2;
	s0 =	sadd.s32 $0x40, s0;
	[tilespmem:s23+$0x70] =	vst v1  }
0x2ae: {  	_ =	sdelay $0x3  }
0x2af: {  	v0 =	vld.idx.msk [tilespmem:v0+s2+$0x0 ss:$0x1], $0xffff;
	_ =	sdelay $0x3  }
0x2b0: {  	s0 =	sadd.s32 $0x100, s23  }
0x2b1: {  	v1 =	vld [tilespmem:s0+$0xFFFFFF80];
	v5 =	vbroadcast v0, $0x0  }
0x2b2: {  	v2 =	vld [tilespmem:s0+$0xFFFFFF90];
	v6 =	vbroadcast v0, $0x1;
	v9 =	vbroadcast v0, $0x2  }
0x2b3: {  	v3 =	vld [tilespmem:s0+$0xFFFFFFA0];
	v42 =	vbroadcast v0, $0x3;
	v44 =	vbroadcast v0, $0x4  }
0x2b4: {  	v4 =	vld [tilespmem:s0+$0xFFFFFFB0];
	v45 =	vbroadcast v0, $0x5;
	v11 =	vbroadcast v0, $0x6  }
0x2b5: {  	v8 =	vld [tilespmem:s0+$0xFFFFFFD0];
	v48 =	vbroadcast v0, $0x7;
	v51 =	vbroadcast v0, $0x8  }
0x2b6: {  	v43 =	vld [tilespmem:s0+$0xFFFFFFE0];
	v52 =	vbroadcast v0, $0x9;
	v1 =	vmul.f32 v5, v1  }
0x2b7: {  	v47 =	vld [tilespmem:s0+$0x10];
	v55 =	vbroadcast v0, $0xA;
	v2 =	vmul.f32 v2, v6  }
0x2b8: {  	v58 =	vld [tilespmem:s0+$0x60];
	v56 =	vbroadcast v0, $0xB;
	v3 =	vmul.f32 v3, v9;
	[tilespmem:s0+$0xFFFFFF80] =	vst v1  }
0x2b9: {  	v59 =	vld [tilespmem:s0+$0x70];
	v60 =	vbroadcast v0, $0xC;
	v4 =	vmul.f32 v4, v42;
	[tilespmem:s0+$0xFFFFFF90] =	vst v2  }
0x2ba: {  	v7 =	vld [tilespmem:s0+$0xFFFFFFC0];
	v61 =	vbroadcast v0, $0xD;
	v5 =	vmul.f32 v8, v45;
	[tilespmem:s0+$0xFFFFFFA0] =	vst v3  }
0x2bb: {  	v10 =	vld [tilespmem:s0+$0xFFFFFFF0];
	v62 =	vbroadcast v0, $0xE;
	v6 =	vmul.f32 v43, v11;
	[tilespmem:s0+$0xFFFFFFB0] =	vst v4  }
0x2bc: {  	v49 =	vld [tilespmem:s0+$0x20];
	v0 =	vbroadcast v0, $0xF;
	v57 =	vmul.f32 v47, v52;
	[tilespmem:s0+$0xFFFFFFD0] =	vst v5  }
0x2bd: {  	v50 =	vld [tilespmem:s0+$0x30];
	v63 =	vmul.f32 v58, v62;
	[tilespmem:s0+$0xFFFFFFE0] =	vst v6  }
0x2be: {  	v46 =	vld [tilespmem:s0+$0x0];
	v0 =	vmul.f32 v59, v0;
	[tilespmem:s0+$0x10] =	vst v57  }
0x2bf: {  	v54 =	vld [tilespmem:s0+$0x50];
	v1 =	vmul.f32 v7, v44;
	[tilespmem:s0+$0x60] =	vst v63  }
0x2c0: {  	v53 =	vld [tilespmem:s0+$0x40];
	v3 =	vmul.f32 v10, v48;
	[tilespmem:s0+$0x70] =	vst v0  }
0x2c1: {  	v7 =	vmul.f32 v49, v55;
	[tilespmem:s0+$0xFFFFFFC0] =	vst v1  }
0x2c2: {  	v2 =	vmul.f32 v50, v56;
	[tilespmem:s0+$0xFFFFFFF0] =	vst v3  }
0x2c3: {  	v1 =	vmul.f32 v46, v51;
	[tilespmem:s0+$0x20] =	vst v7  }
0x2c4: {  	s26 =	sshll.u32 s5, $0xB;
	p1 =	seq.s32 s5, $0x0;
	v4 =	vmul.f32 v54, v61;
	[tilespmem:s0+$0x30] =	vst v2  }
0x2c5: {  	s31 =	sshll.u32 s5, $0x7;
	s2 =	sand.u32 $0x3FFFF800, s26;
	p2 =	sne.s32 @!p1 s5, $0x1;
	[tilespmem:s0+$0x0] =	vst v1;
	v1 =	vmul.f32 v53, v60  }
0x2c6: {  	s23 =	sand.u32 $0x3FFFFF80, s31;
	s31 =	sadd.s32 $0x9, s5;
	p2 =	por p2, p1;
	[tilespmem:s0+$0x50] =	vst v4  }
0x2c7: {  	s25 =	sadd.s32 $0x1800, s2;
	s26 =	sadd.s32 $0x400, s23;
	[tilespmem:s0+$0x40] =	vst v1;
	s0 =	simm.s32 @!p2 $0x11  }
0x2c8: {  	[spmem:s4] =	stream.indirect.scatter.add.f32 [tilespmem:s25], [sflag:s31], $0x10, s26, s28, $0xb8;
	[tilespmem:$0x15B50] =	vst v63  }
0x2c9: {  	_ =	swait.ge @!p2 [sflag:s0], $0x400  }
0x2ca: {  	[sflag:s0] =	ssyncset.done @!p2 $0x0  }
0x2cb: {  	[sflag:s0] =	ssyncadd.s32 @!p2 $0xFFFFFC00  }
0x2cc: {  	_ =	swait.ge @!p2 [sflag:s0], $0x400  }
0x2cd: {  	[sflag:s0] =	ssyncset.done @!p2 $0x0  }
0x2ce: {  	[sflag:s0] =	ssyncadd.s32 @!p2 $0xFFFFFC00  }
0x2cf: {  	_ =	swait.ge @!p2 [sflag:s0], $0x400  }
0x2d0: {  	s2 =	sadd.s32 @!p1 $0xFFFFFFFF, s5;
	[sflag:s0] =	ssyncset.done @!p2 $0x0  }
0x2d1: {  	[sflag:s0] =	ssyncadd.s32 @!p2 $0xFFFFFC00;
	s0 =	sshll.u32 @!p1 s2, $0xB;
	s2 =	sshll.u32 @!p1 s2, $0x7  }
0x2d2: {  	s0 =	sand.u32 @!p1 $0x3FFFF800, s0;
	s2 =	sand.u32 @!p1 $0x3FFFFF80, s2  }
0x2d3: {  	s23 =	simm.s32 @!p1 $0x80;
	s0 =	sadd.s32 @!p1 $0x5800, s0;
	s2 =	sadd.s32 @!p1 $0xC00, s2  }
0x2d4: {  	[tilespmem:s0], [sflag:s5] =	stream.indirect.gather @!p1 [hbm4b:s22+s23], $0x10, s2, s23, $0xb8;
	[tilespmem:$0x15B50] =	vst v63  }
0x2d5: {  	p1 =	sne.s32 s18, $0x8  }
.Ltmp10:
0x2d6: {  	_ = 	snop;
	(pc) =	sbr.rel @p1 .LBB2_20-.Ltmp10, $2  }
0x2d7: {  	_ =	sdelay $0x2  }
0x2d8: {  	s6 =	sadd.s32 $0x80, s6;
	s21 =	sadd.s32 $0x800, s21;
	s5 =	smov.u32 s18  }
0x2d9: {  	[tilespmem:s10], [sflag:$0x8] =	stream.indirect.gather [hbm4b:s22+s28], $0x10, s8, s28, $0xb8;
	[tilespmem:$0x15B50] =	vst v63  }
0x2da: {  	s23 =	simm.s32 $0x0;
	s6 =	simm.s32 $0x0  }
.LBB2_24:
0x2db: {  	_ =	swait.ge [sflag:s24], $0x800  }
0x2dc: {  	[sflag:s24] =	ssyncset.done $0x0  }
0x2dd: {  	[sflag:s24] =	ssyncadd.s32 $0xFFFFF800  }
0x2de: {  	_ =	swait.ge [sflag:s9], $0x800  }
0x2df: {  	[sflag:s9] =	ssyncset.done $0x0  }
0x2e0: {  	[sflag:s9] =	ssyncadd.s32 $0xFFFFF800  }
0x2e1: {  	_ =	swait.ge [sflag:s11], $0x800  }
0x2e2: {  	[sflag:s11] =	ssyncset.done $0x0  }
0x2e3: {  	[sflag:s11] =	ssyncadd.s32 $0xFFFFF800  }
0x2e4: {  	_ =	swait.ge [sflag:s12], $0x800  }
0x2e5: {  	[sflag:s12] =	ssyncset.done $0x0  }
0x2e6: {  	[sflag:s12] =	ssyncadd.s32 $0xFFFFF800  }
0x2e7: {  	_ =	swait.ge [sflag:s13], $0x800  }
0x2e8: {  	[sflag:s13] =	ssyncset.done $0x0  }
0x2e9: {  	[sflag:s13] =	ssyncadd.s32 $0xFFFFF800  }
0x2ea: {  	_ =	swait.ge [sflag:s14], $0x800  }
0x2eb: {  	[sflag:s14] =	ssyncset.done $0x0  }
0x2ec: {  	[sflag:s14] =	ssyncadd.s32 $0xFFFFF800  }
0x2ed: {  	_ =	swait.ge [sflag:s16], $0x800  }
0x2ee: {  	[sflag:s16] =	ssyncset.done $0x0  }
0x2ef: {  	s5 =	sshll.u32 s6, $0xB;
	[sflag:s16] =	ssyncadd.s32 $0xFFFFF800  }
0x2f0: {  	s0 =	sadd.s32 s5, s19;
	_ =	swait.ge [sflag:s17], $0x800  }
0x2f1: {  	s0 =	sshrl.u32 s0, $0x3;
	[sflag:s17] =	ssyncset.done $0x0  }
0x2f2: {  	s18 =	simm.s32 $0x400;
	s2 =	sadd.s32 s1, s0;
	[sflag:s17] =	ssyncadd.s32 $0xFFFFF800  }
0x2f3: {  	[tilespmem:s23], [sflag:$0x11] =	stream.linear.gather [hbm4b:s2+s23], $0x400, $0x38;
	[tilespmem:$0x15B50] =	vst v63  }
0x2f4: {  	s31 =	simm.s32 $0x800;
	s21 =	simm.s32 $0x1400;
	s26 =	sadd.s32 s3, s0  }
0x2f5: {  	[tilespmem:s18], [sflag:$0x11] =	stream.linear.gather [hbm4b:s26+s23], $0x400, $0x38;
	[tilespmem:$0x15B50] =	vst v63  }
0x2f6: {  	s25 =	simm.s32 $0x5880;
	s0 =	sadd.s32 s7, s0;
	s18 =	simm.s32 $0x0  }
0x2f7: {  	[tilespmem:s31], [sflag:$0x11] =	stream.linear.gather [hbm4b:s0+s23], $0x400, $0x38;
	[tilespmem:$0x15B50] =	vst v63  }
.LBB2_25:
0x2f8: {  	v0 =	vmov s21  }
0x2f9: {  	s26 =	sadd.s32 $0x1, s18  }
0x2fa: {  	_ =	swait.ge [sflag:s26], $0x800  }
0x2fb: {  	[sflag:s26] =	ssyncset.done $0x0  }
0x2fc: {  	s0 =	simm.s32 $0x0;
	[sflag:s26] =	ssyncadd.s32 $0xFFFFF800  }
0x2fd: {  	v1 =	vld.idx.msk [tilespmem:v0+s0+$0x0 ss:$0x1], $0xffff;
	_ =	sdelay $0x1  }
0x2fe: {  	v2 =	vld [tilespmem:s25+$0xFFFFFF80]  }
0x2ff: {  	v3 =	vld [tilespmem:s25+$0xFFFFFF90]  }
0x300: {  	v4 =	vld [tilespmem:s25+$0xFFFFFFA0]  }
0x301: {  	v5 =	vld [tilespmem:s25+$0xFFFFFFB0];
	v6 =	vbroadcast v1, $0x0  }
0x302: {  	v9 =	vld [tilespmem:s25+$0xFFFFFFD0];
	v7 =	vbroadcast v1, $0x1  }
0x303: {  	v8 =	vld [tilespmem:s25+$0xFFFFFFC0];
	v10 =	vbroadcast v1, $0x2;
	v2 =	vmul.f32 v6, v2  }
0x304: {  	v49 =	vld [tilespmem:s25+$0xFFFFFFE0];
	v48 =	vbroadcast v1, $0x3;
	v3 =	vmul.f32 v3, v7  }
0x305: {  	v51 =	vld [tilespmem:s25+$0x10];
	v50 =	vbroadcast v1, $0x5;
	v4 =	vmul.f32 v4, v10;
	[tilespmem:s25+$0xFFFFFF80] =	vst v2  }
0x306: {  	v11 =	vld [tilespmem:s25+$0xFFFFFFF0];
	v5 =	vmul.f32 v5, v48;
	v2 =	vbroadcast v1, $0x4;
	[tilespmem:s25+$0xFFFFFF90] =	vst v3  }
0x307: {  	v12 =	vbroadcast v1, $0x6;
	v6 =	vmul.f32 v9, v50;
	v3 =	vld [tilespmem:s25+$0x0];
	[tilespmem:s25+$0xFFFFFFA0] =	vst v4  }
0x308: {  	v57 =	vld [tilespmem:s25+$0x50];
	v55 =	vbroadcast v1, $0x9;
	[tilespmem:s25+$0xFFFFFFB0] =	vst v5;
	v2 =	vmul.f32 v8, v2  }
0x309: {  	v53 =	vld [tilespmem:s25+$0x20];
	v52 =	vbroadcast v1, $0x7;
	v7 =	vmul.f32 v49, v12;
	[tilespmem:s25+$0xFFFFFFD0] =	vst v6  }
0x30a: {  	v54 =	vld [tilespmem:s25+$0x30];
	v59 =	vmul.f32 v51, v55;
	[tilespmem:s25+$0xFFFFFFC0] =	vst v2;
	v2 =	vbroadcast v1, $0x8  }
0x30b: {  	v56 =	vld [tilespmem:s25+$0x40];
	v62 =	vbroadcast v1, $0xD;
	v4 =	vmul.f32 v11, v52;
	[tilespmem:s25+$0xFFFFFFE0] =	vst v7  }
0x30c: {  	v60 =	vld [tilespmem:s25+$0x60];
	v58 =	vbroadcast v1, $0xA;
	[tilespmem:s25+$0x10] =	vst v59;
	v2 =	vmul.f32 v3, v2  }
0x30d: {  	v61 =	vld [tilespmem:s25+$0x70];
	v5 =	vmul.f32 v57, v62;
	[tilespmem:s25+$0xFFFFFFF0] =	vst v4;
	v3 =	vbroadcast v1, $0xB  }
0x30e: {  	v8 =	vmul.f32 v53, v58;
	[tilespmem:s25+$0x0] =	vst v2;
	v2 =	vbroadcast v1, $0xC  }
0x30f: {  	v63 =	vbroadcast v1, $0xE;
	[tilespmem:s25+$0x50] =	vst v5;
	v3 =	vmul.f32 v54, v3  }
0x310: {  	[tilespmem:s25+$0x20] =	vst v8;
	v1 =	vbroadcast v1, $0xF;
	v2 =	vmul.f32 v56, v2  }
0x311: {  	[tilespmem:s25+$0x30] =	vst v3;
	v3 =	vmul.f32 v60, v63  }
0x312: {  	v1 =	vmul.f32 v61, v1;
	[tilespmem:s25+$0x40] =	vst v2  }
0x313: {  	[tilespmem:s25+$0x60] =	vst v3  }
0x314: {  	s2 =	simm.s32 $0x10;
	s31 =	smov.u32 s25;
	s0 =	simm.s32 $0x80;
	[tilespmem:s25+$0x70] =	vst v1  }
.LBB2_26:
0x315: {  	p1 =	sne.s32 s0, $0x1C0;
	v1 =	vld.idx.msk [tilespmem:v0+s2+$0x0 ss:$0x1], $0xffff;
	s31 =	sadd.s32 $0x100, s31  }
0x316: {  	v2 =	vld [tilespmem:s31+$0xFFFFFFB0]  }
0x317: {  	v3 =	vld [tilespmem:s31+$0xFFFFFF90]  }
0x318: {  	v4 =	vld [tilespmem:s31+$0xFFFFFF80]  }
0x319: {  	v5 =	vld [tilespmem:s31+$0xFFFFFFA0]  }
0x31a: {  	v6 =	vld [tilespmem:s31+$0xFFFFFFF0]  }
0x31b: {  	v7 =	vbroadcast v1, $0x0;
	v8 =	vbroadcast v1, $0x1;
	v9 =	vld [tilespmem:s31+$0xFFFFFFD0]  }
0x31c: {  	v10 =	vbroadcast v1, $0x2;
	v11 =	vbroadcast v1, $0x3;
	v12 =	vld [tilespmem:s31+$0xFFFFFFC0]  }
0x31d: {  	v3 =	vmul.f32 v3, v8;
	v4 =	vmul.f32 v7, v4;
	v7 =	vld [tilespmem:s31+$0xFFFFFFE0]  }
0x31e: {  	v2 =	vmul.f32 v2, v11;
	v5 =	vmul.f32 v5, v10;
	v8 =	vld [tilespmem:s31+$0x30]  }
0x31f: {  	v10 =	vbroadcast v1, $0x5;
	[tilespmem:s31+$0xFFFFFF80] =	vst v4;
	v4 =	vbroadcast v1, $0x4;
	v11 =	vld [tilespmem:s31+$0x10]  }
0x320: {  	v13 =	vbroadcast v1, $0x7;
	[tilespmem:s31+$0xFFFFFF90] =	vst v3;
	v3 =	vbroadcast v1, $0x6;
	v14 =	vld [tilespmem:s31+$0x0]  }
0x321: {  	[tilespmem:s31+$0xFFFFFFA0] =	vst v5;
	v4 =	vmul.f32 v12, v4;
	v5 =	vmul.f32 v9, v10;
	v9 =	vld [tilespmem:s31+$0x20]  }
0x322: {  	[tilespmem:s31+$0xFFFFFFB0] =	vst v2;
	v2 =	vmul.f32 v7, v3;
	v3 =	vmul.f32 v6, v13;
	v6 =	vld [tilespmem:s31+$0x70]  }
0x323: {  	v7 =	vbroadcast v1, $0x9;
	[tilespmem:s31+$0xFFFFFFC0] =	vst v4;
	v4 =	vbroadcast v1, $0x8;
	v10 =	vld [tilespmem:s31+$0x50]  }
0x324: {  	v12 =	vbroadcast v1, $0xB;
	[tilespmem:s31+$0xFFFFFFD0] =	vst v5;
	v5 =	vbroadcast v1, $0xA;
	v13 =	vld [tilespmem:s31+$0x40]  }
0x325: {  	[tilespmem:s31+$0xFFFFFFE0] =	vst v2;
	v2 =	vmul.f32 v14, v4;
	v4 =	vmul.f32 v11, v7;
	v7 =	vld [tilespmem:s31+$0x60]  }
0x326: {  	[tilespmem:s31+$0xFFFFFFF0] =	vst v3;
	v3 =	vmul.f32 v9, v5;
	v5 =	vmul.f32 v8, v12  }
0x327: {  	v8 =	vbroadcast v1, $0xD;
	[tilespmem:s31+$0x0] =	vst v2;
	v2 =	vbroadcast v1, $0xC  }
0x328: {  	[tilespmem:s31+$0x10] =	vst v4;
	v4 =	vbroadcast v1, $0xE;
	v1 =	vbroadcast v1, $0xF  }
0x329: {  	[tilespmem:s31+$0x20] =	vst v3;
	v2 =	vmul.f32 v13, v2;
	v3 =	vmul.f32 v10, v8  }
.Ltmp11:
0x32a: {  	[tilespmem:s31+$0x30] =	vst v5;
	v4 =	vmul.f32 v7, v4;
	v1 =	vmul.f32 v6, v1;
	(pc) =	sbr.rel @p1 .LBB2_26-.Ltmp11, $4  }
0x32b: {  	[tilespmem:s31+$0x40] =	vst v2  }
0x32c: {  	[tilespmem:s31+$0x50] =	vst v3  }
0x32d: {  	[tilespmem:s31+$0x60] =	vst v4  }
0x32e: {  	s2 =	sshra.s32 s0, $0x2;
	s0 =	sadd.s32 $0x40, s0;
	[tilespmem:s31+$0x70] =	vst v1  }
0x32f: {  	_ =	sdelay $0x3  }
0x330: {  	v0 =	vld.idx.msk [tilespmem:v0+s2+$0x0 ss:$0x1], $0xffff;
	_ =	sdelay $0x3  }
0x331: {  	s0 =	sadd.s32 $0x100, s31  }
0x332: {  	v1 =	vld [tilespmem:s0+$0xFFFFFF80];
	v5 =	vbroadcast v0, $0x0  }
0x333: {  	v2 =	vld [tilespmem:s0+$0xFFFFFF90];
	v6 =	vbroadcast v0, $0x1;
	v9 =	vbroadcast v0, $0x2  }
0x334: {  	v3 =	vld [tilespmem:s0+$0xFFFFFFA0];
	v42 =	vbroadcast v0, $0x3;
	v44 =	vbroadcast v0, $0x4  }
0x335: {  	v4 =	vld [tilespmem:s0+$0xFFFFFFB0];
	v45 =	vbroadcast v0, $0x5;
	v11 =	vbroadcast v0, $0x6  }
0x336: {  	v8 =	vld [tilespmem:s0+$0xFFFFFFD0];
	v48 =	vbroadcast v0, $0x7;
	v51 =	vbroadcast v0, $0x8  }
0x337: {  	v43 =	vld [tilespmem:s0+$0xFFFFFFE0];
	v52 =	vbroadcast v0, $0x9;
	v1 =	vmul.f32 v5, v1  }
0x338: {  	v47 =	vld [tilespmem:s0+$0x10];
	v55 =	vbroadcast v0, $0xA;
	v2 =	vmul.f32 v2, v6  }
0x339: {  	v58 =	vld [tilespmem:s0+$0x60];
	v56 =	vbroadcast v0, $0xB;
	v3 =	vmul.f32 v3, v9;
	[tilespmem:s0+$0xFFFFFF80] =	vst v1  }
0x33a: {  	v59 =	vld [tilespmem:s0+$0x70];
	v60 =	vbroadcast v0, $0xC;
	v4 =	vmul.f32 v4, v42;
	[tilespmem:s0+$0xFFFFFF90] =	vst v2  }
0x33b: {  	v7 =	vld [tilespmem:s0+$0xFFFFFFC0];
	v61 =	vbroadcast v0, $0xD;
	v5 =	vmul.f32 v8, v45;
	[tilespmem:s0+$0xFFFFFFA0] =	vst v3  }
0x33c: {  	v10 =	vld [tilespmem:s0+$0xFFFFFFF0];
	v62 =	vbroadcast v0, $0xE;
	v6 =	vmul.f32 v43, v11;
	[tilespmem:s0+$0xFFFFFFB0] =	vst v4  }
0x33d: {  	v49 =	vld [tilespmem:s0+$0x20];
	v0 =	vbroadcast v0, $0xF;
	v57 =	vmul.f32 v47, v52;
	[tilespmem:s0+$0xFFFFFFD0] =	vst v5  }
0x33e: {  	v50 =	vld [tilespmem:s0+$0x30];
	v63 =	vmul.f32 v58, v62;
	[tilespmem:s0+$0xFFFFFFE0] =	vst v6  }
0x33f: {  	v46 =	vld [tilespmem:s0+$0x0];
	v0 =	vmul.f32 v59, v0;
	[tilespmem:s0+$0x10] =	vst v57  }
0x340: {  	v54 =	vld [tilespmem:s0+$0x50];
	v1 =	vmul.f32 v7, v44;
	[tilespmem:s0+$0x60] =	vst v63  }
0x341: {  	v53 =	vld [tilespmem:s0+$0x40];
	v3 =	vmul.f32 v10, v48;
	[tilespmem:s0+$0x70] =	vst v0  }
0x342: {  	v7 =	vmul.f32 v49, v55;
	[tilespmem:s0+$0xFFFFFFC0] =	vst v1  }
0x343: {  	v2 =	vmul.f32 v50, v56;
	[tilespmem:s0+$0xFFFFFFF0] =	vst v3  }
0x344: {  	v1 =	vmul.f32 v46, v51;
	[tilespmem:s0+$0x20] =	vst v7  }
0x345: {  	p1 =	seq.s32 s18, $0x0;
	v4 =	vmul.f32 v54, v61;
	[tilespmem:s0+$0x30] =	vst v2  }
0x346: {  	s2 =	sshll.u32 s18, $0xB;
	s31 =	sshll.u32 s18, $0x7;
	p2 =	sne.s32 @!p1 s18, $0x1;
	[tilespmem:s0+$0x0] =	vst v1;
	v1 =	vmul.f32 v53, v60  }
0x347: {  	s2 =	sand.u32 $0x3FFFF800, s2;
	s31 =	sand.u32 $0x3FFFFF80, s31;
	p2 =	por p2, p1;
	[tilespmem:s0+$0x50] =	vst v4  }
0x348: {  	[tilespmem:s0+$0x40] =	vst v1;
	s0 =	sadd.s32 $0x5800, s2;
	s2 =	sadd.s32 $0x1000, s31;
	s31 =	sadd.s32 $0x9, s18  }
0x349: {  	[spmem:s4] =	stream.indirect.scatter.add.f32 [tilespmem:s0], [sflag:s31], $0x10, s2, s28, $0xb8;
	[tilespmem:$0x15B50] =	vst v63  }
0x34a: {  	s0 =	simm.s32 @!p2 $0x11  }
0x34b: {  	_ =	swait.ge @!p2 [sflag:s0], $0x400  }
0x34c: {  	[sflag:s0] =	ssyncset.done @!p2 $0x0  }
0x34d: {  	[sflag:s0] =	ssyncadd.s32 @!p2 $0xFFFFFC00  }
0x34e: {  	_ =	swait.ge @!p2 [sflag:s0], $0x400  }
0x34f: {  	[sflag:s0] =	ssyncset.done @!p2 $0x0  }
0x350: {  	[sflag:s0] =	ssyncadd.s32 @!p2 $0xFFFFFC00  }
0x351: {  	s2 =	sadd.s32 @!p1 $0xFFFFFFFF, s18;
	_ =	swait.ge @!p2 [sflag:s0], $0x400  }
0x352: {  	s31 =	sshll.u32 @!p1 s2, $0xB;
	[sflag:s0] =	ssyncset.done @!p2 $0x0  }
0x353: {  	s2 =	sshll.u32 @!p1 s2, $0x7;
	[sflag:s0] =	ssyncadd.s32 @!p2 $0xFFFFFC00;
	s0 =	sand.u32 @!p1 $0x3FFFF800, s31  }
0x354: {  	s2 =	sand.u32 @!p1 $0x3FFFFF80, s2;
	s31 =	simm.s32 @!p1 $0x80;
	s0 =	sadd.s32 @!p1 $0x1800, s0  }
0x355: {  	[tilespmem:s0], [sflag:s18] =	stream.indirect.gather @!p1 [hbm4b:s22+s31], $0x10, s2, s31, $0xb8;
	[tilespmem:$0x15B50] =	vst v63  }
0x356: {  	p1 =	sne.s32 s26, $0x8  }
.Ltmp12:
0x357: {  	_ = 	snop;
	(pc) =	sbr.rel @p1 .LBB2_25-.Ltmp12, $2  }
0x358: {  	_ =	sdelay $0x2  }
0x359: {  	s21 =	sadd.s32 $0x80, s21;
	s25 =	sadd.s32 $0x800, s25;
	s18 =	smov.u32 s26  }
0x35a: {  	s0 =	simm.s32 $0x380;
	s2 =	simm.s32 $0x5000  }
0x35b: {  	[tilespmem:s2], [sflag:$0x8] =	stream.indirect.gather [hbm4b:s22+s28], $0x10, s0, s28, $0xb8;
	[tilespmem:$0x15B50] =	vst v63  }
0x35c: {  	_ =	swait.ge [sflag:s24], $0x800  }
0x35d: {  	[sflag:s24] =	ssyncset.done $0x0  }
0x35e: {  	[sflag:s24] =	ssyncadd.s32 $0xFFFFF800  }
0x35f: {  	_ =	swait.ge [sflag:s9], $0x800  }
0x360: {  	[sflag:s9] =	ssyncset.done $0x0  }
0x361: {  	[sflag:s9] =	ssyncadd.s32 $0xFFFFF800  }
0x362: {  	_ =	swait.ge [sflag:s11], $0x800  }
0x363: {  	[sflag:s11] =	ssyncset.done $0x0  }
0x364: {  	[sflag:s11] =	ssyncadd.s32 $0xFFFFF800  }
0x365: {  	_ =	swait.ge [sflag:s12], $0x800  }
0x366: {  	[sflag:s12] =	ssyncset.done $0x0  }
0x367: {  	[sflag:s12] =	ssyncadd.s32 $0xFFFFF800  }
0x368: {  	_ =	swait.ge [sflag:s13], $0x800  }
0x369: {  	[sflag:s13] =	ssyncset.done $0x0  }
0x36a: {  	[sflag:s13] =	ssyncadd.s32 $0xFFFFF800  }
0x36b: {  	_ =	swait.ge [sflag:s14], $0x800  }
0x36c: {  	[sflag:s14] =	ssyncset.done $0x0  }
0x36d: {  	[sflag:s14] =	ssyncadd.s32 $0xFFFFF800  }
0x36e: {  	_ =	swait.ge [sflag:s16], $0x800  }
0x36f: {  	[sflag:s16] =	ssyncset.done $0x0  }
0x370: {  	[sflag:s16] =	ssyncadd.s32 $0xFFFFF800  }
0x371: {  	s25 =	sadd.s32 s5, s20;
	_ =	swait.ge [sflag:s17], $0x800  }
0x372: {  	s5 =	simm.s32 $0x0;
	s0 =	sshrl.u32 s25, $0x3;
	[sflag:s17] =	ssyncset.done $0x0  }
0x373: {  	s18 =	simm.s32 $0xC00;
	s26 =	sadd.s32 s1, s0;
	[sflag:s17] =	ssyncadd.s32 $0xFFFFF800  }
0x374: {  	[tilespmem:s18], [sflag:$0x11] =	stream.linear.gather [hbm4b:s26+s5], $0x400, $0x38;
	[tilespmem:$0x15B50] =	vst v63  }
0x375: {  	s31 =	sadd.s32 s3, s0  }
0x376: {  	[tilespmem:s29], [sflag:$0x11] =	stream.linear.gather [hbm4b:s31+s5], $0x400, $0x38;
	[tilespmem:$0x15B50] =	vst v63  }
0x377: {  	s21 =	simm.s32 $0x800;
	s25 =	simm.s32 $0x1880;
	s0 =	sadd.s32 s7, s0  }
0x378: {  	[tilespmem:s30], [sflag:$0x11] =	stream.linear.gather [hbm4b:s0+s5], $0x400, $0x38;
	[tilespmem:$0x15B50] =	vst v63  }
.LBB2_29:
0x379: {  	v0 =	vmov s21  }
0x37a: {  	s18 =	sadd.s32 $0x1, s5  }
0x37b: {  	_ =	swait.ge [sflag:s18], $0x800  }
0x37c: {  	[sflag:s18] =	ssyncset.done $0x0  }
0x37d: {  	s0 =	simm.s32 $0x0;
	[sflag:s18] =	ssyncadd.s32 $0xFFFFF800  }
0x37e: {  	v1 =	vld.idx.msk [tilespmem:v0+s0+$0x0 ss:$0x1], $0xffff;
	_ =	sdelay $0x1  }
0x37f: {  	v2 =	vld [tilespmem:s25+$0xFFFFFF80]  }
0x380: {  	v3 =	vld [tilespmem:s25+$0xFFFFFF90]  }
0x381: {  	v4 =	vld [tilespmem:s25+$0xFFFFFFA0]  }
0x382: {  	v5 =	vld [tilespmem:s25+$0xFFFFFFB0];
	v6 =	vbroadcast v1, $0x0  }
0x383: {  	v9 =	vld [tilespmem:s25+$0xFFFFFFD0];
	v7 =	vbroadcast v1, $0x1  }
0x384: {  	v8 =	vld [tilespmem:s25+$0xFFFFFFC0];
	v10 =	vbroadcast v1, $0x2;
	v2 =	vmul.f32 v6, v2  }
0x385: {  	v49 =	vld [tilespmem:s25+$0xFFFFFFE0];
	v48 =	vbroadcast v1, $0x3;
	v3 =	vmul.f32 v3, v7  }
0x386: {  	v51 =	vld [tilespmem:s25+$0x10];
	v50 =	vbroadcast v1, $0x5;
	v4 =	vmul.f32 v4, v10;
	[tilespmem:s25+$0xFFFFFF80] =	vst v2  }
0x387: {  	v11 =	vld [tilespmem:s25+$0xFFFFFFF0];
	v5 =	vmul.f32 v5, v48;
	v2 =	vbroadcast v1, $0x4;
	[tilespmem:s25+$0xFFFFFF90] =	vst v3  }
0x388: {  	v12 =	vbroadcast v1, $0x6;
	v6 =	vmul.f32 v9, v50;
	v3 =	vld [tilespmem:s25+$0x0];
	[tilespmem:s25+$0xFFFFFFA0] =	vst v4  }
0x389: {  	v57 =	vld [tilespmem:s25+$0x50];
	v55 =	vbroadcast v1, $0x9;
	[tilespmem:s25+$0xFFFFFFB0] =	vst v5;
	v2 =	vmul.f32 v8, v2  }
0x38a: {  	v53 =	vld [tilespmem:s25+$0x20];
	v52 =	vbroadcast v1, $0x7;
	v7 =	vmul.f32 v49, v12;
	[tilespmem:s25+$0xFFFFFFD0] =	vst v6  }
0x38b: {  	v54 =	vld [tilespmem:s25+$0x30];
	v59 =	vmul.f32 v51, v55;
	[tilespmem:s25+$0xFFFFFFC0] =	vst v2;
	v2 =	vbroadcast v1, $0x8  }
0x38c: {  	v56 =	vld [tilespmem:s25+$0x40];
	v62 =	vbroadcast v1, $0xD;
	v4 =	vmul.f32 v11, v52;
	[tilespmem:s25+$0xFFFFFFE0] =	vst v7  }
0x38d: {  	v60 =	vld [tilespmem:s25+$0x60];
	v58 =	vbroadcast v1, $0xA;
	[tilespmem:s25+$0x10] =	vst v59;
	v2 =	vmul.f32 v3, v2  }
0x38e: {  	v61 =	vld [tilespmem:s25+$0x70];
	v5 =	vmul.f32 v57, v62;
	[tilespmem:s25+$0xFFFFFFF0] =	vst v4;
	v3 =	vbroadcast v1, $0xB  }
0x38f: {  	v8 =	vmul.f32 v53, v58;
	[tilespmem:s25+$0x0] =	vst v2;
	v2 =	vbroadcast v1, $0xC  }
0x390: {  	v63 =	vbroadcast v1, $0xE;
	[tilespmem:s25+$0x50] =	vst v5;
	v3 =	vmul.f32 v54, v3  }
0x391: {  	[tilespmem:s25+$0x20] =	vst v8;
	v1 =	vbroadcast v1, $0xF;
	v2 =	vmul.f32 v56, v2  }
0x392: {  	[tilespmem:s25+$0x30] =	vst v3;
	v3 =	vmul.f32 v60, v63  }
0x393: {  	v1 =	vmul.f32 v61, v1;
	[tilespmem:s25+$0x40] =	vst v2  }
0x394: {  	[tilespmem:s25+$0x60] =	vst v3  }
0x395: {  	s2 =	simm.s32 $0x10;
	s26 =	smov.u32 s25;
	s0 =	simm.s32 $0x80;
	[tilespmem:s25+$0x70] =	vst v1  }
.LBB2_30:
0x396: {  	p1 =	sne.s32 s0, $0x1C0;
	v1 =	vld.idx.msk [tilespmem:v0+s2+$0x0 ss:$0x1], $0xffff;
	s26 =	sadd.s32 $0x100, s26  }
0x397: {  	v2 =	vld [tilespmem:s26+$0xFFFFFFB0]  }
0x398: {  	v3 =	vld [tilespmem:s26+$0xFFFFFF90]  }
0x399: {  	v4 =	vld [tilespmem:s26+$0xFFFFFF80]  }
0x39a: {  	v5 =	vld [tilespmem:s26+$0xFFFFFFA0]  }
0x39b: {  	v6 =	vld [tilespmem:s26+$0xFFFFFFF0]  }
0x39c: {  	v7 =	vbroadcast v1, $0x0;
	v8 =	vbroadcast v1, $0x1;
	v9 =	vld [tilespmem:s26+$0xFFFFFFD0]  }
0x39d: {  	v10 =	vbroadcast v1, $0x2;
	v11 =	vbroadcast v1, $0x3;
	v12 =	vld [tilespmem:s26+$0xFFFFFFC0]  }
0x39e: {  	v3 =	vmul.f32 v3, v8;
	v4 =	vmul.f32 v7, v4;
	v7 =	vld [tilespmem:s26+$0xFFFFFFE0]  }
0x39f: {  	v2 =	vmul.f32 v2, v11;
	v5 =	vmul.f32 v5, v10;
	v8 =	vld [tilespmem:s26+$0x30]  }
0x3a0: {  	v10 =	vbroadcast v1, $0x5;
	[tilespmem:s26+$0xFFFFFF80] =	vst v4;
	v4 =	vbroadcast v1, $0x4;
	v11 =	vld [tilespmem:s26+$0x10]  }
0x3a1: {  	v13 =	vbroadcast v1, $0x7;
	[tilespmem:s26+$0xFFFFFF90] =	vst v3;
	v3 =	vbroadcast v1, $0x6;
	v14 =	vld [tilespmem:s26+$0x0]  }
0x3a2: {  	[tilespmem:s26+$0xFFFFFFA0] =	vst v5;
	v4 =	vmul.f32 v12, v4;
	v5 =	vmul.f32 v9, v10;
	v9 =	vld [tilespmem:s26+$0x20]  }
0x3a3: {  	[tilespmem:s26+$0xFFFFFFB0] =	vst v2;
	v2 =	vmul.f32 v7, v3;
	v3 =	vmul.f32 v6, v13;
	v6 =	vld [tilespmem:s26+$0x70]  }
0x3a4: {  	v7 =	vbroadcast v1, $0x9;
	[tilespmem:s26+$0xFFFFFFC0] =	vst v4;
	v4 =	vbroadcast v1, $0x8;
	v10 =	vld [tilespmem:s26+$0x50]  }
0x3a5: {  	v12 =	vbroadcast v1, $0xB;
	[tilespmem:s26+$0xFFFFFFD0] =	vst v5;
	v5 =	vbroadcast v1, $0xA;
	v13 =	vld [tilespmem:s26+$0x40]  }
0x3a6: {  	[tilespmem:s26+$0xFFFFFFE0] =	vst v2;
	v2 =	vmul.f32 v14, v4;
	v4 =	vmul.f32 v11, v7;
	v7 =	vld [tilespmem:s26+$0x60]  }
0x3a7: {  	[tilespmem:s26+$0xFFFFFFF0] =	vst v3;
	v3 =	vmul.f32 v9, v5;
	v5 =	vmul.f32 v8, v12  }
0x3a8: {  	v8 =	vbroadcast v1, $0xD;
	[tilespmem:s26+$0x0] =	vst v2;
	v2 =	vbroadcast v1, $0xC  }
0x3a9: {  	[tilespmem:s26+$0x10] =	vst v4;
	v4 =	vbroadcast v1, $0xE;
	v1 =	vbroadcast v1, $0xF  }
0x3aa: {  	[tilespmem:s26+$0x20] =	vst v3;
	v2 =	vmul.f32 v13, v2;
	v3 =	vmul.f32 v10, v8  }
.Ltmp13:
0x3ab: {  	[tilespmem:s26+$0x30] =	vst v5;
	v4 =	vmul.f32 v7, v4;
	v1 =	vmul.f32 v6, v1;
	(pc) =	sbr.rel @p1 .LBB2_30-.Ltmp13, $4  }
0x3ac: {  	[tilespmem:s26+$0x40] =	vst v2  }
0x3ad: {  	[tilespmem:s26+$0x50] =	vst v3  }
0x3ae: {  	[tilespmem:s26+$0x60] =	vst v4  }
0x3af: {  	s2 =	sshra.s32 s0, $0x2;
	s0 =	sadd.s32 $0x40, s0;
	[tilespmem:s26+$0x70] =	vst v1  }
0x3b0: {  	_ =	sdelay $0x3  }
0x3b1: {  	v0 =	vld.idx.msk [tilespmem:v0+s2+$0x0 ss:$0x1], $0xffff;
	_ =	sdelay $0x3  }
0x3b2: {  	s0 =	sadd.s32 $0x100, s26  }
0x3b3: {  	v1 =	vld [tilespmem:s0+$0xFFFFFF80];
	v5 =	vbroadcast v0, $0x0  }
0x3b4: {  	v2 =	vld [tilespmem:s0+$0xFFFFFF90];
	v6 =	vbroadcast v0, $0x1;
	v9 =	vbroadcast v0, $0x2  }
0x3b5: {  	v3 =	vld [tilespmem:s0+$0xFFFFFFA0];
	v42 =	vbroadcast v0, $0x3;
	v44 =	vbroadcast v0, $0x4  }
0x3b6: {  	v4 =	vld [tilespmem:s0+$0xFFFFFFB0];
	v45 =	vbroadcast v0, $0x5;
	v11 =	vbroadcast v0, $0x6  }
0x3b7: {  	v8 =	vld [tilespmem:s0+$0xFFFFFFD0];
	v48 =	vbroadcast v0, $0x7;
	v51 =	vbroadcast v0, $0x8  }
0x3b8: {  	v43 =	vld [tilespmem:s0+$0xFFFFFFE0];
	v52 =	vbroadcast v0, $0x9;
	v1 =	vmul.f32 v5, v1  }
0x3b9: {  	v47 =	vld [tilespmem:s0+$0x10];
	v55 =	vbroadcast v0, $0xA;
	v2 =	vmul.f32 v2, v6  }
0x3ba: {  	v58 =	vld [tilespmem:s0+$0x60];
	v56 =	vbroadcast v0, $0xB;
	v3 =	vmul.f32 v3, v9;
	[tilespmem:s0+$0xFFFFFF80] =	vst v1  }
0x3bb: {  	v59 =	vld [tilespmem:s0+$0x70];
	v60 =	vbroadcast v0, $0xC;
	v4 =	vmul.f32 v4, v42;
	[tilespmem:s0+$0xFFFFFF90] =	vst v2  }
0x3bc: {  	v7 =	vld [tilespmem:s0+$0xFFFFFFC0];
	v61 =	vbroadcast v0, $0xD;
	v5 =	vmul.f32 v8, v45;
	[tilespmem:s0+$0xFFFFFFA0] =	vst v3  }
0x3bd: {  	v10 =	vld [tilespmem:s0+$0xFFFFFFF0];
	v62 =	vbroadcast v0, $0xE;
	v6 =	vmul.f32 v43, v11;
	[tilespmem:s0+$0xFFFFFFB0] =	vst v4  }
0x3be: {  	v49 =	vld [tilespmem:s0+$0x20];
	v0 =	vbroadcast v0, $0xF;
	v57 =	vmul.f32 v47, v52;
	[tilespmem:s0+$0xFFFFFFD0] =	vst v5  }
0x3bf: {  	v50 =	vld [tilespmem:s0+$0x30];
	v63 =	vmul.f32 v58, v62;
	[tilespmem:s0+$0xFFFFFFE0] =	vst v6  }
0x3c0: {  	v46 =	vld [tilespmem:s0+$0x0];
	v0 =	vmul.f32 v59, v0;
	[tilespmem:s0+$0x10] =	vst v57  }
0x3c1: {  	v54 =	vld [tilespmem:s0+$0x50];
	v1 =	vmul.f32 v7, v44;
	[tilespmem:s0+$0x60] =	vst v63  }
0x3c2: {  	v53 =	vld [tilespmem:s0+$0x40];
	v3 =	vmul.f32 v10, v48;
	[tilespmem:s0+$0x70] =	vst v0  }
0x3c3: {  	v7 =	vmul.f32 v49, v55;
	[tilespmem:s0+$0xFFFFFFC0] =	vst v1  }
0x3c4: {  	v2 =	vmul.f32 v50, v56;
	[tilespmem:s0+$0xFFFFFFF0] =	vst v3  }
0x3c5: {  	v1 =	vmul.f32 v46, v51;
	[tilespmem:s0+$0x20] =	vst v7  }
0x3c6: {  	s26 =	sshll.u32 s5, $0xB;
	p1 =	seq.s32 s5, $0x0;
	v4 =	vmul.f32 v54, v61;
	[tilespmem:s0+$0x30] =	vst v2  }
0x3c7: {  	s31 =	sshll.u32 s5, $0x7;
	s2 =	sand.u32 $0x3FFFF800, s26;
	p2 =	sne.s32 @!p1 s5, $0x1;
	[tilespmem:s0+$0x0] =	vst v1;
	v1 =	vmul.f32 v53, v60  }
0x3c8: {  	s26 =	sand.u32 $0x3FFFFF80, s31;
	s31 =	sadd.s32 $0x9, s5;
	p2 =	por p2, p1;
	[tilespmem:s0+$0x50] =	vst v4  }
0x3c9: {  	s2 =	sadd.s32 $0x1800, s2;
	s26 =	sadd.s32 $0x400, s26;
	[tilespmem:s0+$0x40] =	vst v1;
	s0 =	simm.s32 @!p2 $0x11  }
0x3ca: {  	[spmem:s4] =	stream.indirect.scatter.add.f32 [tilespmem:s2], [sflag:s31], $0x10, s26, s28, $0xb8;
	[tilespmem:$0x15B50] =	vst v63  }
0x3cb: {  	_ =	swait.ge @!p2 [sflag:s0], $0x400  }
0x3cc: {  	[sflag:s0] =	ssyncset.done @!p2 $0x0  }
0x3cd: {  	[sflag:s0] =	ssyncadd.s32 @!p2 $0xFFFFFC00  }
0x3ce: {  	_ =	swait.ge @!p2 [sflag:s0], $0x400  }
0x3cf: {  	[sflag:s0] =	ssyncset.done @!p2 $0x0  }
0x3d0: {  	[sflag:s0] =	ssyncadd.s32 @!p2 $0xFFFFFC00  }
0x3d1: {  	_ =	swait.ge @!p2 [sflag:s0], $0x400  }
0x3d2: {  	s2 =	sadd.s32 @!p1 $0xFFFFFFFF, s5;
	[sflag:s0] =	ssyncset.done @!p2 $0x0  }
0x3d3: {  	[sflag:s0] =	ssyncadd.s32 @!p2 $0xFFFFFC00;
	s0 =	sshll.u32 @!p1 s2, $0xB;
	s2 =	sshll.u32 @!p1 s2, $0x7  }
0x3d4: {  	s0 =	sand.u32 @!p1 $0x3FFFF800, s0;
	s2 =	sand.u32 @!p1 $0x3FFFFF80, s2  }
0x3d5: {  	s26 =	simm.s32 @!p1 $0x80;
	s0 =	sadd.s32 @!p1 $0x5800, s0;
	s2 =	sadd.s32 @!p1 $0xC00, s2  }
0x3d6: {  	[tilespmem:s0], [sflag:s5] =	stream.indirect.gather @!p1 [hbm4b:s22+s26], $0x10, s2, s26, $0xb8;
	[tilespmem:$0x15B50] =	vst v63  }
0x3d7: {  	p1 =	sne.s32 s18, $0x8  }
.Ltmp14:
0x3d8: {  	_ = 	snop;
	(pc) =	sbr.rel @p1 .LBB2_29-.Ltmp14, $2  }
0x3d9: {  	_ =	sdelay $0x2  }
0x3da: {  	s21 =	sadd.s32 $0x80, s21;
	s25 =	sadd.s32 $0x800, s25;
	s5 =	smov.u32 s18  }
0x3db: {  	s6 =	sadd.s32 $0x1, s6  }
0x3dc: {  	p1 =	sne.s32 s6, $0x18  }
.Ltmp15:
0x3dd: {  	_ = 	snop;
	(pc) =	sbr.rel @p1 .LBB2_24-.Ltmp15, $2  }
0x3de: {  	_ =	sdelay $0x2  }
0x3df: {  	[tilespmem:s10], [sflag:$0x8] =	stream.indirect.gather [hbm4b:s22+s28], $0x10, s8, s28, $0xb8;
	[tilespmem:$0x15B50] =	vst v63  }
0x3e0: {  	_ =	swait.ge [sflag:s24], $0x800  }
0x3e1: {  	[sflag:s24] =	ssyncset.done $0x0  }
0x3e2: {  	[sflag:s24] =	ssyncadd.s32 $0xFFFFF800  }
0x3e3: {  	_ =	swait.ge [sflag:s9], $0x800  }
0x3e4: {  	[sflag:s9] =	ssyncset.done $0x0  }
0x3e5: {  	[sflag:s9] =	ssyncadd.s32 $0xFFFFF800  }
0x3e6: {  	_ =	swait.ge [sflag:s11], $0x800  }
0x3e7: {  	[sflag:s11] =	ssyncset.done $0x0  }
0x3e8: {  	[sflag:s11] =	ssyncadd.s32 $0xFFFFF800  }
0x3e9: {  	_ =	swait.ge [sflag:s12], $0x800  }
0x3ea: {  	[sflag:s12] =	ssyncset.done $0x0  }
0x3eb: {  	[sflag:s12] =	ssyncadd.s32 $0xFFFFF800  }
0x3ec: {  	_ =	swait.ge [sflag:s13], $0x800  }
0x3ed: {  	[sflag:s13] =	ssyncset.done $0x0  }
0x3ee: {  	[sflag:s13] =	ssyncadd.s32 $0xFFFFF800  }
0x3ef: {  	_ =	swait.ge [sflag:s14], $0x800  }
0x3f0: {  	[sflag:s14] =	ssyncset.done $0x0  }
0x3f1: {  	[sflag:s14] =	ssyncadd.s32 $0xFFFFF800  }
0x3f2: {  	_ =	swait.ge [sflag:s16], $0x800  }
0x3f3: {  	[sflag:s16] =	ssyncset.done $0x0  }
0x3f4: {  	[sflag:s16] =	ssyncadd.s32 $0xFFFFF800  }
0x3f5: {  	_ =	swait.ge [sflag:s17], $0x800  }
0x3f6: {  	s18 =	simm.s32 $0x0;
	[sflag:s17] =	ssyncset.done $0x0  }
0x3f7: {  	s5 =	simm.s32 $0x1400;
	s6 =	simm.s32 $0x5880;
	[sflag:s17] =	ssyncadd.s32 $0xFFFFF800  }
.LBB2_34:
0x3f8: {  	v0 =	vmov s5  }
0x3f9: {  	s21 =	sadd.s32 $0x1, s18  }
0x3fa: {  	_ =	swait.ge [sflag:s21], $0x800  }
0x3fb: {  	[sflag:s21] =	ssyncset.done $0x0  }
0x3fc: {  	s0 =	simm.s32 $0x0;
	[sflag:s21] =	ssyncadd.s32 $0xFFFFF800  }
0x3fd: {  	v1 =	vld.idx.msk [tilespmem:v0+s0+$0x0 ss:$0x1], $0xffff;
	_ =	sdelay $0x1  }
0x3fe: {  	v2 =	vld [tilespmem:s6+$0xFFFFFF80]  }
0x3ff: {  	v3 =	vld [tilespmem:s6+$0xFFFFFF90]  }
0x400: {  	v4 =	vld [tilespmem:s6+$0xFFFFFFA0]  }
0x401: {  	v5 =	vld [tilespmem:s6+$0xFFFFFFB0];
	v6 =	vbroadcast v1, $0x0  }
0x402: {  	v9 =	vld [tilespmem:s6+$0xFFFFFFD0];
	v7 =	vbroadcast v1, $0x1  }
0x403: {  	v8 =	vld [tilespmem:s6+$0xFFFFFFC0];
	v10 =	vbroadcast v1, $0x2;
	v2 =	vmul.f32 v6, v2  }
0x404: {  	v49 =	vld [tilespmem:s6+$0xFFFFFFE0];
	v48 =	vbroadcast v1, $0x3;
	v3 =	vmul.f32 v3, v7  }
0x405: {  	v51 =	vld [tilespmem:s6+$0x10];
	v50 =	vbroadcast v1, $0x5;
	v4 =	vmul.f32 v4, v10;
	[tilespmem:s6+$0xFFFFFF80] =	vst v2  }
0x406: {  	v11 =	vld [tilespmem:s6+$0xFFFFFFF0];
	v5 =	vmul.f32 v5, v48;
	v2 =	vbroadcast v1, $0x4;
	[tilespmem:s6+$0xFFFFFF90] =	vst v3  }
0x407: {  	v12 =	vbroadcast v1, $0x6;
	v6 =	vmul.f32 v9, v50;
	v3 =	vld [tilespmem:s6+$0x0];
	[tilespmem:s6+$0xFFFFFFA0] =	vst v4  }
0x408: {  	v57 =	vld [tilespmem:s6+$0x50];
	v55 =	vbroadcast v1, $0x9;
	[tilespmem:s6+$0xFFFFFFB0] =	vst v5;
	v2 =	vmul.f32 v8, v2  }
0x409: {  	v53 =	vld [tilespmem:s6+$0x20];
	v52 =	vbroadcast v1, $0x7;
	v7 =	vmul.f32 v49, v12;
	[tilespmem:s6+$0xFFFFFFD0] =	vst v6  }
0x40a: {  	v54 =	vld [tilespmem:s6+$0x30];
	v59 =	vmul.f32 v51, v55;
	[tilespmem:s6+$0xFFFFFFC0] =	vst v2;
	v2 =	vbroadcast v1, $0x8  }
0x40b: {  	v56 =	vld [tilespmem:s6+$0x40];
	v62 =	vbroadcast v1, $0xD;
	v4 =	vmul.f32 v11, v52;
	[tilespmem:s6+$0xFFFFFFE0] =	vst v7  }
0x40c: {  	v60 =	vld [tilespmem:s6+$0x60];
	v58 =	vbroadcast v1, $0xA;
	[tilespmem:s6+$0x10] =	vst v59;
	v2 =	vmul.f32 v3, v2  }
0x40d: {  	v61 =	vld [tilespmem:s6+$0x70];
	v5 =	vmul.f32 v57, v62;
	[tilespmem:s6+$0xFFFFFFF0] =	vst v4;
	v3 =	vbroadcast v1, $0xB  }
0x40e: {  	v8 =	vmul.f32 v53, v58;
	[tilespmem:s6+$0x0] =	vst v2;
	v2 =	vbroadcast v1, $0xC  }
0x40f: {  	v63 =	vbroadcast v1, $0xE;
	[tilespmem:s6+$0x50] =	vst v5;
	v3 =	vmul.f32 v54, v3  }
0x410: {  	[tilespmem:s6+$0x20] =	vst v8;
	v1 =	vbroadcast v1, $0xF;
	v2 =	vmul.f32 v56, v2  }
0x411: {  	[tilespmem:s6+$0x30] =	vst v3;
	v3 =	vmul.f32 v60, v63  }
0x412: {  	v1 =	vmul.f32 v61, v1;
	[tilespmem:s6+$0x40] =	vst v2  }
0x413: {  	[tilespmem:s6+$0x60] =	vst v3  }
0x414: {  	s2 =	simm.s32 $0x10;
	s23 =	smov.u32 s6;
	s0 =	simm.s32 $0x80;
	[tilespmem:s6+$0x70] =	vst v1  }
.LBB2_35:
0x415: {  	p1 =	sne.s32 s0, $0x1C0;
	v1 =	vld.idx.msk [tilespmem:v0+s2+$0x0 ss:$0x1], $0xffff;
	s23 =	sadd.s32 $0x100, s23  }
0x416: {  	v2 =	vld [tilespmem:s23+$0xFFFFFFB0]  }
0x417: {  	v3 =	vld [tilespmem:s23+$0xFFFFFF90]  }
0x418: {  	v4 =	vld [tilespmem:s23+$0xFFFFFF80]  }
0x419: {  	v5 =	vld [tilespmem:s23+$0xFFFFFFA0]  }
0x41a: {  	v6 =	vld [tilespmem:s23+$0xFFFFFFF0]  }
0x41b: {  	v7 =	vbroadcast v1, $0x0;
	v8 =	vbroadcast v1, $0x1;
	v9 =	vld [tilespmem:s23+$0xFFFFFFD0]  }
0x41c: {  	v10 =	vbroadcast v1, $0x2;
	v11 =	vbroadcast v1, $0x3;
	v12 =	vld [tilespmem:s23+$0xFFFFFFC0]  }
0x41d: {  	v3 =	vmul.f32 v3, v8;
	v4 =	vmul.f32 v7, v4;
	v7 =	vld [tilespmem:s23+$0xFFFFFFE0]  }
0x41e: {  	v2 =	vmul.f32 v2, v11;
	v5 =	vmul.f32 v5, v10;
	v8 =	vld [tilespmem:s23+$0x30]  }
0x41f: {  	v10 =	vbroadcast v1, $0x5;
	[tilespmem:s23+$0xFFFFFF80] =	vst v4;
	v4 =	vbroadcast v1, $0x4;
	v11 =	vld [tilespmem:s23+$0x10]  }
0x420: {  	v13 =	vbroadcast v1, $0x7;
	[tilespmem:s23+$0xFFFFFF90] =	vst v3;
	v3 =	vbroadcast v1, $0x6;
	v14 =	vld [tilespmem:s23+$0x0]  }
0x421: {  	[tilespmem:s23+$0xFFFFFFA0] =	vst v5;
	v4 =	vmul.f32 v12, v4;
	v5 =	vmul.f32 v9, v10;
	v9 =	vld [tilespmem:s23+$0x20]  }
0x422: {  	[tilespmem:s23+$0xFFFFFFB0] =	vst v2;
	v2 =	vmul.f32 v7, v3;
	v3 =	vmul.f32 v6, v13;
	v6 =	vld [tilespmem:s23+$0x70]  }
0x423: {  	v7 =	vbroadcast v1, $0x9;
	[tilespmem:s23+$0xFFFFFFC0] =	vst v4;
	v4 =	vbroadcast v1, $0x8;
	v10 =	vld [tilespmem:s23+$0x50]  }
0x424: {  	v12 =	vbroadcast v1, $0xB;
	[tilespmem:s23+$0xFFFFFFD0] =	vst v5;
	v5 =	vbroadcast v1, $0xA;
	v13 =	vld [tilespmem:s23+$0x40]  }
0x425: {  	[tilespmem:s23+$0xFFFFFFE0] =	vst v2;
	v2 =	vmul.f32 v14, v4;
	v4 =	vmul.f32 v11, v7;
	v7 =	vld [tilespmem:s23+$0x60]  }
0x426: {  	[tilespmem:s23+$0xFFFFFFF0] =	vst v3;
	v3 =	vmul.f32 v9, v5;
	v5 =	vmul.f32 v8, v12  }
0x427: {  	v8 =	vbroadcast v1, $0xD;
	[tilespmem:s23+$0x0] =	vst v2;
	v2 =	vbroadcast v1, $0xC  }
0x428: {  	[tilespmem:s23+$0x10] =	vst v4;
	v4 =	vbroadcast v1, $0xE;
	v1 =	vbroadcast v1, $0xF  }
0x429: {  	[tilespmem:s23+$0x20] =	vst v3;
	v2 =	vmul.f32 v13, v2;
	v3 =	vmul.f32 v10, v8  }
.Ltmp16:
0x42a: {  	[tilespmem:s23+$0x30] =	vst v5;
	v4 =	vmul.f32 v7, v4;
	v1 =	vmul.f32 v6, v1;
	(pc) =	sbr.rel @p1 .LBB2_35-.Ltmp16, $4  }
0x42b: {  	[tilespmem:s23+$0x40] =	vst v2  }
0x42c: {  	[tilespmem:s23+$0x50] =	vst v3  }
0x42d: {  	[tilespmem:s23+$0x60] =	vst v4  }
0x42e: {  	s2 =	sshra.s32 s0, $0x2;
	s0 =	sadd.s32 $0x40, s0;
	[tilespmem:s23+$0x70] =	vst v1  }
0x42f: {  	_ =	sdelay $0x3  }
0x430: {  	v0 =	vld.idx.msk [tilespmem:v0+s2+$0x0 ss:$0x1], $0xffff;
	_ =	sdelay $0x3  }
0x431: {  	s0 =	sadd.s32 $0x100, s23  }
0x432: {  	v1 =	vld [tilespmem:s0+$0xFFFFFF80];
	v5 =	vbroadcast v0, $0x0  }
0x433: {  	v2 =	vld [tilespmem:s0+$0xFFFFFF90];
	v6 =	vbroadcast v0, $0x1;
	v9 =	vbroadcast v0, $0x2  }
0x434: {  	v3 =	vld [tilespmem:s0+$0xFFFFFFA0];
	v42 =	vbroadcast v0, $0x3;
	v44 =	vbroadcast v0, $0x4  }
0x435: {  	v4 =	vld [tilespmem:s0+$0xFFFFFFB0];
	v45 =	vbroadcast v0, $0x5;
	v11 =	vbroadcast v0, $0x6  }
0x436: {  	v8 =	vld [tilespmem:s0+$0xFFFFFFD0];
	v48 =	vbroadcast v0, $0x7;
	v51 =	vbroadcast v0, $0x8  }
0x437: {  	v43 =	vld [tilespmem:s0+$0xFFFFFFE0];
	v52 =	vbroadcast v0, $0x9;
	v1 =	vmul.f32 v5, v1  }
0x438: {  	v47 =	vld [tilespmem:s0+$0x10];
	v55 =	vbroadcast v0, $0xA;
	v2 =	vmul.f32 v2, v6  }
0x439: {  	v58 =	vld [tilespmem:s0+$0x60];
	v56 =	vbroadcast v0, $0xB;
	v3 =	vmul.f32 v3, v9;
	[tilespmem:s0+$0xFFFFFF80] =	vst v1  }
0x43a: {  	v59 =	vld [tilespmem:s0+$0x70];
	v60 =	vbroadcast v0, $0xC;
	v4 =	vmul.f32 v4, v42;
	[tilespmem:s0+$0xFFFFFF90] =	vst v2  }
0x43b: {  	v7 =	vld [tilespmem:s0+$0xFFFFFFC0];
	v61 =	vbroadcast v0, $0xD;
	v5 =	vmul.f32 v8, v45;
	[tilespmem:s0+$0xFFFFFFA0] =	vst v3  }
0x43c: {  	v10 =	vld [tilespmem:s0+$0xFFFFFFF0];
	v62 =	vbroadcast v0, $0xE;
	v6 =	vmul.f32 v43, v11;
	[tilespmem:s0+$0xFFFFFFB0] =	vst v4  }
0x43d: {  	v49 =	vld [tilespmem:s0+$0x20];
	v0 =	vbroadcast v0, $0xF;
	v57 =	vmul.f32 v47, v52;
	[tilespmem:s0+$0xFFFFFFD0] =	vst v5  }
0x43e: {  	v50 =	vld [tilespmem:s0+$0x30];
	v63 =	vmul.f32 v58, v62;
	[tilespmem:s0+$0xFFFFFFE0] =	vst v6  }
0x43f: {  	v46 =	vld [tilespmem:s0+$0x0];
	v0 =	vmul.f32 v59, v0;
	[tilespmem:s0+$0x10] =	vst v57  }
0x440: {  	v54 =	vld [tilespmem:s0+$0x50];
	v1 =	vmul.f32 v7, v44;
	[tilespmem:s0+$0x60] =	vst v63  }
0x441: {  	v53 =	vld [tilespmem:s0+$0x40];
	v3 =	vmul.f32 v10, v48;
	[tilespmem:s0+$0x70] =	vst v0  }
0x442: {  	v7 =	vmul.f32 v49, v55;
	[tilespmem:s0+$0xFFFFFFC0] =	vst v1  }
0x443: {  	v2 =	vmul.f32 v50, v56;
	[tilespmem:s0+$0xFFFFFFF0] =	vst v3  }
0x444: {  	p1 =	sne.s32 s21, $0x8;
	v1 =	vmul.f32 v46, v51;
	[tilespmem:s0+$0x20] =	vst v7  }
.Ltmp17:
0x445: {  	s26 =	sshll.u32 s18, $0xB;
	v4 =	vmul.f32 v54, v61;
	[tilespmem:s0+$0x30] =	vst v2;
	(pc) =	sbr.rel @p1 .LBB2_34-.Ltmp17, $4  }
0x446: {  	s31 =	sshll.u32 s18, $0x7;
	s5 =	sadd.s32 $0x80, s5;
	s2 =	sand.u32 $0x3FFFF800, s26;
	[tilespmem:s0+$0x0] =	vst v1;
	v1 =	vmul.f32 v53, v60  }
0x447: {  	s6 =	sadd.s32 $0x800, s6;
	s23 =	sand.u32 $0x3FFFFF80, s31;
	s31 =	sadd.s32 $0x9, s18;
	[tilespmem:s0+$0x50] =	vst v4  }
0x448: {  	s18 =	smov.u32 s21;
	s25 =	sadd.s32 $0x5800, s2;
	s26 =	sadd.s32 $0x1000, s23;
	[tilespmem:s0+$0x40] =	vst v1  }
0x449: {  	[spmem:s4] =	stream.indirect.scatter.add.f32 [tilespmem:s25], [sflag:s31], $0x10, s26, s28, $0xb8;
	[tilespmem:$0x15B50] =	vst v63  }
0x44a: {  	_ =	swait.ge [sflag:s24], $0x800  }
0x44b: {  	[sflag:s24] =	ssyncset.done $0x0  }
0x44c: {  	[sflag:s24] =	ssyncadd.s32 $0xFFFFF800  }
0x44d: {  	_ =	swait.ge [sflag:s9], $0x800  }
0x44e: {  	[sflag:s9] =	ssyncset.done $0x0  }
0x44f: {  	[sflag:s9] =	ssyncadd.s32 $0xFFFFF800  }
0x450: {  	_ =	swait.ge [sflag:s11], $0x800  }
0x451: {  	[sflag:s11] =	ssyncset.done $0x0  }
0x452: {  	[sflag:s11] =	ssyncadd.s32 $0xFFFFF800  }
0x453: {  	_ =	swait.ge [sflag:s12], $0x800  }
0x454: {  	[sflag:s12] =	ssyncset.done $0x0  }
0x455: {  	[sflag:s12] =	ssyncadd.s32 $0xFFFFF800  }
0x456: {  	_ =	swait.ge [sflag:s13], $0x800  }
0x457: {  	[sflag:s13] =	ssyncset.done $0x0  }
0x458: {  	[sflag:s13] =	ssyncadd.s32 $0xFFFFF800  }
0x459: {  	_ =	swait.ge [sflag:s14], $0x800  }
0x45a: {  	[sflag:s14] =	ssyncset.done $0x0  }
0x45b: {  	[sflag:s14] =	ssyncadd.s32 $0xFFFFF800  }
0x45c: {  	_ =	swait.ge [sflag:s16], $0x800  }
0x45d: {  	[sflag:s16] =	ssyncset.done $0x0  }
0x45e: {  	[sflag:s16] =	ssyncadd.s32 $0xFFFFF800  }
0x45f: {  	_ =	swait.ge [sflag:s17], $0x800  }
0x460: {  	[sflag:s17] =	ssyncset.done $0x0  }
0x461: {  	[sflag:s17] =	ssyncadd.s32 $0xFFFFF800  }
0x462: {  	[bflag:$0x0] =	sbarrier.arrive $0xFFFF  }
0x463: {  	s5 =	rddreg [dreg:$0x12]  }
0x464: {  	s2 =	simm.s32 @p0 $0x1FD2;
	s6 =	rddreg [dreg:$0x15];
	s0 =	sadd.s32 @p0 $0x16E90, s5  }
0x465: {  	[hbm:s0], [sflag:s2] =	dma.local @p0 [spmem:s6], $0x1810  }
0x466: {  	s0 =	simm.s32 @p0 $0x12  }
0x467: {  	_ =	swait.ge @p0 [sflag:s0], $0x1810  }
0x468: {  	[sflag:s0] =	ssyncset.done @p0 $0x0;
	s2 =	rddreg [dreg:$0x16]  }
0x469: {  	[sflag:s0] =	ssyncadd.s32 @p0 $0xFFFFE7F0;
	s0 =	rddreg [dreg:$0x6]  }
0x46a: {  	s0 =	sadd.s32 @!p0 s0, s5;
	s5 =	rddreg [dreg:$0x17]  }
0x46b: {  	[hbm:s0], [sflag:s2] =	dma.local @!p0 [spmem:s5], $0x1870  }
0x46c: {  	s0 =	simm.s32 @!p0 $0x12  }
0x46d: {  	_ =	swait.ge @!p0 [sflag:s0], $0x1870  }
0x46e: {  	s26 =	rddreg [dreg:$0x14]  }
0x46f: {  	s31 =	rddreg [dreg:$0x13];
	s5 =	sadd.s32 $0x1, s26  }
0x470: {  	p1 =	sne.s32 s5, s31  }
.Ltmp18:
0x471: {  	_ = 	snop;
	(pc) =	sbr.rel @p1 .LBB2_1-.Ltmp18, $3  }
0x472: {  	_ =	sdelay $0x1  }
0x473: {  	[sflag:s0] =	ssyncset.done @!p0 $0x0  }
0x474: {  	[sflag:s0] =	ssyncadd.s32 @!p0 $0xFFFFE790  }
0x475: {  	_ =	sfence.sel $0x180000  }
0x476: {  	[bflag:$0x0] =	sbarrier.arrive $0xFFFF  }
0x477: {  	_ =	strace $0x90000047  }
0x478: {  	s0 =	stileid.u32;
	[bflag:$0x2] =	sbarrier.arrive $0xFFFF  }
0x479: {  	p0 =	sne.s32 s0, $0x0;
	s0 =	rddreg [dreg:$0x5]  }
0x47a: {  	s0 =	sadd.s32 @!p0 $0x100000, s0  }
0x47b: {  	[sflag:s0] =	ssyncadd.tile.s32 @!p0 $0x1;
	_ =	shalt  }
.Lfunc_end2:
_tile_overlayer_lowered:
.L_overlay_start_2:
0x47c: {  	(tag) =	ssettag $0x2  }
0x47d: {  	s0 =	rddreg [dreg:$0x0];
	s2 =	stileid.u32  }
0x47e: {  	s1 =	rddreg [dreg:$0x1];
	p0 =	sne.s32 s2, $0x0  }
0x47f: {  	s3 =	rddreg [dreg:$0x2];
	[bflag:$0x3] =	sbarrier.arrive $0xFFFF;
	s2 =	simm.s32 @!p0 $0x1C12  }
0x480: {  	[timem:s3], [sflag:s2] =	dma.local @!p0 [hbm:s0], s1  }
0x481: {  	s0 =	simm.s32 @!p0 $0x12  }
0x482: {  	_ =	swait.ge @!p0 [sflag:s0], s1  }
0x483: {  	s1 =	ssub.s32 @!p0 $0x0, s1;
	[sflag:s0] =	ssyncset.done @!p0 $0x0  }
0x484: {  	[sflag:s0] =	ssyncadd.s32 @!p0 s1  }
0x485: {  	[bflag:$0x3] =	sbarrier.arrive $0xFFFF  }
0x486: {  	_ =	shalt  }

</sc_bundles>
